<compile_context>
chip_gen: v7x
topology: tpu7x:2x2x1
jax: 0.10.2.dev20260603
libtpu: 0.0.44.dev20260713+nightly
codegen_flags: <defaults>
</compile_context>

<pallas_src>
import functools
from itertools import combinations

import numpy as np
import jax
import jax.numpy as jnp
from jax import lax
from jax.experimental import pallas as pl
from jax.experimental.pallas import tpu as pltpu
from jax.experimental.pallas import tpu_sc as plsc

_SIZE_IN = 14
_HOTNESS = 3
_BATCH = 4096
_IN_DIM = 2 ** _SIZE_IN
_NCOL = 364
_LN = 16

_NW = 32
_RB = 8
_TROWS_PER_W = (_BATCH // _RB) // _NW
_NTILE = 64
_NG = 23


def _build_constants():
    idx = np.array(
        [sum(2 ** i for i in ones) for ones in combinations(range(_SIZE_IN), _HOTNESS)],
        dtype=np.int32,
    )
    tiles = np.unique(idx >> 7)
    assert len(tiles) == _NTILE
    pos = {int(t): p for p, t in enumerate(tiles)}

    spans = []
    s = prev = int(tiles[0])
    for t in tiles[1:]:
        t = int(t)
        if t == prev + 1:
            prev = t
        else:
            spans.append((s, pos[s], prev - s + 1))
            s = prev = t
    spans.append((s, pos[s], prev - s + 1))

    gstart = [g * _LN for g in range(_NCOL // _LN)] + [_NCOL - _LN]
    selc = np.zeros(_NG * _LN, np.int32)
    for g, st in enumerate(gstart):
        for t in range(_LN):
            v = int(idx[st + t])
            selc[g * _LN + t] = pos[v >> 7] * 128 + (v & 127)
    return gstart, spans, selc


_GSTART, _SPANS, _SELC = _build_constants()

_mesh = plsc.VectorSubcoreMesh(core_axis_name="c", subcore_axis_name="s")


@functools.partial(
    pl.kernel,
    out_type=jax.ShapeDtypeStruct((_BATCH, _NCOL), jnp.float32),
    mesh=_mesh,
    compiler_params=pltpu.CompilerParams(needs_layout_passes=False,
                                         use_tc_tiling_on_sc=True),
    scratch_types=[
        pltpu.VMEM((_RB // 2, _NTILE * 128), jnp.float32),
        pltpu.VMEM((_RB // 2, _NTILE * 128), jnp.float32),
        pltpu.VMEM((_RB, _NCOL), jnp.float32),
        pltpu.VMEM((_NG * _LN,), jnp.int32),
        pltpu.SemaphoreType.DMA,
        pltpu.SemaphoreType.DMA,
    ],
)
def _gather_affine(table, selc_hbm, out, st_a, st_b, out_v, selc_v,
                   sem_a, sem_b):
    wid = lax.axis_index("s") * 2 + lax.axis_index("c")
    pltpu.sync_copy(selc_hbm, selc_v)
    tr0 = wid * _TROWS_PER_W
    hb = _RB // 2

    def issue(row0, st, sem):
        for (ts, ps, n) in _SPANS:
            pltpu.async_copy(
                table.at[pl.ds(row0, hb), pl.ds(ts * 128, n * 128)],
                st.at[:, pl.ds(ps * 128, n * 128)], sem)

    def drain(st, sem):
        pltpu.make_async_copy(
            table.at[pl.ds(0, hb), pl.ds(0, _NTILE * 128)], st, sem).wait()

    def select(st, rbase):
        for g in range(_NG):
            cc = selc_v[pl.ds(g * _LN, _LN)]
            base = _GSTART[g]
            for r in range(hb):
                rr = jnp.full((_LN,), r, jnp.int32)
                v = plsc.load_gather(st, [rr, cc])
                out_v[rbase + r, pl.ds(base, _LN)] = v * 12.0 - 6.0

    issue(tr0 * _RB, st_a, sem_a)

    def blk_body(b, carry):
        row0 = (tr0 + b) * _RB
        issue(row0 + hb, st_b, sem_b)
        drain(st_a, sem_a)
        select(st_a, 0)
        nxt = tr0 * _RB + lax.rem(row0 + _RB - tr0 * _RB,
                                  _TROWS_PER_W * _RB)
        issue(nxt, st_a, sem_a)
        drain(st_b, sem_b)
        select(st_b, hb)
        pltpu.sync_copy(out_v, out.at[pl.ds(row0, _RB)])
        return carry

    lax.fori_loop(0, _TROWS_PER_W, blk_body, 0)
    drain(st_a, sem_a)


def kernel(input_var):
    return _gather_affine(input_var, jnp.asarray(_SELC))

# --- scband reference (transcript-rebuilt; emitter-appended) ---
"""Pipeline reference for scband-probs-to-nnary-layer-25958782337872 (READ-ONLY COPY).

The authoritative reference and input builder live on the scoring server;
editing this copy changes nothing except your own understanding.
"""

import jax, jax.numpy as jnp
import numpy as np
from itertools import combinations

SIZE_IN = 14
HOTNESS = 3
BATCH = 4096
IN_DIM = 2 ** SIZE_IN  # 16384


def generate_bitstrings(n, k):
    bitstrings = []
    for ones_positions in combinations(range(n), k):
        bitstring = ['0'] * n
        for pos in ones_positions:
            bitstring[pos] = '1'
        bitstrings.append(''.join(bitstring))
    return bitstrings


_BITSTRINGS = generate_bitstrings(SIZE_IN, HOTNESS)
FILT = np.array([int(np.sum([2 ** i for i, b in enumerate(bs) if b == '1'])) for bs in _BITSTRINGS], dtype=np.int32)


def setup_inputs(seed: int = 0) -> dict:
    key = jax.random.key(seed)
    input_var = jax.random.uniform(key, (BATCH, IN_DIM), dtype=jnp.float32)
    return {"input_var": input_var}


def reference(input_var):
    filt = jnp.asarray(FILT, dtype=jnp.int32)
    # gather selected columns, then affine transform (faithful to input_var[:, filt] * 12 - 6)
    gathered = jnp.take(input_var, filt, axis=1)
    return gathered * 12 - 6

if __name__ == "__main__":
    import jax
    _d = setup_inputs()
    print(jax.jit(kernel)(*tuple(_d.values())))

</pallas_src>

<mosaic_0001>
#map = affine_map<(d0, d1) -> (0, 0)>
#map1 = affine_map<(d0, d1) -> (0)>
module attributes {stable_mosaic.version = 14 : i64} {
  func.func @_gather_affine(%arg0: i32, %arg1: i32, %arg2: memref<4096x16384xf32, #tpu.memory_space<hbm>>, %arg3: memref<368xi32, #tpu.memory_space<hbm>>, %arg4: memref<4096x364xf32, #tpu.memory_space<hbm>>, %arg5: memref<4x8192xf32, #tpu.memory_space<vmem>>, %arg6: memref<4x8192xf32, #tpu.memory_space<vmem>>, %arg7: memref<8x364xf32, #tpu.memory_space<vmem>>, %arg8: memref<368xi32, #tpu.memory_space<vmem>>, %arg9: memref<!tpu.dma_semaphore, #tpu.memory_space<semaphore_mem>>, %arg10: memref<!tpu.dma_semaphore, #tpu.memory_space<semaphore_mem>>) attributes {dimension_semantics = [#tpu.dimension_semantics<core_parallel>, #tpu.dimension_semantics<subcore_parallel>], iteration_bounds = array<i64: 2, 16>, scalar_prefetch = 0 : i64, scratch_operands = 6 : i64, tpu.core_type = #tpu.core_type<sc_vector_subcore>, window_params = [{transform_indices = #map}, {transform_indices = #map1}, {transform_indices = #map}]} {
    %mul3A = arith.constant 2 : i32
    %mul3A_0 = arith.muli %arg1, %mul3A : i32
    %add3A = arith.addi %mul3A_0, %arg0 : i32
    "tpu.region"() ({
      %run_scoped3A = tpu.sem_alloc : memref<!tpu.dma_semaphore, #tpu.memory_space<semaphore_mem>>
      tpu.enqueue_dma source(%arg3 : memref<368xi32, #tpu.memory_space<hbm>>) target(%arg8 : memref<368xi32, #tpu.memory_space<vmem>>) target_semaphore(%run_scoped3A : memref<!tpu.dma_semaphore, #tpu.memory_space<semaphore_mem>>)
      tpu.wait_dma2 semaphore(%run_scoped3A : memref<!tpu.dma_semaphore, #tpu.memory_space<semaphore_mem>>) src(%arg3 : memref<368xi32, #tpu.memory_space<hbm>>) dst(%arg8 : memref<368xi32, #tpu.memory_space<vmem>>)
      tpu.yield
    }) : () -> ()
    %mul3A_1 = arith.constant 16 : i32
    %mul3A_2 = arith.muli %add3A, %mul3A_1 : i32
    %mul3A_3 = arith.constant 8 : i32
    %mul3A_4 = arith.muli %mul3A_2, %mul3A_3 : i32
    %dma_start3A = arith.constant 0 : i32
    %dma_start3A_5 = arith.constant 0 : i32
    %dma_start3A_6 = tpu.memref_slice %arg5[%dma_start3A, %dma_start3A_5] : memref<4x8192xf32, #tpu.memory_space<vmem>> -> memref<4x1920xf32, #tpu.memory_space<vmem>>
    %dma_start3A_7 = arith.constant 0 : i32
    %dma_start3A_8 = tpu.memref_slice %arg2[%mul3A_4, %dma_start3A_7] : memref<4096x16384xf32, #tpu.memory_space<hbm>> -> memref<4x1920xf32, #tpu.memory_space<hbm>>
    %dma_start3A_9 = arith.constant 0 : i32
    %dma_start3A_10 = arith.constant 0 : i32
    %dma_start3A_11 = tpu.memref_slice %arg5[%dma_start3A_9, %dma_start3A_10] : memref<4x8192xf32, #tpu.memory_space<vmem>> -> memref<4x1920xf32, #tpu.memory_space<vmem>>
    %dma_start3A_12 = arith.constant 0 : i32
    %dma_start3A_13 = tpu.memref_slice %arg2[%mul3A_4, %dma_start3A_12] : memref<4096x16384xf32, #tpu.memory_space<hbm>> -> memref<4x1920xf32, #tpu.memory_space<hbm>>
    tpu.enqueue_dma source(%dma_start3A_13 : memref<4x1920xf32, #tpu.memory_space<hbm>>) target(%dma_start3A_11 : memref<4x1920xf32, #tpu.memory_space<vmem>>) target_semaphore(%arg9 : memref<!tpu.dma_semaphore, #tpu.memory_space<semaphore_mem>>)
    %dma_start3A_14 = arith.constant 0 : i32
    %dma_start3A_15 = arith.constant 1920 : i32
    %dma_start3A_16 = tpu.memref_slice %arg5[%dma_start3A_14, %dma_start3A_15] : memref<4x8192xf32, #tpu.memory_space<vmem>> -> memref<4x896xf32, #tpu.memory_space<vmem>>
    %dma_start3A_17 = arith.constant 2048 : i32
    %dma_start3A_18 = tpu.memref_slice %arg2[%mul3A_4, %dma_start3A_17] : memref<4096x16384xf32, #tpu.memory_space<hbm>> -> memref<4x896xf32, #tpu.memory_space<hbm>>
    %dma_start3A_19 = arith.constant 0 : i32
    %dma_start3A_20 = arith.constant 1920 : i32
    %dma_start3A_21 = tpu.memref_slice %arg5[%dma_start3A_19, %dma_start3A_20] : memref<4x8192xf32, #tpu.memory_space<vmem>> -> memref<4x896xf32, #tpu.memory_space<vmem>>
    %dma_start3A_22 = arith.constant 2048 : i32
    %dma_start3A_23 = tpu.memref_slice %arg2[%mul3A_4, %dma_start3A_22] : memref<4096x16384xf32, #tpu.memory_space<hbm>> -> memref<4x896xf32, #tpu.memory_space<hbm>>
    tpu.enqueue_dma source(%dma_start3A_23 : memref<4x896xf32, #tpu.memory_space<hbm>>) target(%dma_start3A_21 : memref<4x896xf32, #tpu.memory_space<vmem>>) target_semaphore(%arg9 : memref<!tpu.dma_semaphore, #tpu.memory_space<semaphore_mem>>)
    %dma_start3A_24 = arith.constant 0 : i32
    %dma_start3A_25 = arith.constant 2816 : i32
    %dma_start3A_26 = tpu.memref_slice %arg5[%dma_start3A_24, %dma_start3A_25] : memref<4x8192xf32, #tpu.memory_space<vmem>> -> memref<4x384xf32, #tpu.memory_space<vmem>>
    %dma_start3A_27 = arith.constant 3072 : i32
    %dma_start3A_28 = tpu.memref_slice %arg2[%mul3A_4, %dma_start3A_27] : memref<4096x16384xf32, #tpu.memory_space<hbm>> -> memref<4x384xf32, #tpu.memory_space<hbm>>
    %dma_start3A_29 = arith.constant 0 : i32
    %dma_start3A_30 = arith.constant 2816 : i32
    %dma_start3A_31 = tpu.memref_slice %arg5[%dma_start3A_29, %dma_start3A_30] : memref<4x8192xf32, #tpu.memory_space<vmem>> -> memref<4x384xf32, #tpu.memory_space<vmem>>
    %dma_start3A_32 = arith.constant 3072 : i32
    %dma_start3A_33 = tpu.memref_slice %arg2[%mul3A_4, %dma_start3A_32] : memref<4096x16384xf32, #tpu.memory_space<hbm>> -> memref<4x384xf32, #tpu.memory_space<hbm>>
    tpu.enqueue_dma source(%dma_start3A_33 : memref<4x384xf32, #tpu.memory_space<hbm>>) target(%dma_start3A_31 : memref<4x384xf32, #tpu.memory_space<vmem>>) target_semaphore(%arg9 : memref<!tpu.dma_semaphore, #tpu.memory_space<semaphore_mem>>)
    %dma_start3A_34 = arith.constant 0 : i32
    %dma_start3A_35 = arith.constant 3200 : i32
    %dma_start3A_36 = tpu.memref_slice %arg5[%dma_start3A_34, %dma_start3A_35] : memref<4x8192xf32, #tpu.memory_space<vmem>> -> memref<4x128xf32, #tpu.memory_space<vmem>>
    %dma_start3A_37 = arith.constant 3584 : i32
    %dma_start3A_38 = tpu.memref_slice %arg2[%mul3A_4, %dma_start3A_37] : memref<4096x16384xf32, #tpu.memory_space<hbm>> -> memref<4x128xf32, #tpu.memory_space<hbm>>
    %dma_start3A_39 = arith.constant 0 : i32
    %dma_start3A_40 = arith.constant 3200 : i32
    %dma_start3A_41 = tpu.memref_slice %arg5[%dma_start3A_39, %dma_start3A_40] : memref<4x8192xf32, #tpu.memory_space<vmem>> -> memref<4x128xf32, #tpu.memory_space<vmem>>
    %dma_start3A_42 = arith.constant 3584 : i32
    %dma_start3A_43 = tpu.memref_slice %arg2[%mul3A_4, %dma_start3A_42] : memref<4096x16384xf32, #tpu.memory_space<hbm>> -> memref<4x128xf32, #tpu.memory_space<hbm>>
    tpu.enqueue_dma source(%dma_start3A_43 : memref<4x128xf32, #tpu.memory_space<hbm>>) target(%dma_start3A_41 : memref<4x128xf32, #tpu.memory_space<vmem>>) target_semaphore(%arg9 : memref<!tpu.dma_semaphore, #tpu.memory_space<semaphore_mem>>)
    %dma_start3A_44 = arith.constant 0 : i32
    %dma_start3A_45 = arith.constant 3328 : i32
    %dma_start3A_46 = tpu.memref_slice %arg5[%dma_start3A_44, %dma_start3A_45] : memref<4x8192xf32, #tpu.memory_space<vmem>> -> memref<4x896xf32, #tpu.memory_space<vmem>>
    %dma_start3A_47 = arith.constant 4096 : i32
    %dma_start3A_48 = tpu.memref_slice %arg2[%mul3A_4, %dma_start3A_47] : memref<4096x16384xf32, #tpu.memory_space<hbm>> -> memref<4x896xf32, #tpu.memory_space<hbm>>
    %dma_start3A_49 = arith.constant 0 : i32
    %dma_start3A_50 = arith.constant 3328 : i32
    %dma_start3A_51 = tpu.memref_slice %arg5[%dma_start3A_49, %dma_start3A_50] : memref<4x8192xf32, #tpu.memory_space<vmem>> -> memref<4x896xf32, #tpu.memory_space<vmem>>
    %dma_start3A_52 = arith.constant 4096 : i32
    %dma_start3A_53 = tpu.memref_slice %arg2[%mul3A_4, %dma_start3A_52] : memref<4096x16384xf32, #tpu.memory_space<hbm>> -> memref<4x896xf32, #tpu.memory_space<hbm>>
    tpu.enqueue_dma source(%dma_start3A_53 : memref<4x896xf32, #tpu.memory_space<hbm>>) target(%dma_start3A_51 : memref<4x896xf32, #tpu.memory_space<vmem>>) target_semaphore(%arg9 : memref<!tpu.dma_semaphore, #tpu.memory_space<semaphore_mem>>)
    %dma_start3A_54 = arith.constant 0 : i32
    %dma_start3A_55 = arith.constant 4224 : i32
    %dma_start3A_56 = tpu.memref_slice %arg5[%dma_start3A_54, %dma_start3A_55] : memref<4x8192xf32, #tpu.memory_space<vmem>> -> memref<4x384xf32, #tpu.memory_space<vmem>>
    %dma_start3A_57 = arith.constant 5120 : i32
    %dma_start3A_58 = tpu.memref_slice %arg2[%mul3A_4, %dma_start3A_57] : memref<4096x16384xf32, #tpu.memory_space<hbm>> -> memref<4x384xf32, #tpu.memory_space<hbm>>
    %dma_start3A_59 = arith.constant 0 : i32
    %dma_start3A_60 = arith.constant 4224 : i32
    %dma_start3A_61 = tpu.memref_slice %arg5[%dma_start3A_59, %dma_start3A_60] : memref<4x8192xf32, #tpu.memory_space<vmem>> -> memref<4x384xf32, #tpu.memory_space<vmem>>
    %dma_start3A_62 = arith.constant 5120 : i32
    %dma_start3A_63 = tpu.memref_slice %arg2[%mul3A_4, %dma_start3A_62] : memref<4096x16384xf32, #tpu.memory_space<hbm>> -> memref<4x384xf32, #tpu.memory_space<hbm>>
    tpu.enqueue_dma source(%dma_start3A_63 : memref<4x384xf32, #tpu.memory_space<hbm>>) target(%dma_start3A_61 : memref<4x384xf32, #tpu.memory_space<vmem>>) target_semaphore(%arg9 : memref<!tpu.dma_semaphore, #tpu.memory_space<semaphore_mem>>)
    %dma_start3A_64 = arith.constant 0 : i32
    %dma_start3A_65 = arith.constant 4608 : i32
    %dma_start3A_66 = tpu.memref_slice %arg5[%dma_start3A_64, %dma_start3A_65] : memref<4x8192xf32, #tpu.memory_space<vmem>> -> memref<4x128xf32, #tpu.memory_space<vmem>>
    %dma_start3A_67 = arith.constant 5632 : i32
    %dma_start3A_68 = tpu.memref_slice %arg2[%mul3A_4, %dma_start3A_67] : memref<4096x16384xf32, #tpu.memory_space<hbm>> -> memref<4x128xf32, #tpu.memory_space<hbm>>
    %dma_start3A_69 = arith.constant 0 : i32
    %dma_start3A_70 = arith.constant 4608 : i32
    %dma_start3A_71 = tpu.memref_slice %arg5[%dma_start3A_69, %dma_start3A_70] : memref<4x8192xf32, #tpu.memory_space<vmem>> -> memref<4x128xf32, #tpu.memory_space<vmem>>
    %dma_start3A_72 = arith.constant 5632 : i32
    %dma_start3A_73 = tpu.memref_slice %arg2[%mul3A_4, %dma_start3A_72] : memref<4096x16384xf32, #tpu.memory_space<hbm>> -> memref<4x128xf32, #tpu.memory_space<hbm>>
    tpu.enqueue_dma source(%dma_start3A_73 : memref<4x128xf32, #tpu.memory_space<hbm>>) target(%dma_start3A_71 : memref<4x128xf32, #tpu.memory_space<vmem>>) target_semaphore(%arg9 : memref<!tpu.dma_semaphore, #tpu.memory_space<semaphore_mem>>)
    %dma_start3A_74 = arith.constant 0 : i32
    %dma_start3A_75 = arith.constant 4736 : i32
    %dma_start3A_76 = tpu.memref_slice %arg5[%dma_start3A_74, %dma_start3A_75] : memref<4x8192xf32, #tpu.memory_space<vmem>> -> memref<4x384xf32, #tpu.memory_space<vmem>>
    %dma_start3A_77 = arith.constant 6144 : i32
    %dma_start3A_78 = tpu.memref_slice %arg2[%mul3A_4, %dma_start3A_77] : memref<4096x16384xf32, #tpu.memory_space<hbm>> -> memref<4x384xf32, #tpu.memory_space<hbm>>
    %dma_start3A_79 = arith.constant 0 : i32
    %dma_start3A_80 = arith.constant 4736 : i32
    %dma_start3A_81 = tpu.memref_slice %arg5[%dma_start3A_79, %dma_start3A_80] : memref<4x8192xf32, #tpu.memory_space<vmem>> -> memref<4x384xf32, #tpu.memory_space<vmem>>
    %dma_start3A_82 = arith.constant 6144 : i32
    %dma_start3A_83 = tpu.memref_slice %arg2[%mul3A_4, %dma_start3A_82] : memref<4096x16384xf32, #tpu.memory_space<hbm>> -> memref<4x384xf32, #tpu.memory_space<hbm>>
    tpu.enqueue_dma source(%dma_start3A_83 : memref<4x384xf32, #tpu.memory_space<hbm>>) target(%dma_start3A_81 : memref<4x384xf32, #tpu.memory_space<vmem>>) target_semaphore(%arg9 : memref<!tpu.dma_semaphore, #tpu.memory_space<semaphore_mem>>)
    %dma_start3A_84 = arith.constant 0 : i32
    %dma_start3A_85 = arith.constant 5120 : i32
    %dma_start3A_86 = tpu.memref_slice %arg5[%dma_start3A_84, %dma_start3A_85] : memref<4x8192xf32, #tpu.memory_space<vmem>> -> memref<4x128xf32, #tpu.memory_space<vmem>>
    %dma_start3A_87 = arith.constant 6656 : i32
    %dma_start3A_88 = tpu.memref_slice %arg2[%mul3A_4, %dma_start3A_87] : memref<4096x16384xf32, #tpu.memory_space<hbm>> -> memref<4x128xf32, #tpu.memory_space<hbm>>
    %dma_start3A_89 = arith.constant 0 : i32
    %dma_start3A_90 = arith.constant 5120 : i32
    %dma_start3A_91 = tpu.memref_slice %arg5[%dma_start3A_89, %dma_start3A_90] : memref<4x8192xf32, #tpu.memory_space<vmem>> -> memref<4x128xf32, #tpu.memory_space<vmem>>
    %dma_start3A_92 = arith.constant 6656 : i32
    %dma_start3A_93 = tpu.memref_slice %arg2[%mul3A_4, %dma_start3A_92] : memref<4096x16384xf32, #tpu.memory_space<hbm>> -> memref<4x128xf32, #tpu.memory_space<hbm>>
    tpu.enqueue_dma source(%dma_start3A_93 : memref<4x128xf32, #tpu.memory_space<hbm>>) target(%dma_start3A_91 : memref<4x128xf32, #tpu.memory_space<vmem>>) target_semaphore(%arg9 : memref<!tpu.dma_semaphore, #tpu.memory_space<semaphore_mem>>)
    %dma_start3A_94 = arith.constant 0 : i32
    %dma_start3A_95 = arith.constant 5248 : i32
    %dma_start3A_96 = tpu.memref_slice %arg5[%dma_start3A_94, %dma_start3A_95] : memref<4x8192xf32, #tpu.memory_space<vmem>> -> memref<4x128xf32, #tpu.memory_space<vmem>>
    %dma_start3A_97 = arith.constant 7168 : i32
    %dma_start3A_98 = tpu.memref_slice %arg2[%mul3A_4, %dma_start3A_97] : memref<4096x16384xf32, #tpu.memory_space<hbm>> -> memref<4x128xf32, #tpu.memory_space<hbm>>
    %dma_start3A_99 = arith.constant 0 : i32
    %dma_start3A_100 = arith.constant 5248 : i32
    %dma_start3A_101 = tpu.memref_slice %arg5[%dma_start3A_99, %dma_start3A_100] : memref<4x8192xf32, #tpu.memory_space<vmem>> -> memref<4x128xf32, #tpu.memory_space<vmem>>
    %dma_start3A_102 = arith.constant 7168 : i32
    %dma_start3A_103 = tpu.memref_slice %arg2[%mul3A_4, %dma_start3A_102] : memref<4096x16384xf32, #tpu.memory_space<hbm>> -> memref<4x128xf32, #tpu.memory_space<hbm>>
    tpu.enqueue_dma source(%dma_start3A_103 : memref<4x128xf32, #tpu.memory_space<hbm>>) target(%dma_start3A_101 : memref<4x128xf32, #tpu.memory_space<vmem>>) target_semaphore(%arg9 : memref<!tpu.dma_semaphore, #tpu.memory_space<semaphore_mem>>)
    %dma_start3A_104 = arith.constant 0 : i32
    %dma_start3A_105 = arith.constant 5376 : i32
    %dma_start3A_106 = tpu.memref_slice %arg5[%dma_start3A_104, %dma_start3A_105] : memref<4x8192xf32, #tpu.memory_space<vmem>> -> memref<4x896xf32, #tpu.memory_space<vmem>>
    %dma_start3A_107 = arith.constant 8192 : i32
    %dma_start3A_108 = tpu.memref_slice %arg2[%mul3A_4, %dma_start3A_107] : memref<4096x16384xf32, #tpu.memory_space<hbm>> -> memref<4x896xf32, #tpu.memory_space<hbm>>
    %dma_start3A_109 = arith.constant 0 : i32
    %dma_start3A_110 = arith.constant 5376 : i32
    %dma_start3A_111 = tpu.memref_slice %arg5[%dma_start3A_109, %dma_start3A_110] : memref<4x8192xf32, #tpu.memory_space<vmem>> -> memref<4x896xf32, #tpu.memory_space<vmem>>
    %dma_start3A_112 = arith.constant 8192 : i32
    %dma_start3A_113 = tpu.memref_slice %arg2[%mul3A_4, %dma_start3A_112] : memref<4096x16384xf32, #tpu.memory_space<hbm>> -> memref<4x896xf32, #tpu.memory_space<hbm>>
    tpu.enqueue_dma source(%dma_start3A_113 : memref<4x896xf32, #tpu.memory_space<hbm>>) target(%dma_start3A_111 : memref<4x896xf32, #tpu.memory_space<vmem>>) target_semaphore(%arg9 : memref<!tpu.dma_semaphore, #tpu.memory_space<semaphore_mem>>)
    %dma_start3A_114 = arith.constant 0 : i32
    %dma_start3A_115 = arith.constant 6272 : i32
    %dma_start3A_116 = tpu.memref_slice %arg5[%dma_start3A_114, %dma_start3A_115] : memref<4x8192xf32, #tpu.memory_space<vmem>> -> memref<4x384xf32, #tpu.memory_space<vmem>>
    %dma_start3A_117 = arith.constant 9216 : i32
    %dma_start3A_118 = tpu.memref_slice %arg2[%mul3A_4, %dma_start3A_117] : memref<4096x16384xf32, #tpu.memory_space<hbm>> -> memref<4x384xf32, #tpu.memory_space<hbm>>
    %dma_start3A_119 = arith.constant 0 : i32
    %dma_start3A_120 = arith.constant 6272 : i32
    %dma_start3A_121 = tpu.memref_slice %arg5[%dma_start3A_119, %dma_start3A_120] : memref<4x8192xf32, #tpu.memory_space<vmem>> -> memref<4x384xf32, #tpu.memory_space<vmem>>
    %dma_start3A_122 = arith.constant 9216 : i32
    %dma_start3A_123 = tpu.memref_slice %arg2[%mul3A_4, %dma_start3A_122] : memref<4096x16384xf32, #tpu.memory_space<hbm>> -> memref<4x384xf32, #tpu.memory_space<hbm>>
    tpu.enqueue_dma source(%dma_start3A_123 : memref<4x384xf32, #tpu.memory_space<hbm>>) target(%dma_start3A_121 : memref<4x384xf32, #tpu.memory_space<vmem>>) target_semaphore(%arg9 : memref<!tpu.dma_semaphore, #tpu.memory_space<semaphore_mem>>)
    %dma_start3A_124 = arith.constant 0 : i32
    %dma_start3A_125 = arith.constant 6656 : i32
    %dma_start3A_126 = tpu.memref_slice %arg5[%dma_start3A_124, %dma_start3A_125] : memref<4x8192xf32, #tpu.memory_space<vmem>> -> memref<4x128xf32, #tpu.memory_space<vmem>>
    %dma_start3A_127 = arith.constant 9728 : i32
    %dma_start3A_128 = tpu.memref_slice %arg2[%mul3A_4, %dma_start3A_127] : memref<4096x16384xf32, #tpu.memory_space<hbm>> -> memref<4x128xf32, #tpu.memory_space<hbm>>
    %dma_start3A_129 = arith.constant 0 : i32
    %dma_start3A_130 = arith.constant 6656 : i32
    %dma_start3A_131 = tpu.memref_slice %arg5[%dma_start3A_129, %dma_start3A_130] : memref<4x8192xf32, #tpu.memory_space<vmem>> -> memref<4x128xf32, #tpu.memory_space<vmem>>
    %dma_start3A_132 = arith.constant 9728 : i32
    %dma_start3A_133 = tpu.memref_slice %arg2[%mul3A_4, %dma_start3A_132] : memref<4096x16384xf32, #tpu.memory_space<hbm>> -> memref<4x128xf32, #tpu.memory_space<hbm>>
    tpu.enqueue_dma source(%dma_start3A_133 : memref<4x128xf32, #tpu.memory_space<hbm>>) target(%dma_start3A_131 : memref<4x128xf32, #tpu.memory_space<vmem>>) target_semaphore(%arg9 : memref<!tpu.dma_semaphore, #tpu.memory_space<semaphore_mem>>)
    %dma_start3A_134 = arith.constant 0 : i32
    %dma_start3A_135 = arith.constant 6784 : i32
    %dma_start3A_136 = tpu.memref_slice %arg5[%dma_start3A_134, %dma_start3A_135] : memref<4x8192xf32, #tpu.memory_space<vmem>> -> memref<4x384xf32, #tpu.memory_space<vmem>>
    %dma_start3A_137 = arith.constant 10240 : i32
    %dma_start3A_138 = tpu.memref_slice %arg2[%mul3A_4, %dma_start3A_137] : memref<4096x16384xf32, #tpu.memory_space<hbm>> -> memref<4x384xf32, #tpu.memory_space<hbm>>
    %dma_start3A_139 = arith.constant 0 : i32
    %dma_start3A_140 = arith.constant 6784 : i32
    %dma_start3A_141 = tpu.memref_slice %arg5[%dma_start3A_139, %dma_start3A_140] : memref<4x8192xf32, #tpu.memory_space<vmem>> -> memref<4x384xf32, #tpu.memory_space<vmem>>
    %dma_start3A_142 = arith.constant 10240 : i32
    %dma_start3A_143 = tpu.memref_slice %arg2[%mul3A_4, %dma_start3A_142] : memref<4096x16384xf32, #tpu.memory_space<hbm>> -> memref<4x384xf32, #tpu.memory_space<hbm>>
    tpu.enqueue_dma source(%dma_start3A_143 : memref<4x384xf32, #tpu.memory_space<hbm>>) target(%dma_start3A_141 : memref<4x384xf32, #tpu.memory_space<vmem>>) target_semaphore(%arg9 : memref<!tpu.dma_semaphore, #tpu.memory_space<semaphore_mem>>)
    %dma_start3A_144 = arith.constant 0 : i32
    %dma_start3A_145 = arith.constant 7168 : i32
    %dma_start3A_146 = tpu.memref_slice %arg5[%dma_start3A_144, %dma_start3A_145] : memref<4x8192xf32, #tpu.memory_space<vmem>> -> memref<4x128xf32, #tpu.memory_space<vmem>>
    %dma_start3A_147 = arith.constant 10752 : i32
    %dma_start3A_148 = tpu.memref_slice %arg2[%mul3A_4, %dma_start3A_147] : memref<4096x16384xf32, #tpu.memory_space<hbm>> -> memref<4x128xf32, #tpu.memory_space<hbm>>
    %dma_start3A_149 = arith.constant 0 : i32
    %dma_start3A_150 = arith.constant 7168 : i32
    %dma_start3A_151 = tpu.memref_slice %arg5[%dma_start3A_149, %dma_start3A_150] : memref<4x8192xf32, #tpu.memory_space<vmem>> -> memref<4x128xf32, #tpu.memory_space<vmem>>
    %dma_start3A_152 = arith.constant 10752 : i32
    %dma_start3A_153 = tpu.memref_slice %arg2[%mul3A_4, %dma_start3A_152] : memref<4096x16384xf32, #tpu.memory_space<hbm>> -> memref<4x128xf32, #tpu.memory_space<hbm>>
    tpu.enqueue_dma source(%dma_start3A_153 : memref<4x128xf32, #tpu.memory_space<hbm>>) target(%dma_start3A_151 : memref<4x128xf32, #tpu.memory_space<vmem>>) target_semaphore(%arg9 : memref<!tpu.dma_semaphore, #tpu.memory_space<semaphore_mem>>)
    %dma_start3A_154 = arith.constant 0 : i32
    %dma_start3A_155 = arith.constant 7296 : i32
    %dma_start3A_156 = tpu.memref_slice %arg5[%dma_start3A_154, %dma_start3A_155] : memref<4x8192xf32, #tpu.memory_space<vmem>> -> memref<4x128xf32, #tpu.memory_space<vmem>>
    %dma_start3A_157 = arith.constant 11264 : i32
    %dma_start3A_158 = tpu.memref_slice %arg2[%mul3A_4, %dma_start3A_157] : memref<4096x16384xf32, #tpu.memory_space<hbm>> -> memref<4x128xf32, #tpu.memory_space<hbm>>
    %dma_start3A_159 = arith.constant 0 : i32
    %dma_start3A_160 = arith.constant 7296 : i32
    %dma_start3A_161 = tpu.memref_slice %arg5[%dma_start3A_159, %dma_start3A_160] : memref<4x8192xf32, #tpu.memory_space<vmem>> -> memref<4x128xf32, #tpu.memory_space<vmem>>
    %dma_start3A_162 = arith.constant 11264 : i32
    %dma_start3A_163 = tpu.memref_slice %arg2[%mul3A_4, %dma_start3A_162] : memref<4096x16384xf32, #tpu.memory_space<hbm>> -> memref<4x128xf32, #tpu.memory_space<hbm>>
    tpu.enqueue_dma source(%dma_start3A_163 : memref<4x128xf32, #tpu.memory_space<hbm>>) target(%dma_start3A_161 : memref<4x128xf32, #tpu.memory_space<vmem>>) target_semaphore(%arg9 : memref<!tpu.dma_semaphore, #tpu.memory_space<semaphore_mem>>)
    %dma_start3A_164 = arith.constant 0 : i32
    %dma_start3A_165 = arith.constant 7424 : i32
    %dma_start3A_166 = tpu.memref_slice %arg5[%dma_start3A_164, %dma_start3A_165] : memref<4x8192xf32, #tpu.memory_space<vmem>> -> memref<4x384xf32, #tpu.memory_space<vmem>>
    %dma_start3A_167 = arith.constant 12288 : i32
    %dma_start3A_168 = tpu.memref_slice %arg2[%mul3A_4, %dma_start3A_167] : memref<4096x16384xf32, #tpu.memory_space<hbm>> -> memref<4x384xf32, #tpu.memory_space<hbm>>
    %dma_start3A_169 = arith.constant 0 : i32
    %dma_start3A_170 = arith.constant 7424 : i32
    %dma_start3A_171 = tpu.memref_slice %arg5[%dma_start3A_169, %dma_start3A_170] : memref<4x8192xf32, #tpu.memory_space<vmem>> -> memref<4x384xf32, #tpu.memory_space<vmem>>
    %dma_start3A_172 = arith.constant 12288 : i32
    %dma_start3A_173 = tpu.memref_slice %arg2[%mul3A_4, %dma_start3A_172] : memref<4096x16384xf32, #tpu.memory_space<hbm>> -> memref<4x384xf32, #tpu.memory_space<hbm>>
    tpu.enqueue_dma source(%dma_start3A_173 : memref<4x384xf32, #tpu.memory_space<hbm>>) target(%dma_start3A_171 : memref<4x384xf32, #tpu.memory_space<vmem>>) target_semaphore(%arg9 : memref<!tpu.dma_semaphore, #tpu.memory_space<semaphore_mem>>)
    %dma_start3A_174 = arith.constant 0 : i32
    %dma_start3A_175 = arith.constant 7808 : i32
    %dma_start3A_176 = tpu.memref_slice %arg5[%dma_start3A_174, %dma_start3A_175] : memref<4x8192xf32, #tpu.memory_space<vmem>> -> memref<4x128xf32, #tpu.memory_space<vmem>>
    %dma_start3A_177 = arith.constant 12800 : i32
    %dma_start3A_178 = tpu.memref_slice %arg2[%mul3A_4, %dma_start3A_177] : memref<4096x16384xf32, #tpu.memory_space<hbm>> -> memref<4x128xf32, #tpu.memory_space<hbm>>
    %dma_start3A_179 = arith.constant 0 : i32
    %dma_start3A_180 = arith.constant 7808 : i32
    %dma_start3A_181 = tpu.memref_slice %arg5[%dma_start3A_179, %dma_start3A_180] : memref<4x8192xf32, #tpu.memory_space<vmem>> -> memref<4x128xf32, #tpu.memory_space<vmem>>
    %dma_start3A_182 = arith.constant 12800 : i32
    %dma_start3A_183 = tpu.memref_slice %arg2[%mul3A_4, %dma_start3A_182] : memref<4096x16384xf32, #tpu.memory_space<hbm>> -> memref<4x128xf32, #tpu.memory_space<hbm>>
    tpu.enqueue_dma source(%dma_start3A_183 : memref<4x128xf32, #tpu.memory_space<hbm>>) target(%dma_start3A_181 : memref<4x128xf32, #tpu.memory_space<vmem>>) target_semaphore(%arg9 : memref<!tpu.dma_semaphore, #tpu.memory_space<semaphore_mem>>)
    %dma_start3A_184 = arith.constant 0 : i32
    %dma_start3A_185 = arith.constant 7936 : i32
    %dma_start3A_186 = tpu.memref_slice %arg5[%dma_start3A_184, %dma_start3A_185] : memref<4x8192xf32, #tpu.memory_space<vmem>> -> memref<4x128xf32, #tpu.memory_space<vmem>>
    %dma_start3A_187 = arith.constant 13312 : i32
    %dma_start3A_188 = tpu.memref_slice %arg2[%mul3A_4, %dma_start3A_187] : memref<4096x16384xf32, #tpu.memory_space<hbm>> -> memref<4x128xf32, #tpu.memory_space<hbm>>
    %dma_start3A_189 = arith.constant 0 : i32
    %dma_start3A_190 = arith.constant 7936 : i32
    %dma_start3A_191 = tpu.memref_slice %arg5[%dma_start3A_189, %dma_start3A_190] : memref<4x8192xf32, #tpu.memory_space<vmem>> -> memref<4x128xf32, #tpu.memory_space<vmem>>
    %dma_start3A_192 = arith.constant 13312 : i32
    %dma_start3A_193 = tpu.memref_slice %arg2[%mul3A_4, %dma_start3A_192] : memref<4096x16384xf32, #tpu.memory_space<hbm>> -> memref<4x128xf32, #tpu.memory_space<hbm>>
    tpu.enqueue_dma source(%dma_start3A_193 : memref<4x128xf32, #tpu.memory_space<hbm>>) target(%dma_start3A_191 : memref<4x128xf32, #tpu.memory_space<vmem>>) target_semaphore(%arg9 : memref<!tpu.dma_semaphore, #tpu.memory_space<semaphore_mem>>)
    %dma_start3A_194 = arith.constant 0 : i32
    %dma_start3A_195 = arith.constant 8064 : i32
    %dma_start3A_196 = tpu.memref_slice %arg5[%dma_start3A_194, %dma_start3A_195] : memref<4x8192xf32, #tpu.memory_space<vmem>> -> memref<4x128xf32, #tpu.memory_space<vmem>>
    %dma_start3A_197 = arith.constant 14336 : i32
    %dma_start3A_198 = tpu.memref_slice %arg2[%mul3A_4, %dma_start3A_197] : memref<4096x16384xf32, #tpu.memory_space<hbm>> -> memref<4x128xf32, #tpu.memory_space<hbm>>
    %dma_start3A_199 = arith.constant 0 : i32
    %dma_start3A_200 = arith.constant 8064 : i32
    %dma_start3A_201 = tpu.memref_slice %arg5[%dma_start3A_199, %dma_start3A_200] : memref<4x8192xf32, #tpu.memory_space<vmem>> -> memref<4x128xf32, #tpu.memory_space<vmem>>
    %dma_start3A_202 = arith.constant 14336 : i32
    %dma_start3A_203 = tpu.memref_slice %arg2[%mul3A_4, %dma_start3A_202] : memref<4096x16384xf32, #tpu.memory_space<hbm>> -> memref<4x128xf32, #tpu.memory_space<hbm>>
    tpu.enqueue_dma source(%dma_start3A_203 : memref<4x128xf32, #tpu.memory_space<hbm>>) target(%dma_start3A_201 : memref<4x128xf32, #tpu.memory_space<vmem>>) target_semaphore(%arg9 : memref<!tpu.dma_semaphore, #tpu.memory_space<semaphore_mem>>)
    %scan3A = arith.constant 0 : i32
    %scan3A_204 = arith.constant 0 : i32
    %scan3A_205 = arith.constant 16 : i32
    %scan3A_206 = arith.addi %scan3A_204, %scan3A_205 : i32
    %scan3A_207 = arith.constant 1 : i32
    scf.for %scan3A_214 = %scan3A_204 to %scan3A_206 step %scan3A_207  : i32 {
      %add3A_215 = arith.addi %mul3A_2, %scan3A_214 : i32
      %mul3A_216 = arith.constant 8 : i32
      %mul3A_217 = arith.muli %add3A_215, %mul3A_216 : i32
      %add3A_218 = arith.constant 4 : i32
      %add3A_219 = arith.addi %mul3A_217, %add3A_218 : i32
      %dma_start3A_220 = arith.constant 0 : i32
      %dma_start3A_221 = arith.constant 0 : i32
      %dma_start3A_222 = tpu.memref_slice %arg6[%dma_start3A_220, %dma_start3A_221] : memref<4x8192xf32, #tpu.memory_space<vmem>> -> memref<4x1920xf32, #tpu.memory_space<vmem>>
      %dma_start3A_223 = arith.constant 0 : i32
      %dma_start3A_224 = tpu.memref_slice %arg2[%add3A_219, %dma_start3A_223] : memref<4096x16384xf32, #tpu.memory_space<hbm>> -> memref<4x1920xf32, #tpu.memory_space<hbm>>
      %dma_start3A_225 = arith.constant 0 : i32
      %dma_start3A_226 = arith.constant 0 : i32
      %dma_start3A_227 = tpu.memref_slice %arg6[%dma_start3A_225, %dma_start3A_226] : memref<4x8192xf32, #tpu.memory_space<vmem>> -> memref<4x1920xf32, #tpu.memory_space<vmem>>
      %dma_start3A_228 = arith.constant 0 : i32
      %dma_start3A_229 = tpu.memref_slice %arg2[%add3A_219, %dma_start3A_228] : memref<4096x16384xf32, #tpu.memory_space<hbm>> -> memref<4x1920xf32, #tpu.memory_space<hbm>>
      tpu.enqueue_dma source(%dma_start3A_229 : memref<4x1920xf32, #tpu.memory_space<hbm>>) target(%dma_start3A_227 : memref<4x1920xf32, #tpu.memory_space<vmem>>) target_semaphore(%arg10 : memref<!tpu.dma_semaphore, #tpu.memory_space<semaphore_mem>>)
      %dma_start3A_230 = arith.constant 0 : i32
      %dma_start3A_231 = arith.constant 1920 : i32
      %dma_start3A_232 = tpu.memref_slice %arg6[%dma_start3A_230, %dma_start3A_231] : memref<4x8192xf32, #tpu.memory_space<vmem>> -> memref<4x896xf32, #tpu.memory_space<vmem>>
      %dma_start3A_233 = arith.constant 2048 : i32
      %dma_start3A_234 = tpu.memref_slice %arg2[%add3A_219, %dma_start3A_233] : memref<4096x16384xf32, #tpu.memory_space<hbm>> -> memref<4x896xf32, #tpu.memory_space<hbm>>
      %dma_start3A_235 = arith.constant 0 : i32
      %dma_start3A_236 = arith.constant 1920 : i32
      %dma_start3A_237 = tpu.memref_slice %arg6[%dma_start3A_235, %dma_start3A_236] : memref<4x8192xf32, #tpu.memory_space<vmem>> -> memref<4x896xf32, #tpu.memory_space<vmem>>
      %dma_start3A_238 = arith.constant 2048 : i32
      %dma_start3A_239 = tpu.memref_slice %arg2[%add3A_219, %dma_start3A_238] : memref<4096x16384xf32, #tpu.memory_space<hbm>> -> memref<4x896xf32, #tpu.memory_space<hbm>>
      tpu.enqueue_dma source(%dma_start3A_239 : memref<4x896xf32, #tpu.memory_space<hbm>>) target(%dma_start3A_237 : memref<4x896xf32, #tpu.memory_space<vmem>>) target_semaphore(%arg10 : memref<!tpu.dma_semaphore, #tpu.memory_space<semaphore_mem>>)
      %dma_start3A_240 = arith.constant 0 : i32
      %dma_start3A_241 = arith.constant 2816 : i32
      %dma_start3A_242 = tpu.memref_slice %arg6[%dma_start3A_240, %dma_start3A_241] : memref<4x8192xf32, #tpu.memory_space<vmem>> -> memref<4x384xf32, #tpu.memory_space<vmem>>
      %dma_start3A_243 = arith.constant 3072 : i32
      %dma_start3A_244 = tpu.memref_slice %arg2[%add3A_219, %dma_start3A_243] : memref<4096x16384xf32, #tpu.memory_space<hbm>> -> memref<4x384xf32, #tpu.memory_space<hbm>>
      %dma_start3A_245 = arith.constant 0 : i32
      %dma_start3A_246 = arith.constant 2816 : i32
      %dma_start3A_247 = tpu.memref_slice %arg6[%dma_start3A_245, %dma_start3A_246] : memref<4x8192xf32, #tpu.memory_space<vmem>> -> memref<4x384xf32, #tpu.memory_space<vmem>>
      %dma_start3A_248 = arith.constant 3072 : i32
      %dma_start3A_249 = tpu.memref_slice %arg2[%add3A_219, %dma_start3A_248] : memref<4096x16384xf32, #tpu.memory_space<hbm>> -> memref<4x384xf32, #tpu.memory_space<hbm>>
      tpu.enqueue_dma source(%dma_start3A_249 : memref<4x384xf32, #tpu.memory_space<hbm>>) target(%dma_start3A_247 : memref<4x384xf32, #tpu.memory_space<vmem>>) target_semaphore(%arg10 : memref<!tpu.dma_semaphore, #tpu.memory_space<semaphore_mem>>)
      %dma_start3A_250 = arith.constant 0 : i32
      %dma_start3A_251 = arith.constant 3200 : i32
      %dma_start3A_252 = tpu.memref_slice %arg6[%dma_start3A_250, %dma_start3A_251] : memref<4x8192xf32, #tpu.memory_space<vmem>> -> memref<4x128xf32, #tpu.memory_space<vmem>>
      %dma_start3A_253 = arith.constant 3584 : i32
      %dma_start3A_254 = tpu.memref_slice %arg2[%add3A_219, %dma_start3A_253] : memref<4096x16384xf32, #tpu.memory_space<hbm>> -> memref<4x128xf32, #tpu.memory_space<hbm>>
      %dma_start3A_255 = arith.constant 0 : i32
      %dma_start3A_256 = arith.constant 3200 : i32
      %dma_start3A_257 = tpu.memref_slice %arg6[%dma_start3A_255, %dma_start3A_256] : memref<4x8192xf32, #tpu.memory_space<vmem>> -> memref<4x128xf32, #tpu.memory_space<vmem>>
      %dma_start3A_258 = arith.constant 3584 : i32
      %dma_start3A_259 = tpu.memref_slice %arg2[%add3A_219, %dma_start3A_258] : memref<4096x16384xf32, #tpu.memory_space<hbm>> -> memref<4x128xf32, #tpu.memory_space<hbm>>
      tpu.enqueue_dma source(%dma_start3A_259 : memref<4x128xf32, #tpu.memory_space<hbm>>) target(%dma_start3A_257 : memref<4x128xf32, #tpu.memory_space<vmem>>) target_semaphore(%arg10 : memref<!tpu.dma_semaphore, #tpu.memory_space<semaphore_mem>>)
      %dma_start3A_260 = arith.constant 0 : i32
      %dma_start3A_261 = arith.constant 3328 : i32
      %dma_start3A_262 = tpu.memref_slice %arg6[%dma_start3A_260, %dma_start3A_261] : memref<4x8192xf32, #tpu.memory_space<vmem>> -> memref<4x896xf32, #tpu.memory_space<vmem>>
      %dma_start3A_263 = arith.constant 4096 : i32
      %dma_start3A_264 = tpu.memref_slice %arg2[%add3A_219, %dma_start3A_263] : memref<4096x16384xf32, #tpu.memory_space<hbm>> -> memref<4x896xf32, #tpu.memory_space<hbm>>
      %dma_start3A_265 = arith.constant 0 : i32
      %dma_start3A_266 = arith.constant 3328 : i32
      %dma_start3A_267 = tpu.memref_slice %arg6[%dma_start3A_265, %dma_start3A_266] : memref<4x8192xf32, #tpu.memory_space<vmem>> -> memref<4x896xf32, #tpu.memory_space<vmem>>
      %dma_start3A_268 = arith.constant 4096 : i32
      %dma_start3A_269 = tpu.memref_slice %arg2[%add3A_219, %dma_start3A_268] : memref<4096x16384xf32, #tpu.memory_space<hbm>> -> memref<4x896xf32, #tpu.memory_space<hbm>>
      tpu.enqueue_dma source(%dma_start3A_269 : memref<4x896xf32, #tpu.memory_space<hbm>>) target(%dma_start3A_267 : memref<4x896xf32, #tpu.memory_space<vmem>>) target_semaphore(%arg10 : memref<!tpu.dma_semaphore, #tpu.memory_space<semaphore_mem>>)
      %dma_start3A_270 = arith.constant 0 : i32
      %dma_start3A_271 = arith.constant 4224 : i32
      %dma_start3A_272 = tpu.memref_slice %arg6[%dma_start3A_270, %dma_start3A_271] : memref<4x8192xf32, #tpu.memory_space<vmem>> -> memref<4x384xf32, #tpu.memory_space<vmem>>
      %dma_start3A_273 = arith.constant 5120 : i32
      %dma_start3A_274 = tpu.memref_slice %arg2[%add3A_219, %dma_start3A_273] : memref<4096x16384xf32, #tpu.memory_space<hbm>> -> memref<4x384xf32, #tpu.memory_space<hbm>>
      %dma_start3A_275 = arith.constant 0 : i32
      %dma_start3A_276 = arith.constant 4224 : i32
      %dma_start3A_277 = tpu.memref_slice %arg6[%dma_start3A_275, %dma_start3A_276] : memref<4x8192xf32, #tpu.memory_space<vmem>> -> memref<4x384xf32, #tpu.memory_space<vmem>>
      %dma_start3A_278 = arith.constant 5120 : i32
      %dma_start3A_279 = tpu.memref_slice %arg2[%add3A_219, %dma_start3A_278] : memref<4096x16384xf32, #tpu.memory_space<hbm>> -> memref<4x384xf32, #tpu.memory_space<hbm>>
      tpu.enqueue_dma source(%dma_start3A_279 : memref<4x384xf32, #tpu.memory_space<hbm>>) target(%dma_start3A_277 : memref<4x384xf32, #tpu.memory_space<vmem>>) target_semaphore(%arg10 : memref<!tpu.dma_semaphore, #tpu.memory_space<semaphore_mem>>)
      %dma_start3A_280 = arith.constant 0 : i32
      %dma_start3A_281 = arith.constant 4608 : i32
      %dma_start3A_282 = tpu.memref_slice %arg6[%dma_start3A_280, %dma_start3A_281] : memref<4x8192xf32, #tpu.memory_space<vmem>> -> memref<4x128xf32, #tpu.memory_space<vmem>>
      %dma_start3A_283 = arith.constant 5632 : i32
      %dma_start3A_284 = tpu.memref_slice %arg2[%add3A_219, %dma_start3A_283] : memref<4096x16384xf32, #tpu.memory_space<hbm>> -> memref<4x128xf32, #tpu.memory_space<hbm>>
      %dma_start3A_285 = arith.constant 0 : i32
      %dma_start3A_286 = arith.constant 4608 : i32
      %dma_start3A_287 = tpu.memref_slice %arg6[%dma_start3A_285, %dma_start3A_286] : memref<4x8192xf32, #tpu.memory_space<vmem>> -> memref<4x128xf32, #tpu.memory_space<vmem>>
      %dma_start3A_288 = arith.constant 5632 : i32
      %dma_start3A_289 = tpu.memref_slice %arg2[%add3A_219, %dma_start3A_288] : memref<4096x16384xf32, #tpu.memory_space<hbm>> -> memref<4x128xf32, #tpu.memory_space<hbm>>
      tpu.enqueue_dma source(%dma_start3A_289 : memref<4x128xf32, #tpu.memory_space<hbm>>) target(%dma_start3A_287 : memref<4x128xf32, #tpu.memory_space<vmem>>) target_semaphore(%arg10 : memref<!tpu.dma_semaphore, #tpu.memory_space<semaphore_mem>>)
      %dma_start3A_290 = arith.constant 0 : i32
      %dma_start3A_291 = arith.constant 4736 : i32
      %dma_start3A_292 = tpu.memref_slice %arg6[%dma_start3A_290, %dma_start3A_291] : memref<4x8192xf32, #tpu.memory_space<vmem>> -> memref<4x384xf32, #tpu.memory_space<vmem>>
      %dma_start3A_293 = arith.constant 6144 : i32
      %dma_start3A_294 = tpu.memref_slice %arg2[%add3A_219, %dma_start3A_293] : memref<4096x16384xf32, #tpu.memory_space<hbm>> -> memref<4x384xf32, #tpu.memory_space<hbm>>
      %dma_start3A_295 = arith.constant 0 : i32
      %dma_start3A_296 = arith.constant 4736 : i32
      %dma_start3A_297 = tpu.memref_slice %arg6[%dma_start3A_295, %dma_start3A_296] : memref<4x8192xf32, #tpu.memory_space<vmem>> -> memref<4x384xf32, #tpu.memory_space<vmem>>
      %dma_start3A_298 = arith.constant 6144 : i32
      %dma_start3A_299 = tpu.memref_slice %arg2[%add3A_219, %dma_start3A_298] : memref<4096x16384xf32, #tpu.memory_space<hbm>> -> memref<4x384xf32, #tpu.memory_space<hbm>>
      tpu.enqueue_dma source(%dma_start3A_299 : memref<4x384xf32, #tpu.memory_space<hbm>>) target(%dma_start3A_297 : memref<4x384xf32, #tpu.memory_space<vmem>>) target_semaphore(%arg10 : memref<!tpu.dma_semaphore, #tpu.memory_space<semaphore_mem>>)
      %dma_start3A_300 = arith.constant 0 : i32
      %dma_start3A_301 = arith.constant 5120 : i32
      %dma_start3A_302 = tpu.memref_slice %arg6[%dma_start3A_300, %dma_start3A_301] : memref<4x8192xf32, #tpu.memory_space<vmem>> -> memref<4x128xf32, #tpu.memory_space<vmem>>
      %dma_start3A_303 = arith.constant 6656 : i32
      %dma_start3A_304 = tpu.memref_slice %arg2[%add3A_219, %dma_start3A_303] : memref<4096x16384xf32, #tpu.memory_space<hbm>> -> memref<4x128xf32, #tpu.memory_space<hbm>>
      %dma_start3A_305 = arith.constant 0 : i32
      %dma_start3A_306 = arith.constant 5120 : i32
      %dma_start3A_307 = tpu.memref_slice %arg6[%dma_start3A_305, %dma_start3A_306] : memref<4x8192xf32, #tpu.memory_space<vmem>> -> memref<4x128xf32, #tpu.memory_space<vmem>>
      %dma_start3A_308 = arith.constant 6656 : i32
      %dma_start3A_309 = tpu.memref_slice %arg2[%add3A_219, %dma_start3A_308] : memref<4096x16384xf32, #tpu.memory_space<hbm>> -> memref<4x128xf32, #tpu.memory_space<hbm>>
      tpu.enqueue_dma source(%dma_start3A_309 : memref<4x128xf32, #tpu.memory_space<hbm>>) target(%dma_start3A_307 : memref<4x128xf32, #tpu.memory_space<vmem>>) target_semaphore(%arg10 : memref<!tpu.dma_semaphore, #tpu.memory_space<semaphore_mem>>)
      %dma_start3A_310 = arith.constant 0 : i32
      %dma_start3A_311 = arith.constant 5248 : i32
      %dma_start3A_312 = tpu.memref_slice %arg6[%dma_start3A_310, %dma_start3A_311] : memref<4x8192xf32, #tpu.memory_space<vmem>> -> memref<4x128xf32, #tpu.memory_space<vmem>>
      %dma_start3A_313 = arith.constant 7168 : i32
      %dma_start3A_314 = tpu.memref_slice %arg2[%add3A_219, %dma_start3A_313] : memref<4096x16384xf32, #tpu.memory_space<hbm>> -> memref<4x128xf32, #tpu.memory_space<hbm>>
      %dma_start3A_315 = arith.constant 0 : i32
      %dma_start3A_316 = arith.constant 5248 : i32
      %dma_start3A_317 = tpu.memref_slice %arg6[%dma_start3A_315, %dma_start3A_316] : memref<4x8192xf32, #tpu.memory_space<vmem>> -> memref<4x128xf32, #tpu.memory_space<vmem>>
      %dma_start3A_318 = arith.constant 7168 : i32
      %dma_start3A_319 = tpu.memref_slice %arg2[%add3A_219, %dma_start3A_318] : memref<4096x16384xf32, #tpu.memory_space<hbm>> -> memref<4x128xf32, #tpu.memory_space<hbm>>
      tpu.enqueue_dma source(%dma_start3A_319 : memref<4x128xf32, #tpu.memory_space<hbm>>) target(%dma_start3A_317 : memref<4x128xf32, #tpu.memory_space<vmem>>) target_semaphore(%arg10 : memref<!tpu.dma_semaphore, #tpu.memory_space<semaphore_mem>>)
      %dma_start3A_320 = arith.constant 0 : i32
      %dma_start3A_321 = arith.constant 5376 : i32
      %dma_start3A_322 = tpu.memref_slice %arg6[%dma_start3A_320, %dma_start3A_321] : memref<4x8192xf32, #tpu.memory_space<vmem>> -> memref<4x896xf32, #tpu.memory_space<vmem>>
      %dma_start3A_323 = arith.constant 8192 : i32
      %dma_start3A_324 = tpu.memref_slice %arg2[%add3A_219, %dma_start3A_323] : memref<4096x16384xf32, #tpu.memory_space<hbm>> -> memref<4x896xf32, #tpu.memory_space<hbm>>
      %dma_start3A_325 = arith.constant 0 : i32
      %dma_start3A_326 = arith.constant 5376 : i32
      %dma_start3A_327 = tpu.memref_slice %arg6[%dma_start3A_325, %dma_start3A_326] : memref<4x8192xf32, #tpu.memory_space<vmem>> -> memref<4x896xf32, #tpu.memory_space<vmem>>
      %dma_start3A_328 = arith.constant 8192 : i32
      %dma_start3A_329 = tpu.memref_slice %arg2[%add3A_219, %dma_start3A_328] : memref<4096x16384xf32, #tpu.memory_space<hbm>> -> memref<4x896xf32, #tpu.memory_space<hbm>>
      tpu.enqueue_dma source(%dma_start3A_329 : memref<4x896xf32, #tpu.memory_space<hbm>>) target(%dma_start3A_327 : memref<4x896xf32, #tpu.memory_space<vmem>>) target_semaphore(%arg10 : memref<!tpu.dma_semaphore, #tpu.memory_space<semaphore_mem>>)
      %dma_start3A_330 = arith.constant 0 : i32
      %dma_start3A_331 = arith.constant 6272 : i32
      %dma_start3A_332 = tpu.memref_slice %arg6[%dma_start3A_330, %dma_start3A_331] : memref<4x8192xf32, #tpu.memory_space<vmem>> -> memref<4x384xf32, #tpu.memory_space<vmem>>
      %dma_start3A_333 = arith.constant 9216 : i32
      %dma_start3A_334 = tpu.memref_slice %arg2[%add3A_219, %dma_start3A_333] : memref<4096x16384xf32, #tpu.memory_space<hbm>> -> memref<4x384xf32, #tpu.memory_space<hbm>>
      %dma_start3A_335 = arith.constant 0 : i32
      %dma_start3A_336 = arith.constant 6272 : i32
      %dma_start3A_337 = tpu.memref_slice %arg6[%dma_start3A_335, %dma_start3A_336] : memref<4x8192xf32, #tpu.memory_space<vmem>> -> memref<4x384xf32, #tpu.memory_space<vmem>>
      %dma_start3A_338 = arith.constant 9216 : i32
      %dma_start3A_339 = tpu.memref_slice %arg2[%add3A_219, %dma_start3A_338] : memref<4096x16384xf32, #tpu.memory_space<hbm>> -> memref<4x384xf32, #tpu.memory_space<hbm>>
      tpu.enqueue_dma source(%dma_start3A_339 : memref<4x384xf32, #tpu.memory_space<hbm>>) target(%dma_start3A_337 : memref<4x384xf32, #tpu.memory_space<vmem>>) target_semaphore(%arg10 : memref<!tpu.dma_semaphore, #tpu.memory_space<semaphore_mem>>)
      %dma_start3A_340 = arith.constant 0 : i32
      %dma_start3A_341 = arith.constant 6656 : i32
      %dma_start3A_342 = tpu.memref_slice %arg6[%dma_start3A_340, %dma_start3A_341] : memref<4x8192xf32, #tpu.memory_space<vmem>> -> memref<4x128xf32, #tpu.memory_space<vmem>>
      %dma_start3A_343 = arith.constant 9728 : i32
      %dma_start3A_344 = tpu.memref_slice %arg2[%add3A_219, %dma_start3A_343] : memref<4096x16384xf32, #tpu.memory_space<hbm>> -> memref<4x128xf32, #tpu.memory_space<hbm>>
      %dma_start3A_345 = arith.constant 0 : i32
      %dma_start3A_346 = arith.constant 6656 : i32
      %dma_start3A_347 = tpu.memref_slice %arg6[%dma_start3A_345, %dma_start3A_346] : memref<4x8192xf32, #tpu.memory_space<vmem>> -> memref<4x128xf32, #tpu.memory_space<vmem>>
      %dma_start3A_348 = arith.constant 9728 : i32
      %dma_start3A_349 = tpu.memref_slice %arg2[%add3A_219, %dma_start3A_348] : memref<4096x16384xf32, #tpu.memory_space<hbm>> -> memref<4x128xf32, #tpu.memory_space<hbm>>
      tpu.enqueue_dma source(%dma_start3A_349 : memref<4x128xf32, #tpu.memory_space<hbm>>) target(%dma_start3A_347 : memref<4x128xf32, #tpu.memory_space<vmem>>) target_semaphore(%arg10 : memref<!tpu.dma_semaphore, #tpu.memory_space<semaphore_mem>>)
      %dma_start3A_350 = arith.constant 0 : i32
      %dma_start3A_351 = arith.constant 6784 : i32
      %dma_start3A_352 = tpu.memref_slice %arg6[%dma_start3A_350, %dma_start3A_351] : memref<4x8192xf32, #tpu.memory_space<vmem>> -> memref<4x384xf32, #tpu.memory_space<vmem>>
      %dma_start3A_353 = arith.constant 10240 : i32
      %dma_start3A_354 = tpu.memref_slice %arg2[%add3A_219, %dma_start3A_353] : memref<4096x16384xf32, #tpu.memory_space<hbm>> -> memref<4x384xf32, #tpu.memory_space<hbm>>
      %dma_start3A_355 = arith.constant 0 : i32
      %dma_start3A_356 = arith.constant 6784 : i32
      %dma_start3A_357 = tpu.memref_slice %arg6[%dma_start3A_355, %dma_start3A_356] : memref<4x8192xf32, #tpu.memory_space<vmem>> -> memref<4x384xf32, #tpu.memory_space<vmem>>
      %dma_start3A_358 = arith.constant 10240 : i32
      %dma_start3A_359 = tpu.memref_slice %arg2[%add3A_219, %dma_start3A_358] : memref<4096x16384xf32, #tpu.memory_space<hbm>> -> memref<4x384xf32, #tpu.memory_space<hbm>>
      tpu.enqueue_dma source(%dma_start3A_359 : memref<4x384xf32, #tpu.memory_space<hbm>>) target(%dma_start3A_357 : memref<4x384xf32, #tpu.memory_space<vmem>>) target_semaphore(%arg10 : memref<!tpu.dma_semaphore, #tpu.memory_space<semaphore_mem>>)
      %dma_start3A_360 = arith.constant 0 : i32
      %dma_start3A_361 = arith.constant 7168 : i32
      %dma_start3A_362 = tpu.memref_slice %arg6[%dma_start3A_360, %dma_start3A_361] : memref<4x8192xf32, #tpu.memory_space<vmem>> -> memref<4x128xf32, #tpu.memory_space<vmem>>
      %dma_start3A_363 = arith.constant 10752 : i32
      %dma_start3A_364 = tpu.memref_slice %arg2[%add3A_219, %dma_start3A_363] : memref<4096x16384xf32, #tpu.memory_space<hbm>> -> memref<4x128xf32, #tpu.memory_space<hbm>>
      %dma_start3A_365 = arith.constant 0 : i32
      %dma_start3A_366 = arith.constant 7168 : i32
      %dma_start3A_367 = tpu.memref_slice %arg6[%dma_start3A_365, %dma_start3A_366] : memref<4x8192xf32, #tpu.memory_space<vmem>> -> memref<4x128xf32, #tpu.memory_space<vmem>>
      %dma_start3A_368 = arith.constant 10752 : i32
      %dma_start3A_369 = tpu.memref_slice %arg2[%add3A_219, %dma_start3A_368] : memref<4096x16384xf32, #tpu.memory_space<hbm>> -> memref<4x128xf32, #tpu.memory_space<hbm>>
      tpu.enqueue_dma source(%dma_start3A_369 : memref<4x128xf32, #tpu.memory_space<hbm>>) target(%dma_start3A_367 : memref<4x128xf32, #tpu.memory_space<vmem>>) target_semaphore(%arg10 : memref<!tpu.dma_semaphore, #tpu.memory_space<semaphore_mem>>)
      %dma_start3A_370 = arith.constant 0 : i32
      %dma_start3A_371 = arith.constant 7296 : i32
      %dma_start3A_372 = tpu.memref_slice %arg6[%dma_start3A_370, %dma_start3A_371] : memref<4x8192xf32, #tpu.memory_space<vmem>> -> memref<4x128xf32, #tpu.memory_space<vmem>>
      %dma_start3A_373 = arith.constant 11264 : i32
      %dma_start3A_374 = tpu.memref_slice %arg2[%add3A_219, %dma_start3A_373] : memref<4096x16384xf32, #tpu.memory_space<hbm>> -> memref<4x128xf32, #tpu.memory_space<hbm>>
      %dma_start3A_375 = arith.constant 0 : i32
      %dma_start3A_376 = arith.constant 7296 : i32
      %dma_start3A_377 = tpu.memref_slice %arg6[%dma_start3A_375, %dma_start3A_376] : memref<4x8192xf32, #tpu.memory_space<vmem>> -> memref<4x128xf32, #tpu.memory_space<vmem>>
      %dma_start3A_378 = arith.constant 11264 : i32
      %dma_start3A_379 = tpu.memref_slice %arg2[%add3A_219, %dma_start3A_378] : memref<4096x16384xf32, #tpu.memory_space<hbm>> -> memref<4x128xf32, #tpu.memory_space<hbm>>
      tpu.enqueue_dma source(%dma_start3A_379 : memref<4x128xf32, #tpu.memory_space<hbm>>) target(%dma_start3A_377 : memref<4x128xf32, #tpu.memory_space<vmem>>) target_semaphore(%arg10 : memref<!tpu.dma_semaphore, #tpu.memory_space<semaphore_mem>>)
      %dma_start3A_380 = arith.constant 0 : i32
      %dma_start3A_381 = arith.constant 7424 : i32
      %dma_start3A_382 = tpu.memref_slice %arg6[%dma_start3A_380, %dma_start3A_381] : memref<4x8192xf32, #tpu.memory_space<vmem>> -> memref<4x384xf32, #tpu.memory_space<vmem>>
      %dma_start3A_383 = arith.constant 12288 : i32
      %dma_start3A_384 = tpu.memref_slice %arg2[%add3A_219, %dma_start3A_383] : memref<4096x16384xf32, #tpu.memory_space<hbm>> -> memref<4x384xf32, #tpu.memory_space<hbm>>
      %dma_start3A_385 = arith.constant 0 : i32
      %dma_start3A_386 = arith.constant 7424 : i32
      %dma_start3A_387 = tpu.memref_slice %arg6[%dma_start3A_385, %dma_start3A_386] : memref<4x8192xf32, #tpu.memory_space<vmem>> -> memref<4x384xf32, #tpu.memory_space<vmem>>
      %dma_start3A_388 = arith.constant 12288 : i32
      %dma_start3A_389 = tpu.memref_slice %arg2[%add3A_219, %dma_start3A_388] : memref<4096x16384xf32, #tpu.memory_space<hbm>> -> memref<4x384xf32, #tpu.memory_space<hbm>>
      tpu.enqueue_dma source(%dma_start3A_389 : memref<4x384xf32, #tpu.memory_space<hbm>>) target(%dma_start3A_387 : memref<4x384xf32, #tpu.memory_space<vmem>>) target_semaphore(%arg10 : memref<!tpu.dma_semaphore, #tpu.memory_space<semaphore_mem>>)
      %dma_start3A_390 = arith.constant 0 : i32
      %dma_start3A_391 = arith.constant 7808 : i32
      %dma_start3A_392 = tpu.memref_slice %arg6[%dma_start3A_390, %dma_start3A_391] : memref<4x8192xf32, #tpu.memory_space<vmem>> -> memref<4x128xf32, #tpu.memory_space<vmem>>
      %dma_start3A_393 = arith.constant 12800 : i32
      %dma_start3A_394 = tpu.memref_slice %arg2[%add3A_219, %dma_start3A_393] : memref<4096x16384xf32, #tpu.memory_space<hbm>> -> memref<4x128xf32, #tpu.memory_space<hbm>>
      %dma_start3A_395 = arith.constant 0 : i32
      %dma_start3A_396 = arith.constant 7808 : i32
      %dma_start3A_397 = tpu.memref_slice %arg6[%dma_start3A_395, %dma_start3A_396] : memref<4x8192xf32, #tpu.memory_space<vmem>> -> memref<4x128xf32, #tpu.memory_space<vmem>>
      %dma_start3A_398 = arith.constant 12800 : i32
      %dma_start3A_399 = tpu.memref_slice %arg2[%add3A_219, %dma_start3A_398] : memref<4096x16384xf32, #tpu.memory_space<hbm>> -> memref<4x128xf32, #tpu.memory_space<hbm>>
      tpu.enqueue_dma source(%dma_start3A_399 : memref<4x128xf32, #tpu.memory_space<hbm>>) target(%dma_start3A_397 : memref<4x128xf32, #tpu.memory_space<vmem>>) target_semaphore(%arg10 : memref<!tpu.dma_semaphore, #tpu.memory_space<semaphore_mem>>)
      %dma_start3A_400 = arith.constant 0 : i32
      %dma_start3A_401 = arith.constant 7936 : i32
      %dma_start3A_402 = tpu.memref_slice %arg6[%dma_start3A_400, %dma_start3A_401] : memref<4x8192xf32, #tpu.memory_space<vmem>> -> memref<4x128xf32, #tpu.memory_space<vmem>>
      %dma_start3A_403 = arith.constant 13312 : i32
      %dma_start3A_404 = tpu.memref_slice %arg2[%add3A_219, %dma_start3A_403] : memref<4096x16384xf32, #tpu.memory_space<hbm>> -> memref<4x128xf32, #tpu.memory_space<hbm>>
      %dma_start3A_405 = arith.constant 0 : i32
      %dma_start3A_406 = arith.constant 7936 : i32
      %dma_start3A_407 = tpu.memref_slice %arg6[%dma_start3A_405, %dma_start3A_406] : memref<4x8192xf32, #tpu.memory_space<vmem>> -> memref<4x128xf32, #tpu.memory_space<vmem>>
      %dma_start3A_408 = arith.constant 13312 : i32
      %dma_start3A_409 = tpu.memref_slice %arg2[%add3A_219, %dma_start3A_408] : memref<4096x16384xf32, #tpu.memory_space<hbm>> -> memref<4x128xf32, #tpu.memory_space<hbm>>
      tpu.enqueue_dma source(%dma_start3A_409 : memref<4x128xf32, #tpu.memory_space<hbm>>) target(%dma_start3A_407 : memref<4x128xf32, #tpu.memory_space<vmem>>) target_semaphore(%arg10 : memref<!tpu.dma_semaphore, #tpu.memory_space<semaphore_mem>>)
      %dma_start3A_410 = arith.constant 0 : i32
      %dma_start3A_411 = arith.constant 8064 : i32
      %dma_start3A_412 = tpu.memref_slice %arg6[%dma_start3A_410, %dma_start3A_411] : memref<4x8192xf32, #tpu.memory_space<vmem>> -> memref<4x128xf32, #tpu.memory_space<vmem>>
      %dma_start3A_413 = arith.constant 14336 : i32
      %dma_start3A_414 = tpu.memref_slice %arg2[%add3A_219, %dma_start3A_413] : memref<4096x16384xf32, #tpu.memory_space<hbm>> -> memref<4x128xf32, #tpu.memory_space<hbm>>
      %dma_start3A_415 = arith.constant 0 : i32
      %dma_start3A_416 = arith.constant 8064 : i32
      %dma_start3A_417 = tpu.memref_slice %arg6[%dma_start3A_415, %dma_start3A_416] : memref<4x8192xf32, #tpu.memory_space<vmem>> -> memref<4x128xf32, #tpu.memory_space<vmem>>
      %dma_start3A_418 = arith.constant 14336 : i32
      %dma_start3A_419 = tpu.memref_slice %arg2[%add3A_219, %dma_start3A_418] : memref<4096x16384xf32, #tpu.memory_space<hbm>> -> memref<4x128xf32, #tpu.memory_space<hbm>>
      tpu.enqueue_dma source(%dma_start3A_419 : memref<4x128xf32, #tpu.memory_space<hbm>>) target(%dma_start3A_417 : memref<4x128xf32, #tpu.memory_space<vmem>>) target_semaphore(%arg10 : memref<!tpu.dma_semaphore, #tpu.memory_space<semaphore_mem>>)
      %dma_wait3A_420 = arith.constant 0 : i32
      %dma_wait3A_421 = arith.constant 0 : i32
      %dma_wait3A_422 = tpu.memref_slice %arg2[%dma_wait3A_420, %dma_wait3A_421] : memref<4096x16384xf32, #tpu.memory_space<hbm>> -> memref<4x8192xf32, #tpu.memory_space<hbm>>
      %dma_wait3A_423 = arith.constant 0 : i32
      %dma_wait3A_424 = arith.constant 0 : i32
      %dma_wait3A_425 = tpu.memref_slice %arg2[%dma_wait3A_423, %dma_wait3A_424] : memref<4096x16384xf32, #tpu.memory_space<hbm>> -> memref<4x8192xf32, #tpu.memory_space<hbm>>
      tpu.wait_dma2 semaphore(%arg9 : memref<!tpu.dma_semaphore, #tpu.memory_space<semaphore_mem>>) src(%dma_wait3A_425 : memref<4x8192xf32, #tpu.memory_space<hbm>>) dst(%arg5 : memref<4x8192xf32, #tpu.memory_space<vmem>>)
      %get3A = arith.constant 0 : index
      %get3A_426 = tpu.vector_load %arg8[%get3A] {strides = array<i32>} : memref<368xi32, #tpu.memory_space<vmem>>, vector<16xi32>,
      %broadcast_in_dim3A = arith.constant 0 : i32
      %broadcast_in_dim3A_427 = vector.broadcast %broadcast_in_dim3A : i32 to vector<16xi32>
      %gather3A = tpu.vector_load_idx %arg5[%broadcast_in_dim3A_427, %get3A_426] : memref<4x8192xf32, #tpu.memory_space<vmem>>[vector<16xi32>, vector<16xi32>], vector<16xf32>,
      %mul3A_428 = arith.constant 1.200000e+01 : f32
      %mul3A_429 = vector.broadcast %mul3A_428 : f32 to vector<16xf32>
      %mul3A_430 = arith.mulf %gather3A, %mul3A_429 : vector<16xf32>
      %sub3A = arith.constant 6.000000e+00 : f32
      %sub3A_431 = vector.broadcast %sub3A : f32 to vector<16xf32>
      %sub3A_432 = arith.subf %mul3A_430, %sub3A_431 : vector<16xf32>
      %swap3A = arith.constant 0 : i32
      %swap3A_433 = arith.index_cast %swap3A : i32 to index
      %swap3A_434 = arith.constant 0 : index
      %swap3A_435 = tpu.vector_load %arg7[%swap3A_433, %swap3A_434] {strides = array<i32>} : memref<8x364xf32, #tpu.memory_space<vmem>>, vector<16xf32>,
      tpu.vector_store %arg7[%swap3A_433, %swap3A_434], %sub3A_432 {strides = array<i32>} : memref<8x364xf32, #tpu.memory_space<vmem>>, vector<16xf32>,
      %broadcast_in_dim3A_436 = arith.constant 1 : i32
      %broadcast_in_dim3A_437 = vector.broadcast %broadcast_in_dim3A_436 : i32 to vector<16xi32>
      %gather3A_438 = tpu.vector_load_idx %arg5[%broadcast_in_dim3A_437, %get3A_426] : memref<4x8192xf32, #tpu.memory_space<vmem>>[vector<16xi32>, vector<16xi32>], vector<16xf32>,
      %mul3A_439 = arith.constant 1.200000e+01 : f32
      %mul3A_440 = vector.broadcast %mul3A_439 : f32 to vector<16xf32>
      %mul3A_441 = arith.mulf %gather3A_438, %mul3A_440 : vector<16xf32>
      %sub3A_442 = arith.constant 6.000000e+00 : f32
      %sub3A_443 = vector.broadcast %sub3A_442 : f32 to vector<16xf32>
      %sub3A_444 = arith.subf %mul3A_441, %sub3A_443 : vector<16xf32>
      %swap3A_445 = arith.constant 1 : i32
      %swap3A_446 = arith.index_cast %swap3A_445 : i32 to index
      %swap3A_447 = arith.constant 0 : index
      %swap3A_448 = tpu.vector_load %arg7[%swap3A_446, %swap3A_447] {strides = array<i32>} : memref<8x364xf32, #tpu.memory_space<vmem>>, vector<16xf32>,
      tpu.vector_store %arg7[%swap3A_446, %swap3A_447], %sub3A_444 {strides = array<i32>} : memref<8x364xf32, #tpu.memory_space<vmem>>, vector<16xf32>,
      %broadcast_in_dim3A_449 = arith.constant 2 : i32
      %broadcast_in_dim3A_450 = vector.broadcast %broadcast_in_dim3A_449 : i32 to vector<16xi32>
      %gather3A_451 = tpu.vector_load_idx %arg5[%broadcast_in_dim3A_450, %get3A_426] : memref<4x8192xf32, #tpu.memory_space<vmem>>[vector<16xi32>, vector<16xi32>], vector<16xf32>,
      %mul3A_452 = arith.constant 1.200000e+01 : f32
      %mul3A_453 = vector.broadcast %mul3A_452 : f32 to vector<16xf32>
      %mul3A_454 = arith.mulf %gather3A_451, %mul3A_453 : vector<16xf32>
      %sub3A_455 = arith.constant 6.000000e+00 : f32
      %sub3A_456 = vector.broadcast %sub3A_455 : f32 to vector<16xf32>
      %sub3A_457 = arith.subf %mul3A_454, %sub3A_456 : vector<16xf32>
      %swap3A_458 = arith.constant 2 : i32
      %swap3A_459 = arith.index_cast %swap3A_458 : i32 to index
      %swap3A_460 = arith.constant 0 : index
      %swap3A_461 = tpu.vector_load %arg7[%swap3A_459, %swap3A_460] {strides = array<i32>} : memref<8x364xf32, #tpu.memory_space<vmem>>, vector<16xf32>,
      tpu.vector_store %arg7[%swap3A_459, %swap3A_460], %sub3A_457 {strides = array<i32>} : memref<8x364xf32, #tpu.memory_space<vmem>>, vector<16xf32>,
      %broadcast_in_dim3A_462 = arith.constant 3 : i32
      %broadcast_in_dim3A_463 = vector.broadcast %broadcast_in_dim3A_462 : i32 to vector<16xi32>
      %gather3A_464 = tpu.vector_load_idx %arg5[%broadcast_in_dim3A_463, %get3A_426] : memref<4x8192xf32, #tpu.memory_space<vmem>>[vector<16xi32>, vector<16xi32>], vector<16xf32>,
      %mul3A_465 = arith.constant 1.200000e+01 : f32
      %mul3A_466 = vector.broadcast %mul3A_465 : f32 to vector<16xf32>
      %mul3A_467 = arith.mulf %gather3A_464, %mul3A_466 : vector<16xf32>
      %sub3A_468 = arith.constant 6.000000e+00 : f32
      %sub3A_469 = vector.broadcast %sub3A_468 : f32 to vector<16xf32>
      %sub3A_470 = arith.subf %mul3A_467, %sub3A_469 : vector<16xf32>
      %swap3A_471 = arith.constant 3 : i32
      %swap3A_472 = arith.index_cast %swap3A_471 : i32 to index
      %swap3A_473 = arith.constant 0 : index
      %swap3A_474 = tpu.vector_load %arg7[%swap3A_472, %swap3A_473] {strides = array<i32>} : memref<8x364xf32, #tpu.memory_space<vmem>>, vector<16xf32>,
      tpu.vector_store %arg7[%swap3A_472, %swap3A_473], %sub3A_470 {strides = array<i32>} : memref<8x364xf32, #tpu.memory_space<vmem>>, vector<16xf32>,
      %get3A_475 = arith.constant 16 : index
      %get3A_476 = tpu.vector_load %arg8[%get3A_475] {strides = array<i32>} : memref<368xi32, #tpu.memory_space<vmem>>, vector<16xi32>,
      %broadcast_in_dim3A_477 = arith.constant 0 : i32
      %broadcast_in_dim3A_478 = vector.broadcast %broadcast_in_dim3A_477 : i32 to vector<16xi32>
      %gather3A_479 = tpu.vector_load_idx %arg5[%broadcast_in_dim3A_478, %get3A_476] : memref<4x8192xf32, #tpu.memory_space<vmem>>[vector<16xi32>, vector<16xi32>], vector<16xf32>,
      %mul3A_480 = arith.constant 1.200000e+01 : f32
      %mul3A_481 = vector.broadcast %mul3A_480 : f32 to vector<16xf32>
      %mul3A_482 = arith.mulf %gather3A_479, %mul3A_481 : vector<16xf32>
      %sub3A_483 = arith.constant 6.000000e+00 : f32
      %sub3A_484 = vector.broadcast %sub3A_483 : f32 to vector<16xf32>
      %sub3A_485 = arith.subf %mul3A_482, %sub3A_484 : vector<16xf32>
      %swap3A_486 = arith.constant 0 : i32
      %swap3A_487 = arith.index_cast %swap3A_486 : i32 to index
      %swap3A_488 = arith.constant 16 : index
      %swap3A_489 = tpu.vector_load %arg7[%swap3A_487, %swap3A_488] {strides = array<i32>} : memref<8x364xf32, #tpu.memory_space<vmem>>, vector<16xf32>,
      tpu.vector_store %arg7[%swap3A_487, %swap3A_488], %sub3A_485 {strides = array<i32>} : memref<8x364xf32, #tpu.memory_space<vmem>>, vector<16xf32>,
      %broadcast_in_dim3A_490 = arith.constant 1 : i32
      %broadcast_in_dim3A_491 = vector.broadcast %broadcast_in_dim3A_490 : i32 to vector<16xi32>
      %gather3A_492 = tpu.vector_load_idx %arg5[%broadcast_in_dim3A_491, %get3A_476] : memref<4x8192xf32, #tpu.memory_space<vmem>>[vector<16xi32>, vector<16xi32>], vector<16xf32>,
      %mul3A_493 = arith.constant 1.200000e+01 : f32
      %mul3A_494 = vector.broadcast %mul3A_493 : f32 to vector<16xf32>
      %mul3A_495 = arith.mulf %gather3A_492, %mul3A_494 : vector<16xf32>
      %sub3A_496 = arith.constant 6.000000e+00 : f32
      %sub3A_497 = vector.broadcast %sub3A_496 : f32 to vector<16xf32>
      %sub3A_498 = arith.subf %mul3A_495, %sub3A_497 : vector<16xf32>
      %swap3A_499 = arith.constant 1 : i32
      %swap3A_500 = arith.index_cast %swap3A_499 : i32 to index
      %swap3A_501 = arith.constant 16 : index
      %swap3A_502 = tpu.vector_load %arg7[%swap3A_500, %swap3A_501] {strides = array<i32>} : memref<8x364xf32, #tpu.memory_space<vmem>>, vector<16xf32>,
      tpu.vector_store %arg7[%swap3A_500, %swap3A_501], %sub3A_498 {strides = array<i32>} : memref<8x364xf32, #tpu.memory_space<vmem>>, vector<16xf32>,
      %broadcast_in_dim3A_503 = arith.constant 2 : i32
      %broadcast_in_dim3A_504 = vector.broadcast %broadcast_in_dim3A_503 : i32 to vector<16xi32>
      %gather3A_505 = tpu.vector_load_idx %arg5[%broadcast_in_dim3A_504, %get3A_476] : memref<4x8192xf32, #tpu.memory_space<vmem>>[vector<16xi32>, vector<16xi32>], vector<16xf32>,
      %mul3A_506 = arith.constant 1.200000e+01 : f32
      %mul3A_507 = vector.broadcast %mul3A_506 : f32 to vector<16xf32>
      %mul3A_508 = arith.mulf %gather3A_505, %mul3A_507 : vector<16xf32>
      %sub3A_509 = arith.constant 6.000000e+00 : f32
      %sub3A_510 = vector.broadcast %sub3A_509 : f32 to vector<16xf32>
      %sub3A_511 = arith.subf %mul3A_508, %sub3A_510 : vector<16xf32>
      %swap3A_512 = arith.constant 2 : i32
      %swap3A_513 = arith.index_cast %swap3A_512 : i32 to index
      %swap3A_514 = arith.constant 16 : index
      %swap3A_515 = tpu.vector_load %arg7[%swap3A_513, %swap3A_514] {strides = array<i32>} : memref<8x364xf32, #tpu.memory_space<vmem>>, vector<16xf32>,
      tpu.vector_store %arg7[%swap3A_513, %swap3A_514], %sub3A_511 {strides = array<i32>} : memref<8x364xf32, #tpu.memory_space<vmem>>, vector<16xf32>,
      %broadcast_in_dim3A_516 = arith.constant 3 : i32
      %broadcast_in_dim3A_517 = vector.broadcast %broadcast_in_dim3A_516 : i32 to vector<16xi32>
      %gather3A_518 = tpu.vector_load_idx %arg5[%broadcast_in_dim3A_517, %get3A_476] : memref<4x8192xf32, #tpu.memory_space<vmem>>[vector<16xi32>, vector<16xi32>], vector<16xf32>,
      %mul3A_519 = arith.constant 1.200000e+01 : f32
      %mul3A_520 = vector.broadcast %mul3A_519 : f32 to vector<16xf32>
      %mul3A_521 = arith.mulf %gather3A_518, %mul3A_520 : vector<16xf32>
      %sub3A_522 = arith.constant 6.000000e+00 : f32
      %sub3A_523 = vector.broadcast %sub3A_522 : f32 to vector<16xf32>
      %sub3A_524 = arith.subf %mul3A_521, %sub3A_523 : vector<16xf32>
      %swap3A_525 = arith.constant 3 : i32
      %swap3A_526 = arith.index_cast %swap3A_525 : i32 to index
      %swap3A_527 = arith.constant 16 : index
      %swap3A_528 = tpu.vector_load %arg7[%swap3A_526, %swap3A_527] {strides = array<i32>} : memref<8x364xf32, #tpu.memory_space<vmem>>, vector<16xf32>,
      tpu.vector_store %arg7[%swap3A_526, %swap3A_527], %sub3A_524 {strides = array<i32>} : memref<8x364xf32, #tpu.memory_space<vmem>>, vector<16xf32>,
      %get3A_529 = arith.constant 32 : index
      %get3A_530 = tpu.vector_load %arg8[%get3A_529] {strides = array<i32>} : memref<368xi32, #tpu.memory_space<vmem>>, vector<16xi32>,
      %broadcast_in_dim3A_531 = arith.constant 0 : i32
      %broadcast_in_dim3A_532 = vector.broadcast %broadcast_in_dim3A_531 : i32 to vector<16xi32>
      %gather3A_533 = tpu.vector_load_idx %arg5[%broadcast_in_dim3A_532, %get3A_530] : memref<4x8192xf32, #tpu.memory_space<vmem>>[vector<16xi32>, vector<16xi32>], vector<16xf32>,
      %mul3A_534 = arith.constant 1.200000e+01 : f32
      %mul3A_535 = vector.broadcast %mul3A_534 : f32 to vector<16xf32>
      %mul3A_536 = arith.mulf %gather3A_533, %mul3A_535 : vector<16xf32>
      %sub3A_537 = arith.constant 6.000000e+00 : f32
      %sub3A_538 = vector.broadcast %sub3A_537 : f32 to vector<16xf32>
      %sub3A_539 = arith.subf %mul3A_536, %sub3A_538 : vector<16xf32>
      %swap3A_540 = arith.constant 0 : i32
      %swap3A_541 = arith.index_cast %swap3A_540 : i32 to index
      %swap3A_542 = arith.constant 32 : index
      %swap3A_543 = tpu.vector_load %arg7[%swap3A_541, %swap3A_542] {strides = array<i32>} : memref<8x364xf32, #tpu.memory_space<vmem>>, vector<16xf32>,
      tpu.vector_store %arg7[%swap3A_541, %swap3A_542], %sub3A_539 {strides = array<i32>} : memref<8x364xf32, #tpu.memory_space<vmem>>, vector<16xf32>,
      %broadcast_in_dim3A_544 = arith.constant 1 : i32
      %broadcast_in_dim3A_545 = vector.broadcast %broadcast_in_dim3A_544 : i32 to vector<16xi32>
      %gather3A_546 = tpu.vector_load_idx %arg5[%broadcast_in_dim3A_545, %get3A_530] : memref<4x8192xf32, #tpu.memory_space<vmem>>[vector<16xi32>, vector<16xi32>], vector<16xf32>,
      %mul3A_547 = arith.constant 1.200000e+01 : f32
      %mul3A_548 = vector.broadcast %mul3A_547 : f32 to vector<16xf32>
      %mul3A_549 = arith.mulf %gather3A_546, %mul3A_548 : vector<16xf32>
      %sub3A_550 = arith.constant 6.000000e+00 : f32
      %sub3A_551 = vector.broadcast %sub3A_550 : f32 to vector<16xf32>
      %sub3A_552 = arith.subf %mul3A_549, %sub3A_551 : vector<16xf32>
      %swap3A_553 = arith.constant 1 : i32
      %swap3A_554 = arith.index_cast %swap3A_553 : i32 to index
      %swap3A_555 = arith.constant 32 : index
      %swap3A_556 = tpu.vector_load %arg7[%swap3A_554, %swap3A_555] {strides = array<i32>} : memref<8x364xf32, #tpu.memory_space<vmem>>, vector<16xf32>,
      tpu.vector_store %arg7[%swap3A_554, %swap3A_555], %sub3A_552 {strides = array<i32>} : memref<8x364xf32, #tpu.memory_space<vmem>>, vector<16xf32>,
      %broadcast_in_dim3A_557 = arith.constant 2 : i32
      %broadcast_in_dim3A_558 = vector.broadcast %broadcast_in_dim3A_557 : i32 to vector<16xi32>
      %gather3A_559 = tpu.vector_load_idx %arg5[%broadcast_in_dim3A_558, %get3A_530] : memref<4x8192xf32, #tpu.memory_space<vmem>>[vector<16xi32>, vector<16xi32>], vector<16xf32>,
      %mul3A_560 = arith.constant 1.200000e+01 : f32
      %mul3A_561 = vector.broadcast %mul3A_560 : f32 to vector<16xf32>
      %mul3A_562 = arith.mulf %gather3A_559, %mul3A_561 : vector<16xf32>
      %sub3A_563 = arith.constant 6.000000e+00 : f32
      %sub3A_564 = vector.broadcast %sub3A_563 : f32 to vector<16xf32>
      %sub3A_565 = arith.subf %mul3A_562, %sub3A_564 : vector<16xf32>
      %swap3A_566 = arith.constant 2 : i32
      %swap3A_567 = arith.index_cast %swap3A_566 : i32 to index
      %swap3A_568 = arith.constant 32 : index
      %swap3A_569 = tpu.vector_load %arg7[%swap3A_567, %swap3A_568] {strides = array<i32>} : memref<8x364xf32, #tpu.memory_space<vmem>>, vector<16xf32>,
      tpu.vector_store %arg7[%swap3A_567, %swap3A_568], %sub3A_565 {strides = array<i32>} : memref<8x364xf32, #tpu.memory_space<vmem>>, vector<16xf32>,
      %broadcast_in_dim3A_570 = arith.constant 3 : i32
      %broadcast_in_dim3A_571 = vector.broadcast %broadcast_in_dim3A_570 : i32 to vector<16xi32>
      %gather3A_572 = tpu.vector_load_idx %arg5[%broadcast_in_dim3A_571, %get3A_530] : memref<4x8192xf32, #tpu.memory_space<vmem>>[vector<16xi32>, vector<16xi32>], vector<16xf32>,
      %mul3A_573 = arith.constant 1.200000e+01 : f32
      %mul3A_574 = vector.broadcast %mul3A_573 : f32 to vector<16xf32>
      %mul3A_575 = arith.mulf %gather3A_572, %mul3A_574 : vector<16xf32>
      %sub3A_576 = arith.constant 6.000000e+00 : f32
      %sub3A_577 = vector.broadcast %sub3A_576 : f32 to vector<16xf32>
      %sub3A_578 = arith.subf %mul3A_575, %sub3A_577 : vector<16xf32>
      %swap3A_579 = arith.constant 3 : i32
      %swap3A_580 = arith.index_cast %swap3A_579 : i32 to index
      %swap3A_581 = arith.constant 32 : index
      %swap3A_582 = tpu.vector_load %arg7[%swap3A_580, %swap3A_581] {strides = array<i32>} : memref<8x364xf32, #tpu.memory_space<vmem>>, vector<16xf32>,
      tpu.vector_store %arg7[%swap3A_580, %swap3A_581], %sub3A_578 {strides = array<i32>} : memref<8x364xf32, #tpu.memory_space<vmem>>, vector<16xf32>,
      %get3A_583 = arith.constant 48 : index
      %get3A_584 = tpu.vector_load %arg8[%get3A_583] {strides = array<i32>} : memref<368xi32, #tpu.memory_space<vmem>>, vector<16xi32>,
      %broadcast_in_dim3A_585 = arith.constant 0 : i32
      %broadcast_in_dim3A_586 = vector.broadcast %broadcast_in_dim3A_585 : i32 to vector<16xi32>
      %gather3A_587 = tpu.vector_load_idx %arg5[%broadcast_in_dim3A_586, %get3A_584] : memref<4x8192xf32, #tpu.memory_space<vmem>>[vector<16xi32>, vector<16xi32>], vector<16xf32>,
      %mul3A_588 = arith.constant 1.200000e+01 : f32
      %mul3A_589 = vector.broadcast %mul3A_588 : f32 to vector<16xf32>
      %mul3A_590 = arith.mulf %gather3A_587, %mul3A_589 : vector<16xf32>
      %sub3A_591 = arith.constant 6.000000e+00 : f32
      %sub3A_592 = vector.broadcast %sub3A_591 : f32 to vector<16xf32>
      %sub3A_593 = arith.subf %mul3A_590, %sub3A_592 : vector<16xf32>
      %swap3A_594 = arith.constant 0 : i32
      %swap3A_595 = arith.index_cast %swap3A_594 : i32 to index
      %swap3A_596 = arith.constant 48 : index
      %swap3A_597 = tpu.vector_load %arg7[%swap3A_595, %swap3A_596] {strides = array<i32>} : memref<8x364xf32, #tpu.memory_space<vmem>>, vector<16xf32>,
      tpu.vector_store %arg7[%swap3A_595, %swap3A_596], %sub3A_593 {strides = array<i32>} : memref<8x364xf32, #tpu.memory_space<vmem>>, vector<16xf32>,
      %broadcast_in_dim3A_598 = arith.constant 1 : i32
      %broadcast_in_dim3A_599 = vector.broadcast %broadcast_in_dim3A_598 : i32 to vector<16xi32>
      %gather3A_600 = tpu.vector_load_idx %arg5[%broadcast_in_dim3A_599, %get3A_584] : memref<4x8192xf32, #tpu.memory_space<vmem>>[vector<16xi32>, vector<16xi32>], vector<16xf32>,
      %mul3A_601 = arith.constant 1.200000e+01 : f32
      %mul3A_602 = vector.broadcast %mul3A_601 : f32 to vector<16xf32>
      %mul3A_603 = arith.mulf %gather3A_600, %mul3A_602 : vector<16xf32>
      %sub3A_604 = arith.constant 6.000000e+00 : f32
      %sub3A_605 = vector.broadcast %sub3A_604 : f32 to vector<16xf32>
      %sub3A_606 = arith.subf %mul3A_603, %sub3A_605 : vector<16xf32>
      %swap3A_607 = arith.constant 1 : i32
      %swap3A_608 = arith.index_cast %swap3A_607 : i32 to index
      %swap3A_609 = arith.constant 48 : index
      %swap3A_610 = tpu.vector_load %arg7[%swap3A_608, %swap3A_609] {strides = array<i32>} : memref<8x364xf32, #tpu.memory_space<vmem>>, vector<16xf32>,
      tpu.vector_store %arg7[%swap3A_608, %swap3A_609], %sub3A_606 {strides = array<i32>} : memref<8x364xf32, #tpu.memory_space<vmem>>, vector<16xf32>,
      %broadcast_in_dim3A_611 = arith.constant 2 : i32
      %broadcast_in_dim3A_612 = vector.broadcast %broadcast_in_dim3A_611 : i32 to vector<16xi32>
      %gather3A_613 = tpu.vector_load_idx %arg5[%broadcast_in_dim3A_612, %get3A_584] : memref<4x8192xf32, #tpu.memory_space<vmem>>[vector<16xi32>, vector<16xi32>], vector<16xf32>,
      %mul3A_614 = arith.constant 1.200000e+01 : f32
      %mul3A_615 = vector.broadcast %mul3A_614 : f32 to vector<16xf32>
      %mul3A_616 = arith.mulf %gather3A_613, %mul3A_615 : vector<16xf32>
      %sub3A_617 = arith.constant 6.000000e+00 : f32
      %sub3A_618 = vector.broadcast %sub3A_617 : f32 to vector<16xf32>
      %sub3A_619 = arith.subf %mul3A_616, %sub3A_618 : vector<16xf32>
      %swap3A_620 = arith.constant 2 : i32
      %swap3A_621 = arith.index_cast %swap3A_620 : i32 to index
      %swap3A_622 = arith.constant 48 : index
      %swap3A_623 = tpu.vector_load %arg7[%swap3A_621, %swap3A_622] {strides = array<i32>} : memref<8x364xf32, #tpu.memory_space<vmem>>, vector<16xf32>,
      tpu.vector_store %arg7[%swap3A_621, %swap3A_622], %sub3A_619 {strides = array<i32>} : memref<8x364xf32, #tpu.memory_space<vmem>>, vector<16xf32>,
      %broadcast_in_dim3A_624 = arith.constant 3 : i32
      %broadcast_in_dim3A_625 = vector.broadcast %broadcast_in_dim3A_624 : i32 to vector<16xi32>
      %gather3A_626 = tpu.vector_load_idx %arg5[%broadcast_in_dim3A_625, %get3A_584] : memref<4x8192xf32, #tpu.memory_space<vmem>>[vector<16xi32>, vector<16xi32>], vector<16xf32>,
      %mul3A_627 = arith.constant 1.200000e+01 : f32
      %mul3A_628 = vector.broadcast %mul3A_627 : f32 to vector<16xf32>
      %mul3A_629 = arith.mulf %gather3A_626, %mul3A_628 : vector<16xf32>
      %sub3A_630 = arith.constant 6.000000e+00 : f32
      %sub3A_631 = vector.broadcast %sub3A_630 : f32 to vector<16xf32>
      %sub3A_632 = arith.subf %mul3A_629, %sub3A_631 : vector<16xf32>
      %swap3A_633 = arith.constant 3 : i32
      %swap3A_634 = arith.index_cast %swap3A_633 : i32 to index
      %swap3A_635 = arith.constant 48 : index
      %swap3A_636 = tpu.vector_load %arg7[%swap3A_634, %swap3A_635] {strides = array<i32>} : memref<8x364xf32, #tpu.memory_space<vmem>>, vector<16xf32>,
      tpu.vector_store %arg7[%swap3A_634, %swap3A_635], %sub3A_632 {strides = array<i32>} : memref<8x364xf32, #tpu.memory_space<vmem>>, vector<16xf32>,
      %get3A_637 = arith.constant 64 : index
      %get3A_638 = tpu.vector_load %arg8[%get3A_637] {strides = array<i32>} : memref<368xi32, #tpu.memory_space<vmem>>, vector<16xi32>,
      %broadcast_in_dim3A_639 = arith.constant 0 : i32
      %broadcast_in_dim3A_640 = vector.broadcast %broadcast_in_dim3A_639 : i32 to vector<16xi32>
      %gather3A_641 = tpu.vector_load_idx %arg5[%broadcast_in_dim3A_640, %get3A_638] : memref<4x8192xf32, #tpu.memory_space<vmem>>[vector<16xi32>, vector<16xi32>], vector<16xf32>,
      %mul3A_642 = arith.constant 1.200000e+01 : f32
      %mul3A_643 = vector.broadcast %mul3A_642 : f32 to vector<16xf32>
      %mul3A_644 = arith.mulf %gather3A_641, %mul3A_643 : vector<16xf32>
      %sub3A_645 = arith.constant 6.000000e+00 : f32
      %sub3A_646 = vector.broadcast %sub3A_645 : f32 to vector<16xf32>
      %sub3A_647 = arith.subf %mul3A_644, %sub3A_646 : vector<16xf32>
      %swap3A_648 = arith.constant 0 : i32
      %swap3A_649 = arith.index_cast %swap3A_648 : i32 to index
      %swap3A_650 = arith.constant 64 : index
      %swap3A_651 = tpu.vector_load %arg7[%swap3A_649, %swap3A_650] {strides = array<i32>} : memref<8x364xf32, #tpu.memory_space<vmem>>, vector<16xf32>,
      tpu.vector_store %arg7[%swap3A_649, %swap3A_650], %sub3A_647 {strides = array<i32>} : memref<8x364xf32, #tpu.memory_space<vmem>>, vector<16xf32>,
      %broadcast_in_dim3A_652 = arith.constant 1 : i32
      %broadcast_in_dim3A_653 = vector.broadcast %broadcast_in_dim3A_652 : i32 to vector<16xi32>
      %gather3A_654 = tpu.vector_load_idx %arg5[%broadcast_in_dim3A_653, %get3A_638] : memref<4x8192xf32, #tpu.memory_space<vmem>>[vector<16xi32>, vector<16xi32>], vector<16xf32>,
      %mul3A_655 = arith.constant 1.200000e+01 : f32
      %mul3A_656 = vector.broadcast %mul3A_655 : f32 to vector<16xf32>
      %mul3A_657 = arith.mulf %gather3A_654, %mul3A_656 : vector<16xf32>
      %sub3A_658 = arith.constant 6.000000e+00 : f32
      %sub3A_659 = vector.broadcast %sub3A_658 : f32 to vector<16xf32>
      %sub3A_660 = arith.subf %mul3A_657, %sub3A_659 : vector<16xf32>
      %swap3A_661 = arith.constant 1 : i32
      %swap3A_662 = arith.index_cast %swap3A_661 : i32 to index
      %swap3A_663 = arith.constant 64 : index
      %swap3A_664 = tpu.vector_load %arg7[%swap3A_662, %swap3A_663] {strides = array<i32>} : memref<8x364xf32, #tpu.memory_space<vmem>>, vector<16xf32>,
      tpu.vector_store %arg7[%swap3A_662, %swap3A_663], %sub3A_660 {strides = array<i32>} : memref<8x364xf32, #tpu.memory_space<vmem>>, vector<16xf32>,
      %broadcast_in_dim3A_665 = arith.constant 2 : i32
      %broadcast_in_dim3A_666 = vector.broadcast %broadcast_in_dim3A_665 : i32 to vector<16xi32>
      %gather3A_667 = tpu.vector_load_idx %arg5[%broadcast_in_dim3A_666, %get3A_638] : memref<4x8192xf32, #tpu.memory_space<vmem>>[vector<16xi32>, vector<16xi32>], vector<16xf32>,
      %mul3A_668 = arith.constant 1.200000e+01 : f32
      %mul3A_669 = vector.broadcast %mul3A_668 : f32 to vector<16xf32>
      %mul3A_670 = arith.mulf %gather3A_667, %mul3A_669 : vector<16xf32>
      %sub3A_671 = arith.constant 6.000000e+00 : f32
      %sub3A_672 = vector.broadcast %sub3A_671 : f32 to vector<16xf32>
      %sub3A_673 = arith.subf %mul3A_670, %sub3A_672 : vector<16xf32>
      %swap3A_674 = arith.constant 2 : i32
      %swap3A_675 = arith.index_cast %swap3A_674 : i32 to index
      %swap3A_676 = arith.constant 64 : index
      %swap3A_677 = tpu.vector_load %arg7[%swap3A_675, %swap3A_676] {strides = array<i32>} : memref<8x364xf32, #tpu.memory_space<vmem>>, vector<16xf32>,
      tpu.vector_store %arg7[%swap3A_675, %swap3A_676], %sub3A_673 {strides = array<i32>} : memref<8x364xf32, #tpu.memory_space<vmem>>, vector<16xf32>,
      %broadcast_in_dim3A_678 = arith.constant 3 : i32
      %broadcast_in_dim3A_679 = vector.broadcast %broadcast_in_dim3A_678 : i32 to vector<16xi32>
      %gather3A_680 = tpu.vector_load_idx %arg5[%broadcast_in_dim3A_679, %get3A_638] : memref<4x8192xf32, #tpu.memory_space<vmem>>[vector<16xi32>, vector<16xi32>], vector<16xf32>,
      %mul3A_681 = arith.constant 1.200000e+01 : f32
      %mul3A_682 = vector.broadcast %mul3A_681 : f32 to vector<16xf32>
      %mul3A_683 = arith.mulf %gather3A_680, %mul3A_682 : vector<16xf32>
      %sub3A_684 = arith.constant 6.000000e+00 : f32
      %sub3A_685 = vector.broadcast %sub3A_684 : f32 to vector<16xf32>
      %sub3A_686 = arith.subf %mul3A_683, %sub3A_685 : vector<16xf32>
      %swap3A_687 = arith.constant 3 : i32
      %swap3A_688 = arith.index_cast %swap3A_687 : i32 to index
      %swap3A_689 = arith.constant 64 : index
      %swap3A_690 = tpu.vector_load %arg7[%swap3A_688, %swap3A_689] {strides = array<i32>} : memref<8x364xf32, #tpu.memory_space<vmem>>, vector<16xf32>,
      tpu.vector_store %arg7[%swap3A_688, %swap3A_689], %sub3A_686 {strides = array<i32>} : memref<8x364xf32, #tpu.memory_space<vmem>>, vector<16xf32>,
      %get3A_691 = arith.constant 80 : index
      %get3A_692 = tpu.vector_load %arg8[%get3A_691] {strides = array<i32>} : memref<368xi32, #tpu.memory_space<vmem>>, vector<16xi32>,
      %broadcast_in_dim3A_693 = arith.constant 0 : i32
      %broadcast_in_dim3A_694 = vector.broadcast %broadcast_in_dim3A_693 : i32 to vector<16xi32>
      %gather3A_695 = tpu.vector_load_idx %arg5[%broadcast_in_dim3A_694, %get3A_692] : memref<4x8192xf32, #tpu.memory_space<vmem>>[vector<16xi32>, vector<16xi32>], vector<16xf32>,
      %mul3A_696 = arith.constant 1.200000e+01 : f32
      %mul3A_697 = vector.broadcast %mul3A_696 : f32 to vector<16xf32>
      %mul3A_698 = arith.mulf %gather3A_695, %mul3A_697 : vector<16xf32>
      %sub3A_699 = arith.constant 6.000000e+00 : f32
      %sub3A_700 = vector.broadcast %sub3A_699 : f32 to vector<16xf32>
      %sub3A_701 = arith.subf %mul3A_698, %sub3A_700 : vector<16xf32>
      %swap3A_702 = arith.constant 0 : i32
      %swap3A_703 = arith.index_cast %swap3A_702 : i32 to index
      %swap3A_704 = arith.constant 80 : index
      %swap3A_705 = tpu.vector_load %arg7[%swap3A_703, %swap3A_704] {strides = array<i32>} : memref<8x364xf32, #tpu.memory_space<vmem>>, vector<16xf32>,
      tpu.vector_store %arg7[%swap3A_703, %swap3A_704], %sub3A_701 {strides = array<i32>} : memref<8x364xf32, #tpu.memory_space<vmem>>, vector<16xf32>,
      %broadcast_in_dim3A_706 = arith.constant 1 : i32
      %broadcast_in_dim3A_707 = vector.broadcast %broadcast_in_dim3A_706 : i32 to vector<16xi32>
      %gather3A_708 = tpu.vector_load_idx %arg5[%broadcast_in_dim3A_707, %get3A_692] : memref<4x8192xf32, #tpu.memory_space<vmem>>[vector<16xi32>, vector<16xi32>], vector<16xf32>,
      %mul3A_709 = arith.constant 1.200000e+01 : f32
      %mul3A_710 = vector.broadcast %mul3A_709 : f32 to vector<16xf32>
      %mul3A_711 = arith.mulf %gather3A_708, %mul3A_710 : vector<16xf32>
      %sub3A_712 = arith.constant 6.000000e+00 : f32
      %sub3A_713 = vector.broadcast %sub3A_712 : f32 to vector<16xf32>
      %sub3A_714 = arith.subf %mul3A_711, %sub3A_713 : vector<16xf32>
      %swap3A_715 = arith.constant 1 : i32
      %swap3A_716 = arith.index_cast %swap3A_715 : i32 to index
      %swap3A_717 = arith.constant 80 : index
      %swap3A_718 = tpu.vector_load %arg7[%swap3A_716, %swap3A_717] {strides = array<i32>} : memref<8x364xf32, #tpu.memory_space<vmem>>, vector<16xf32>,
      tpu.vector_store %arg7[%swap3A_716, %swap3A_717], %sub3A_714 {strides = array<i32>} : memref<8x364xf32, #tpu.memory_space<vmem>>, vector<16xf32>,
      %broadcast_in_dim3A_719 = arith.constant 2 : i32
      %broadcast_in_dim3A_720 = vector.broadcast %broadcast_in_dim3A_719 : i32 to vector<16xi32>
      %gather3A_721 = tpu.vector_load_idx %arg5[%broadcast_in_dim3A_720, %get3A_692] : memref<4x8192xf32, #tpu.memory_space<vmem>>[vector<16xi32>, vector<16xi32>], vector<16xf32>,
      %mul3A_722 = arith.constant 1.200000e+01 : f32
      %mul3A_723 = vector.broadcast %mul3A_722 : f32 to vector<16xf32>
      %mul3A_724 = arith.mulf %gather3A_721, %mul3A_723 : vector<16xf32>
      %sub3A_725 = arith.constant 6.000000e+00 : f32
      %sub3A_726 = vector.broadcast %sub3A_725 : f32 to vector<16xf32>
      %sub3A_727 = arith.subf %mul3A_724, %sub3A_726 : vector<16xf32>
      %swap3A_728 = arith.constant 2 : i32
      %swap3A_729 = arith.index_cast %swap3A_728 : i32 to index
      %swap3A_730 = arith.constant 80 : index
      %swap3A_731 = tpu.vector_load %arg7[%swap3A_729, %swap3A_730] {strides = array<i32>} : memref<8x364xf32, #tpu.memory_space<vmem>>, vector<16xf32>,
      tpu.vector_store %arg7[%swap3A_729, %swap3A_730], %sub3A_727 {strides = array<i32>} : memref<8x364xf32, #tpu.memory_space<vmem>>, vector<16xf32>,
      %broadcast_in_dim3A_732 = arith.constant 3 : i32
      %broadcast_in_dim3A_733 = vector.broadcast %broadcast_in_dim3A_732 : i32 to vector<16xi32>
      %gather3A_734 = tpu.vector_load_idx %arg5[%broadcast_in_dim3A_733, %get3A_692] : memref<4x8192xf32, #tpu.memory_space<vmem>>[vector<16xi32>, vector<16xi32>], vector<16xf32>,
      %mul3A_735 = arith.constant 1.200000e+01 : f32
      %mul3A_736 = vector.broadcast %mul3A_735 : f32 to vector<16xf32>
      %mul3A_737 = arith.mulf %gather3A_734, %mul3A_736 : vector<16xf32>
      %sub3A_738 = arith.constant 6.000000e+00 : f32
      %sub3A_739 = vector.broadcast %sub3A_738 : f32 to vector<16xf32>
      %sub3A_740 = arith.subf %mul3A_737, %sub3A_739 : vector<16xf32>
      %swap3A_741 = arith.constant 3 : i32
      %swap3A_742 = arith.index_cast %swap3A_741 : i32 to index
      %swap3A_743 = arith.constant 80 : index
      %swap3A_744 = tpu.vector_load %arg7[%swap3A_742, %swap3A_743] {strides = array<i32>} : memref<8x364xf32, #tpu.memory_space<vmem>>, vector<16xf32>,
      tpu.vector_store %arg7[%swap3A_742, %swap3A_743], %sub3A_740 {strides = array<i32>} : memref<8x364xf32, #tpu.memory_space<vmem>>, vector<16xf32>,
      %get3A_745 = arith.constant 96 : index
      %get3A_746 = tpu.vector_load %arg8[%get3A_745] {strides = array<i32>} : memref<368xi32, #tpu.memory_space<vmem>>, vector<16xi32>,
      %broadcast_in_dim3A_747 = arith.constant 0 : i32
      %broadcast_in_dim3A_748 = vector.broadcast %broadcast_in_dim3A_747 : i32 to vector<16xi32>
      %gather3A_749 = tpu.vector_load_idx %arg5[%broadcast_in_dim3A_748, %get3A_746] : memref<4x8192xf32, #tpu.memory_space<vmem>>[vector<16xi32>, vector<16xi32>], vector<16xf32>,
      %mul3A_750 = arith.constant 1.200000e+01 : f32
      %mul3A_751 = vector.broadcast %mul3A_750 : f32 to vector<16xf32>
      %mul3A_752 = arith.mulf %gather3A_749, %mul3A_751 : vector<16xf32>
      %sub3A_753 = arith.constant 6.000000e+00 : f32
      %sub3A_754 = vector.broadcast %sub3A_753 : f32 to vector<16xf32>
      %sub3A_755 = arith.subf %mul3A_752, %sub3A_754 : vector<16xf32>
      %swap3A_756 = arith.constant 0 : i32
      %swap3A_757 = arith.index_cast %swap3A_756 : i32 to index
      %swap3A_758 = arith.constant 96 : index
      %swap3A_759 = tpu.vector_load %arg7[%swap3A_757, %swap3A_758] {strides = array<i32>} : memref<8x364xf32, #tpu.memory_space<vmem>>, vector<16xf32>,
      tpu.vector_store %arg7[%swap3A_757, %swap3A_758], %sub3A_755 {strides = array<i32>} : memref<8x364xf32, #tpu.memory_space<vmem>>, vector<16xf32>,
      %broadcast_in_dim3A_760 = arith.constant 1 : i32
      %broadcast_in_dim3A_761 = vector.broadcast %broadcast_in_dim3A_760 : i32 to vector<16xi32>
      %gather3A_762 = tpu.vector_load_idx %arg5[%broadcast_in_dim3A_761, %get3A_746] : memref<4x8192xf32, #tpu.memory_space<vmem>>[vector<16xi32>, vector<16xi32>], vector<16xf32>,
      %mul3A_763 = arith.constant 1.200000e+01 : f32
      %mul3A_764 = vector.broadcast %mul3A_763 : f32 to vector<16xf32>
      %mul3A_765 = arith.mulf %gather3A_762, %mul3A_764 : vector<16xf32>
      %sub3A_766 = arith.constant 6.000000e+00 : f32
      %sub3A_767 = vector.broadcast %sub3A_766 : f32 to vector<16xf32>
      %sub3A_768 = arith.subf %mul3A_765, %sub3A_767 : vector<16xf32>
      %swap3A_769 = arith.constant 1 : i32
      %swap3A_770 = arith.index_cast %swap3A_769 : i32 to index
      %swap3A_771 = arith.constant 96 : index
      %swap3A_772 = tpu.vector_load %arg7[%swap3A_770, %swap3A_771] {strides = array<i32>} : memref<8x364xf32, #tpu.memory_space<vmem>>, vector<16xf32>,
      tpu.vector_store %arg7[%swap3A_770, %swap3A_771], %sub3A_768 {strides = array<i32>} : memref<8x364xf32, #tpu.memory_space<vmem>>, vector<16xf32>,
      %broadcast_in_dim3A_773 = arith.constant 2 : i32
      %broadcast_in_dim3A_774 = vector.broadcast %broadcast_in_dim3A_773 : i32 to vector<16xi32>
      %gather3A_775 = tpu.vector_load_idx %arg5[%broadcast_in_dim3A_774, %get3A_746] : memref<4x8192xf32, #tpu.memory_space<vmem>>[vector<16xi32>, vector<16xi32>], vector<16xf32>,
      %mul3A_776 = arith.constant 1.200000e+01 : f32
      %mul3A_777 = vector.broadcast %mul3A_776 : f32 to vector<16xf32>
      %mul3A_778 = arith.mulf %gather3A_775, %mul3A_777 : vector<16xf32>
      %sub3A_779 = arith.constant 6.000000e+00 : f32
      %sub3A_780 = vector.broadcast %sub3A_779 : f32 to vector<16xf32>
      %sub3A_781 = arith.subf %mul3A_778, %sub3A_780 : vector<16xf32>
      %swap3A_782 = arith.constant 2 : i32
      %swap3A_783 = arith.index_cast %swap3A_782 : i32 to index
      %swap3A_784 = arith.constant 96 : index
      %swap3A_785 = tpu.vector_load %arg7[%swap3A_783, %swap3A_784] {strides = array<i32>} : memref<8x364xf32, #tpu.memory_space<vmem>>, vector<16xf32>,
      tpu.vector_store %arg7[%swap3A_783, %swap3A_784], %sub3A_781 {strides = array<i32>} : memref<8x364xf32, #tpu.memory_space<vmem>>, vector<16xf32>,
      %broadcast_in_dim3A_786 = arith.constant 3 : i32
      %broadcast_in_dim3A_787 = vector.broadcast %broadcast_in_dim3A_786 : i32 to vector<16xi32>
      %gather3A_788 = tpu.vector_load_idx %arg5[%broadcast_in_dim3A_787, %get3A_746] : memref<4x8192xf32, #tpu.memory_space<vmem>>[vector<16xi32>, vector<16xi32>], vector<16xf32>,
      %mul3A_789 = arith.constant 1.200000e+01 : f32
      %mul3A_790 = vector.broadcast %mul3A_789 : f32 to vector<16xf32>
      %mul3A_791 = arith.mulf %gather3A_788, %mul3A_790 : vector<16xf32>
      %sub3A_792 = arith.constant 6.000000e+00 : f32
      %sub3A_793 = vector.broadcast %sub3A_792 : f32 to vector<16xf32>
      %sub3A_794 = arith.subf %mul3A_791, %sub3A_793 : vector<16xf32>
      %swap3A_795 = arith.constant 3 : i32
      %swap3A_796 = arith.index_cast %swap3A_795 : i32 to index
      %swap3A_797 = arith.constant 96 : index
      %swap3A_798 = tpu.vector_load %arg7[%swap3A_796, %swap3A_797] {strides = array<i32>} : memref<8x364xf32, #tpu.memory_space<vmem>>, vector<16xf32>,
      tpu.vector_store %arg7[%swap3A_796, %swap3A_797], %sub3A_794 {strides = array<i32>} : memref<8x364xf32, #tpu.memory_space<vmem>>, vector<16xf32>,
      %get3A_799 = arith.constant 112 : index
      %get3A_800 = tpu.vector_load %arg8[%get3A_799] {strides = array<i32>} : memref<368xi32, #tpu.memory_space<vmem>>, vector<16xi32>,
      %broadcast_in_dim3A_801 = arith.constant 0 : i32
      %broadcast_in_dim3A_802 = vector.broadcast %broadcast_in_dim3A_801 : i32 to vector<16xi32>
      %gather3A_803 = tpu.vector_load_idx %arg5[%broadcast_in_dim3A_802, %get3A_800] : memref<4x8192xf32, #tpu.memory_space<vmem>>[vector<16xi32>, vector<16xi32>], vector<16xf32>,
      %mul3A_804 = arith.constant 1.200000e+01 : f32
      %mul3A_805 = vector.broadcast %mul3A_804 : f32 to vector<16xf32>
      %mul3A_806 = arith.mulf %gather3A_803, %mul3A_805 : vector<16xf32>
      %sub3A_807 = arith.constant 6.000000e+00 : f32
      %sub3A_808 = vector.broadcast %sub3A_807 : f32 to vector<16xf32>
      %sub3A_809 = arith.subf %mul3A_806, %sub3A_808 : vector<16xf32>
      %swap3A_810 = arith.constant 0 : i32
      %swap3A_811 = arith.index_cast %swap3A_810 : i32 to index
      %swap3A_812 = arith.constant 112 : index
      %swap3A_813 = tpu.vector_load %arg7[%swap3A_811, %swap3A_812] {strides = array<i32>} : memref<8x364xf32, #tpu.memory_space<vmem>>, vector<16xf32>,
      tpu.vector_store %arg7[%swap3A_811, %swap3A_812], %sub3A_809 {strides = array<i32>} : memref<8x364xf32, #tpu.memory_space<vmem>>, vector<16xf32>,
      %broadcast_in_dim3A_814 = arith.constant 1 : i32
      %broadcast_in_dim3A_815 = vector.broadcast %broadcast_in_dim3A_814 : i32 to vector<16xi32>
      %gather3A_816 = tpu.vector_load_idx %arg5[%broadcast_in_dim3A_815, %get3A_800] : memref<4x8192xf32, #tpu.memory_space<vmem>>[vector<16xi32>, vector<16xi32>], vector<16xf32>,
      %mul3A_817 = arith.constant 1.200000e+01 : f32
      %mul3A_818 = vector.broadcast %mul3A_817 : f32 to vector<16xf32>
      %mul3A_819 = arith.mulf %gather3A_816, %mul3A_818 : vector<16xf32>
      %sub3A_820 = arith.constant 6.000000e+00 : f32
      %sub3A_821 = vector.broadcast %sub3A_820 : f32 to vector<16xf32>
      %sub3A_822 = arith.subf %mul3A_819, %sub3A_821 : vector<16xf32>
      %swap3A_823 = arith.constant 1 : i32
      %swap3A_824 = arith.index_cast %swap3A_823 : i32 to index
      %swap3A_825 = arith.constant 112 : index
      %swap3A_826 = tpu.vector_load %arg7[%swap3A_824, %swap3A_825] {strides = array<i32>} : memref<8x364xf32, #tpu.memory_space<vmem>>, vector<16xf32>,
      tpu.vector_store %arg7[%swap3A_824, %swap3A_825], %sub3A_822 {strides = array<i32>} : memref<8x364xf32, #tpu.memory_space<vmem>>, vector<16xf32>,
      %broadcast_in_dim3A_827 = arith.constant 2 : i32
      %broadcast_in_dim3A_828 = vector.broadcast %broadcast_in_dim3A_827 : i32 to vector<16xi32>
      %gather3A_829 = tpu.vector_load_idx %arg5[%broadcast_in_dim3A_828, %get3A_800] : memref<4x8192xf32, #tpu.memory_space<vmem>>[vector<16xi32>, vector<16xi32>], vector<16xf32>,
      %mul3A_830 = arith.constant 1.200000e+01 : f32
      %mul3A_831 = vector.broadcast %mul3A_830 : f32 to vector<16xf32>
      %mul3A_832 = arith.mulf %gather3A_829, %mul3A_831 : vector<16xf32>
      %sub3A_833 = arith.constant 6.000000e+00 : f32
      %sub3A_834 = vector.broadcast %sub3A_833 : f32 to vector<16xf32>
      %sub3A_835 = arith.subf %mul3A_832, %sub3A_834 : vector<16xf32>
      %swap3A_836 = arith.constant 2 : i32
      %swap3A_837 = arith.index_cast %swap3A_836 : i32 to index
      %swap3A_838 = arith.constant 112 : index
      %swap3A_839 = tpu.vector_load %arg7[%swap3A_837, %swap3A_838] {strides = array<i32>} : memref<8x364xf32, #tpu.memory_space<vmem>>, vector<16xf32>,
      tpu.vector_store %arg7[%swap3A_837, %swap3A_838], %sub3A_835 {strides = array<i32>} : memref<8x364xf32, #tpu.memory_space<vmem>>, vector<16xf32>,
      %broadcast_in_dim3A_840 = arith.constant 3 : i32
      %broadcast_in_dim3A_841 = vector.broadcast %broadcast_in_dim3A_840 : i32 to vector<16xi32>
      %gather3A_842 = tpu.vector_load_idx %arg5[%broadcast_in_dim3A_841, %get3A_800] : memref<4x8192xf32, #tpu.memory_space<vmem>>[vector<16xi32>, vector<16xi32>], vector<16xf32>,
      %mul3A_843 = arith.constant 1.200000e+01 : f32
      %mul3A_844 = vector.broadcast %mul3A_843 : f32 to vector<16xf32>
      %mul3A_845 = arith.mulf %gather3A_842, %mul3A_844 : vector<16xf32>
      %sub3A_846 = arith.constant 6.000000e+00 : f32
      %sub3A_847 = vector.broadcast %sub3A_846 : f32 to vector<16xf32>
      %sub3A_848 = arith.subf %mul3A_845, %sub3A_847 : vector<16xf32>
      %swap3A_849 = arith.constant 3 : i32
      %swap3A_850 = arith.index_cast %swap3A_849 : i32 to index
      %swap3A_851 = arith.constant 112 : index
      %swap3A_852 = tpu.vector_load %arg7[%swap3A_850, %swap3A_851] {strides = array<i32>} : memref<8x364xf32, #tpu.memory_space<vmem>>, vector<16xf32>,
      tpu.vector_store %arg7[%swap3A_850, %swap3A_851], %sub3A_848 {strides = array<i32>} : memref<8x364xf32, #tpu.memory_space<vmem>>, vector<16xf32>,
      %get3A_853 = arith.constant 128 : index
      %get3A_854 = tpu.vector_load %arg8[%get3A_853] {strides = array<i32>} : memref<368xi32, #tpu.memory_space<vmem>>, vector<16xi32>,
      %broadcast_in_dim3A_855 = arith.constant 0 : i32
      %broadcast_in_dim3A_856 = vector.broadcast %broadcast_in_dim3A_855 : i32 to vector<16xi32>
      %gather3A_857 = tpu.vector_load_idx %arg5[%broadcast_in_dim3A_856, %get3A_854] : memref<4x8192xf32, #tpu.memory_space<vmem>>[vector<16xi32>, vector<16xi32>], vector<16xf32>,
      %mul3A_858 = arith.constant 1.200000e+01 : f32
      %mul3A_859 = vector.broadcast %mul3A_858 : f32 to vector<16xf32>
      %mul3A_860 = arith.mulf %gather3A_857, %mul3A_859 : vector<16xf32>
      %sub3A_861 = arith.constant 6.000000e+00 : f32
      %sub3A_862 = vector.broadcast %sub3A_861 : f32 to vector<16xf32>
      %sub3A_863 = arith.subf %mul3A_860, %sub3A_862 : vector<16xf32>
      %swap3A_864 = arith.constant 0 : i32
      %swap3A_865 = arith.index_cast %swap3A_864 : i32 to index
      %swap3A_866 = arith.constant 128 : index
      %swap3A_867 = tpu.vector_load %arg7[%swap3A_865, %swap3A_866] {strides = array<i32>} : memref<8x364xf32, #tpu.memory_space<vmem>>, vector<16xf32>,
      tpu.vector_store %arg7[%swap3A_865, %swap3A_866], %sub3A_863 {strides = array<i32>} : memref<8x364xf32, #tpu.memory_space<vmem>>, vector<16xf32>,
      %broadcast_in_dim3A_868 = arith.constant 1 : i32
      %broadcast_in_dim3A_869 = vector.broadcast %broadcast_in_dim3A_868 : i32 to vector<16xi32>
      %gather3A_870 = tpu.vector_load_idx %arg5[%broadcast_in_dim3A_869, %get3A_854] : memref<4x8192xf32, #tpu.memory_space<vmem>>[vector<16xi32>, vector<16xi32>], vector<16xf32>,
      %mul3A_871 = arith.constant 1.200000e+01 : f32
      %mul3A_872 = vector.broadcast %mul3A_871 : f32 to vector<16xf32>
      %mul3A_873 = arith.mulf %gather3A_870, %mul3A_872 : vector<16xf32>
      %sub3A_874 = arith.constant 6.000000e+00 : f32
      %sub3A_875 = vector.broadcast %sub3A_874 : f32 to vector<16xf32>
      %sub3A_876 = arith.subf %mul3A_873, %sub3A_875 : vector<16xf32>
      %swap3A_877 = arith.constant 1 : i32
      %swap3A_878 = arith.index_cast %swap3A_877 : i32 to index
      %swap3A_879 = arith.constant 128 : index
      %swap3A_880 = tpu.vector_load %arg7[%swap3A_878, %swap3A_879] {strides = array<i32>} : memref<8x364xf32, #tpu.memory_space<vmem>>, vector<16xf32>,
      tpu.vector_store %arg7[%swap3A_878, %swap3A_879], %sub3A_876 {strides = array<i32>} : memref<8x364xf32, #tpu.memory_space<vmem>>, vector<16xf32>,
      %broadcast_in_dim3A_881 = arith.constant 2 : i32
      %broadcast_in_dim3A_882 = vector.broadcast %broadcast_in_dim3A_881 : i32 to vector<16xi32>
      %gather3A_883 = tpu.vector_load_idx %arg5[%broadcast_in_dim3A_882, %get3A_854] : memref<4x8192xf32, #tpu.memory_space<vmem>>[vector<16xi32>, vector<16xi32>], vector<16xf32>,
      %mul3A_884 = arith.constant 1.200000e+01 : f32
      %mul3A_885 = vector.broadcast %mul3A_884 : f32 to vector<16xf32>
      %mul3A_886 = arith.mulf %gather3A_883, %mul3A_885 : vector<16xf32>
      %sub3A_887 = arith.constant 6.000000e+00 : f32
      %sub3A_888 = vector.broadcast %sub3A_887 : f32 to vector<16xf32>
      %sub3A_889 = arith.subf %mul3A_886, %sub3A_888 : vector<16xf32>
      %swap3A_890 = arith.constant 2 : i32
      %swap3A_891 = arith.index_cast %swap3A_890 : i32 to index
      %swap3A_892 = arith.constant 128 : index
      %swap3A_893 = tpu.vector_load %arg7[%swap3A_891, %swap3A_892] {strides = array<i32>} : memref<8x364xf32, #tpu.memory_space<vmem>>, vector<16xf32>,
      tpu.vector_store %arg7[%swap3A_891, %swap3A_892], %sub3A_889 {strides = array<i32>} : memref<8x364xf32, #tpu.memory_space<vmem>>, vector<16xf32>,
      %broadcast_in_dim3A_894 = arith.constant 3 : i32
      %broadcast_in_dim3A_895 = vector.broadcast %broadcast_in_dim3A_894 : i32 to vector<16xi32>
      %gather3A_896 = tpu.vector_load_idx %arg5[%broadcast_in_dim3A_895, %get3A_854] : memref<4x8192xf32, #tpu.memory_space<vmem>>[vector<16xi32>, vector<16xi32>], vector<16xf32>,
      %mul3A_897 = arith.constant 1.200000e+01 : f32
      %mul3A_898 = vector.broadcast %mul3A_897 : f32 to vector<16xf32>
      %mul3A_899 = arith.mulf %gather3A_896, %mul3A_898 : vector<16xf32>
      %sub3A_900 = arith.constant 6.000000e+00 : f32
      %sub3A_901 = vector.broadcast %sub3A_900 : f32 to vector<16xf32>
      %sub3A_902 = arith.subf %mul3A_899, %sub3A_901 : vector<16xf32>
      %swap3A_903 = arith.constant 3 : i32
      %swap3A_904 = arith.index_cast %swap3A_903 : i32 to index
      %swap3A_905 = arith.constant 128 : index
      %swap3A_906 = tpu.vector_load %arg7[%swap3A_904, %swap3A_905] {strides = array<i32>} : memref<8x364xf32, #tpu.memory_space<vmem>>, vector<16xf32>,
      tpu.vector_store %arg7[%swap3A_904, %swap3A_905], %sub3A_902 {strides = array<i32>} : memref<8x364xf32, #tpu.memory_space<vmem>>, vector<16xf32>,
      %get3A_907 = arith.constant 144 : index
      %get3A_908 = tpu.vector_load %arg8[%get3A_907] {strides = array<i32>} : memref<368xi32, #tpu.memory_space<vmem>>, vector<16xi32>,
      %broadcast_in_dim3A_909 = arith.constant 0 : i32
      %broadcast_in_dim3A_910 = vector.broadcast %broadcast_in_dim3A_909 : i32 to vector<16xi32>
      %gather3A_911 = tpu.vector_load_idx %arg5[%broadcast_in_dim3A_910, %get3A_908] : memref<4x8192xf32, #tpu.memory_space<vmem>>[vector<16xi32>, vector<16xi32>], vector<16xf32>,
      %mul3A_912 = arith.constant 1.200000e+01 : f32
      %mul3A_913 = vector.broadcast %mul3A_912 : f32 to vector<16xf32>
      %mul3A_914 = arith.mulf %gather3A_911, %mul3A_913 : vector<16xf32>
      %sub3A_915 = arith.constant 6.000000e+00 : f32
      %sub3A_916 = vector.broadcast %sub3A_915 : f32 to vector<16xf32>
      %sub3A_917 = arith.subf %mul3A_914, %sub3A_916 : vector<16xf32>
      %swap3A_918 = arith.constant 0 : i32
      %swap3A_919 = arith.index_cast %swap3A_918 : i32 to index
      %swap3A_920 = arith.constant 144 : index
      %swap3A_921 = tpu.vector_load %arg7[%swap3A_919, %swap3A_920] {strides = array<i32>} : memref<8x364xf32, #tpu.memory_space<vmem>>, vector<16xf32>,
      tpu.vector_store %arg7[%swap3A_919, %swap3A_920], %sub3A_917 {strides = array<i32>} : memref<8x364xf32, #tpu.memory_space<vmem>>, vector<16xf32>,
      %broadcast_in_dim3A_922 = arith.constant 1 : i32
      %broadcast_in_dim3A_923 = vector.broadcast %broadcast_in_dim3A_922 : i32 to vector<16xi32>
      %gather3A_924 = tpu.vector_load_idx %arg5[%broadcast_in_dim3A_923, %get3A_908] : memref<4x8192xf32, #tpu.memory_space<vmem>>[vector<16xi32>, vector<16xi32>], vector<16xf32>,
      %mul3A_925 = arith.constant 1.200000e+01 : f32
      %mul3A_926 = vector.broadcast %mul3A_925 : f32 to vector<16xf32>
      %mul3A_927 = arith.mulf %gather3A_924, %mul3A_926 : vector<16xf32>
      %sub3A_928 = arith.constant 6.000000e+00 : f32
      %sub3A_929 = vector.broadcast %sub3A_928 : f32 to vector<16xf32>
      %sub3A_930 = arith.subf %mul3A_927, %sub3A_929 : vector<16xf32>
      %swap3A_931 = arith.constant 1 : i32
      %swap3A_932 = arith.index_cast %swap3A_931 : i32 to index
      %swap3A_933 = arith.constant 144 : index
      %swap3A_934 = tpu.vector_load %arg7[%swap3A_932, %swap3A_933] {strides = array<i32>} : memref<8x364xf32, #tpu.memory_space<vmem>>, vector<16xf32>,
      tpu.vector_store %arg7[%swap3A_932, %swap3A_933], %sub3A_930 {strides = array<i32>} : memref<8x364xf32, #tpu.memory_space<vmem>>, vector<16xf32>,
      %broadcast_in_dim3A_935 = arith.constant 2 : i32
      %broadcast_in_dim3A_936 = vector.broadcast %broadcast_in_dim3A_935 : i32 to vector<16xi32>
      %gather3A_937 = tpu.vector_load_idx %arg5[%broadcast_in_dim3A_936, %get3A_908] : memref<4x8192xf32, #tpu.memory_space<vmem>>[vector<16xi32>, vector<16xi32>], vector<16xf32>,
      %mul3A_938 = arith.constant 1.200000e+01 : f32
      %mul3A_939 = vector.broadcast %mul3A_938 : f32 to vector<16xf32>
      %mul3A_940 = arith.mulf %gather3A_937, %mul3A_939 : vector<16xf32>
      %sub3A_941 = arith.constant 6.000000e+00 : f32
      %sub3A_942 = vector.broadcast %sub3A_941 : f32 to vector<16xf32>
      %sub3A_943 = arith.subf %mul3A_940, %sub3A_942 : vector<16xf32>
      %swap3A_944 = arith.constant 2 : i32
      %swap3A_945 = arith.index_cast %swap3A_944 : i32 to index
      %swap3A_946 = arith.constant 144 : index
      %swap3A_947 = tpu.vector_load %arg7[%swap3A_945, %swap3A_946] {strides = array<i32>} : memref<8x364xf32, #tpu.memory_space<vmem>>, vector<16xf32>,
      tpu.vector_store %arg7[%swap3A_945, %swap3A_946], %sub3A_943 {strides = array<i32>} : memref<8x364xf32, #tpu.memory_space<vmem>>, vector<16xf32>,
      %broadcast_in_dim3A_948 = arith.constant 3 : i32
      %broadcast_in_dim3A_949 = vector.broadcast %broadcast_in_dim3A_948 : i32 to vector<16xi32>
      %gather3A_950 = tpu.vector_load_idx %arg5[%broadcast_in_dim3A_949, %get3A_908] : memref<4x8192xf32, #tpu.memory_space<vmem>>[vector<16xi32>, vector<16xi32>], vector<16xf32>,
      %mul3A_951 = arith.constant 1.200000e+01 : f32
      %mul3A_952 = vector.broadcast %mul3A_951 : f32 to vector<16xf32>
      %mul3A_953 = arith.mulf %gather3A_950, %mul3A_952 : vector<16xf32>
      %sub3A_954 = arith.constant 6.000000e+00 : f32
      %sub3A_955 = vector.broadcast %sub3A_954 : f32 to vector<16xf32>
      %sub3A_956 = arith.subf %mul3A_953, %sub3A_955 : vector<16xf32>
      %swap3A_957 = arith.constant 3 : i32
      %swap3A_958 = arith.index_cast %swap3A_957 : i32 to index
      %swap3A_959 = arith.constant 144 : index
      %swap3A_960 = tpu.vector_load %arg7[%swap3A_958, %swap3A_959] {strides = array<i32>} : memref<8x364xf32, #tpu.memory_space<vmem>>, vector<16xf32>,
      tpu.vector_store %arg7[%swap3A_958, %swap3A_959], %sub3A_956 {strides = array<i32>} : memref<8x364xf32, #tpu.memory_space<vmem>>, vector<16xf32>,
      %get3A_961 = arith.constant 160 : index
      %get3A_962 = tpu.vector_load %arg8[%get3A_961] {strides = array<i32>} : memref<368xi32, #tpu.memory_space<vmem>>, vector<16xi32>,
      %broadcast_in_dim3A_963 = arith.constant 0 : i32
      %broadcast_in_dim3A_964 = vector.broadcast %broadcast_in_dim3A_963 : i32 to vector<16xi32>
      %gather3A_965 = tpu.vector_load_idx %arg5[%broadcast_in_dim3A_964, %get3A_962] : memref<4x8192xf32, #tpu.memory_space<vmem>>[vector<16xi32>, vector<16xi32>], vector<16xf32>,
      %mul3A_966 = arith.constant 1.200000e+01 : f32
      %mul3A_967 = vector.broadcast %mul3A_966 : f32 to vector<16xf32>
      %mul3A_968 = arith.mulf %gather3A_965, %mul3A_967 : vector<16xf32>
      %sub3A_969 = arith.constant 6.000000e+00 : f32
      %sub3A_970 = vector.broadcast %sub3A_969 : f32 to vector<16xf32>
      %sub3A_971 = arith.subf %mul3A_968, %sub3A_970 : vector<16xf32>
      %swap3A_972 = arith.constant 0 : i32
      %swap3A_973 = arith.index_cast %swap3A_972 : i32 to index
      %swap3A_974 = arith.constant 160 : index
      %swap3A_975 = tpu.vector_load %arg7[%swap3A_973, %swap3A_974] {strides = array<i32>} : memref<8x364xf32, #tpu.memory_space<vmem>>, vector<16xf32>,
      tpu.vector_store %arg7[%swap3A_973, %swap3A_974], %sub3A_971 {strides = array<i32>} : memref<8x364xf32, #tpu.memory_space<vmem>>, vector<16xf32>,
      %broadcast_in_dim3A_976 = arith.constant 1 : i32
      %broadcast_in_dim3A_977 = vector.broadcast %broadcast_in_dim3A_976 : i32 to vector<16xi32>
      %gather3A_978 = tpu.vector_load_idx %arg5[%broadcast_in_dim3A_977, %get3A_962] : memref<4x8192xf32, #tpu.memory_space<vmem>>[vector<16xi32>, vector<16xi32>], vector<16xf32>,
      %mul3A_979 = arith.constant 1.200000e+01 : f32
      %mul3A_980 = vector.broadcast %mul3A_979 : f32 to vector<16xf32>
      %mul3A_981 = arith.mulf %gather3A_978, %mul3A_980 : vector<16xf32>
      %sub3A_982 = arith.constant 6.000000e+00 : f32
      %sub3A_983 = vector.broadcast %sub3A_982 : f32 to vector<16xf32>
      %sub3A_984 = arith.subf %mul3A_981, %sub3A_983 : vector<16xf32>
      %swap3A_985 = arith.constant 1 : i32
      %swap3A_986 = arith.index_cast %swap3A_985 : i32 to index
      %swap3A_987 = arith.constant 160 : index
      %swap3A_988 = tpu.vector_load %arg7[%swap3A_986, %swap3A_987] {strides = array<i32>} : memref<8x364xf32, #tpu.memory_space<vmem>>, vector<16xf32>,
      tpu.vector_store %arg7[%swap3A_986, %swap3A_987], %sub3A_984 {strides = array<i32>} : memref<8x364xf32, #tpu.memory_space<vmem>>, vector<16xf32>,
      %broadcast_in_dim3A_989 = arith.constant 2 : i32
      %broadcast_in_dim3A_990 = vector.broadcast %broadcast_in_dim3A_989 : i32 to vector<16xi32>
      %gather3A_991 = tpu.vector_load_idx %arg5[%broadcast_in_dim3A_990, %get3A_962] : memref<4x8192xf32, #tpu.memory_space<vmem>>[vector<16xi32>, vector<16xi32>], vector<16xf32>,
      %mul3A_992 = arith.constant 1.200000e+01 : f32
      %mul3A_993 = vector.broadcast %mul3A_992 : f32 to vector<16xf32>
      %mul3A_994 = arith.mulf %gather3A_991, %mul3A_993 : vector<16xf32>
      %sub3A_995 = arith.constant 6.000000e+00 : f32
      %sub3A_996 = vector.broadcast %sub3A_995 : f32 to vector<16xf32>
      %sub3A_997 = arith.subf %mul3A_994, %sub3A_996 : vector<16xf32>
      %swap3A_998 = arith.constant 2 : i32
      %swap3A_999 = arith.index_cast %swap3A_998 : i32 to index
      %swap3A_1000 = arith.constant 160 : index
      %swap3A_1001 = tpu.vector_load %arg7[%swap3A_999, %swap3A_1000] {strides = array<i32>} : memref<8x364xf32, #tpu.memory_space<vmem>>, vector<16xf32>,
      tpu.vector_store %arg7[%swap3A_999, %swap3A_1000], %sub3A_997 {strides = array<i32>} : memref<8x364xf32, #tpu.memory_space<vmem>>, vector<16xf32>,
      %broadcast_in_dim3A_1002 = arith.constant 3 : i32
      %broadcast_in_dim3A_1003 = vector.broadcast %broadcast_in_dim3A_1002 : i32 to vector<16xi32>
      %gather3A_1004 = tpu.vector_load_idx %arg5[%broadcast_in_dim3A_1003, %get3A_962] : memref<4x8192xf32, #tpu.memory_space<vmem>>[vector<16xi32>, vector<16xi32>], vector<16xf32>,
      %mul3A_1005 = arith.constant 1.200000e+01 : f32
      %mul3A_1006 = vector.broadcast %mul3A_1005 : f32 to vector<16xf32>
      %mul3A_1007 = arith.mulf %gather3A_1004, %mul3A_1006 : vector<16xf32>
      %sub3A_1008 = arith.constant 6.000000e+00 : f32
      %sub3A_1009 = vector.broadcast %sub3A_1008 : f32 to vector<16xf32>
      %sub3A_1010 = arith.subf %mul3A_1007, %sub3A_1009 : vector<16xf32>
      %swap3A_1011 = arith.constant 3 : i32
      %swap3A_1012 = arith.index_cast %swap3A_1011 : i32 to index
      %swap3A_1013 = arith.constant 160 : index
      %swap3A_1014 = tpu.vector_load %arg7[%swap3A_1012, %swap3A_1013] {strides = array<i32>} : memref<8x364xf32, #tpu.memory_space<vmem>>, vector<16xf32>,
      tpu.vector_store %arg7[%swap3A_1012, %swap3A_1013], %sub3A_1010 {strides = array<i32>} : memref<8x364xf32, #tpu.memory_space<vmem>>, vector<16xf32>,
      %get3A_1015 = arith.constant 176 : index
      %get3A_1016 = tpu.vector_load %arg8[%get3A_1015] {strides = array<i32>} : memref<368xi32, #tpu.memory_space<vmem>>, vector<16xi32>,
      %broadcast_in_dim3A_1017 = arith.constant 0 : i32
      %broadcast_in_dim3A_1018 = vector.broadcast %broadcast_in_dim3A_1017 : i32 to vector<16xi32>
      %gather3A_1019 = tpu.vector_load_idx %arg5[%broadcast_in_dim3A_1018, %get3A_1016] : memref<4x8192xf32, #tpu.memory_space<vmem>>[vector<16xi32>, vector<16xi32>], vector<16xf32>,
      %mul3A_1020 = arith.constant 1.200000e+01 : f32
      %mul3A_1021 = vector.broadcast %mul3A_1020 : f32 to vector<16xf32>
      %mul3A_1022 = arith.mulf %gather3A_1019, %mul3A_1021 : vector<16xf32>
      %sub3A_1023 = arith.constant 6.000000e+00 : f32
      %sub3A_1024 = vector.broadcast %sub3A_1023 : f32 to vector<16xf32>
      %sub3A_1025 = arith.subf %mul3A_1022, %sub3A_1024 : vector<16xf32>
      %swap3A_1026 = arith.constant 0 : i32
      %swap3A_1027 = arith.index_cast %swap3A_1026 : i32 to index
      %swap3A_1028 = arith.constant 176 : index
      %swap3A_1029 = tpu.vector_load %arg7[%swap3A_1027, %swap3A_1028] {strides = array<i32>} : memref<8x364xf32, #tpu.memory_space<vmem>>, vector<16xf32>,
      tpu.vector_store %arg7[%swap3A_1027, %swap3A_1028], %sub3A_1025 {strides = array<i32>} : memref<8x364xf32, #tpu.memory_space<vmem>>, vector<16xf32>,
      %broadcast_in_dim3A_1030 = arith.constant 1 : i32
      %broadcast_in_dim3A_1031 = vector.broadcast %broadcast_in_dim3A_1030 : i32 to vector<16xi32>
      %gather3A_1032 = tpu.vector_load_idx %arg5[%broadcast_in_dim3A_1031, %get3A_1016] : memref<4x8192xf32, #tpu.memory_space<vmem>>[vector<16xi32>, vector<16xi32>], vector<16xf32>,
      %mul3A_1033 = arith.constant 1.200000e+01 : f32
      %mul3A_1034 = vector.broadcast %mul3A_1033 : f32 to vector<16xf32>
      %mul3A_1035 = arith.mulf %gather3A_1032, %mul3A_1034 : vector<16xf32>
      %sub3A_1036 = arith.constant 6.000000e+00 : f32
      %sub3A_1037 = vector.broadcast %sub3A_1036 : f32 to vector<16xf32>
      %sub3A_1038 = arith.subf %mul3A_1035, %sub3A_1037 : vector<16xf32>
      %swap3A_1039 = arith.constant 1 : i32
      %swap3A_1040 = arith.index_cast %swap3A_1039 : i32 to index
      %swap3A_1041 = arith.constant 176 : index
      %swap3A_1042 = tpu.vector_load %arg7[%swap3A_1040, %swap3A_1041] {strides = array<i32>} : memref<8x364xf32, #tpu.memory_space<vmem>>, vector<16xf32>,
      tpu.vector_store %arg7[%swap3A_1040, %swap3A_1041], %sub3A_1038 {strides = array<i32>} : memref<8x364xf32, #tpu.memory_space<vmem>>, vector<16xf32>,
      %broadcast_in_dim3A_1043 = arith.constant 2 : i32
      %broadcast_in_dim3A_1044 = vector.broadcast %broadcast_in_dim3A_1043 : i32 to vector<16xi32>
      %gather3A_1045 = tpu.vector_load_idx %arg5[%broadcast_in_dim3A_1044, %get3A_1016] : memref<4x8192xf32, #tpu.memory_space<vmem>>[vector<16xi32>, vector<16xi32>], vector<16xf32>,
      %mul3A_1046 = arith.constant 1.200000e+01 : f32
      %mul3A_1047 = vector.broadcast %mul3A_1046 : f32 to vector<16xf32>
      %mul3A_1048 = arith.mulf %gather3A_1045, %mul3A_1047 : vector<16xf32>
      %sub3A_1049 = arith.constant 6.000000e+00 : f32
      %sub3A_1050 = vector.broadcast %sub3A_1049 : f32 to vector<16xf32>
      %sub3A_1051 = arith.subf %mul3A_1048, %sub3A_1050 : vector<16xf32>
      %swap3A_1052 = arith.constant 2 : i32
      %swap3A_1053 = arith.index_cast %swap3A_1052 : i32 to index
      %swap3A_1054 = arith.constant 176 : index
      %swap3A_1055 = tpu.vector_load %arg7[%swap3A_1053, %swap3A_1054] {strides = array<i32>} : memref<8x364xf32, #tpu.memory_space<vmem>>, vector<16xf32>,
      tpu.vector_store %arg7[%swap3A_1053, %swap3A_1054], %sub3A_1051 {strides = array<i32>} : memref<8x364xf32, #tpu.memory_space<vmem>>, vector<16xf32>,
      %broadcast_in_dim3A_1056 = arith.constant 3 : i32
      %broadcast_in_dim3A_1057 = vector.broadcast %broadcast_in_dim3A_1056 : i32 to vector<16xi32>
      %gather3A_1058 = tpu.vector_load_idx %arg5[%broadcast_in_dim3A_1057, %get3A_1016] : memref<4x8192xf32, #tpu.memory_space<vmem>>[vector<16xi32>, vector<16xi32>], vector<16xf32>,
      %mul3A_1059 = arith.constant 1.200000e+01 : f32
      %mul3A_1060 = vector.broadcast %mul3A_1059 : f32 to vector<16xf32>
      %mul3A_1061 = arith.mulf %gather3A_1058, %mul3A_1060 : vector<16xf32>
      %sub3A_1062 = arith.constant 6.000000e+00 : f32
      %sub3A_1063 = vector.broadcast %sub3A_1062 : f32 to vector<16xf32>
      %sub3A_1064 = arith.subf %mul3A_1061, %sub3A_1063 : vector<16xf32>
      %swap3A_1065 = arith.constant 3 : i32
      %swap3A_1066 = arith.index_cast %swap3A_1065 : i32 to index
      %swap3A_1067 = arith.constant 176 : index
      %swap3A_1068 = tpu.vector_load %arg7[%swap3A_1066, %swap3A_1067] {strides = array<i32>} : memref<8x364xf32, #tpu.memory_space<vmem>>, vector<16xf32>,
      tpu.vector_store %arg7[%swap3A_1066, %swap3A_1067], %sub3A_1064 {strides = array<i32>} : memref<8x364xf32, #tpu.memory_space<vmem>>, vector<16xf32>,
      %get3A_1069 = arith.constant 192 : index
      %get3A_1070 = tpu.vector_load %arg8[%get3A_1069] {strides = array<i32>} : memref<368xi32, #tpu.memory_space<vmem>>, vector<16xi32>,
      %broadcast_in_dim3A_1071 = arith.constant 0 : i32
      %broadcast_in_dim3A_1072 = vector.broadcast %broadcast_in_dim3A_1071 : i32 to vector<16xi32>
      %gather3A_1073 = tpu.vector_load_idx %arg5[%broadcast_in_dim3A_1072, %get3A_1070] : memref<4x8192xf32, #tpu.memory_space<vmem>>[vector<16xi32>, vector<16xi32>], vector<16xf32>,
      %mul3A_1074 = arith.constant 1.200000e+01 : f32
      %mul3A_1075 = vector.broadcast %mul3A_1074 : f32 to vector<16xf32>
      %mul3A_1076 = arith.mulf %gather3A_1073, %mul3A_1075 : vector<16xf32>
      %sub3A_1077 = arith.constant 6.000000e+00 : f32
      %sub3A_1078 = vector.broadcast %sub3A_1077 : f32 to vector<16xf32>
      %sub3A_1079 = arith.subf %mul3A_1076, %sub3A_1078 : vector<16xf32>
      %swap3A_1080 = arith.constant 0 : i32
      %swap3A_1081 = arith.index_cast %swap3A_1080 : i32 to index
      %swap3A_1082 = arith.constant 192 : index
      %swap3A_1083 = tpu.vector_load %arg7[%swap3A_1081, %swap3A_1082] {strides = array<i32>} : memref<8x364xf32, #tpu.memory_space<vmem>>, vector<16xf32>,
      tpu.vector_store %arg7[%swap3A_1081, %swap3A_1082], %sub3A_1079 {strides = array<i32>} : memref<8x364xf32, #tpu.memory_space<vmem>>, vector<16xf32>,
      %broadcast_in_dim3A_1084 = arith.constant 1 : i32
      %broadcast_in_dim3A_1085 = vector.broadcast %broadcast_in_dim3A_1084 : i32 to vector<16xi32>
      %gather3A_1086 = tpu.vector_load_idx %arg5[%broadcast_in_dim3A_1085, %get3A_1070] : memref<4x8192xf32, #tpu.memory_space<vmem>>[vector<16xi32>, vector<16xi32>], vector<16xf32>,
      %mul3A_1087 = arith.constant 1.200000e+01 : f32
      %mul3A_1088 = vector.broadcast %mul3A_1087 : f32 to vector<16xf32>
      %mul3A_1089 = arith.mulf %gather3A_1086, %mul3A_1088 : vector<16xf32>
      %sub3A_1090 = arith.constant 6.000000e+00 : f32
      %sub3A_1091 = vector.broadcast %sub3A_1090 : f32 to vector<16xf32>
      %sub3A_1092 = arith.subf %mul3A_1089, %sub3A_1091 : vector<16xf32>
      %swap3A_1093 = arith.constant 1 : i32
      %swap3A_1094 = arith.index_cast %swap3A_1093 : i32 to index
      %swap3A_1095 = arith.constant 192 : index
      %swap3A_1096 = tpu.vector_load %arg7[%swap3A_1094, %swap3A_1095] {strides = array<i32>} : memref<8x364xf32, #tpu.memory_space<vmem>>, vector<16xf32>,
      tpu.vector_store %arg7[%swap3A_1094, %swap3A_1095], %sub3A_1092 {strides = array<i32>} : memref<8x364xf32, #tpu.memory_space<vmem>>, vector<16xf32>,
      %broadcast_in_dim3A_1097 = arith.constant 2 : i32
      %broadcast_in_dim3A_1098 = vector.broadcast %broadcast_in_dim3A_1097 : i32 to vector<16xi32>
      %gather3A_1099 = tpu.vector_load_idx %arg5[%broadcast_in_dim3A_1098, %get3A_1070] : memref<4x8192xf32, #tpu.memory_space<vmem>>[vector<16xi32>, vector<16xi32>], vector<16xf32>,
      %mul3A_1100 = arith.constant 1.200000e+01 : f32
      %mul3A_1101 = vector.broadcast %mul3A_1100 : f32 to vector<16xf32>
      %mul3A_1102 = arith.mulf %gather3A_1099, %mul3A_1101 : vector<16xf32>
      %sub3A_1103 = arith.constant 6.000000e+00 : f32
      %sub3A_1104 = vector.broadcast %sub3A_1103 : f32 to vector<16xf32>
      %sub3A_1105 = arith.subf %mul3A_1102, %sub3A_1104 : vector<16xf32>
      %swap3A_1106 = arith.constant 2 : i32
      %swap3A_1107 = arith.index_cast %swap3A_1106 : i32 to index
      %swap3A_1108 = arith.constant 192 : index
      %swap3A_1109 = tpu.vector_load %arg7[%swap3A_1107, %swap3A_1108] {strides = array<i32>} : memref<8x364xf32, #tpu.memory_space<vmem>>, vector<16xf32>,
      tpu.vector_store %arg7[%swap3A_1107, %swap3A_1108], %sub3A_1105 {strides = array<i32>} : memref<8x364xf32, #tpu.memory_space<vmem>>, vector<16xf32>,
      %broadcast_in_dim3A_1110 = arith.constant 3 : i32
      %broadcast_in_dim3A_1111 = vector.broadcast %broadcast_in_dim3A_1110 : i32 to vector<16xi32>
      %gather3A_1112 = tpu.vector_load_idx %arg5[%broadcast_in_dim3A_1111, %get3A_1070] : memref<4x8192xf32, #tpu.memory_space<vmem>>[vector<16xi32>, vector<16xi32>], vector<16xf32>,
      %mul3A_1113 = arith.constant 1.200000e+01 : f32
      %mul3A_1114 = vector.broadcast %mul3A_1113 : f32 to vector<16xf32>
      %mul3A_1115 = arith.mulf %gather3A_1112, %mul3A_1114 : vector<16xf32>
      %sub3A_1116 = arith.constant 6.000000e+00 : f32
      %sub3A_1117 = vector.broadcast %sub3A_1116 : f32 to vector<16xf32>
      %sub3A_1118 = arith.subf %mul3A_1115, %sub3A_1117 : vector<16xf32>
      %swap3A_1119 = arith.constant 3 : i32
      %swap3A_1120 = arith.index_cast %swap3A_1119 : i32 to index
      %swap3A_1121 = arith.constant 192 : index
      %swap3A_1122 = tpu.vector_load %arg7[%swap3A_1120, %swap3A_1121] {strides = array<i32>} : memref<8x364xf32, #tpu.memory_space<vmem>>, vector<16xf32>,
      tpu.vector_store %arg7[%swap3A_1120, %swap3A_1121], %sub3A_1118 {strides = array<i32>} : memref<8x364xf32, #tpu.memory_space<vmem>>, vector<16xf32>,
      %get3A_1123 = arith.constant 208 : index
      %get3A_1124 = tpu.vector_load %arg8[%get3A_1123] {strides = array<i32>} : memref<368xi32, #tpu.memory_space<vmem>>, vector<16xi32>,
      %broadcast_in_dim3A_1125 = arith.constant 0 : i32
      %broadcast_in_dim3A_1126 = vector.broadcast %broadcast_in_dim3A_1125 : i32 to vector<16xi32>
      %gather3A_1127 = tpu.vector_load_idx %arg5[%broadcast_in_dim3A_1126, %get3A_1124] : memref<4x8192xf32, #tpu.memory_space<vmem>>[vector<16xi32>, vector<16xi32>], vector<16xf32>,
      %mul3A_1128 = arith.constant 1.200000e+01 : f32
      %mul3A_1129 = vector.broadcast %mul3A_1128 : f32 to vector<16xf32>
      %mul3A_1130 = arith.mulf %gather3A_1127, %mul3A_1129 : vector<16xf32>
      %sub3A_1131 = arith.constant 6.000000e+00 : f32
      %sub3A_1132 = vector.broadcast %sub3A_1131 : f32 to vector<16xf32>
      %sub3A_1133 = arith.subf %mul3A_1130, %sub3A_1132 : vector<16xf32>
      %swap3A_1134 = arith.constant 0 : i32
      %swap3A_1135 = arith.index_cast %swap3A_1134 : i32 to index
      %swap3A_1136 = arith.constant 208 : index
      %swap3A_1137 = tpu.vector_load %arg7[%swap3A_1135, %swap3A_1136] {strides = array<i32>} : memref<8x364xf32, #tpu.memory_space<vmem>>, vector<16xf32>,
      tpu.vector_store %arg7[%swap3A_1135, %swap3A_1136], %sub3A_1133 {strides = array<i32>} : memref<8x364xf32, #tpu.memory_space<vmem>>, vector<16xf32>,
      %broadcast_in_dim3A_1138 = arith.constant 1 : i32
      %broadcast_in_dim3A_1139 = vector.broadcast %broadcast_in_dim3A_1138 : i32 to vector<16xi32>
      %gather3A_1140 = tpu.vector_load_idx %arg5[%broadcast_in_dim3A_1139, %get3A_1124] : memref<4x8192xf32, #tpu.memory_space<vmem>>[vector<16xi32>, vector<16xi32>], vector<16xf32>,
      %mul3A_1141 = arith.constant 1.200000e+01 : f32
      %mul3A_1142 = vector.broadcast %mul3A_1141 : f32 to vector<16xf32>
      %mul3A_1143 = arith.mulf %gather3A_1140, %mul3A_1142 : vector<16xf32>
      %sub3A_1144 = arith.constant 6.000000e+00 : f32
      %sub3A_1145 = vector.broadcast %sub3A_1144 : f32 to vector<16xf32>
      %sub3A_1146 = arith.subf %mul3A_1143, %sub3A_1145 : vector<16xf32>
      %swap3A_1147 = arith.constant 1 : i32
      %swap3A_1148 = arith.index_cast %swap3A_1147 : i32 to index
      %swap3A_1149 = arith.constant 208 : index
      %swap3A_1150 = tpu.vector_load %arg7[%swap3A_1148, %swap3A_1149] {strides = array<i32>} : memref<8x364xf32, #tpu.memory_space<vmem>>, vector<16xf32>,
      tpu.vector_store %arg7[%swap3A_1148, %swap3A_1149], %sub3A_1146 {strides = array<i32>} : memref<8x364xf32, #tpu.memory_space<vmem>>, vector<16xf32>,
      %broadcast_in_dim3A_1151 = arith.constant 2 : i32
      %broadcast_in_dim3A_1152 = vector.broadcast %broadcast_in_dim3A_1151 : i32 to vector<16xi32>
      %gather3A_1153 = tpu.vector_load_idx %arg5[%broadcast_in_dim3A_1152, %get3A_1124] : memref<4x8192xf32, #tpu.memory_space<vmem>>[vector<16xi32>, vector<16xi32>], vector<16xf32>,
      %mul3A_1154 = arith.constant 1.200000e+01 : f32
      %mul3A_1155 = vector.broadcast %mul3A_1154 : f32 to vector<16xf32>
      %mul3A_1156 = arith.mulf %gather3A_1153, %mul3A_1155 : vector<16xf32>
      %sub3A_1157 = arith.constant 6.000000e+00 : f32
      %sub3A_1158 = vector.broadcast %sub3A_1157 : f32 to vector<16xf32>
      %sub3A_1159 = arith.subf %mul3A_1156, %sub3A_1158 : vector<16xf32>
      %swap3A_1160 = arith.constant 2 : i32
      %swap3A_1161 = arith.index_cast %swap3A_1160 : i32 to index
      %swap3A_1162 = arith.constant 208 : index
      %swap3A_1163 = tpu.vector_load %arg7[%swap3A_1161, %swap3A_1162] {strides = array<i32>} : memref<8x364xf32, #tpu.memory_space<vmem>>, vector<16xf32>,
      tpu.vector_store %arg7[%swap3A_1161, %swap3A_1162], %sub3A_1159 {strides = array<i32>} : memref<8x364xf32, #tpu.memory_space<vmem>>, vector<16xf32>,
      %broadcast_in_dim3A_1164 = arith.constant 3 : i32
      %broadcast_in_dim3A_1165 = vector.broadcast %broadcast_in_dim3A_1164 : i32 to vector<16xi32>
      %gather3A_1166 = tpu.vector_load_idx %arg5[%broadcast_in_dim3A_1165, %get3A_1124] : memref<4x8192xf32, #tpu.memory_space<vmem>>[vector<16xi32>, vector<16xi32>], vector<16xf32>,
      %mul3A_1167 = arith.constant 1.200000e+01 : f32
      %mul3A_1168 = vector.broadcast %mul3A_1167 : f32 to vector<16xf32>
      %mul3A_1169 = arith.mulf %gather3A_1166, %mul3A_1168 : vector<16xf32>
      %sub3A_1170 = arith.constant 6.000000e+00 : f32
      %sub3A_1171 = vector.broadcast %sub3A_1170 : f32 to vector<16xf32>
      %sub3A_1172 = arith.subf %mul3A_1169, %sub3A_1171 : vector<16xf32>
      %swap3A_1173 = arith.constant 3 : i32
      %swap3A_1174 = arith.index_cast %swap3A_1173 : i32 to index
      %swap3A_1175 = arith.constant 208 : index
      %swap3A_1176 = tpu.vector_load %arg7[%swap3A_1174, %swap3A_1175] {strides = array<i32>} : memref<8x364xf32, #tpu.memory_space<vmem>>, vector<16xf32>,
      tpu.vector_store %arg7[%swap3A_1174, %swap3A_1175], %sub3A_1172 {strides = array<i32>} : memref<8x364xf32, #tpu.memory_space<vmem>>, vector<16xf32>,
      %get3A_1177 = arith.constant 224 : index
      %get3A_1178 = tpu.vector_load %arg8[%get3A_1177] {strides = array<i32>} : memref<368xi32, #tpu.memory_space<vmem>>, vector<16xi32>,
      %broadcast_in_dim3A_1179 = arith.constant 0 : i32
      %broadcast_in_dim3A_1180 = vector.broadcast %broadcast_in_dim3A_1179 : i32 to vector<16xi32>
      %gather3A_1181 = tpu.vector_load_idx %arg5[%broadcast_in_dim3A_1180, %get3A_1178] : memref<4x8192xf32, #tpu.memory_space<vmem>>[vector<16xi32>, vector<16xi32>], vector<16xf32>,
      %mul3A_1182 = arith.constant 1.200000e+01 : f32
      %mul3A_1183 = vector.broadcast %mul3A_1182 : f32 to vector<16xf32>
      %mul3A_1184 = arith.mulf %gather3A_1181, %mul3A_1183 : vector<16xf32>
      %sub3A_1185 = arith.constant 6.000000e+00 : f32
      %sub3A_1186 = vector.broadcast %sub3A_1185 : f32 to vector<16xf32>
      %sub3A_1187 = arith.subf %mul3A_1184, %sub3A_1186 : vector<16xf32>
      %swap3A_1188 = arith.constant 0 : i32
      %swap3A_1189 = arith.index_cast %swap3A_1188 : i32 to index
      %swap3A_1190 = arith.constant 224 : index
      %swap3A_1191 = tpu.vector_load %arg7[%swap3A_1189, %swap3A_1190] {strides = array<i32>} : memref<8x364xf32, #tpu.memory_space<vmem>>, vector<16xf32>,
      tpu.vector_store %arg7[%swap3A_1189, %swap3A_1190], %sub3A_1187 {strides = array<i32>} : memref<8x364xf32, #tpu.memory_space<vmem>>, vector<16xf32>,
      %broadcast_in_dim3A_1192 = arith.constant 1 : i32
      %broadcast_in_dim3A_1193 = vector.broadcast %broadcast_in_dim3A_1192 : i32 to vector<16xi32>
      %gather3A_1194 = tpu.vector_load_idx %arg5[%broadcast_in_dim3A_1193, %get3A_1178] : memref<4x8192xf32, #tpu.memory_space<vmem>>[vector<16xi32>, vector<16xi32>], vector<16xf32>,
      %mul3A_1195 = arith.constant 1.200000e+01 : f32
      %mul3A_1196 = vector.broadcast %mul3A_1195 : f32 to vector<16xf32>
      %mul3A_1197 = arith.mulf %gather3A_1194, %mul3A_1196 : vector<16xf32>
      %sub3A_1198 = arith.constant 6.000000e+00 : f32
      %sub3A_1199 = vector.broadcast %sub3A_1198 : f32 to vector<16xf32>
      %sub3A_1200 = arith.subf %mul3A_1197, %sub3A_1199 : vector<16xf32>
      %swap3A_1201 = arith.constant 1 : i32
      %swap3A_1202 = arith.index_cast %swap3A_1201 : i32 to index
      %swap3A_1203 = arith.constant 224 : index
      %swap3A_1204 = tpu.vector_load %arg7[%swap3A_1202, %swap3A_1203] {strides = array<i32>} : memref<8x364xf32, #tpu.memory_space<vmem>>, vector<16xf32>,
      tpu.vector_store %arg7[%swap3A_1202, %swap3A_1203], %sub3A_1200 {strides = array<i32>} : memref<8x364xf32, #tpu.memory_space<vmem>>, vector<16xf32>,
      %broadcast_in_dim3A_1205 = arith.constant 2 : i32
      %broadcast_in_dim3A_1206 = vector.broadcast %broadcast_in_dim3A_1205 : i32 to vector<16xi32>
      %gather3A_1207 = tpu.vector_load_idx %arg5[%broadcast_in_dim3A_1206, %get3A_1178] : memref<4x8192xf32, #tpu.memory_space<vmem>>[vector<16xi32>, vector<16xi32>], vector<16xf32>,
      %mul3A_1208 = arith.constant 1.200000e+01 : f32
      %mul3A_1209 = vector.broadcast %mul3A_1208 : f32 to vector<16xf32>
      %mul3A_1210 = arith.mulf %gather3A_1207, %mul3A_1209 : vector<16xf32>
      %sub3A_1211 = arith.constant 6.000000e+00 : f32
      %sub3A_1212 = vector.broadcast %sub3A_1211 : f32 to vector<16xf32>
      %sub3A_1213 = arith.subf %mul3A_1210, %sub3A_1212 : vector<16xf32>
      %swap3A_1214 = arith.constant 2 : i32
      %swap3A_1215 = arith.index_cast %swap3A_1214 : i32 to index
      %swap3A_1216 = arith.constant 224 : index
      %swap3A_1217 = tpu.vector_load %arg7[%swap3A_1215, %swap3A_1216] {strides = array<i32>} : memref<8x364xf32, #tpu.memory_space<vmem>>, vector<16xf32>,
      tpu.vector_store %arg7[%swap3A_1215, %swap3A_1216], %sub3A_1213 {strides = array<i32>} : memref<8x364xf32, #tpu.memory_space<vmem>>, vector<16xf32>,
      %broadcast_in_dim3A_1218 = arith.constant 3 : i32
      %broadcast_in_dim3A_1219 = vector.broadcast %broadcast_in_dim3A_1218 : i32 to vector<16xi32>
      %gather3A_1220 = tpu.vector_load_idx %arg5[%broadcast_in_dim3A_1219, %get3A_1178] : memref<4x8192xf32, #tpu.memory_space<vmem>>[vector<16xi32>, vector<16xi32>], vector<16xf32>,
      %mul3A_1221 = arith.constant 1.200000e+01 : f32
      %mul3A_1222 = vector.broadcast %mul3A_1221 : f32 to vector<16xf32>
      %mul3A_1223 = arith.mulf %gather3A_1220, %mul3A_1222 : vector<16xf32>
      %sub3A_1224 = arith.constant 6.000000e+00 : f32
      %sub3A_1225 = vector.broadcast %sub3A_1224 : f32 to vector<16xf32>
      %sub3A_1226 = arith.subf %mul3A_1223, %sub3A_1225 : vector<16xf32>
      %swap3A_1227 = arith.constant 3 : i32
      %swap3A_1228 = arith.index_cast %swap3A_1227 : i32 to index
      %swap3A_1229 = arith.constant 224 : index
      %swap3A_1230 = tpu.vector_load %arg7[%swap3A_1228, %swap3A_1229] {strides = array<i32>} : memref<8x364xf32, #tpu.memory_space<vmem>>, vector<16xf32>,
      tpu.vector_store %arg7[%swap3A_1228, %swap3A_1229], %sub3A_1226 {strides = array<i32>} : memref<8x364xf32, #tpu.memory_space<vmem>>, vector<16xf32>,
      %get3A_1231 = arith.constant 240 : index
      %get3A_1232 = tpu.vector_load %arg8[%get3A_1231] {strides = array<i32>} : memref<368xi32, #tpu.memory_space<vmem>>, vector<16xi32>,
      %broadcast_in_dim3A_1233 = arith.constant 0 : i32
      %broadcast_in_dim3A_1234 = vector.broadcast %broadcast_in_dim3A_1233 : i32 to vector<16xi32>
      %gather3A_1235 = tpu.vector_load_idx %arg5[%broadcast_in_dim3A_1234, %get3A_1232] : memref<4x8192xf32, #tpu.memory_space<vmem>>[vector<16xi32>, vector<16xi32>], vector<16xf32>,
      %mul3A_1236 = arith.constant 1.200000e+01 : f32
      %mul3A_1237 = vector.broadcast %mul3A_1236 : f32 to vector<16xf32>
      %mul3A_1238 = arith.mulf %gather3A_1235, %mul3A_1237 : vector<16xf32>
      %sub3A_1239 = arith.constant 6.000000e+00 : f32
      %sub3A_1240 = vector.broadcast %sub3A_1239 : f32 to vector<16xf32>
      %sub3A_1241 = arith.subf %mul3A_1238, %sub3A_1240 : vector<16xf32>
      %swap3A_1242 = arith.constant 0 : i32
      %swap3A_1243 = arith.index_cast %swap3A_1242 : i32 to index
      %swap3A_1244 = arith.constant 240 : index
      %swap3A_1245 = tpu.vector_load %arg7[%swap3A_1243, %swap3A_1244] {strides = array<i32>} : memref<8x364xf32, #tpu.memory_space<vmem>>, vector<16xf32>,
      tpu.vector_store %arg7[%swap3A_1243, %swap3A_1244], %sub3A_1241 {strides = array<i32>} : memref<8x364xf32, #tpu.memory_space<vmem>>, vector<16xf32>,
      %broadcast_in_dim3A_1246 = arith.constant 1 : i32
      %broadcast_in_dim3A_1247 = vector.broadcast %broadcast_in_dim3A_1246 : i32 to vector<16xi32>
      %gather3A_1248 = tpu.vector_load_idx %arg5[%broadcast_in_dim3A_1247, %get3A_1232] : memref<4x8192xf32, #tpu.memory_space<vmem>>[vector<16xi32>, vector<16xi32>], vector<16xf32>,
      %mul3A_1249 = arith.constant 1.200000e+01 : f32
      %mul3A_1250 = vector.broadcast %mul3A_1249 : f32 to vector<16xf32>
      %mul3A_1251 = arith.mulf %gather3A_1248, %mul3A_1250 : vector<16xf32>
      %sub3A_1252 = arith.constant 6.000000e+00 : f32
      %sub3A_1253 = vector.broadcast %sub3A_1252 : f32 to vector<16xf32>
      %sub3A_1254 = arith.subf %mul3A_1251, %sub3A_1253 : vector<16xf32>
      %swap3A_1255 = arith.constant 1 : i32
      %swap3A_1256 = arith.index_cast %swap3A_1255 : i32 to index
      %swap3A_1257 = arith.constant 240 : index
      %swap3A_1258 = tpu.vector_load %arg7[%swap3A_1256, %swap3A_1257] {strides = array<i32>} : memref<8x364xf32, #tpu.memory_space<vmem>>, vector<16xf32>,
      tpu.vector_store %arg7[%swap3A_1256, %swap3A_1257], %sub3A_1254 {strides = array<i32>} : memref<8x364xf32, #tpu.memory_space<vmem>>, vector<16xf32>,
      %broadcast_in_dim3A_1259 = arith.constant 2 : i32
      %broadcast_in_dim3A_1260 = vector.broadcast %broadcast_in_dim3A_1259 : i32 to vector<16xi32>
      %gather3A_1261 = tpu.vector_load_idx %arg5[%broadcast_in_dim3A_1260, %get3A_1232] : memref<4x8192xf32, #tpu.memory_space<vmem>>[vector<16xi32>, vector<16xi32>], vector<16xf32>,
      %mul3A_1262 = arith.constant 1.200000e+01 : f32
      %mul3A_1263 = vector.broadcast %mul3A_1262 : f32 to vector<16xf32>
      %mul3A_1264 = arith.mulf %gather3A_1261, %mul3A_1263 : vector<16xf32>
      %sub3A_1265 = arith.constant 6.000000e+00 : f32
      %sub3A_1266 = vector.broadcast %sub3A_1265 : f32 to vector<16xf32>
      %sub3A_1267 = arith.subf %mul3A_1264, %sub3A_1266 : vector<16xf32>
      %swap3A_1268 = arith.constant 2 : i32
      %swap3A_1269 = arith.index_cast %swap3A_1268 : i32 to index
      %swap3A_1270 = arith.constant 240 : index
      %swap3A_1271 = tpu.vector_load %arg7[%swap3A_1269, %swap3A_1270] {strides = array<i32>} : memref<8x364xf32, #tpu.memory_space<vmem>>, vector<16xf32>,
      tpu.vector_store %arg7[%swap3A_1269, %swap3A_1270], %sub3A_1267 {strides = array<i32>} : memref<8x364xf32, #tpu.memory_space<vmem>>, vector<16xf32>,
      %broadcast_in_dim3A_1272 = arith.constant 3 : i32
      %broadcast_in_dim3A_1273 = vector.broadcast %broadcast_in_dim3A_1272 : i32 to vector<16xi32>
      %gather3A_1274 = tpu.vector_load_idx %arg5[%broadcast_in_dim3A_1273, %get3A_1232] : memref<4x8192xf32, #tpu.memory_space<vmem>>[vector<16xi32>, vector<16xi32>], vector<16xf32>,
      %mul3A_1275 = arith.constant 1.200000e+01 : f32
      %mul3A_1276 = vector.broadcast %mul3A_1275 : f32 to vector<16xf32>
      %mul3A_1277 = arith.mulf %gather3A_1274, %mul3A_1276 : vector<16xf32>
      %sub3A_1278 = arith.constant 6.000000e+00 : f32
      %sub3A_1279 = vector.broadcast %sub3A_1278 : f32 to vector<16xf32>
      %sub3A_1280 = arith.subf %mul3A_1277, %sub3A_1279 : vector<16xf32>
      %swap3A_1281 = arith.constant 3 : i32
      %swap3A_1282 = arith.index_cast %swap3A_1281 : i32 to index
      %swap3A_1283 = arith.constant 240 : index
      %swap3A_1284 = tpu.vector_load %arg7[%swap3A_1282, %swap3A_1283] {strides = array<i32>} : memref<8x364xf32, #tpu.memory_space<vmem>>, vector<16xf32>,
      tpu.vector_store %arg7[%swap3A_1282, %swap3A_1283], %sub3A_1280 {strides = array<i32>} : memref<8x364xf32, #tpu.memory_space<vmem>>, vector<16xf32>,
      %get3A_1285 = arith.constant 256 : index
      %get3A_1286 = tpu.vector_load %arg8[%get3A_1285] {strides = array<i32>} : memref<368xi32, #tpu.memory_space<vmem>>, vector<16xi32>,
      %broadcast_in_dim3A_1287 = arith.constant 0 : i32
      %broadcast_in_dim3A_1288 = vector.broadcast %broadcast_in_dim3A_1287 : i32 to vector<16xi32>
      %gather3A_1289 = tpu.vector_load_idx %arg5[%broadcast_in_dim3A_1288, %get3A_1286] : memref<4x8192xf32, #tpu.memory_space<vmem>>[vector<16xi32>, vector<16xi32>], vector<16xf32>,
      %mul3A_1290 = arith.constant 1.200000e+01 : f32
      %mul3A_1291 = vector.broadcast %mul3A_1290 : f32 to vector<16xf32>
      %mul3A_1292 = arith.mulf %gather3A_1289, %mul3A_1291 : vector<16xf32>
      %sub3A_1293 = arith.constant 6.000000e+00 : f32
      %sub3A_1294 = vector.broadcast %sub3A_1293 : f32 to vector<16xf32>
      %sub3A_1295 = arith.subf %mul3A_1292, %sub3A_1294 : vector<16xf32>
      %swap3A_1296 = arith.constant 0 : i32
      %swap3A_1297 = arith.index_cast %swap3A_1296 : i32 to index
      %swap3A_1298 = arith.constant 256 : index
      %swap3A_1299 = tpu.vector_load %arg7[%swap3A_1297, %swap3A_1298] {strides = array<i32>} : memref<8x364xf32, #tpu.memory_space<vmem>>, vector<16xf32>,
      tpu.vector_store %arg7[%swap3A_1297, %swap3A_1298], %sub3A_1295 {strides = array<i32>} : memref<8x364xf32, #tpu.memory_space<vmem>>, vector<16xf32>,
      %broadcast_in_dim3A_1300 = arith.constant 1 : i32
      %broadcast_in_dim3A_1301 = vector.broadcast %broadcast_in_dim3A_1300 : i32 to vector<16xi32>
      %gather3A_1302 = tpu.vector_load_idx %arg5[%broadcast_in_dim3A_1301, %get3A_1286] : memref<4x8192xf32, #tpu.memory_space<vmem>>[vector<16xi32>, vector<16xi32>], vector<16xf32>,
      %mul3A_1303 = arith.constant 1.200000e+01 : f32
      %mul3A_1304 = vector.broadcast %mul3A_1303 : f32 to vector<16xf32>
      %mul3A_1305 = arith.mulf %gather3A_1302, %mul3A_1304 : vector<16xf32>
      %sub3A_1306 = arith.constant 6.000000e+00 : f32
      %sub3A_1307 = vector.broadcast %sub3A_1306 : f32 to vector<16xf32>
      %sub3A_1308 = arith.subf %mul3A_1305, %sub3A_1307 : vector<16xf32>
      %swap3A_1309 = arith.constant 1 : i32
      %swap3A_1310 = arith.index_cast %swap3A_1309 : i32 to index
      %swap3A_1311 = arith.constant 256 : index
      %swap3A_1312 = tpu.vector_load %arg7[%swap3A_1310, %swap3A_1311] {strides = array<i32>} : memref<8x364xf32, #tpu.memory_space<vmem>>, vector<16xf32>,
      tpu.vector_store %arg7[%swap3A_1310, %swap3A_1311], %sub3A_1308 {strides = array<i32>} : memref<8x364xf32, #tpu.memory_space<vmem>>, vector<16xf32>,
      %broadcast_in_dim3A_1313 = arith.constant 2 : i32
      %broadcast_in_dim3A_1314 = vector.broadcast %broadcast_in_dim3A_1313 : i32 to vector<16xi32>
      %gather3A_1315 = tpu.vector_load_idx %arg5[%broadcast_in_dim3A_1314, %get3A_1286] : memref<4x8192xf32, #tpu.memory_space<vmem>>[vector<16xi32>, vector<16xi32>], vector<16xf32>,
      %mul3A_1316 = arith.constant 1.200000e+01 : f32
      %mul3A_1317 = vector.broadcast %mul3A_1316 : f32 to vector<16xf32>
      %mul3A_1318 = arith.mulf %gather3A_1315, %mul3A_1317 : vector<16xf32>
      %sub3A_1319 = arith.constant 6.000000e+00 : f32
      %sub3A_1320 = vector.broadcast %sub3A_1319 : f32 to vector<16xf32>
      %sub3A_1321 = arith.subf %mul3A_1318, %sub3A_1320 : vector<16xf32>
      %swap3A_1322 = arith.constant 2 : i32
      %swap3A_1323 = arith.index_cast %swap3A_1322 : i32 to index
      %swap3A_1324 = arith.constant 256 : index
      %swap3A_1325 = tpu.vector_load %arg7[%swap3A_1323, %swap3A_1324] {strides = array<i32>} : memref<8x364xf32, #tpu.memory_space<vmem>>, vector<16xf32>,
      tpu.vector_store %arg7[%swap3A_1323, %swap3A_1324], %sub3A_1321 {strides = array<i32>} : memref<8x364xf32, #tpu.memory_space<vmem>>, vector<16xf32>,
      %broadcast_in_dim3A_1326 = arith.constant 3 : i32
      %broadcast_in_dim3A_1327 = vector.broadcast %broadcast_in_dim3A_1326 : i32 to vector<16xi32>
      %gather3A_1328 = tpu.vector_load_idx %arg5[%broadcast_in_dim3A_1327, %get3A_1286] : memref<4x8192xf32, #tpu.memory_space<vmem>>[vector<16xi32>, vector<16xi32>], vector<16xf32>,
      %mul3A_1329 = arith.constant 1.200000e+01 : f32
      %mul3A_1330 = vector.broadcast %mul3A_1329 : f32 to vector<16xf32>
      %mul3A_1331 = arith.mulf %gather3A_1328, %mul3A_1330 : vector<16xf32>
      %sub3A_1332 = arith.constant 6.000000e+00 : f32
      %sub3A_1333 = vector.broadcast %sub3A_1332 : f32 to vector<16xf32>
      %sub3A_1334 = arith.subf %mul3A_1331, %sub3A_1333 : vector<16xf32>
      %swap3A_1335 = arith.constant 3 : i32
      %swap3A_1336 = arith.index_cast %swap3A_1335 : i32 to index
      %swap3A_1337 = arith.constant 256 : index
      %swap3A_1338 = tpu.vector_load %arg7[%swap3A_1336, %swap3A_1337] {strides = array<i32>} : memref<8x364xf32, #tpu.memory_space<vmem>>, vector<16xf32>,
      tpu.vector_store %arg7[%swap3A_1336, %swap3A_1337], %sub3A_1334 {strides = array<i32>} : memref<8x364xf32, #tpu.memory_space<vmem>>, vector<16xf32>,
      %get3A_1339 = arith.constant 272 : index
      %get3A_1340 = tpu.vector_load %arg8[%get3A_1339] {strides = array<i32>} : memref<368xi32, #tpu.memory_space<vmem>>, vector<16xi32>,
      %broadcast_in_dim3A_1341 = arith.constant 0 : i32
      %broadcast_in_dim3A_1342 = vector.broadcast %broadcast_in_dim3A_1341 : i32 to vector<16xi32>
      %gather3A_1343 = tpu.vector_load_idx %arg5[%broadcast_in_dim3A_1342, %get3A_1340] : memref<4x8192xf32, #tpu.memory_space<vmem>>[vector<16xi32>, vector<16xi32>], vector<16xf32>,
      %mul3A_1344 = arith.constant 1.200000e+01 : f32
      %mul3A_1345 = vector.broadcast %mul3A_1344 : f32 to vector<16xf32>
      %mul3A_1346 = arith.mulf %gather3A_1343, %mul3A_1345 : vector<16xf32>
      %sub3A_1347 = arith.constant 6.000000e+00 : f32
      %sub3A_1348 = vector.broadcast %sub3A_1347 : f32 to vector<16xf32>
      %sub3A_1349 = arith.subf %mul3A_1346, %sub3A_1348 : vector<16xf32>
      %swap3A_1350 = arith.constant 0 : i32
      %swap3A_1351 = arith.index_cast %swap3A_1350 : i32 to index
      %swap3A_1352 = arith.constant 272 : index
      %swap3A_1353 = tpu.vector_load %arg7[%swap3A_1351, %swap3A_1352] {strides = array<i32>} : memref<8x364xf32, #tpu.memory_space<vmem>>, vector<16xf32>,
      tpu.vector_store %arg7[%swap3A_1351, %swap3A_1352], %sub3A_1349 {strides = array<i32>} : memref<8x364xf32, #tpu.memory_space<vmem>>, vector<16xf32>,
      %broadcast_in_dim3A_1354 = arith.constant 1 : i32
      %broadcast_in_dim3A_1355 = vector.broadcast %broadcast_in_dim3A_1354 : i32 to vector<16xi32>
      %gather3A_1356 = tpu.vector_load_idx %arg5[%broadcast_in_dim3A_1355, %get3A_1340] : memref<4x8192xf32, #tpu.memory_space<vmem>>[vector<16xi32>, vector<16xi32>], vector<16xf32>,
      %mul3A_1357 = arith.constant 1.200000e+01 : f32
      %mul3A_1358 = vector.broadcast %mul3A_1357 : f32 to vector<16xf32>
      %mul3A_1359 = arith.mulf %gather3A_1356, %mul3A_1358 : vector<16xf32>
      %sub3A_1360 = arith.constant 6.000000e+00 : f32
      %sub3A_1361 = vector.broadcast %sub3A_1360 : f32 to vector<16xf32>
      %sub3A_1362 = arith.subf %mul3A_1359, %sub3A_1361 : vector<16xf32>
      %swap3A_1363 = arith.constant 1 : i32
      %swap3A_1364 = arith.index_cast %swap3A_1363 : i32 to index
      %swap3A_1365 = arith.constant 272 : index
      %swap3A_1366 = tpu.vector_load %arg7[%swap3A_1364, %swap3A_1365] {strides = array<i32>} : memref<8x364xf32, #tpu.memory_space<vmem>>, vector<16xf32>,
      tpu.vector_store %arg7[%swap3A_1364, %swap3A_1365], %sub3A_1362 {strides = array<i32>} : memref<8x364xf32, #tpu.memory_space<vmem>>, vector<16xf32>,
      %broadcast_in_dim3A_1367 = arith.constant 2 : i32
      %broadcast_in_dim3A_1368 = vector.broadcast %broadcast_in_dim3A_1367 : i32 to vector<16xi32>
      %gather3A_1369 = tpu.vector_load_idx %arg5[%broadcast_in_dim3A_1368, %get3A_1340] : memref<4x8192xf32, #tpu.memory_space<vmem>>[vector<16xi32>, vector<16xi32>], vector<16xf32>,
      %mul3A_1370 = arith.constant 1.200000e+01 : f32
      %mul3A_1371 = vector.broadcast %mul3A_1370 : f32 to vector<16xf32>
      %mul3A_1372 = arith.mulf %gather3A_1369, %mul3A_1371 : vector<16xf32>
      %sub3A_1373 = arith.constant 6.000000e+00 : f32
      %sub3A_1374 = vector.broadcast %sub3A_1373 : f32 to vector<16xf32>
      %sub3A_1375 = arith.subf %mul3A_1372, %sub3A_1374 : vector<16xf32>
      %swap3A_1376 = arith.constant 2 : i32
      %swap3A_1377 = arith.index_cast %swap3A_1376 : i32 to index
      %swap3A_1378 = arith.constant 272 : index
      %swap3A_1379 = tpu.vector_load %arg7[%swap3A_1377, %swap3A_1378] {strides = array<i32>} : memref<8x364xf32, #tpu.memory_space<vmem>>, vector<16xf32>,
      tpu.vector_store %arg7[%swap3A_1377, %swap3A_1378], %sub3A_1375 {strides = array<i32>} : memref<8x364xf32, #tpu.memory_space<vmem>>, vector<16xf32>,
      %broadcast_in_dim3A_1380 = arith.constant 3 : i32
      %broadcast_in_dim3A_1381 = vector.broadcast %broadcast_in_dim3A_1380 : i32 to vector<16xi32>
      %gather3A_1382 = tpu.vector_load_idx %arg5[%broadcast_in_dim3A_1381, %get3A_1340] : memref<4x8192xf32, #tpu.memory_space<vmem>>[vector<16xi32>, vector<16xi32>], vector<16xf32>,
      %mul3A_1383 = arith.constant 1.200000e+01 : f32
      %mul3A_1384 = vector.broadcast %mul3A_1383 : f32 to vector<16xf32>
      %mul3A_1385 = arith.mulf %gather3A_1382, %mul3A_1384 : vector<16xf32>
      %sub3A_1386 = arith.constant 6.000000e+00 : f32
      %sub3A_1387 = vector.broadcast %sub3A_1386 : f32 to vector<16xf32>
      %sub3A_1388 = arith.subf %mul3A_1385, %sub3A_1387 : vector<16xf32>
      %swap3A_1389 = arith.constant 3 : i32
      %swap3A_1390 = arith.index_cast %swap3A_1389 : i32 to index
      %swap3A_1391 = arith.constant 272 : index
      %swap3A_1392 = tpu.vector_load %arg7[%swap3A_1390, %swap3A_1391] {strides = array<i32>} : memref<8x364xf32, #tpu.memory_space<vmem>>, vector<16xf32>,
      tpu.vector_store %arg7[%swap3A_1390, %swap3A_1391], %sub3A_1388 {strides = array<i32>} : memref<8x364xf32, #tpu.memory_space<vmem>>, vector<16xf32>,
      %get3A_1393 = arith.constant 288 : index
      %get3A_1394 = tpu.vector_load %arg8[%get3A_1393] {strides = array<i32>} : memref<368xi32, #tpu.memory_space<vmem>>, vector<16xi32>,
      %broadcast_in_dim3A_1395 = arith.constant 0 : i32
      %broadcast_in_dim3A_1396 = vector.broadcast %broadcast_in_dim3A_1395 : i32 to vector<16xi32>
      %gather3A_1397 = tpu.vector_load_idx %arg5[%broadcast_in_dim3A_1396, %get3A_1394] : memref<4x8192xf32, #tpu.memory_space<vmem>>[vector<16xi32>, vector<16xi32>], vector<16xf32>,
      %mul3A_1398 = arith.constant 1.200000e+01 : f32
      %mul3A_1399 = vector.broadcast %mul3A_1398 : f32 to vector<16xf32>
      %mul3A_1400 = arith.mulf %gather3A_1397, %mul3A_1399 : vector<16xf32>
      %sub3A_1401 = arith.constant 6.000000e+00 : f32
      %sub3A_1402 = vector.broadcast %sub3A_1401 : f32 to vector<16xf32>
      %sub3A_1403 = arith.subf %mul3A_1400, %sub3A_1402 : vector<16xf32>
      %swap3A_1404 = arith.constant 0 : i32
      %swap3A_1405 = arith.index_cast %swap3A_1404 : i32 to index
      %swap3A_1406 = arith.constant 288 : index
      %swap3A_1407 = tpu.vector_load %arg7[%swap3A_1405, %swap3A_1406] {strides = array<i32>} : memref<8x364xf32, #tpu.memory_space<vmem>>, vector<16xf32>,
      tpu.vector_store %arg7[%swap3A_1405, %swap3A_1406], %sub3A_1403 {strides = array<i32>} : memref<8x364xf32, #tpu.memory_space<vmem>>, vector<16xf32>,
      %broadcast_in_dim3A_1408 = arith.constant 1 : i32
      %broadcast_in_dim3A_1409 = vector.broadcast %broadcast_in_dim3A_1408 : i32 to vector<16xi32>
      %gather3A_1410 = tpu.vector_load_idx %arg5[%broadcast_in_dim3A_1409, %get3A_1394] : memref<4x8192xf32, #tpu.memory_space<vmem>>[vector<16xi32>, vector<16xi32>], vector<16xf32>,
      %mul3A_1411 = arith.constant 1.200000e+01 : f32
      %mul3A_1412 = vector.broadcast %mul3A_1411 : f32 to vector<16xf32>
      %mul3A_1413 = arith.mulf %gather3A_1410, %mul3A_1412 : vector<16xf32>
      %sub3A_1414 = arith.constant 6.000000e+00 : f32
      %sub3A_1415 = vector.broadcast %sub3A_1414 : f32 to vector<16xf32>
      %sub3A_1416 = arith.subf %mul3A_1413, %sub3A_1415 : vector<16xf32>
      %swap3A_1417 = arith.constant 1 : i32
      %swap3A_1418 = arith.index_cast %swap3A_1417 : i32 to index
      %swap3A_1419 = arith.constant 288 : index
      %swap3A_1420 = tpu.vector_load %arg7[%swap3A_1418, %swap3A_1419] {strides = array<i32>} : memref<8x364xf32, #tpu.memory_space<vmem>>, vector<16xf32>,
      tpu.vector_store %arg7[%swap3A_1418, %swap3A_1419], %sub3A_1416 {strides = array<i32>} : memref<8x364xf32, #tpu.memory_space<vmem>>, vector<16xf32>,
      %broadcast_in_dim3A_1421 = arith.constant 2 : i32
      %broadcast_in_dim3A_1422 = vector.broadcast %broadcast_in_dim3A_1421 : i32 to vector<16xi32>
      %gather3A_1423 = tpu.vector_load_idx %arg5[%broadcast_in_dim3A_1422, %get3A_1394] : memref<4x8192xf32, #tpu.memory_space<vmem>>[vector<16xi32>, vector<16xi32>], vector<16xf32>,
      %mul3A_1424 = arith.constant 1.200000e+01 : f32
      %mul3A_1425 = vector.broadcast %mul3A_1424 : f32 to vector<16xf32>
      %mul3A_1426 = arith.mulf %gather3A_1423, %mul3A_1425 : vector<16xf32>
      %sub3A_1427 = arith.constant 6.000000e+00 : f32
      %sub3A_1428 = vector.broadcast %sub3A_1427 : f32 to vector<16xf32>
      %sub3A_1429 = arith.subf %mul3A_1426, %sub3A_1428 : vector<16xf32>
      %swap3A_1430 = arith.constant 2 : i32
      %swap3A_1431 = arith.index_cast %swap3A_1430 : i32 to index
      %swap3A_1432 = arith.constant 288 : index
      %swap3A_1433 = tpu.vector_load %arg7[%swap3A_1431, %swap3A_1432] {strides = array<i32>} : memref<8x364xf32, #tpu.memory_space<vmem>>, vector<16xf32>,
      tpu.vector_store %arg7[%swap3A_1431, %swap3A_1432], %sub3A_1429 {strides = array<i32>} : memref<8x364xf32, #tpu.memory_space<vmem>>, vector<16xf32>,
      %broadcast_in_dim3A_1434 = arith.constant 3 : i32
      %broadcast_in_dim3A_1435 = vector.broadcast %broadcast_in_dim3A_1434 : i32 to vector<16xi32>
      %gather3A_1436 = tpu.vector_load_idx %arg5[%broadcast_in_dim3A_1435, %get3A_1394] : memref<4x8192xf32, #tpu.memory_space<vmem>>[vector<16xi32>, vector<16xi32>], vector<16xf32>,
      %mul3A_1437 = arith.constant 1.200000e+01 : f32
      %mul3A_1438 = vector.broadcast %mul3A_1437 : f32 to vector<16xf32>
      %mul3A_1439 = arith.mulf %gather3A_1436, %mul3A_1438 : vector<16xf32>
      %sub3A_1440 = arith.constant 6.000000e+00 : f32
      %sub3A_1441 = vector.broadcast %sub3A_1440 : f32 to vector<16xf32>
      %sub3A_1442 = arith.subf %mul3A_1439, %sub3A_1441 : vector<16xf32>
      %swap3A_1443 = arith.constant 3 : i32
      %swap3A_1444 = arith.index_cast %swap3A_1443 : i32 to index
      %swap3A_1445 = arith.constant 288 : index
      %swap3A_1446 = tpu.vector_load %arg7[%swap3A_1444, %swap3A_1445] {strides = array<i32>} : memref<8x364xf32, #tpu.memory_space<vmem>>, vector<16xf32>,
      tpu.vector_store %arg7[%swap3A_1444, %swap3A_1445], %sub3A_1442 {strides = array<i32>} : memref<8x364xf32, #tpu.memory_space<vmem>>, vector<16xf32>,
      %get3A_1447 = arith.constant 304 : index
      %get3A_1448 = tpu.vector_load %arg8[%get3A_1447] {strides = array<i32>} : memref<368xi32, #tpu.memory_space<vmem>>, vector<16xi32>,
      %broadcast_in_dim3A_1449 = arith.constant 0 : i32
      %broadcast_in_dim3A_1450 = vector.broadcast %broadcast_in_dim3A_1449 : i32 to vector<16xi32>
      %gather3A_1451 = tpu.vector_load_idx %arg5[%broadcast_in_dim3A_1450, %get3A_1448] : memref<4x8192xf32, #tpu.memory_space<vmem>>[vector<16xi32>, vector<16xi32>], vector<16xf32>,
      %mul3A_1452 = arith.constant 1.200000e+01 : f32
      %mul3A_1453 = vector.broadcast %mul3A_1452 : f32 to vector<16xf32>
      %mul3A_1454 = arith.mulf %gather3A_1451, %mul3A_1453 : vector<16xf32>
      %sub3A_1455 = arith.constant 6.000000e+00 : f32
      %sub3A_1456 = vector.broadcast %sub3A_1455 : f32 to vector<16xf32>
      %sub3A_1457 = arith.subf %mul3A_1454, %sub3A_1456 : vector<16xf32>
      %swap3A_1458 = arith.constant 0 : i32
      %swap3A_1459 = arith.index_cast %swap3A_1458 : i32 to index
      %swap3A_1460 = arith.constant 304 : index
      %swap3A_1461 = tpu.vector_load %arg7[%swap3A_1459, %swap3A_1460] {strides = array<i32>} : memref<8x364xf32, #tpu.memory_space<vmem>>, vector<16xf32>,
      tpu.vector_store %arg7[%swap3A_1459, %swap3A_1460], %sub3A_1457 {strides = array<i32>} : memref<8x364xf32, #tpu.memory_space<vmem>>, vector<16xf32>,
      %broadcast_in_dim3A_1462 = arith.constant 1 : i32
      %broadcast_in_dim3A_1463 = vector.broadcast %broadcast_in_dim3A_1462 : i32 to vector<16xi32>
      %gather3A_1464 = tpu.vector_load_idx %arg5[%broadcast_in_dim3A_1463, %get3A_1448] : memref<4x8192xf32, #tpu.memory_space<vmem>>[vector<16xi32>, vector<16xi32>], vector<16xf32>,
      %mul3A_1465 = arith.constant 1.200000e+01 : f32
      %mul3A_1466 = vector.broadcast %mul3A_1465 : f32 to vector<16xf32>
      %mul3A_1467 = arith.mulf %gather3A_1464, %mul3A_1466 : vector<16xf32>
      %sub3A_1468 = arith.constant 6.000000e+00 : f32
      %sub3A_1469 = vector.broadcast %sub3A_1468 : f32 to vector<16xf32>
      %sub3A_1470 = arith.subf %mul3A_1467, %sub3A_1469 : vector<16xf32>
      %swap3A_1471 = arith.constant 1 : i32
      %swap3A_1472 = arith.index_cast %swap3A_1471 : i32 to index
      %swap3A_1473 = arith.constant 304 : index
      %swap3A_1474 = tpu.vector_load %arg7[%swap3A_1472, %swap3A_1473] {strides = array<i32>} : memref<8x364xf32, #tpu.memory_space<vmem>>, vector<16xf32>,
      tpu.vector_store %arg7[%swap3A_1472, %swap3A_1473], %sub3A_1470 {strides = array<i32>} : memref<8x364xf32, #tpu.memory_space<vmem>>, vector<16xf32>,
      %broadcast_in_dim3A_1475 = arith.constant 2 : i32
      %broadcast_in_dim3A_1476 = vector.broadcast %broadcast_in_dim3A_1475 : i32 to vector<16xi32>
      %gather3A_1477 = tpu.vector_load_idx %arg5[%broadcast_in_dim3A_1476, %get3A_1448] : memref<4x8192xf32, #tpu.memory_space<vmem>>[vector<16xi32>, vector<16xi32>], vector<16xf32>,
      %mul3A_1478 = arith.constant 1.200000e+01 : f32
      %mul3A_1479 = vector.broadcast %mul3A_1478 : f32 to vector<16xf32>
      %mul3A_1480 = arith.mulf %gather3A_1477, %mul3A_1479 : vector<16xf32>
      %sub3A_1481 = arith.constant 6.000000e+00 : f32
      %sub3A_1482 = vector.broadcast %sub3A_1481 : f32 to vector<16xf32>
      %sub3A_1483 = arith.subf %mul3A_1480, %sub3A_1482 : vector<16xf32>
      %swap3A_1484 = arith.constant 2 : i32
      %swap3A_1485 = arith.index_cast %swap3A_1484 : i32 to index
      %swap3A_1486 = arith.constant 304 : index
      %swap3A_1487 = tpu.vector_load %arg7[%swap3A_1485, %swap3A_1486] {strides = array<i32>} : memref<8x364xf32, #tpu.memory_space<vmem>>, vector<16xf32>,
      tpu.vector_store %arg7[%swap3A_1485, %swap3A_1486], %sub3A_1483 {strides = array<i32>} : memref<8x364xf32, #tpu.memory_space<vmem>>, vector<16xf32>,
      %broadcast_in_dim3A_1488 = arith.constant 3 : i32
      %broadcast_in_dim3A_1489 = vector.broadcast %broadcast_in_dim3A_1488 : i32 to vector<16xi32>
      %gather3A_1490 = tpu.vector_load_idx %arg5[%broadcast_in_dim3A_1489, %get3A_1448] : memref<4x8192xf32, #tpu.memory_space<vmem>>[vector<16xi32>, vector<16xi32>], vector<16xf32>,
      %mul3A_1491 = arith.constant 1.200000e+01 : f32
      %mul3A_1492 = vector.broadcast %mul3A_1491 : f32 to vector<16xf32>
      %mul3A_1493 = arith.mulf %gather3A_1490, %mul3A_1492 : vector<16xf32>
      %sub3A_1494 = arith.constant 6.000000e+00 : f32
      %sub3A_1495 = vector.broadcast %sub3A_1494 : f32 to vector<16xf32>
      %sub3A_1496 = arith.subf %mul3A_1493, %sub3A_1495 : vector<16xf32>
      %swap3A_1497 = arith.constant 3 : i32
      %swap3A_1498 = arith.index_cast %swap3A_1497 : i32 to index
      %swap3A_1499 = arith.constant 304 : index
      %swap3A_1500 = tpu.vector_load %arg7[%swap3A_1498, %swap3A_1499] {strides = array<i32>} : memref<8x364xf32, #tpu.memory_space<vmem>>, vector<16xf32>,
      tpu.vector_store %arg7[%swap3A_1498, %swap3A_1499], %sub3A_1496 {strides = array<i32>} : memref<8x364xf32, #tpu.memory_space<vmem>>, vector<16xf32>,
      %get3A_1501 = arith.constant 320 : index
      %get3A_1502 = tpu.vector_load %arg8[%get3A_1501] {strides = array<i32>} : memref<368xi32, #tpu.memory_space<vmem>>, vector<16xi32>,
      %broadcast_in_dim3A_1503 = arith.constant 0 : i32
      %broadcast_in_dim3A_1504 = vector.broadcast %broadcast_in_dim3A_1503 : i32 to vector<16xi32>
      %gather3A_1505 = tpu.vector_load_idx %arg5[%broadcast_in_dim3A_1504, %get3A_1502] : memref<4x8192xf32, #tpu.memory_space<vmem>>[vector<16xi32>, vector<16xi32>], vector<16xf32>,
      %mul3A_1506 = arith.constant 1.200000e+01 : f32
      %mul3A_1507 = vector.broadcast %mul3A_1506 : f32 to vector<16xf32>
      %mul3A_1508 = arith.mulf %gather3A_1505, %mul3A_1507 : vector<16xf32>
      %sub3A_1509 = arith.constant 6.000000e+00 : f32
      %sub3A_1510 = vector.broadcast %sub3A_1509 : f32 to vector<16xf32>
      %sub3A_1511 = arith.subf %mul3A_1508, %sub3A_1510 : vector<16xf32>
      %swap3A_1512 = arith.constant 0 : i32
      %swap3A_1513 = arith.index_cast %swap3A_1512 : i32 to index
      %swap3A_1514 = arith.constant 320 : index
      %swap3A_1515 = tpu.vector_load %arg7[%swap3A_1513, %swap3A_1514] {strides = array<i32>} : memref<8x364xf32, #tpu.memory_space<vmem>>, vector<16xf32>,
      tpu.vector_store %arg7[%swap3A_1513, %swap3A_1514], %sub3A_1511 {strides = array<i32>} : memref<8x364xf32, #tpu.memory_space<vmem>>, vector<16xf32>,
      %broadcast_in_dim3A_1516 = arith.constant 1 : i32
      %broadcast_in_dim3A_1517 = vector.broadcast %broadcast_in_dim3A_1516 : i32 to vector<16xi32>
      %gather3A_1518 = tpu.vector_load_idx %arg5[%broadcast_in_dim3A_1517, %get3A_1502] : memref<4x8192xf32, #tpu.memory_space<vmem>>[vector<16xi32>, vector<16xi32>], vector<16xf32>,
      %mul3A_1519 = arith.constant 1.200000e+01 : f32
      %mul3A_1520 = vector.broadcast %mul3A_1519 : f32 to vector<16xf32>
      %mul3A_1521 = arith.mulf %gather3A_1518, %mul3A_1520 : vector<16xf32>
      %sub3A_1522 = arith.constant 6.000000e+00 : f32
      %sub3A_1523 = vector.broadcast %sub3A_1522 : f32 to vector<16xf32>
      %sub3A_1524 = arith.subf %mul3A_1521, %sub3A_1523 : vector<16xf32>
      %swap3A_1525 = arith.constant 1 : i32
      %swap3A_1526 = arith.index_cast %swap3A_1525 : i32 to index
      %swap3A_1527 = arith.constant 320 : index
      %swap3A_1528 = tpu.vector_load %arg7[%swap3A_1526, %swap3A_1527] {strides = array<i32>} : memref<8x364xf32, #tpu.memory_space<vmem>>, vector<16xf32>,
      tpu.vector_store %arg7[%swap3A_1526, %swap3A_1527], %sub3A_1524 {strides = array<i32>} : memref<8x364xf32, #tpu.memory_space<vmem>>, vector<16xf32>,
      %broadcast_in_dim3A_1529 = arith.constant 2 : i32
      %broadcast_in_dim3A_1530 = vector.broadcast %broadcast_in_dim3A_1529 : i32 to vector<16xi32>
      %gather3A_1531 = tpu.vector_load_idx %arg5[%broadcast_in_dim3A_1530, %get3A_1502] : memref<4x8192xf32, #tpu.memory_space<vmem>>[vector<16xi32>, vector<16xi32>], vector<16xf32>,
      %mul3A_1532 = arith.constant 1.200000e+01 : f32
      %mul3A_1533 = vector.broadcast %mul3A_1532 : f32 to vector<16xf32>
      %mul3A_1534 = arith.mulf %gather3A_1531, %mul3A_1533 : vector<16xf32>
      %sub3A_1535 = arith.constant 6.000000e+00 : f32
      %sub3A_1536 = vector.broadcast %sub3A_1535 : f32 to vector<16xf32>
      %sub3A_1537 = arith.subf %mul3A_1534, %sub3A_1536 : vector<16xf32>
      %swap3A_1538 = arith.constant 2 : i32
      %swap3A_1539 = arith.index_cast %swap3A_1538 : i32 to index
      %swap3A_1540 = arith.constant 320 : index
      %swap3A_1541 = tpu.vector_load %arg7[%swap3A_1539, %swap3A_1540] {strides = array<i32>} : memref<8x364xf32, #tpu.memory_space<vmem>>, vector<16xf32>,
      tpu.vector_store %arg7[%swap3A_1539, %swap3A_1540], %sub3A_1537 {strides = array<i32>} : memref<8x364xf32, #tpu.memory_space<vmem>>, vector<16xf32>,
      %broadcast_in_dim3A_1542 = arith.constant 3 : i32
      %broadcast_in_dim3A_1543 = vector.broadcast %broadcast_in_dim3A_1542 : i32 to vector<16xi32>
      %gather3A_1544 = tpu.vector_load_idx %arg5[%broadcast_in_dim3A_1543, %get3A_1502] : memref<4x8192xf32, #tpu.memory_space<vmem>>[vector<16xi32>, vector<16xi32>], vector<16xf32>,
      %mul3A_1545 = arith.constant 1.200000e+01 : f32
      %mul3A_1546 = vector.broadcast %mul3A_1545 : f32 to vector<16xf32>
      %mul3A_1547 = arith.mulf %gather3A_1544, %mul3A_1546 : vector<16xf32>
      %sub3A_1548 = arith.constant 6.000000e+00 : f32
      %sub3A_1549 = vector.broadcast %sub3A_1548 : f32 to vector<16xf32>
      %sub3A_1550 = arith.subf %mul3A_1547, %sub3A_1549 : vector<16xf32>
      %swap3A_1551 = arith.constant 3 : i32
      %swap3A_1552 = arith.index_cast %swap3A_1551 : i32 to index
      %swap3A_1553 = arith.constant 320 : index
      %swap3A_1554 = tpu.vector_load %arg7[%swap3A_1552, %swap3A_1553] {strides = array<i32>} : memref<8x364xf32, #tpu.memory_space<vmem>>, vector<16xf32>,
      tpu.vector_store %arg7[%swap3A_1552, %swap3A_1553], %sub3A_1550 {strides = array<i32>} : memref<8x364xf32, #tpu.memory_space<vmem>>, vector<16xf32>,
      %get3A_1555 = arith.constant 336 : index
      %get3A_1556 = tpu.vector_load %arg8[%get3A_1555] {strides = array<i32>} : memref<368xi32, #tpu.memory_space<vmem>>, vector<16xi32>,
      %broadcast_in_dim3A_1557 = arith.constant 0 : i32
      %broadcast_in_dim3A_1558 = vector.broadcast %broadcast_in_dim3A_1557 : i32 to vector<16xi32>
      %gather3A_1559 = tpu.vector_load_idx %arg5[%broadcast_in_dim3A_1558, %get3A_1556] : memref<4x8192xf32, #tpu.memory_space<vmem>>[vector<16xi32>, vector<16xi32>], vector<16xf32>,
      %mul3A_1560 = arith.constant 1.200000e+01 : f32
      %mul3A_1561 = vector.broadcast %mul3A_1560 : f32 to vector<16xf32>
      %mul3A_1562 = arith.mulf %gather3A_1559, %mul3A_1561 : vector<16xf32>
      %sub3A_1563 = arith.constant 6.000000e+00 : f32
      %sub3A_1564 = vector.broadcast %sub3A_1563 : f32 to vector<16xf32>
      %sub3A_1565 = arith.subf %mul3A_1562, %sub3A_1564 : vector<16xf32>
      %swap3A_1566 = arith.constant 0 : i32
      %swap3A_1567 = arith.index_cast %swap3A_1566 : i32 to index
      %swap3A_1568 = arith.constant 336 : index
      %swap3A_1569 = tpu.vector_load %arg7[%swap3A_1567, %swap3A_1568] {strides = array<i32>} : memref<8x364xf32, #tpu.memory_space<vmem>>, vector<16xf32>,
      tpu.vector_store %arg7[%swap3A_1567, %swap3A_1568], %sub3A_1565 {strides = array<i32>} : memref<8x364xf32, #tpu.memory_space<vmem>>, vector<16xf32>,
      %broadcast_in_dim3A_1570 = arith.constant 1 : i32
      %broadcast_in_dim3A_1571 = vector.broadcast %broadcast_in_dim3A_1570 : i32 to vector<16xi32>
      %gather3A_1572 = tpu.vector_load_idx %arg5[%broadcast_in_dim3A_1571, %get3A_1556] : memref<4x8192xf32, #tpu.memory_space<vmem>>[vector<16xi32>, vector<16xi32>], vector<16xf32>,
      %mul3A_1573 = arith.constant 1.200000e+01 : f32
      %mul3A_1574 = vector.broadcast %mul3A_1573 : f32 to vector<16xf32>
      %mul3A_1575 = arith.mulf %gather3A_1572, %mul3A_1574 : vector<16xf32>
      %sub3A_1576 = arith.constant 6.000000e+00 : f32
      %sub3A_1577 = vector.broadcast %sub3A_1576 : f32 to vector<16xf32>
      %sub3A_1578 = arith.subf %mul3A_1575, %sub3A_1577 : vector<16xf32>
      %swap3A_1579 = arith.constant 1 : i32
      %swap3A_1580 = arith.index_cast %swap3A_1579 : i32 to index
      %swap3A_1581 = arith.constant 336 : index
      %swap3A_1582 = tpu.vector_load %arg7[%swap3A_1580, %swap3A_1581] {strides = array<i32>} : memref<8x364xf32, #tpu.memory_space<vmem>>, vector<16xf32>,
      tpu.vector_store %arg7[%swap3A_1580, %swap3A_1581], %sub3A_1578 {strides = array<i32>} : memref<8x364xf32, #tpu.memory_space<vmem>>, vector<16xf32>,
      %broadcast_in_dim3A_1583 = arith.constant 2 : i32
      %broadcast_in_dim3A_1584 = vector.broadcast %broadcast_in_dim3A_1583 : i32 to vector<16xi32>
      %gather3A_1585 = tpu.vector_load_idx %arg5[%broadcast_in_dim3A_1584, %get3A_1556] : memref<4x8192xf32, #tpu.memory_space<vmem>>[vector<16xi32>, vector<16xi32>], vector<16xf32>,
      %mul3A_1586 = arith.constant 1.200000e+01 : f32
      %mul3A_1587 = vector.broadcast %mul3A_1586 : f32 to vector<16xf32>
      %mul3A_1588 = arith.mulf %gather3A_1585, %mul3A_1587 : vector<16xf32>
      %sub3A_1589 = arith.constant 6.000000e+00 : f32
      %sub3A_1590 = vector.broadcast %sub3A_1589 : f32 to vector<16xf32>
      %sub3A_1591 = arith.subf %mul3A_1588, %sub3A_1590 : vector<16xf32>
      %swap3A_1592 = arith.constant 2 : i32
      %swap3A_1593 = arith.index_cast %swap3A_1592 : i32 to index
      %swap3A_1594 = arith.constant 336 : index
      %swap3A_1595 = tpu.vector_load %arg7[%swap3A_1593, %swap3A_1594] {strides = array<i32>} : memref<8x364xf32, #tpu.memory_space<vmem>>, vector<16xf32>,
      tpu.vector_store %arg7[%swap3A_1593, %swap3A_1594], %sub3A_1591 {strides = array<i32>} : memref<8x364xf32, #tpu.memory_space<vmem>>, vector<16xf32>,
      %broadcast_in_dim3A_1596 = arith.constant 3 : i32
      %broadcast_in_dim3A_1597 = vector.broadcast %broadcast_in_dim3A_1596 : i32 to vector<16xi32>
      %gather3A_1598 = tpu.vector_load_idx %arg5[%broadcast_in_dim3A_1597, %get3A_1556] : memref<4x8192xf32, #tpu.memory_space<vmem>>[vector<16xi32>, vector<16xi32>], vector<16xf32>,
      %mul3A_1599 = arith.constant 1.200000e+01 : f32
      %mul3A_1600 = vector.broadcast %mul3A_1599 : f32 to vector<16xf32>
      %mul3A_1601 = arith.mulf %gather3A_1598, %mul3A_1600 : vector<16xf32>
      %sub3A_1602 = arith.constant 6.000000e+00 : f32
      %sub3A_1603 = vector.broadcast %sub3A_1602 : f32 to vector<16xf32>
      %sub3A_1604 = arith.subf %mul3A_1601, %sub3A_1603 : vector<16xf32>
      %swap3A_1605 = arith.constant 3 : i32
      %swap3A_1606 = arith.index_cast %swap3A_1605 : i32 to index
      %swap3A_1607 = arith.constant 336 : index
      %swap3A_1608 = tpu.vector_load %arg7[%swap3A_1606, %swap3A_1607] {strides = array<i32>} : memref<8x364xf32, #tpu.memory_space<vmem>>, vector<16xf32>,
      tpu.vector_store %arg7[%swap3A_1606, %swap3A_1607], %sub3A_1604 {strides = array<i32>} : memref<8x364xf32, #tpu.memory_space<vmem>>, vector<16xf32>,
      %get3A_1609 = arith.constant 352 : index
      %get3A_1610 = tpu.vector_load %arg8[%get3A_1609] {strides = array<i32>} : memref<368xi32, #tpu.memory_space<vmem>>, vector<16xi32>,
      %broadcast_in_dim3A_1611 = arith.constant 0 : i32
      %broadcast_in_dim3A_1612 = vector.broadcast %broadcast_in_dim3A_1611 : i32 to vector<16xi32>
      %gather3A_1613 = tpu.vector_load_idx %arg5[%broadcast_in_dim3A_1612, %get3A_1610] : memref<4x8192xf32, #tpu.memory_space<vmem>>[vector<16xi32>, vector<16xi32>], vector<16xf32>,
      %mul3A_1614 = arith.constant 1.200000e+01 : f32
      %mul3A_1615 = vector.broadcast %mul3A_1614 : f32 to vector<16xf32>
      %mul3A_1616 = arith.mulf %gather3A_1613, %mul3A_1615 : vector<16xf32>
      %sub3A_1617 = arith.constant 6.000000e+00 : f32
      %sub3A_1618 = vector.broadcast %sub3A_1617 : f32 to vector<16xf32>
      %sub3A_1619 = arith.subf %mul3A_1616, %sub3A_1618 : vector<16xf32>
      %swap3A_1620 = arith.constant 0 : i32
      %swap3A_1621 = arith.index_cast %swap3A_1620 : i32 to index
      %swap3A_1622 = arith.constant 348 : index
      %swap3A_1623 = tpu.vector_load %arg7[%swap3A_1621, %swap3A_1622] {strides = array<i32>} : memref<8x364xf32, #tpu.memory_space<vmem>>, vector<16xf32>,
      tpu.vector_store %arg7[%swap3A_1621, %swap3A_1622], %sub3A_1619 {strides = array<i32>} : memref<8x364xf32, #tpu.memory_space<vmem>>, vector<16xf32>,
      %broadcast_in_dim3A_1624 = arith.constant 1 : i32
      %broadcast_in_dim3A_1625 = vector.broadcast %broadcast_in_dim3A_1624 : i32 to vector<16xi32>
      %gather3A_1626 = tpu.vector_load_idx %arg5[%broadcast_in_dim3A_1625, %get3A_1610] : memref<4x8192xf32, #tpu.memory_space<vmem>>[vector<16xi32>, vector<16xi32>], vector<16xf32>,
      %mul3A_1627 = arith.constant 1.200000e+01 : f32
      %mul3A_1628 = vector.broadcast %mul3A_1627 : f32 to vector<16xf32>
      %mul3A_1629 = arith.mulf %gather3A_1626, %mul3A_1628 : vector<16xf32>
      %sub3A_1630 = arith.constant 6.000000e+00 : f32
      %sub3A_1631 = vector.broadcast %sub3A_1630 : f32 to vector<16xf32>
      %sub3A_1632 = arith.subf %mul3A_1629, %sub3A_1631 : vector<16xf32>
      %swap3A_1633 = arith.constant 1 : i32
      %swap3A_1634 = arith.index_cast %swap3A_1633 : i32 to index
      %swap3A_1635 = arith.constant 348 : index
      %swap3A_1636 = tpu.vector_load %arg7[%swap3A_1634, %swap3A_1635] {strides = array<i32>} : memref<8x364xf32, #tpu.memory_space<vmem>>, vector<16xf32>,
      tpu.vector_store %arg7[%swap3A_1634, %swap3A_1635], %sub3A_1632 {strides = array<i32>} : memref<8x364xf32, #tpu.memory_space<vmem>>, vector<16xf32>,
      %broadcast_in_dim3A_1637 = arith.constant 2 : i32
      %broadcast_in_dim3A_1638 = vector.broadcast %broadcast_in_dim3A_1637 : i32 to vector<16xi32>
      %gather3A_1639 = tpu.vector_load_idx %arg5[%broadcast_in_dim3A_1638, %get3A_1610] : memref<4x8192xf32, #tpu.memory_space<vmem>>[vector<16xi32>, vector<16xi32>], vector<16xf32>,
      %mul3A_1640 = arith.constant 1.200000e+01 : f32
      %mul3A_1641 = vector.broadcast %mul3A_1640 : f32 to vector<16xf32>
      %mul3A_1642 = arith.mulf %gather3A_1639, %mul3A_1641 : vector<16xf32>
      %sub3A_1643 = arith.constant 6.000000e+00 : f32
      %sub3A_1644 = vector.broadcast %sub3A_1643 : f32 to vector<16xf32>
      %sub3A_1645 = arith.subf %mul3A_1642, %sub3A_1644 : vector<16xf32>
      %swap3A_1646 = arith.constant 2 : i32
      %swap3A_1647 = arith.index_cast %swap3A_1646 : i32 to index
      %swap3A_1648 = arith.constant 348 : index
      %swap3A_1649 = tpu.vector_load %arg7[%swap3A_1647, %swap3A_1648] {strides = array<i32>} : memref<8x364xf32, #tpu.memory_space<vmem>>, vector<16xf32>,
      tpu.vector_store %arg7[%swap3A_1647, %swap3A_1648], %sub3A_1645 {strides = array<i32>} : memref<8x364xf32, #tpu.memory_space<vmem>>, vector<16xf32>,
      %broadcast_in_dim3A_1650 = arith.constant 3 : i32
      %broadcast_in_dim3A_1651 = vector.broadcast %broadcast_in_dim3A_1650 : i32 to vector<16xi32>
      %gather3A_1652 = tpu.vector_load_idx %arg5[%broadcast_in_dim3A_1651, %get3A_1610] : memref<4x8192xf32, #tpu.memory_space<vmem>>[vector<16xi32>, vector<16xi32>], vector<16xf32>,
      %mul3A_1653 = arith.constant 1.200000e+01 : f32
      %mul3A_1654 = vector.broadcast %mul3A_1653 : f32 to vector<16xf32>
      %mul3A_1655 = arith.mulf %gather3A_1652, %mul3A_1654 : vector<16xf32>
      %sub3A_1656 = arith.constant 6.000000e+00 : f32
      %sub3A_1657 = vector.broadcast %sub3A_1656 : f32 to vector<16xf32>
      %sub3A_1658 = arith.subf %mul3A_1655, %sub3A_1657 : vector<16xf32>
      %swap3A_1659 = arith.constant 3 : i32
      %swap3A_1660 = arith.index_cast %swap3A_1659 : i32 to index
      %swap3A_1661 = arith.constant 348 : index
      %swap3A_1662 = tpu.vector_load %arg7[%swap3A_1660, %swap3A_1661] {strides = array<i32>} : memref<8x364xf32, #tpu.memory_space<vmem>>, vector<16xf32>,
      tpu.vector_store %arg7[%swap3A_1660, %swap3A_1661], %sub3A_1658 {strides = array<i32>} : memref<8x364xf32, #tpu.memory_space<vmem>>, vector<16xf32>,
      %mul3A_1663 = arith.constant 8 : i32
      %mul3A_1664 = arith.muli %mul3A_2, %mul3A_1663 : i32
      %add3A_1665 = arith.constant 8 : i32
      %add3A_1666 = arith.addi %mul3A_217, %add3A_1665 : i32
      %mul3A_1667 = arith.constant 8 : i32
      %mul3A_1668 = arith.muli %mul3A_2, %mul3A_1667 : i32
      %sub3A_1669 = arith.subi %add3A_1666, %mul3A_1668 : i32
      %rem3A = arith.constant 128 : i32
      %rem3A_1670 = arith.remsi %sub3A_1669, %rem3A : i32
      %add3A_1671 = arith.addi %mul3A_1664, %rem3A_1670 : i32
      %dma_start3A_1672 = arith.constant 0 : i32
      %dma_start3A_1673 = arith.constant 0 : i32
      %dma_start3A_1674 = tpu.memref_slice %arg5[%dma_start3A_1672, %dma_start3A_1673] : memref<4x8192xf32, #tpu.memory_space<vmem>> -> memref<4x1920xf32, #tpu.memory_space<vmem>>
      %dma_start3A_1675 = arith.constant 0 : i32
      %dma_start3A_1676 = tpu.memref_slice %arg2[%add3A_1671, %dma_start3A_1675] : memref<4096x16384xf32, #tpu.memory_space<hbm>> -> memref<4x1920xf32, #tpu.memory_space<hbm>>
      %dma_start3A_1677 = arith.constant 0 : i32
      %dma_start3A_1678 = arith.constant 0 : i32
      %dma_start3A_1679 = tpu.memref_slice %arg5[%dma_start3A_1677, %dma_start3A_1678] : memref<4x8192xf32, #tpu.memory_space<vmem>> -> memref<4x1920xf32, #tpu.memory_space<vmem>>
      %dma_start3A_1680 = arith.constant 0 : i32
      %dma_start3A_1681 = tpu.memref_slice %arg2[%add3A_1671, %dma_start3A_1680] : memref<4096x16384xf32, #tpu.memory_space<hbm>> -> memref<4x1920xf32, #tpu.memory_space<hbm>>
      tpu.enqueue_dma source(%dma_start3A_1681 : memref<4x1920xf32, #tpu.memory_space<hbm>>) target(%dma_start3A_1679 : memref<4x1920xf32, #tpu.memory_space<vmem>>) target_semaphore(%arg9 : memref<!tpu.dma_semaphore, #tpu.memory_space<semaphore_mem>>)
      %dma_start3A_1682 = arith.constant 0 : i32
      %dma_start3A_1683 = arith.constant 1920 : i32
      %dma_start3A_1684 = tpu.memref_slice %arg5[%dma_start3A_1682, %dma_start3A_1683] : memref<4x8192xf32, #tpu.memory_space<vmem>> -> memref<4x896xf32, #tpu.memory_space<vmem>>
      %dma_start3A_1685 = arith.constant 2048 : i32
      %dma_start3A_1686 = tpu.memref_slice %arg2[%add3A_1671, %dma_start3A_1685] : memref<4096x16384xf32, #tpu.memory_space<hbm>> -> memref<4x896xf32, #tpu.memory_space<hbm>>
      %dma_start3A_1687 = arith.constant 0 : i32
      %dma_start3A_1688 = arith.constant 1920 : i32
      %dma_start3A_1689 = tpu.memref_slice %arg5[%dma_start3A_1687, %dma_start3A_1688] : memref<4x8192xf32, #tpu.memory_space<vmem>> -> memref<4x896xf32, #tpu.memory_space<vmem>>
      %dma_start3A_1690 = arith.constant 2048 : i32
      %dma_start3A_1691 = tpu.memref_slice %arg2[%add3A_1671, %dma_start3A_1690] : memref<4096x16384xf32, #tpu.memory_space<hbm>> -> memref<4x896xf32, #tpu.memory_space<hbm>>
      tpu.enqueue_dma source(%dma_start3A_1691 : memref<4x896xf32, #tpu.memory_space<hbm>>) target(%dma_start3A_1689 : memref<4x896xf32, #tpu.memory_space<vmem>>) target_semaphore(%arg9 : memref<!tpu.dma_semaphore, #tpu.memory_space<semaphore_mem>>)
      %dma_start3A_1692 = arith.constant 0 : i32
      %dma_start3A_1693 = arith.constant 2816 : i32
      %dma_start3A_1694 = tpu.memref_slice %arg5[%dma_start3A_1692, %dma_start3A_1693] : memref<4x8192xf32, #tpu.memory_space<vmem>> -> memref<4x384xf32, #tpu.memory_space<vmem>>
      %dma_start3A_1695 = arith.constant 3072 : i32
      %dma_start3A_1696 = tpu.memref_slice %arg2[%add3A_1671, %dma_start3A_1695] : memref<4096x16384xf32, #tpu.memory_space<hbm>> -> memref<4x384xf32, #tpu.memory_space<hbm>>
      %dma_start3A_1697 = arith.constant 0 : i32
      %dma_start3A_1698 = arith.constant 2816 : i32
      %dma_start3A_1699 = tpu.memref_slice %arg5[%dma_start3A_1697, %dma_start3A_1698] : memref<4x8192xf32, #tpu.memory_space<vmem>> -> memref<4x384xf32, #tpu.memory_space<vmem>>
      %dma_start3A_1700 = arith.constant 3072 : i32
      %dma_start3A_1701 = tpu.memref_slice %arg2[%add3A_1671, %dma_start3A_1700] : memref<4096x16384xf32, #tpu.memory_space<hbm>> -> memref<4x384xf32, #tpu.memory_space<hbm>>
      tpu.enqueue_dma source(%dma_start3A_1701 : memref<4x384xf32, #tpu.memory_space<hbm>>) target(%dma_start3A_1699 : memref<4x384xf32, #tpu.memory_space<vmem>>) target_semaphore(%arg9 : memref<!tpu.dma_semaphore, #tpu.memory_space<semaphore_mem>>)
      %dma_start3A_1702 = arith.constant 0 : i32
      %dma_start3A_1703 = arith.constant 3200 : i32
      %dma_start3A_1704 = tpu.memref_slice %arg5[%dma_start3A_1702, %dma_start3A_1703] : memref<4x8192xf32, #tpu.memory_space<vmem>> -> memref<4x128xf32, #tpu.memory_space<vmem>>
      %dma_start3A_1705 = arith.constant 3584 : i32
      %dma_start3A_1706 = tpu.memref_slice %arg2[%add3A_1671, %dma_start3A_1705] : memref<4096x16384xf32, #tpu.memory_space<hbm>> -> memref<4x128xf32, #tpu.memory_space<hbm>>
      %dma_start3A_1707 = arith.constant 0 : i32
      %dma_start3A_1708 = arith.constant 3200 : i32
      %dma_start3A_1709 = tpu.memref_slice %arg5[%dma_start3A_1707, %dma_start3A_1708] : memref<4x8192xf32, #tpu.memory_space<vmem>> -> memref<4x128xf32, #tpu.memory_space<vmem>>
      %dma_start3A_1710 = arith.constant 3584 : i32
      %dma_start3A_1711 = tpu.memref_slice %arg2[%add3A_1671, %dma_start3A_1710] : memref<4096x16384xf32, #tpu.memory_space<hbm>> -> memref<4x128xf32, #tpu.memory_space<hbm>>
      tpu.enqueue_dma source(%dma_start3A_1711 : memref<4x128xf32, #tpu.memory_space<hbm>>) target(%dma_start3A_1709 : memref<4x128xf32, #tpu.memory_space<vmem>>) target_semaphore(%arg9 : memref<!tpu.dma_semaphore, #tpu.memory_space<semaphore_mem>>)
      %dma_start3A_1712 = arith.constant 0 : i32
      %dma_start3A_1713 = arith.constant 3328 : i32
      %dma_start3A_1714 = tpu.memref_slice %arg5[%dma_start3A_1712, %dma_start3A_1713] : memref<4x8192xf32, #tpu.memory_space<vmem>> -> memref<4x896xf32, #tpu.memory_space<vmem>>
      %dma_start3A_1715 = arith.constant 4096 : i32
      %dma_start3A_1716 = tpu.memref_slice %arg2[%add3A_1671, %dma_start3A_1715] : memref<4096x16384xf32, #tpu.memory_space<hbm>> -> memref<4x896xf32, #tpu.memory_space<hbm>>
      %dma_start3A_1717 = arith.constant 0 : i32
      %dma_start3A_1718 = arith.constant 3328 : i32
      %dma_start3A_1719 = tpu.memref_slice %arg5[%dma_start3A_1717, %dma_start3A_1718] : memref<4x8192xf32, #tpu.memory_space<vmem>> -> memref<4x896xf32, #tpu.memory_space<vmem>>
      %dma_start3A_1720 = arith.constant 4096 : i32
      %dma_start3A_1721 = tpu.memref_slice %arg2[%add3A_1671, %dma_start3A_1720] : memref<4096x16384xf32, #tpu.memory_space<hbm>> -> memref<4x896xf32, #tpu.memory_space<hbm>>
      tpu.enqueue_dma source(%dma_start3A_1721 : memref<4x896xf32, #tpu.memory_space<hbm>>) target(%dma_start3A_1719 : memref<4x896xf32, #tpu.memory_space<vmem>>) target_semaphore(%arg9 : memref<!tpu.dma_semaphore, #tpu.memory_space<semaphore_mem>>)
      %dma_start3A_1722 = arith.constant 0 : i32
      %dma_start3A_1723 = arith.constant 4224 : i32
      %dma_start3A_1724 = tpu.memref_slice %arg5[%dma_start3A_1722, %dma_start3A_1723] : memref<4x8192xf32, #tpu.memory_space<vmem>> -> memref<4x384xf32, #tpu.memory_space<vmem>>
      %dma_start3A_1725 = arith.constant 5120 : i32
      %dma_start3A_1726 = tpu.memref_slice %arg2[%add3A_1671, %dma_start3A_1725] : memref<4096x16384xf32, #tpu.memory_space<hbm>> -> memref<4x384xf32, #tpu.memory_space<hbm>>
      %dma_start3A_1727 = arith.constant 0 : i32
      %dma_start3A_1728 = arith.constant 4224 : i32
      %dma_start3A_1729 = tpu.memref_slice %arg5[%dma_start3A_1727, %dma_start3A_1728] : memref<4x8192xf32, #tpu.memory_space<vmem>> -> memref<4x384xf32, #tpu.memory_space<vmem>>
      %dma_start3A_1730 = arith.constant 5120 : i32
      %dma_start3A_1731 = tpu.memref_slice %arg2[%add3A_1671, %dma_start3A_1730] : memref<4096x16384xf32, #tpu.memory_space<hbm>> -> memref<4x384xf32, #tpu.memory_space<hbm>>
      tpu.enqueue_dma source(%dma_start3A_1731 : memref<4x384xf32, #tpu.memory_space<hbm>>) target(%dma_start3A_1729 : memref<4x384xf32, #tpu.memory_space<vmem>>) target_semaphore(%arg9 : memref<!tpu.dma_semaphore, #tpu.memory_space<semaphore_mem>>)
      %dma_start3A_1732 = arith.constant 0 : i32
      %dma_start3A_1733 = arith.constant 4608 : i32
      %dma_start3A_1734 = tpu.memref_slice %arg5[%dma_start3A_1732, %dma_start3A_1733] : memref<4x8192xf32, #tpu.memory_space<vmem>> -> memref<4x128xf32, #tpu.memory_space<vmem>>
      %dma_start3A_1735 = arith.constant 5632 : i32
      %dma_start3A_1736 = tpu.memref_slice %arg2[%add3A_1671, %dma_start3A_1735] : memref<4096x16384xf32, #tpu.memory_space<hbm>> -> memref<4x128xf32, #tpu.memory_space<hbm>>
      %dma_start3A_1737 = arith.constant 0 : i32
      %dma_start3A_1738 = arith.constant 4608 : i32
      %dma_start3A_1739 = tpu.memref_slice %arg5[%dma_start3A_1737, %dma_start3A_1738] : memref<4x8192xf32, #tpu.memory_space<vmem>> -> memref<4x128xf32, #tpu.memory_space<vmem>>
      %dma_start3A_1740 = arith.constant 5632 : i32
      %dma_start3A_1741 = tpu.memref_slice %arg2[%add3A_1671, %dma_start3A_1740] : memref<4096x16384xf32, #tpu.memory_space<hbm>> -> memref<4x128xf32, #tpu.memory_space<hbm>>
      tpu.enqueue_dma source(%dma_start3A_1741 : memref<4x128xf32, #tpu.memory_space<hbm>>) target(%dma_start3A_1739 : memref<4x128xf32, #tpu.memory_space<vmem>>) target_semaphore(%arg9 : memref<!tpu.dma_semaphore, #tpu.memory_space<semaphore_mem>>)
      %dma_start3A_1742 = arith.constant 0 : i32
      %dma_start3A_1743 = arith.constant 4736 : i32
      %dma_start3A_1744 = tpu.memref_slice %arg5[%dma_start3A_1742, %dma_start3A_1743] : memref<4x8192xf32, #tpu.memory_space<vmem>> -> memref<4x384xf32, #tpu.memory_space<vmem>>
      %dma_start3A_1745 = arith.constant 6144 : i32
      %dma_start3A_1746 = tpu.memref_slice %arg2[%add3A_1671, %dma_start3A_1745] : memref<4096x16384xf32, #tpu.memory_space<hbm>> -> memref<4x384xf32, #tpu.memory_space<hbm>>
      %dma_start3A_1747 = arith.constant 0 : i32
      %dma_start3A_1748 = arith.constant 4736 : i32
      %dma_start3A_1749 = tpu.memref_slice %arg5[%dma_start3A_1747, %dma_start3A_1748] : memref<4x8192xf32, #tpu.memory_space<vmem>> -> memref<4x384xf32, #tpu.memory_space<vmem>>
      %dma_start3A_1750 = arith.constant 6144 : i32
      %dma_start3A_1751 = tpu.memref_slice %arg2[%add3A_1671, %dma_start3A_1750] : memref<4096x16384xf32, #tpu.memory_space<hbm>> -> memref<4x384xf32, #tpu.memory_space<hbm>>
      tpu.enqueue_dma source(%dma_start3A_1751 : memref<4x384xf32, #tpu.memory_space<hbm>>) target(%dma_start3A_1749 : memref<4x384xf32, #tpu.memory_space<vmem>>) target_semaphore(%arg9 : memref<!tpu.dma_semaphore, #tpu.memory_space<semaphore_mem>>)
      %dma_start3A_1752 = arith.constant 0 : i32
      %dma_start3A_1753 = arith.constant 5120 : i32
      %dma_start3A_1754 = tpu.memref_slice %arg5[%dma_start3A_1752, %dma_start3A_1753] : memref<4x8192xf32, #tpu.memory_space<vmem>> -> memref<4x128xf32, #tpu.memory_space<vmem>>
      %dma_start3A_1755 = arith.constant 6656 : i32
      %dma_start3A_1756 = tpu.memref_slice %arg2[%add3A_1671, %dma_start3A_1755] : memref<4096x16384xf32, #tpu.memory_space<hbm>> -> memref<4x128xf32, #tpu.memory_space<hbm>>
      %dma_start3A_1757 = arith.constant 0 : i32
      %dma_start3A_1758 = arith.constant 5120 : i32
      %dma_start3A_1759 = tpu.memref_slice %arg5[%dma_start3A_1757, %dma_start3A_1758] : memref<4x8192xf32, #tpu.memory_space<vmem>> -> memref<4x128xf32, #tpu.memory_space<vmem>>
      %dma_start3A_1760 = arith.constant 6656 : i32
      %dma_start3A_1761 = tpu.memref_slice %arg2[%add3A_1671, %dma_start3A_1760] : memref<4096x16384xf32, #tpu.memory_space<hbm>> -> memref<4x128xf32, #tpu.memory_space<hbm>>
      tpu.enqueue_dma source(%dma_start3A_1761 : memref<4x128xf32, #tpu.memory_space<hbm>>) target(%dma_start3A_1759 : memref<4x128xf32, #tpu.memory_space<vmem>>) target_semaphore(%arg9 : memref<!tpu.dma_semaphore, #tpu.memory_space<semaphore_mem>>)
      %dma_start3A_1762 = arith.constant 0 : i32
      %dma_start3A_1763 = arith.constant 5248 : i32
      %dma_start3A_1764 = tpu.memref_slice %arg5[%dma_start3A_1762, %dma_start3A_1763] : memref<4x8192xf32, #tpu.memory_space<vmem>> -> memref<4x128xf32, #tpu.memory_space<vmem>>
      %dma_start3A_1765 = arith.constant 7168 : i32
      %dma_start3A_1766 = tpu.memref_slice %arg2[%add3A_1671, %dma_start3A_1765] : memref<4096x16384xf32, #tpu.memory_space<hbm>> -> memref<4x128xf32, #tpu.memory_space<hbm>>
      %dma_start3A_1767 = arith.constant 0 : i32
      %dma_start3A_1768 = arith.constant 5248 : i32
      %dma_start3A_1769 = tpu.memref_slice %arg5[%dma_start3A_1767, %dma_start3A_1768] : memref<4x8192xf32, #tpu.memory_space<vmem>> -> memref<4x128xf32, #tpu.memory_space<vmem>>
      %dma_start3A_1770 = arith.constant 7168 : i32
      %dma_start3A_1771 = tpu.memref_slice %arg2[%add3A_1671, %dma_start3A_1770] : memref<4096x16384xf32, #tpu.memory_space<hbm>> -> memref<4x128xf32, #tpu.memory_space<hbm>>
      tpu.enqueue_dma source(%dma_start3A_1771 : memref<4x128xf32, #tpu.memory_space<hbm>>) target(%dma_start3A_1769 : memref<4x128xf32, #tpu.memory_space<vmem>>) target_semaphore(%arg9 : memref<!tpu.dma_semaphore, #tpu.memory_space<semaphore_mem>>)
      %dma_start3A_1772 = arith.constant 0 : i32
      %dma_start3A_1773 = arith.constant 5376 : i32
      %dma_start3A_1774 = tpu.memref_slice %arg5[%dma_start3A_1772, %dma_start3A_1773] : memref<4x8192xf32, #tpu.memory_space<vmem>> -> memref<4x896xf32, #tpu.memory_space<vmem>>
      %dma_start3A_1775 = arith.constant 8192 : i32
      %dma_start3A_1776 = tpu.memref_slice %arg2[%add3A_1671, %dma_start3A_1775] : memref<4096x16384xf32, #tpu.memory_space<hbm>> -> memref<4x896xf32, #tpu.memory_space<hbm>>
      %dma_start3A_1777 = arith.constant 0 : i32
      %dma_start3A_1778 = arith.constant 5376 : i32
      %dma_start3A_1779 = tpu.memref_slice %arg5[%dma_start3A_1777, %dma_start3A_1778] : memref<4x8192xf32, #tpu.memory_space<vmem>> -> memref<4x896xf32, #tpu.memory_space<vmem>>
      %dma_start3A_1780 = arith.constant 8192 : i32
      %dma_start3A_1781 = tpu.memref_slice %arg2[%add3A_1671, %dma_start3A_1780] : memref<4096x16384xf32, #tpu.memory_space<hbm>> -> memref<4x896xf32, #tpu.memory_space<hbm>>
      tpu.enqueue_dma source(%dma_start3A_1781 : memref<4x896xf32, #tpu.memory_space<hbm>>) target(%dma_start3A_1779 : memref<4x896xf32, #tpu.memory_space<vmem>>) target_semaphore(%arg9 : memref<!tpu.dma_semaphore, #tpu.memory_space<semaphore_mem>>)
      %dma_start3A_1782 = arith.constant 0 : i32
      %dma_start3A_1783 = arith.constant 6272 : i32
      %dma_start3A_1784 = tpu.memref_slice %arg5[%dma_start3A_1782, %dma_start3A_1783] : memref<4x8192xf32, #tpu.memory_space<vmem>> -> memref<4x384xf32, #tpu.memory_space<vmem>>
      %dma_start3A_1785 = arith.constant 9216 : i32
      %dma_start3A_1786 = tpu.memref_slice %arg2[%add3A_1671, %dma_start3A_1785] : memref<4096x16384xf32, #tpu.memory_space<hbm>> -> memref<4x384xf32, #tpu.memory_space<hbm>>
      %dma_start3A_1787 = arith.constant 0 : i32
      %dma_start3A_1788 = arith.constant 6272 : i32
      %dma_start3A_1789 = tpu.memref_slice %arg5[%dma_start3A_1787, %dma_start3A_1788] : memref<4x8192xf32, #tpu.memory_space<vmem>> -> memref<4x384xf32, #tpu.memory_space<vmem>>
      %dma_start3A_1790 = arith.constant 9216 : i32
      %dma_start3A_1791 = tpu.memref_slice %arg2[%add3A_1671, %dma_start3A_1790] : memref<4096x16384xf32, #tpu.memory_space<hbm>> -> memref<4x384xf32, #tpu.memory_space<hbm>>
      tpu.enqueue_dma source(%dma_start3A_1791 : memref<4x384xf32, #tpu.memory_space<hbm>>) target(%dma_start3A_1789 : memref<4x384xf32, #tpu.memory_space<vmem>>) target_semaphore(%arg9 : memref<!tpu.dma_semaphore, #tpu.memory_space<semaphore_mem>>)
      %dma_start3A_1792 = arith.constant 0 : i32
      %dma_start3A_1793 = arith.constant 6656 : i32
      %dma_start3A_1794 = tpu.memref_slice %arg5[%dma_start3A_1792, %dma_start3A_1793] : memref<4x8192xf32, #tpu.memory_space<vmem>> -> memref<4x128xf32, #tpu.memory_space<vmem>>
      %dma_start3A_1795 = arith.constant 9728 : i32
      %dma_start3A_1796 = tpu.memref_slice %arg2[%add3A_1671, %dma_start3A_1795] : memref<4096x16384xf32, #tpu.memory_space<hbm>> -> memref<4x128xf32, #tpu.memory_space<hbm>>
      %dma_start3A_1797 = arith.constant 0 : i32
      %dma_start3A_1798 = arith.constant 6656 : i32
      %dma_start3A_1799 = tpu.memref_slice %arg5[%dma_start3A_1797, %dma_start3A_1798] : memref<4x8192xf32, #tpu.memory_space<vmem>> -> memref<4x128xf32, #tpu.memory_space<vmem>>
      %dma_start3A_1800 = arith.constant 9728 : i32
      %dma_start3A_1801 = tpu.memref_slice %arg2[%add3A_1671, %dma_start3A_1800] : memref<4096x16384xf32, #tpu.memory_space<hbm>> -> memref<4x128xf32, #tpu.memory_space<hbm>>
      tpu.enqueue_dma source(%dma_start3A_1801 : memref<4x128xf32, #tpu.memory_space<hbm>>) target(%dma_start3A_1799 : memref<4x128xf32, #tpu.memory_space<vmem>>) target_semaphore(%arg9 : memref<!tpu.dma_semaphore, #tpu.memory_space<semaphore_mem>>)
      %dma_start3A_1802 = arith.constant 0 : i32
      %dma_start3A_1803 = arith.constant 6784 : i32
      %dma_start3A_1804 = tpu.memref_slice %arg5[%dma_start3A_1802, %dma_start3A_1803] : memref<4x8192xf32, #tpu.memory_space<vmem>> -> memref<4x384xf32, #tpu.memory_space<vmem>>
      %dma_start3A_1805 = arith.constant 10240 : i32
      %dma_start3A_1806 = tpu.memref_slice %arg2[%add3A_1671, %dma_start3A_1805] : memref<4096x16384xf32, #tpu.memory_space<hbm>> -> memref<4x384xf32, #tpu.memory_space<hbm>>
      %dma_start3A_1807 = arith.constant 0 : i32
      %dma_start3A_1808 = arith.constant 6784 : i32
      %dma_start3A_1809 = tpu.memref_slice %arg5[%dma_start3A_1807, %dma_start3A_1808] : memref<4x8192xf32, #tpu.memory_space<vmem>> -> memref<4x384xf32, #tpu.memory_space<vmem>>
      %dma_start3A_1810 = arith.constant 10240 : i32
      %dma_start3A_1811 = tpu.memref_slice %arg2[%add3A_1671, %dma_start3A_1810] : memref<4096x16384xf32, #tpu.memory_space<hbm>> -> memref<4x384xf32, #tpu.memory_space<hbm>>
      tpu.enqueue_dma source(%dma_start3A_1811 : memref<4x384xf32, #tpu.memory_space<hbm>>) target(%dma_start3A_1809 : memref<4x384xf32, #tpu.memory_space<vmem>>) target_semaphore(%arg9 : memref<!tpu.dma_semaphore, #tpu.memory_space<semaphore_mem>>)
      %dma_start3A_1812 = arith.constant 0 : i32
      %dma_start3A_1813 = arith.constant 7168 : i32
      %dma_start3A_1814 = tpu.memref_slice %arg5[%dma_start3A_1812, %dma_start3A_1813] : memref<4x8192xf32, #tpu.memory_space<vmem>> -> memref<4x128xf32, #tpu.memory_space<vmem>>
      %dma_start3A_1815 = arith.constant 10752 : i32
      %dma_start3A_1816 = tpu.memref_slice %arg2[%add3A_1671, %dma_start3A_1815] : memref<4096x16384xf32, #tpu.memory_space<hbm>> -> memref<4x128xf32, #tpu.memory_space<hbm>>
      %dma_start3A_1817 = arith.constant 0 : i32
      %dma_start3A_1818 = arith.constant 7168 : i32
      %dma_start3A_1819 = tpu.memref_slice %arg5[%dma_start3A_1817, %dma_start3A_1818] : memref<4x8192xf32, #tpu.memory_space<vmem>> -> memref<4x128xf32, #tpu.memory_space<vmem>>
      %dma_start3A_1820 = arith.constant 10752 : i32
      %dma_start3A_1821 = tpu.memref_slice %arg2[%add3A_1671, %dma_start3A_1820] : memref<4096x16384xf32, #tpu.memory_space<hbm>> -> memref<4x128xf32, #tpu.memory_space<hbm>>
      tpu.enqueue_dma source(%dma_start3A_1821 : memref<4x128xf32, #tpu.memory_space<hbm>>) target(%dma_start3A_1819 : memref<4x128xf32, #tpu.memory_space<vmem>>) target_semaphore(%arg9 : memref<!tpu.dma_semaphore, #tpu.memory_space<semaphore_mem>>)
      %dma_start3A_1822 = arith.constant 0 : i32
      %dma_start3A_1823 = arith.constant 7296 : i32
      %dma_start3A_1824 = tpu.memref_slice %arg5[%dma_start3A_1822, %dma_start3A_1823] : memref<4x8192xf32, #tpu.memory_space<vmem>> -> memref<4x128xf32, #tpu.memory_space<vmem>>
      %dma_start3A_1825 = arith.constant 11264 : i32
      %dma_start3A_1826 = tpu.memref_slice %arg2[%add3A_1671, %dma_start3A_1825] : memref<4096x16384xf32, #tpu.memory_space<hbm>> -> memref<4x128xf32, #tpu.memory_space<hbm>>
      %dma_start3A_1827 = arith.constant 0 : i32
      %dma_start3A_1828 = arith.constant 7296 : i32
      %dma_start3A_1829 = tpu.memref_slice %arg5[%dma_start3A_1827, %dma_start3A_1828] : memref<4x8192xf32, #tpu.memory_space<vmem>> -> memref<4x128xf32, #tpu.memory_space<vmem>>
      %dma_start3A_1830 = arith.constant 11264 : i32
      %dma_start3A_1831 = tpu.memref_slice %arg2[%add3A_1671, %dma_start3A_1830] : memref<4096x16384xf32, #tpu.memory_space<hbm>> -> memref<4x128xf32, #tpu.memory_space<hbm>>
      tpu.enqueue_dma source(%dma_start3A_1831 : memref<4x128xf32, #tpu.memory_space<hbm>>) target(%dma_start3A_1829 : memref<4x128xf32, #tpu.memory_space<vmem>>) target_semaphore(%arg9 : memref<!tpu.dma_semaphore, #tpu.memory_space<semaphore_mem>>)
      %dma_start3A_1832 = arith.constant 0 : i32
      %dma_start3A_1833 = arith.constant 7424 : i32
      %dma_start3A_1834 = tpu.memref_slice %arg5[%dma_start3A_1832, %dma_start3A_1833] : memref<4x8192xf32, #tpu.memory_space<vmem>> -> memref<4x384xf32, #tpu.memory_space<vmem>>
      %dma_start3A_1835 = arith.constant 12288 : i32
      %dma_start3A_1836 = tpu.memref_slice %arg2[%add3A_1671, %dma_start3A_1835] : memref<4096x16384xf32, #tpu.memory_space<hbm>> -> memref<4x384xf32, #tpu.memory_space<hbm>>
      %dma_start3A_1837 = arith.constant 0 : i32
      %dma_start3A_1838 = arith.constant 7424 : i32
      %dma_start3A_1839 = tpu.memref_slice %arg5[%dma_start3A_1837, %dma_start3A_1838] : memref<4x8192xf32, #tpu.memory_space<vmem>> -> memref<4x384xf32, #tpu.memory_space<vmem>>
      %dma_start3A_1840 = arith.constant 12288 : i32
      %dma_start3A_1841 = tpu.memref_slice %arg2[%add3A_1671, %dma_start3A_1840] : memref<4096x16384xf32, #tpu.memory_space<hbm>> -> memref<4x384xf32, #tpu.memory_space<hbm>>
      tpu.enqueue_dma source(%dma_start3A_1841 : memref<4x384xf32, #tpu.memory_space<hbm>>) target(%dma_start3A_1839 : memref<4x384xf32, #tpu.memory_space<vmem>>) target_semaphore(%arg9 : memref<!tpu.dma_semaphore, #tpu.memory_space<semaphore_mem>>)
      %dma_start3A_1842 = arith.constant 0 : i32
      %dma_start3A_1843 = arith.constant 7808 : i32
      %dma_start3A_1844 = tpu.memref_slice %arg5[%dma_start3A_1842, %dma_start3A_1843] : memref<4x8192xf32, #tpu.memory_space<vmem>> -> memref<4x128xf32, #tpu.memory_space<vmem>>
      %dma_start3A_1845 = arith.constant 12800 : i32
      %dma_start3A_1846 = tpu.memref_slice %arg2[%add3A_1671, %dma_start3A_1845] : memref<4096x16384xf32, #tpu.memory_space<hbm>> -> memref<4x128xf32, #tpu.memory_space<hbm>>
      %dma_start3A_1847 = arith.constant 0 : i32
      %dma_start3A_1848 = arith.constant 7808 : i32
      %dma_start3A_1849 = tpu.memref_slice %arg5[%dma_start3A_1847, %dma_start3A_1848] : memref<4x8192xf32, #tpu.memory_space<vmem>> -> memref<4x128xf32, #tpu.memory_space<vmem>>
      %dma_start3A_1850 = arith.constant 12800 : i32
      %dma_start3A_1851 = tpu.memref_slice %arg2[%add3A_1671, %dma_start3A_1850] : memref<4096x16384xf32, #tpu.memory_space<hbm>> -> memref<4x128xf32, #tpu.memory_space<hbm>>
      tpu.enqueue_dma source(%dma_start3A_1851 : memref<4x128xf32, #tpu.memory_space<hbm>>) target(%dma_start3A_1849 : memref<4x128xf32, #tpu.memory_space<vmem>>) target_semaphore(%arg9 : memref<!tpu.dma_semaphore, #tpu.memory_space<semaphore_mem>>)
      %dma_start3A_1852 = arith.constant 0 : i32
      %dma_start3A_1853 = arith.constant 7936 : i32
      %dma_start3A_1854 = tpu.memref_slice %arg5[%dma_start3A_1852, %dma_start3A_1853] : memref<4x8192xf32, #tpu.memory_space<vmem>> -> memref<4x128xf32, #tpu.memory_space<vmem>>
      %dma_start3A_1855 = arith.constant 13312 : i32
      %dma_start3A_1856 = tpu.memref_slice %arg2[%add3A_1671, %dma_start3A_1855] : memref<4096x16384xf32, #tpu.memory_space<hbm>> -> memref<4x128xf32, #tpu.memory_space<hbm>>
      %dma_start3A_1857 = arith.constant 0 : i32
      %dma_start3A_1858 = arith.constant 7936 : i32
      %dma_start3A_1859 = tpu.memref_slice %arg5[%dma_start3A_1857, %dma_start3A_1858] : memref<4x8192xf32, #tpu.memory_space<vmem>> -> memref<4x128xf32, #tpu.memory_space<vmem>>
      %dma_start3A_1860 = arith.constant 13312 : i32
      %dma_start3A_1861 = tpu.memref_slice %arg2[%add3A_1671, %dma_start3A_1860] : memref<4096x16384xf32, #tpu.memory_space<hbm>> -> memref<4x128xf32, #tpu.memory_space<hbm>>
      tpu.enqueue_dma source(%dma_start3A_1861 : memref<4x128xf32, #tpu.memory_space<hbm>>) target(%dma_start3A_1859 : memref<4x128xf32, #tpu.memory_space<vmem>>) target_semaphore(%arg9 : memref<!tpu.dma_semaphore, #tpu.memory_space<semaphore_mem>>)
      %dma_start3A_1862 = arith.constant 0 : i32
      %dma_start3A_1863 = arith.constant 8064 : i32
      %dma_start3A_1864 = tpu.memref_slice %arg5[%dma_start3A_1862, %dma_start3A_1863] : memref<4x8192xf32, #tpu.memory_space<vmem>> -> memref<4x128xf32, #tpu.memory_space<vmem>>
      %dma_start3A_1865 = arith.constant 14336 : i32
      %dma_start3A_1866 = tpu.memref_slice %arg2[%add3A_1671, %dma_start3A_1865] : memref<4096x16384xf32, #tpu.memory_space<hbm>> -> memref<4x128xf32, #tpu.memory_space<hbm>>
      %dma_start3A_1867 = arith.constant 0 : i32
      %dma_start3A_1868 = arith.constant 8064 : i32
      %dma_start3A_1869 = tpu.memref_slice %arg5[%dma_start3A_1867, %dma_start3A_1868] : memref<4x8192xf32, #tpu.memory_space<vmem>> -> memref<4x128xf32, #tpu.memory_space<vmem>>
      %dma_start3A_1870 = arith.constant 14336 : i32
      %dma_start3A_1871 = tpu.memref_slice %arg2[%add3A_1671, %dma_start3A_1870] : memref<4096x16384xf32, #tpu.memory_space<hbm>> -> memref<4x128xf32, #tpu.memory_space<hbm>>
      tpu.enqueue_dma source(%dma_start3A_1871 : memref<4x128xf32, #tpu.memory_space<hbm>>) target(%dma_start3A_1869 : memref<4x128xf32, #tpu.memory_space<vmem>>) target_semaphore(%arg9 : memref<!tpu.dma_semaphore, #tpu.memory_space<semaphore_mem>>)
      %dma_wait3A_1872 = arith.constant 0 : i32
      %dma_wait3A_1873 = arith.constant 0 : i32
      %dma_wait3A_1874 = tpu.memref_slice %arg2[%dma_wait3A_1872, %dma_wait3A_1873] : memref<4096x16384xf32, #tpu.memory_space<hbm>> -> memref<4x8192xf32, #tpu.memory_space<hbm>>
      %dma_wait3A_1875 = arith.constant 0 : i32
      %dma_wait3A_1876 = arith.constant 0 : i32
      %dma_wait3A_1877 = tpu.memref_slice %arg2[%dma_wait3A_1875, %dma_wait3A_1876] : memref<4096x16384xf32, #tpu.memory_space<hbm>> -> memref<4x8192xf32, #tpu.memory_space<hbm>>
      tpu.wait_dma2 semaphore(%arg10 : memref<!tpu.dma_semaphore, #tpu.memory_space<semaphore_mem>>) src(%dma_wait3A_1877 : memref<4x8192xf32, #tpu.memory_space<hbm>>) dst(%arg6 : memref<4x8192xf32, #tpu.memory_space<vmem>>)
      %get3A_1878 = arith.constant 0 : index
      %get3A_1879 = tpu.vector_load %arg8[%get3A_1878] {strides = array<i32>} : memref<368xi32, #tpu.memory_space<vmem>>, vector<16xi32>,
      %broadcast_in_dim3A_1880 = arith.constant 0 : i32
      %broadcast_in_dim3A_1881 = vector.broadcast %broadcast_in_dim3A_1880 : i32 to vector<16xi32>
      %gather3A_1882 = tpu.vector_load_idx %arg6[%broadcast_in_dim3A_1881, %get3A_1879] : memref<4x8192xf32, #tpu.memory_space<vmem>>[vector<16xi32>, vector<16xi32>], vector<16xf32>,
      %mul3A_1883 = arith.constant 1.200000e+01 : f32
      %mul3A_1884 = vector.broadcast %mul3A_1883 : f32 to vector<16xf32>
      %mul3A_1885 = arith.mulf %gather3A_1882, %mul3A_1884 : vector<16xf32>
      %sub3A_1886 = arith.constant 6.000000e+00 : f32
      %sub3A_1887 = vector.broadcast %sub3A_1886 : f32 to vector<16xf32>
      %sub3A_1888 = arith.subf %mul3A_1885, %sub3A_1887 : vector<16xf32>
      %swap3A_1889 = arith.constant 4 : i32
      %swap3A_1890 = arith.index_cast %swap3A_1889 : i32 to index
      %swap3A_1891 = arith.constant 0 : index
      %swap3A_1892 = tpu.vector_load %arg7[%swap3A_1890, %swap3A_1891] {strides = array<i32>} : memref<8x364xf32, #tpu.memory_space<vmem>>, vector<16xf32>,
      tpu.vector_store %arg7[%swap3A_1890, %swap3A_1891], %sub3A_1888 {strides = array<i32>} : memref<8x364xf32, #tpu.memory_space<vmem>>, vector<16xf32>,
      %broadcast_in_dim3A_1893 = arith.constant 1 : i32
      %broadcast_in_dim3A_1894 = vector.broadcast %broadcast_in_dim3A_1893 : i32 to vector<16xi32>
      %gather3A_1895 = tpu.vector_load_idx %arg6[%broadcast_in_dim3A_1894, %get3A_1879] : memref<4x8192xf32, #tpu.memory_space<vmem>>[vector<16xi32>, vector<16xi32>], vector<16xf32>,
      %mul3A_1896 = arith.constant 1.200000e+01 : f32
      %mul3A_1897 = vector.broadcast %mul3A_1896 : f32 to vector<16xf32>
      %mul3A_1898 = arith.mulf %gather3A_1895, %mul3A_1897 : vector<16xf32>
      %sub3A_1899 = arith.constant 6.000000e+00 : f32
      %sub3A_1900 = vector.broadcast %sub3A_1899 : f32 to vector<16xf32>
      %sub3A_1901 = arith.subf %mul3A_1898, %sub3A_1900 : vector<16xf32>
      %swap3A_1902 = arith.constant 5 : i32
      %swap3A_1903 = arith.index_cast %swap3A_1902 : i32 to index
      %swap3A_1904 = arith.constant 0 : index
      %swap3A_1905 = tpu.vector_load %arg7[%swap3A_1903, %swap3A_1904] {strides = array<i32>} : memref<8x364xf32, #tpu.memory_space<vmem>>, vector<16xf32>,
      tpu.vector_store %arg7[%swap3A_1903, %swap3A_1904], %sub3A_1901 {strides = array<i32>} : memref<8x364xf32, #tpu.memory_space<vmem>>, vector<16xf32>,
      %broadcast_in_dim3A_1906 = arith.constant 2 : i32
      %broadcast_in_dim3A_1907 = vector.broadcast %broadcast_in_dim3A_1906 : i32 to vector<16xi32>
      %gather3A_1908 = tpu.vector_load_idx %arg6[%broadcast_in_dim3A_1907, %get3A_1879] : memref<4x8192xf32, #tpu.memory_space<vmem>>[vector<16xi32>, vector<16xi32>], vector<16xf32>,
      %mul3A_1909 = arith.constant 1.200000e+01 : f32
      %mul3A_1910 = vector.broadcast %mul3A_1909 : f32 to vector<16xf32>
      %mul3A_1911 = arith.mulf %gather3A_1908, %mul3A_1910 : vector<16xf32>
      %sub3A_1912 = arith.constant 6.000000e+00 : f32
      %sub3A_1913 = vector.broadcast %sub3A_1912 : f32 to vector<16xf32>
      %sub3A_1914 = arith.subf %mul3A_1911, %sub3A_1913 : vector<16xf32>
      %swap3A_1915 = arith.constant 6 : i32
      %swap3A_1916 = arith.index_cast %swap3A_1915 : i32 to index
      %swap3A_1917 = arith.constant 0 : index
      %swap3A_1918 = tpu.vector_load %arg7[%swap3A_1916, %swap3A_1917] {strides = array<i32>} : memref<8x364xf32, #tpu.memory_space<vmem>>, vector<16xf32>,
      tpu.vector_store %arg7[%swap3A_1916, %swap3A_1917], %sub3A_1914 {strides = array<i32>} : memref<8x364xf32, #tpu.memory_space<vmem>>, vector<16xf32>,
      %broadcast_in_dim3A_1919 = arith.constant 3 : i32
      %broadcast_in_dim3A_1920 = vector.broadcast %broadcast_in_dim3A_1919 : i32 to vector<16xi32>
      %gather3A_1921 = tpu.vector_load_idx %arg6[%broadcast_in_dim3A_1920, %get3A_1879] : memref<4x8192xf32, #tpu.memory_space<vmem>>[vector<16xi32>, vector<16xi32>], vector<16xf32>,
      %mul3A_1922 = arith.constant 1.200000e+01 : f32
      %mul3A_1923 = vector.broadcast %mul3A_1922 : f32 to vector<16xf32>
      %mul3A_1924 = arith.mulf %gather3A_1921, %mul3A_1923 : vector<16xf32>
      %sub3A_1925 = arith.constant 6.000000e+00 : f32
      %sub3A_1926 = vector.broadcast %sub3A_1925 : f32 to vector<16xf32>
      %sub3A_1927 = arith.subf %mul3A_1924, %sub3A_1926 : vector<16xf32>
      %swap3A_1928 = arith.constant 7 : i32
      %swap3A_1929 = arith.index_cast %swap3A_1928 : i32 to index
      %swap3A_1930 = arith.constant 0 : index
      %swap3A_1931 = tpu.vector_load %arg7[%swap3A_1929, %swap3A_1930] {strides = array<i32>} : memref<8x364xf32, #tpu.memory_space<vmem>>, vector<16xf32>,
      tpu.vector_store %arg7[%swap3A_1929, %swap3A_1930], %sub3A_1927 {strides = array<i32>} : memref<8x364xf32, #tpu.memory_space<vmem>>, vector<16xf32>,
      %get3A_1932 = arith.constant 16 : index
      %get3A_1933 = tpu.vector_load %arg8[%get3A_1932] {strides = array<i32>} : memref<368xi32, #tpu.memory_space<vmem>>, vector<16xi32>,
      %broadcast_in_dim3A_1934 = arith.constant 0 : i32
      %broadcast_in_dim3A_1935 = vector.broadcast %broadcast_in_dim3A_1934 : i32 to vector<16xi32>
      %gather3A_1936 = tpu.vector_load_idx %arg6[%broadcast_in_dim3A_1935, %get3A_1933] : memref<4x8192xf32, #tpu.memory_space<vmem>>[vector<16xi32>, vector<16xi32>], vector<16xf32>,
      %mul3A_1937 = arith.constant 1.200000e+01 : f32
      %mul3A_1938 = vector.broadcast %mul3A_1937 : f32 to vector<16xf32>
      %mul3A_1939 = arith.mulf %gather3A_1936, %mul3A_1938 : vector<16xf32>
      %sub3A_1940 = arith.constant 6.000000e+00 : f32
      %sub3A_1941 = vector.broadcast %sub3A_1940 : f32 to vector<16xf32>
      %sub3A_1942 = arith.subf %mul3A_1939, %sub3A_1941 : vector<16xf32>
      %swap3A_1943 = arith.constant 4 : i32
      %swap3A_1944 = arith.index_cast %swap3A_1943 : i32 to index
      %swap3A_1945 = arith.constant 16 : index
      %swap3A_1946 = tpu.vector_load %arg7[%swap3A_1944, %swap3A_1945] {strides = array<i32>} : memref<8x364xf32, #tpu.memory_space<vmem>>, vector<16xf32>,
      tpu.vector_store %arg7[%swap3A_1944, %swap3A_1945], %sub3A_1942 {strides = array<i32>} : memref<8x364xf32, #tpu.memory_space<vmem>>, vector<16xf32>,
      %broadcast_in_dim3A_1947 = arith.constant 1 : i32
      %broadcast_in_dim3A_1948 = vector.broadcast %broadcast_in_dim3A_1947 : i32 to vector<16xi32>
      %gather3A_1949 = tpu.vector_load_idx %arg6[%broadcast_in_dim3A_1948, %get3A_1933] : memref<4x8192xf32, #tpu.memory_space<vmem>>[vector<16xi32>, vector<16xi32>], vector<16xf32>,
      %mul3A_1950 = arith.constant 1.200000e+01 : f32
      %mul3A_1951 = vector.broadcast %mul3A_1950 : f32 to vector<16xf32>
      %mul3A_1952 = arith.mulf %gather3A_1949, %mul3A_1951 : vector<16xf32>
      %sub3A_1953 = arith.constant 6.000000e+00 : f32
      %sub3A_1954 = vector.broadcast %sub3A_1953 : f32 to vector<16xf32>
      %sub3A_1955 = arith.subf %mul3A_1952, %sub3A_1954 : vector<16xf32>
      %swap3A_1956 = arith.constant 5 : i32
      %swap3A_1957 = arith.index_cast %swap3A_1956 : i32 to index
      %swap3A_1958 = arith.constant 16 : index
      %swap3A_1959 = tpu.vector_load %arg7[%swap3A_1957, %swap3A_1958] {strides = array<i32>} : memref<8x364xf32, #tpu.memory_space<vmem>>, vector<16xf32>,
      tpu.vector_store %arg7[%swap3A_1957, %swap3A_1958], %sub3A_1955 {strides = array<i32>} : memref<8x364xf32, #tpu.memory_space<vmem>>, vector<16xf32>,
      %broadcast_in_dim3A_1960 = arith.constant 2 : i32
      %broadcast_in_dim3A_1961 = vector.broadcast %broadcast_in_dim3A_1960 : i32 to vector<16xi32>
      %gather3A_1962 = tpu.vector_load_idx %arg6[%broadcast_in_dim3A_1961, %get3A_1933] : memref<4x8192xf32, #tpu.memory_space<vmem>>[vector<16xi32>, vector<16xi32>], vector<16xf32>,
      %mul3A_1963 = arith.constant 1.200000e+01 : f32
      %mul3A_1964 = vector.broadcast %mul3A_1963 : f32 to vector<16xf32>
      %mul3A_1965 = arith.mulf %gather3A_1962, %mul3A_1964 : vector<16xf32>
      %sub3A_1966 = arith.constant 6.000000e+00 : f32
      %sub3A_1967 = vector.broadcast %sub3A_1966 : f32 to vector<16xf32>
      %sub3A_1968 = arith.subf %mul3A_1965, %sub3A_1967 : vector<16xf32>
      %swap3A_1969 = arith.constant 6 : i32
      %swap3A_1970 = arith.index_cast %swap3A_1969 : i32 to index
      %swap3A_1971 = arith.constant 16 : index
      %swap3A_1972 = tpu.vector_load %arg7[%swap3A_1970, %swap3A_1971] {strides = array<i32>} : memref<8x364xf32, #tpu.memory_space<vmem>>, vector<16xf32>,
      tpu.vector_store %arg7[%swap3A_1970, %swap3A_1971], %sub3A_1968 {strides = array<i32>} : memref<8x364xf32, #tpu.memory_space<vmem>>, vector<16xf32>,
      %broadcast_in_dim3A_1973 = arith.constant 3 : i32
      %broadcast_in_dim3A_1974 = vector.broadcast %broadcast_in_dim3A_1973 : i32 to vector<16xi32>
      %gather3A_1975 = tpu.vector_load_idx %arg6[%broadcast_in_dim3A_1974, %get3A_1933] : memref<4x8192xf32, #tpu.memory_space<vmem>>[vector<16xi32>, vector<16xi32>], vector<16xf32>,
      %mul3A_1976 = arith.constant 1.200000e+01 : f32
      %mul3A_1977 = vector.broadcast %mul3A_1976 : f32 to vector<16xf32>
      %mul3A_1978 = arith.mulf %gather3A_1975, %mul3A_1977 : vector<16xf32>
      %sub3A_1979 = arith.constant 6.000000e+00 : f32
      %sub3A_1980 = vector.broadcast %sub3A_1979 : f32 to vector<16xf32>
      %sub3A_1981 = arith.subf %mul3A_1978, %sub3A_1980 : vector<16xf32>
      %swap3A_1982 = arith.constant 7 : i32
      %swap3A_1983 = arith.index_cast %swap3A_1982 : i32 to index
      %swap3A_1984 = arith.constant 16 : index
      %swap3A_1985 = tpu.vector_load %arg7[%swap3A_1983, %swap3A_1984] {strides = array<i32>} : memref<8x364xf32, #tpu.memory_space<vmem>>, vector<16xf32>,
      tpu.vector_store %arg7[%swap3A_1983, %swap3A_1984], %sub3A_1981 {strides = array<i32>} : memref<8x364xf32, #tpu.memory_space<vmem>>, vector<16xf32>,
      %get3A_1986 = arith.constant 32 : index
      %get3A_1987 = tpu.vector_load %arg8[%get3A_1986] {strides = array<i32>} : memref<368xi32, #tpu.memory_space<vmem>>, vector<16xi32>,
      %broadcast_in_dim3A_1988 = arith.constant 0 : i32
      %broadcast_in_dim3A_1989 = vector.broadcast %broadcast_in_dim3A_1988 : i32 to vector<16xi32>
      %gather3A_1990 = tpu.vector_load_idx %arg6[%broadcast_in_dim3A_1989, %get3A_1987] : memref<4x8192xf32, #tpu.memory_space<vmem>>[vector<16xi32>, vector<16xi32>], vector<16xf32>,
      %mul3A_1991 = arith.constant 1.200000e+01 : f32
      %mul3A_1992 = vector.broadcast %mul3A_1991 : f32 to vector<16xf32>
      %mul3A_1993 = arith.mulf %gather3A_1990, %mul3A_1992 : vector<16xf32>
      %sub3A_1994 = arith.constant 6.000000e+00 : f32
      %sub3A_1995 = vector.broadcast %sub3A_1994 : f32 to vector<16xf32>
      %sub3A_1996 = arith.subf %mul3A_1993, %sub3A_1995 : vector<16xf32>
      %swap3A_1997 = arith.constant 4 : i32
      %swap3A_1998 = arith.index_cast %swap3A_1997 : i32 to index
      %swap3A_1999 = arith.constant 32 : index
      %swap3A_2000 = tpu.vector_load %arg7[%swap3A_1998, %swap3A_1999] {strides = array<i32>} : memref<8x364xf32, #tpu.memory_space<vmem>>, vector<16xf32>,
      tpu.vector_store %arg7[%swap3A_1998, %swap3A_1999], %sub3A_1996 {strides = array<i32>} : memref<8x364xf32, #tpu.memory_space<vmem>>, vector<16xf32>,
      %broadcast_in_dim3A_2001 = arith.constant 1 : i32
      %broadcast_in_dim3A_2002 = vector.broadcast %broadcast_in_dim3A_2001 : i32 to vector<16xi32>
      %gather3A_2003 = tpu.vector_load_idx %arg6[%broadcast_in_dim3A_2002, %get3A_1987] : memref<4x8192xf32, #tpu.memory_space<vmem>>[vector<16xi32>, vector<16xi32>], vector<16xf32>,
      %mul3A_2004 = arith.constant 1.200000e+01 : f32
      %mul3A_2005 = vector.broadcast %mul3A_2004 : f32 to vector<16xf32>
      %mul3A_2006 = arith.mulf %gather3A_2003, %mul3A_2005 : vector<16xf32>
      %sub3A_2007 = arith.constant 6.000000e+00 : f32
      %sub3A_2008 = vector.broadcast %sub3A_2007 : f32 to vector<16xf32>
      %sub3A_2009 = arith.subf %mul3A_2006, %sub3A_2008 : vector<16xf32>
      %swap3A_2010 = arith.constant 5 : i32
      %swap3A_2011 = arith.index_cast %swap3A_2010 : i32 to index
      %swap3A_2012 = arith.constant 32 : index
      %swap3A_2013 = tpu.vector_load %arg7[%swap3A_2011, %swap3A_2012] {strides = array<i32>} : memref<8x364xf32, #tpu.memory_space<vmem>>, vector<16xf32>,
      tpu.vector_store %arg7[%swap3A_2011, %swap3A_2012], %sub3A_2009 {strides = array<i32>} : memref<8x364xf32, #tpu.memory_space<vmem>>, vector<16xf32>,
      %broadcast_in_dim3A_2014 = arith.constant 2 : i32
      %broadcast_in_dim3A_2015 = vector.broadcast %broadcast_in_dim3A_2014 : i32 to vector<16xi32>
      %gather3A_2016 = tpu.vector_load_idx %arg6[%broadcast_in_dim3A_2015, %get3A_1987] : memref<4x8192xf32, #tpu.memory_space<vmem>>[vector<16xi32>, vector<16xi32>], vector<16xf32>,
      %mul3A_2017 = arith.constant 1.200000e+01 : f32
      %mul3A_2018 = vector.broadcast %mul3A_2017 : f32 to vector<16xf32>
      %mul3A_2019 = arith.mulf %gather3A_2016, %mul3A_2018 : vector<16xf32>
      %sub3A_2020 = arith.constant 6.000000e+00 : f32
      %sub3A_2021 = vector.broadcast %sub3A_2020 : f32 to vector<16xf32>
      %sub3A_2022 = arith.subf %mul3A_2019, %sub3A_2021 : vector<16xf32>
      %swap3A_2023 = arith.constant 6 : i32
      %swap3A_2024 = arith.index_cast %swap3A_2023 : i32 to index
      %swap3A_2025 = arith.constant 32 : index
      %swap3A_2026 = tpu.vector_load %arg7[%swap3A_2024, %swap3A_2025] {strides = array<i32>} : memref<8x364xf32, #tpu.memory_space<vmem>>, vector<16xf32>,
      tpu.vector_store %arg7[%swap3A_2024, %swap3A_2025], %sub3A_2022 {strides = array<i32>} : memref<8x364xf32, #tpu.memory_space<vmem>>, vector<16xf32>,
      %broadcast_in_dim3A_2027 = arith.constant 3 : i32
      %broadcast_in_dim3A_2028 = vector.broadcast %broadcast_in_dim3A_2027 : i32 to vector<16xi32>
      %gather3A_2029 = tpu.vector_load_idx %arg6[%broadcast_in_dim3A_2028, %get3A_1987] : memref<4x8192xf32, #tpu.memory_space<vmem>>[vector<16xi32>, vector<16xi32>], vector<16xf32>,
      %mul3A_2030 = arith.constant 1.200000e+01 : f32
      %mul3A_2031 = vector.broadcast %mul3A_2030 : f32 to vector<16xf32>
      %mul3A_2032 = arith.mulf %gather3A_2029, %mul3A_2031 : vector<16xf32>
      %sub3A_2033 = arith.constant 6.000000e+00 : f32
      %sub3A_2034 = vector.broadcast %sub3A_2033 : f32 to vector<16xf32>
      %sub3A_2035 = arith.subf %mul3A_2032, %sub3A_2034 : vector<16xf32>
      %swap3A_2036 = arith.constant 7 : i32
      %swap3A_2037 = arith.index_cast %swap3A_2036 : i32 to index
      %swap3A_2038 = arith.constant 32 : index
      %swap3A_2039 = tpu.vector_load %arg7[%swap3A_2037, %swap3A_2038] {strides = array<i32>} : memref<8x364xf32, #tpu.memory_space<vmem>>, vector<16xf32>,
      tpu.vector_store %arg7[%swap3A_2037, %swap3A_2038], %sub3A_2035 {strides = array<i32>} : memref<8x364xf32, #tpu.memory_space<vmem>>, vector<16xf32>,
      %get3A_2040 = arith.constant 48 : index
      %get3A_2041 = tpu.vector_load %arg8[%get3A_2040] {strides = array<i32>} : memref<368xi32, #tpu.memory_space<vmem>>, vector<16xi32>,
      %broadcast_in_dim3A_2042 = arith.constant 0 : i32
      %broadcast_in_dim3A_2043 = vector.broadcast %broadcast_in_dim3A_2042 : i32 to vector<16xi32>
      %gather3A_2044 = tpu.vector_load_idx %arg6[%broadcast_in_dim3A_2043, %get3A_2041] : memref<4x8192xf32, #tpu.memory_space<vmem>>[vector<16xi32>, vector<16xi32>], vector<16xf32>,
      %mul3A_2045 = arith.constant 1.200000e+01 : f32
      %mul3A_2046 = vector.broadcast %mul3A_2045 : f32 to vector<16xf32>
      %mul3A_2047 = arith.mulf %gather3A_2044, %mul3A_2046 : vector<16xf32>
      %sub3A_2048 = arith.constant 6.000000e+00 : f32
      %sub3A_2049 = vector.broadcast %sub3A_2048 : f32 to vector<16xf32>
      %sub3A_2050 = arith.subf %mul3A_2047, %sub3A_2049 : vector<16xf32>
      %swap3A_2051 = arith.constant 4 : i32
      %swap3A_2052 = arith.index_cast %swap3A_2051 : i32 to index
      %swap3A_2053 = arith.constant 48 : index
      %swap3A_2054 = tpu.vector_load %arg7[%swap3A_2052, %swap3A_2053] {strides = array<i32>} : memref<8x364xf32, #tpu.memory_space<vmem>>, vector<16xf32>,
      tpu.vector_store %arg7[%swap3A_2052, %swap3A_2053], %sub3A_2050 {strides = array<i32>} : memref<8x364xf32, #tpu.memory_space<vmem>>, vector<16xf32>,
      %broadcast_in_dim3A_2055 = arith.constant 1 : i32
      %broadcast_in_dim3A_2056 = vector.broadcast %broadcast_in_dim3A_2055 : i32 to vector<16xi32>
      %gather3A_2057 = tpu.vector_load_idx %arg6[%broadcast_in_dim3A_2056, %get3A_2041] : memref<4x8192xf32, #tpu.memory_space<vmem>>[vector<16xi32>, vector<16xi32>], vector<16xf32>,
      %mul3A_2058 = arith.constant 1.200000e+01 : f32
      %mul3A_2059 = vector.broadcast %mul3A_2058 : f32 to vector<16xf32>
      %mul3A_2060 = arith.mulf %gather3A_2057, %mul3A_2059 : vector<16xf32>
      %sub3A_2061 = arith.constant 6.000000e+00 : f32
      %sub3A_2062 = vector.broadcast %sub3A_2061 : f32 to vector<16xf32>
      %sub3A_2063 = arith.subf %mul3A_2060, %sub3A_2062 : vector<16xf32>
      %swap3A_2064 = arith.constant 5 : i32
      %swap3A_2065 = arith.index_cast %swap3A_2064 : i32 to index
      %swap3A_2066 = arith.constant 48 : index
      %swap3A_2067 = tpu.vector_load %arg7[%swap3A_2065, %swap3A_2066] {strides = array<i32>} : memref<8x364xf32, #tpu.memory_space<vmem>>, vector<16xf32>,
      tpu.vector_store %arg7[%swap3A_2065, %swap3A_2066], %sub3A_2063 {strides = array<i32>} : memref<8x364xf32, #tpu.memory_space<vmem>>, vector<16xf32>,
      %broadcast_in_dim3A_2068 = arith.constant 2 : i32
      %broadcast_in_dim3A_2069 = vector.broadcast %broadcast_in_dim3A_2068 : i32 to vector<16xi32>
      %gather3A_2070 = tpu.vector_load_idx %arg6[%broadcast_in_dim3A_2069, %get3A_2041] : memref<4x8192xf32, #tpu.memory_space<vmem>>[vector<16xi32>, vector<16xi32>], vector<16xf32>,
      %mul3A_2071 = arith.constant 1.200000e+01 : f32
      %mul3A_2072 = vector.broadcast %mul3A_2071 : f32 to vector<16xf32>
      %mul3A_2073 = arith.mulf %gather3A_2070, %mul3A_2072 : vector<16xf32>
      %sub3A_2074 = arith.constant 6.000000e+00 : f32
      %sub3A_2075 = vector.broadcast %sub3A_2074 : f32 to vector<16xf32>
      %sub3A_2076 = arith.subf %mul3A_2073, %sub3A_2075 : vector<16xf32>
      %swap3A_2077 = arith.constant 6 : i32
      %swap3A_2078 = arith.index_cast %swap3A_2077 : i32 to index
      %swap3A_2079 = arith.constant 48 : index
      %swap3A_2080 = tpu.vector_load %arg7[%swap3A_2078, %swap3A_2079] {strides = array<i32>} : memref<8x364xf32, #tpu.memory_space<vmem>>, vector<16xf32>,
      tpu.vector_store %arg7[%swap3A_2078, %swap3A_2079], %sub3A_2076 {strides = array<i32>} : memref<8x364xf32, #tpu.memory_space<vmem>>, vector<16xf32>,
      %broadcast_in_dim3A_2081 = arith.constant 3 : i32
      %broadcast_in_dim3A_2082 = vector.broadcast %broadcast_in_dim3A_2081 : i32 to vector<16xi32>
      %gather3A_2083 = tpu.vector_load_idx %arg6[%broadcast_in_dim3A_2082, %get3A_2041] : memref<4x8192xf32, #tpu.memory_space<vmem>>[vector<16xi32>, vector<16xi32>], vector<16xf32>,
      %mul3A_2084 = arith.constant 1.200000e+01 : f32
      %mul3A_2085 = vector.broadcast %mul3A_2084 : f32 to vector<16xf32>
      %mul3A_2086 = arith.mulf %gather3A_2083, %mul3A_2085 : vector<16xf32>
      %sub3A_2087 = arith.constant 6.000000e+00 : f32
      %sub3A_2088 = vector.broadcast %sub3A_2087 : f32 to vector<16xf32>
      %sub3A_2089 = arith.subf %mul3A_2086, %sub3A_2088 : vector<16xf32>
      %swap3A_2090 = arith.constant 7 : i32
      %swap3A_2091 = arith.index_cast %swap3A_2090 : i32 to index
      %swap3A_2092 = arith.constant 48 : index
      %swap3A_2093 = tpu.vector_load %arg7[%swap3A_2091, %swap3A_2092] {strides = array<i32>} : memref<8x364xf32, #tpu.memory_space<vmem>>, vector<16xf32>,
      tpu.vector_store %arg7[%swap3A_2091, %swap3A_2092], %sub3A_2089 {strides = array<i32>} : memref<8x364xf32, #tpu.memory_space<vmem>>, vector<16xf32>,
      %get3A_2094 = arith.constant 64 : index
      %get3A_2095 = tpu.vector_load %arg8[%get3A_2094] {strides = array<i32>} : memref<368xi32, #tpu.memory_space<vmem>>, vector<16xi32>,
      %broadcast_in_dim3A_2096 = arith.constant 0 : i32
      %broadcast_in_dim3A_2097 = vector.broadcast %broadcast_in_dim3A_2096 : i32 to vector<16xi32>
      %gather3A_2098 = tpu.vector_load_idx %arg6[%broadcast_in_dim3A_2097, %get3A_2095] : memref<4x8192xf32, #tpu.memory_space<vmem>>[vector<16xi32>, vector<16xi32>], vector<16xf32>,
      %mul3A_2099 = arith.constant 1.200000e+01 : f32
      %mul3A_2100 = vector.broadcast %mul3A_2099 : f32 to vector<16xf32>
      %mul3A_2101 = arith.mulf %gather3A_2098, %mul3A_2100 : vector<16xf32>
      %sub3A_2102 = arith.constant 6.000000e+00 : f32
      %sub3A_2103 = vector.broadcast %sub3A_2102 : f32 to vector<16xf32>
      %sub3A_2104 = arith.subf %mul3A_2101, %sub3A_2103 : vector<16xf32>
      %swap3A_2105 = arith.constant 4 : i32
      %swap3A_2106 = arith.index_cast %swap3A_2105 : i32 to index
      %swap3A_2107 = arith.constant 64 : index
      %swap3A_2108 = tpu.vector_load %arg7[%swap3A_2106, %swap3A_2107] {strides = array<i32>} : memref<8x364xf32, #tpu.memory_space<vmem>>, vector<16xf32>,
      tpu.vector_store %arg7[%swap3A_2106, %swap3A_2107], %sub3A_2104 {strides = array<i32>} : memref<8x364xf32, #tpu.memory_space<vmem>>, vector<16xf32>,
      %broadcast_in_dim3A_2109 = arith.constant 1 : i32
      %broadcast_in_dim3A_2110 = vector.broadcast %broadcast_in_dim3A_2109 : i32 to vector<16xi32>
      %gather3A_2111 = tpu.vector_load_idx %arg6[%broadcast_in_dim3A_2110, %get3A_2095] : memref<4x8192xf32, #tpu.memory_space<vmem>>[vector<16xi32>, vector<16xi32>], vector<16xf32>,
      %mul3A_2112 = arith.constant 1.200000e+01 : f32
      %mul3A_2113 = vector.broadcast %mul3A_2112 : f32 to vector<16xf32>
      %mul3A_2114 = arith.mulf %gather3A_2111, %mul3A_2113 : vector<16xf32>
      %sub3A_2115 = arith.constant 6.000000e+00 : f32
      %sub3A_2116 = vector.broadcast %sub3A_2115 : f32 to vector<16xf32>
      %sub3A_2117 = arith.subf %mul3A_2114, %sub3A_2116 : vector<16xf32>
      %swap3A_2118 = arith.constant 5 : i32
      %swap3A_2119 = arith.index_cast %swap3A_2118 : i32 to index
      %swap3A_2120 = arith.constant 64 : index
      %swap3A_2121 = tpu.vector_load %arg7[%swap3A_2119, %swap3A_2120] {strides = array<i32>} : memref<8x364xf32, #tpu.memory_space<vmem>>, vector<16xf32>,
      tpu.vector_store %arg7[%swap3A_2119, %swap3A_2120], %sub3A_2117 {strides = array<i32>} : memref<8x364xf32, #tpu.memory_space<vmem>>, vector<16xf32>,
      %broadcast_in_dim3A_2122 = arith.constant 2 : i32
      %broadcast_in_dim3A_2123 = vector.broadcast %broadcast_in_dim3A_2122 : i32 to vector<16xi32>
      %gather3A_2124 = tpu.vector_load_idx %arg6[%broadcast_in_dim3A_2123, %get3A_2095] : memref<4x8192xf32, #tpu.memory_space<vmem>>[vector<16xi32>, vector<16xi32>], vector<16xf32>,
      %mul3A_2125 = arith.constant 1.200000e+01 : f32
      %mul3A_2126 = vector.broadcast %mul3A_2125 : f32 to vector<16xf32>
      %mul3A_2127 = arith.mulf %gather3A_2124, %mul3A_2126 : vector<16xf32>
      %sub3A_2128 = arith.constant 6.000000e+00 : f32
      %sub3A_2129 = vector.broadcast %sub3A_2128 : f32 to vector<16xf32>
      %sub3A_2130 = arith.subf %mul3A_2127, %sub3A_2129 : vector<16xf32>
      %swap3A_2131 = arith.constant 6 : i32
      %swap3A_2132 = arith.index_cast %swap3A_2131 : i32 to index
      %swap3A_2133 = arith.constant 64 : index
      %swap3A_2134 = tpu.vector_load %arg7[%swap3A_2132, %swap3A_2133] {strides = array<i32>} : memref<8x364xf32, #tpu.memory_space<vmem>>, vector<16xf32>,
      tpu.vector_store %arg7[%swap3A_2132, %swap3A_2133], %sub3A_2130 {strides = array<i32>} : memref<8x364xf32, #tpu.memory_space<vmem>>, vector<16xf32>,
      %broadcast_in_dim3A_2135 = arith.constant 3 : i32
      %broadcast_in_dim3A_2136 = vector.broadcast %broadcast_in_dim3A_2135 : i32 to vector<16xi32>
      %gather3A_2137 = tpu.vector_load_idx %arg6[%broadcast_in_dim3A_2136, %get3A_2095] : memref<4x8192xf32, #tpu.memory_space<vmem>>[vector<16xi32>, vector<16xi32>], vector<16xf32>,
      %mul3A_2138 = arith.constant 1.200000e+01 : f32
      %mul3A_2139 = vector.broadcast %mul3A_2138 : f32 to vector<16xf32>
      %mul3A_2140 = arith.mulf %gather3A_2137, %mul3A_2139 : vector<16xf32>
      %sub3A_2141 = arith.constant 6.000000e+00 : f32
      %sub3A_2142 = vector.broadcast %sub3A_2141 : f32 to vector<16xf32>
      %sub3A_2143 = arith.subf %mul3A_2140, %sub3A_2142 : vector<16xf32>
      %swap3A_2144 = arith.constant 7 : i32
      %swap3A_2145 = arith.index_cast %swap3A_2144 : i32 to index
      %swap3A_2146 = arith.constant 64 : index
      %swap3A_2147 = tpu.vector_load %arg7[%swap3A_2145, %swap3A_2146] {strides = array<i32>} : memref<8x364xf32, #tpu.memory_space<vmem>>, vector<16xf32>,
      tpu.vector_store %arg7[%swap3A_2145, %swap3A_2146], %sub3A_2143 {strides = array<i32>} : memref<8x364xf32, #tpu.memory_space<vmem>>, vector<16xf32>,
      %get3A_2148 = arith.constant 80 : index
      %get3A_2149 = tpu.vector_load %arg8[%get3A_2148] {strides = array<i32>} : memref<368xi32, #tpu.memory_space<vmem>>, vector<16xi32>,
      %broadcast_in_dim3A_2150 = arith.constant 0 : i32
      %broadcast_in_dim3A_2151 = vector.broadcast %broadcast_in_dim3A_2150 : i32 to vector<16xi32>
      %gather3A_2152 = tpu.vector_load_idx %arg6[%broadcast_in_dim3A_2151, %get3A_2149] : memref<4x8192xf32, #tpu.memory_space<vmem>>[vector<16xi32>, vector<16xi32>], vector<16xf32>,
      %mul3A_2153 = arith.constant 1.200000e+01 : f32
      %mul3A_2154 = vector.broadcast %mul3A_2153 : f32 to vector<16xf32>
      %mul3A_2155 = arith.mulf %gather3A_2152, %mul3A_2154 : vector<16xf32>
      %sub3A_2156 = arith.constant 6.000000e+00 : f32
      %sub3A_2157 = vector.broadcast %sub3A_2156 : f32 to vector<16xf32>
      %sub3A_2158 = arith.subf %mul3A_2155, %sub3A_2157 : vector<16xf32>
      %swap3A_2159 = arith.constant 4 : i32
      %swap3A_2160 = arith.index_cast %swap3A_2159 : i32 to index
      %swap3A_2161 = arith.constant 80 : index
      %swap3A_2162 = tpu.vector_load %arg7[%swap3A_2160, %swap3A_2161] {strides = array<i32>} : memref<8x364xf32, #tpu.memory_space<vmem>>, vector<16xf32>,
      tpu.vector_store %arg7[%swap3A_2160, %swap3A_2161], %sub3A_2158 {strides = array<i32>} : memref<8x364xf32, #tpu.memory_space<vmem>>, vector<16xf32>,
      %broadcast_in_dim3A_2163 = arith.constant 1 : i32
      %broadcast_in_dim3A_2164 = vector.broadcast %broadcast_in_dim3A_2163 : i32 to vector<16xi32>
      %gather3A_2165 = tpu.vector_load_idx %arg6[%broadcast_in_dim3A_2164, %get3A_2149] : memref<4x8192xf32, #tpu.memory_space<vmem>>[vector<16xi32>, vector<16xi32>], vector<16xf32>,
      %mul3A_2166 = arith.constant 1.200000e+01 : f32
      %mul3A_2167 = vector.broadcast %mul3A_2166 : f32 to vector<16xf32>
      %mul3A_2168 = arith.mulf %gather3A_2165, %mul3A_2167 : vector<16xf32>
      %sub3A_2169 = arith.constant 6.000000e+00 : f32
      %sub3A_2170 = vector.broadcast %sub3A_2169 : f32 to vector<16xf32>
      %sub3A_2171 = arith.subf %mul3A_2168, %sub3A_2170 : vector<16xf32>
      %swap3A_2172 = arith.constant 5 : i32
      %swap3A_2173 = arith.index_cast %swap3A_2172 : i32 to index
      %swap3A_2174 = arith.constant 80 : index
      %swap3A_2175 = tpu.vector_load %arg7[%swap3A_2173, %swap3A_2174] {strides = array<i32>} : memref<8x364xf32, #tpu.memory_space<vmem>>, vector<16xf32>,
      tpu.vector_store %arg7[%swap3A_2173, %swap3A_2174], %sub3A_2171 {strides = array<i32>} : memref<8x364xf32, #tpu.memory_space<vmem>>, vector<16xf32>,
      %broadcast_in_dim3A_2176 = arith.constant 2 : i32
      %broadcast_in_dim3A_2177 = vector.broadcast %broadcast_in_dim3A_2176 : i32 to vector<16xi32>
      %gather3A_2178 = tpu.vector_load_idx %arg6[%broadcast_in_dim3A_2177, %get3A_2149] : memref<4x8192xf32, #tpu.memory_space<vmem>>[vector<16xi32>, vector<16xi32>], vector<16xf32>,
      %mul3A_2179 = arith.constant 1.200000e+01 : f32
      %mul3A_2180 = vector.broadcast %mul3A_2179 : f32 to vector<16xf32>
      %mul3A_2181 = arith.mulf %gather3A_2178, %mul3A_2180 : vector<16xf32>
      %sub3A_2182 = arith.constant 6.000000e+00 : f32
      %sub3A_2183 = vector.broadcast %sub3A_2182 : f32 to vector<16xf32>
      %sub3A_2184 = arith.subf %mul3A_2181, %sub3A_2183 : vector<16xf32>
      %swap3A_2185 = arith.constant 6 : i32
      %swap3A_2186 = arith.index_cast %swap3A_2185 : i32 to index
      %swap3A_2187 = arith.constant 80 : index
      %swap3A_2188 = tpu.vector_load %arg7[%swap3A_2186, %swap3A_2187] {strides = array<i32>} : memref<8x364xf32, #tpu.memory_space<vmem>>, vector<16xf32>,
      tpu.vector_store %arg7[%swap3A_2186, %swap3A_2187], %sub3A_2184 {strides = array<i32>} : memref<8x364xf32, #tpu.memory_space<vmem>>, vector<16xf32>,
      %broadcast_in_dim3A_2189 = arith.constant 3 : i32
      %broadcast_in_dim3A_2190 = vector.broadcast %broadcast_in_dim3A_2189 : i32 to vector<16xi32>
      %gather3A_2191 = tpu.vector_load_idx %arg6[%broadcast_in_dim3A_2190, %get3A_2149] : memref<4x8192xf32, #tpu.memory_space<vmem>>[vector<16xi32>, vector<16xi32>], vector<16xf32>,
      %mul3A_2192 = arith.constant 1.200000e+01 : f32
      %mul3A_2193 = vector.broadcast %mul3A_2192 : f32 to vector<16xf32>
      %mul3A_2194 = arith.mulf %gather3A_2191, %mul3A_2193 : vector<16xf32>
      %sub3A_2195 = arith.constant 6.000000e+00 : f32
      %sub3A_2196 = vector.broadcast %sub3A_2195 : f32 to vector<16xf32>
      %sub3A_2197 = arith.subf %mul3A_2194, %sub3A_2196 : vector<16xf32>
      %swap3A_2198 = arith.constant 7 : i32
      %swap3A_2199 = arith.index_cast %swap3A_2198 : i32 to index
      %swap3A_2200 = arith.constant 80 : index
      %swap3A_2201 = tpu.vector_load %arg7[%swap3A_2199, %swap3A_2200] {strides = array<i32>} : memref<8x364xf32, #tpu.memory_space<vmem>>, vector<16xf32>,
      tpu.vector_store %arg7[%swap3A_2199, %swap3A_2200], %sub3A_2197 {strides = array<i32>} : memref<8x364xf32, #tpu.memory_space<vmem>>, vector<16xf32>,
      %get3A_2202 = arith.constant 96 : index
      %get3A_2203 = tpu.vector_load %arg8[%get3A_2202] {strides = array<i32>} : memref<368xi32, #tpu.memory_space<vmem>>, vector<16xi32>,
      %broadcast_in_dim3A_2204 = arith.constant 0 : i32
      %broadcast_in_dim3A_2205 = vector.broadcast %broadcast_in_dim3A_2204 : i32 to vector<16xi32>
      %gather3A_2206 = tpu.vector_load_idx %arg6[%broadcast_in_dim3A_2205, %get3A_2203] : memref<4x8192xf32, #tpu.memory_space<vmem>>[vector<16xi32>, vector<16xi32>], vector<16xf32>,
      %mul3A_2207 = arith.constant 1.200000e+01 : f32
      %mul3A_2208 = vector.broadcast %mul3A_2207 : f32 to vector<16xf32>
      %mul3A_2209 = arith.mulf %gather3A_2206, %mul3A_2208 : vector<16xf32>
      %sub3A_2210 = arith.constant 6.000000e+00 : f32
      %sub3A_2211 = vector.broadcast %sub3A_2210 : f32 to vector<16xf32>
      %sub3A_2212 = arith.subf %mul3A_2209, %sub3A_2211 : vector<16xf32>
      %swap3A_2213 = arith.constant 4 : i32
      %swap3A_2214 = arith.index_cast %swap3A_2213 : i32 to index
      %swap3A_2215 = arith.constant 96 : index
      %swap3A_2216 = tpu.vector_load %arg7[%swap3A_2214, %swap3A_2215] {strides = array<i32>} : memref<8x364xf32, #tpu.memory_space<vmem>>, vector<16xf32>,
      tpu.vector_store %arg7[%swap3A_2214, %swap3A_2215], %sub3A_2212 {strides = array<i32>} : memref<8x364xf32, #tpu.memory_space<vmem>>, vector<16xf32>,
      %broadcast_in_dim3A_2217 = arith.constant 1 : i32
      %broadcast_in_dim3A_2218 = vector.broadcast %broadcast_in_dim3A_2217 : i32 to vector<16xi32>
      %gather3A_2219 = tpu.vector_load_idx %arg6[%broadcast_in_dim3A_2218, %get3A_2203] : memref<4x8192xf32, #tpu.memory_space<vmem>>[vector<16xi32>, vector<16xi32>], vector<16xf32>,
      %mul3A_2220 = arith.constant 1.200000e+01 : f32
      %mul3A_2221 = vector.broadcast %mul3A_2220 : f32 to vector<16xf32>
      %mul3A_2222 = arith.mulf %gather3A_2219, %mul3A_2221 : vector<16xf32>
      %sub3A_2223 = arith.constant 6.000000e+00 : f32
      %sub3A_2224 = vector.broadcast %sub3A_2223 : f32 to vector<16xf32>
      %sub3A_2225 = arith.subf %mul3A_2222, %sub3A_2224 : vector<16xf32>
      %swap3A_2226 = arith.constant 5 : i32
      %swap3A_2227 = arith.index_cast %swap3A_2226 : i32 to index
      %swap3A_2228 = arith.constant 96 : index
      %swap3A_2229 = tpu.vector_load %arg7[%swap3A_2227, %swap3A_2228] {strides = array<i32>} : memref<8x364xf32, #tpu.memory_space<vmem>>, vector<16xf32>,
      tpu.vector_store %arg7[%swap3A_2227, %swap3A_2228], %sub3A_2225 {strides = array<i32>} : memref<8x364xf32, #tpu.memory_space<vmem>>, vector<16xf32>,
      %broadcast_in_dim3A_2230 = arith.constant 2 : i32
      %broadcast_in_dim3A_2231 = vector.broadcast %broadcast_in_dim3A_2230 : i32 to vector<16xi32>
      %gather3A_2232 = tpu.vector_load_idx %arg6[%broadcast_in_dim3A_2231, %get3A_2203] : memref<4x8192xf32, #tpu.memory_space<vmem>>[vector<16xi32>, vector<16xi32>], vector<16xf32>,
      %mul3A_2233 = arith.constant 1.200000e+01 : f32
      %mul3A_2234 = vector.broadcast %mul3A_2233 : f32 to vector<16xf32>
      %mul3A_2235 = arith.mulf %gather3A_2232, %mul3A_2234 : vector<16xf32>
      %sub3A_2236 = arith.constant 6.000000e+00 : f32
      %sub3A_2237 = vector.broadcast %sub3A_2236 : f32 to vector<16xf32>
      %sub3A_2238 = arith.subf %mul3A_2235, %sub3A_2237 : vector<16xf32>
      %swap3A_2239 = arith.constant 6 : i32
      %swap3A_2240 = arith.index_cast %swap3A_2239 : i32 to index
      %swap3A_2241 = arith.constant 96 : index
      %swap3A_2242 = tpu.vector_load %arg7[%swap3A_2240, %swap3A_2241] {strides = array<i32>} : memref<8x364xf32, #tpu.memory_space<vmem>>, vector<16xf32>,
      tpu.vector_store %arg7[%swap3A_2240, %swap3A_2241], %sub3A_2238 {strides = array<i32>} : memref<8x364xf32, #tpu.memory_space<vmem>>, vector<16xf32>,
      %broadcast_in_dim3A_2243 = arith.constant 3 : i32
      %broadcast_in_dim3A_2244 = vector.broadcast %broadcast_in_dim3A_2243 : i32 to vector<16xi32>
      %gather3A_2245 = tpu.vector_load_idx %arg6[%broadcast_in_dim3A_2244, %get3A_2203] : memref<4x8192xf32, #tpu.memory_space<vmem>>[vector<16xi32>, vector<16xi32>], vector<16xf32>,
      %mul3A_2246 = arith.constant 1.200000e+01 : f32
      %mul3A_2247 = vector.broadcast %mul3A_2246 : f32 to vector<16xf32>
      %mul3A_2248 = arith.mulf %gather3A_2245, %mul3A_2247 : vector<16xf32>
      %sub3A_2249 = arith.constant 6.000000e+00 : f32
      %sub3A_2250 = vector.broadcast %sub3A_2249 : f32 to vector<16xf32>
      %sub3A_2251 = arith.subf %mul3A_2248, %sub3A_2250 : vector<16xf32>
      %swap3A_2252 = arith.constant 7 : i32
      %swap3A_2253 = arith.index_cast %swap3A_2252 : i32 to index
      %swap3A_2254 = arith.constant 96 : index
      %swap3A_2255 = tpu.vector_load %arg7[%swap3A_2253, %swap3A_2254] {strides = array<i32>} : memref<8x364xf32, #tpu.memory_space<vmem>>, vector<16xf32>,
      tpu.vector_store %arg7[%swap3A_2253, %swap3A_2254], %sub3A_2251 {strides = array<i32>} : memref<8x364xf32, #tpu.memory_space<vmem>>, vector<16xf32>,
      %get3A_2256 = arith.constant 112 : index
      %get3A_2257 = tpu.vector_load %arg8[%get3A_2256] {strides = array<i32>} : memref<368xi32, #tpu.memory_space<vmem>>, vector<16xi32>,
      %broadcast_in_dim3A_2258 = arith.constant 0 : i32
      %broadcast_in_dim3A_2259 = vector.broadcast %broadcast_in_dim3A_2258 : i32 to vector<16xi32>
      %gather3A_2260 = tpu.vector_load_idx %arg6[%broadcast_in_dim3A_2259, %get3A_2257] : memref<4x8192xf32, #tpu.memory_space<vmem>>[vector<16xi32>, vector<16xi32>], vector<16xf32>,
      %mul3A_2261 = arith.constant 1.200000e+01 : f32
      %mul3A_2262 = vector.broadcast %mul3A_2261 : f32 to vector<16xf32>
      %mul3A_2263 = arith.mulf %gather3A_2260, %mul3A_2262 : vector<16xf32>
      %sub3A_2264 = arith.constant 6.000000e+00 : f32
      %sub3A_2265 = vector.broadcast %sub3A_2264 : f32 to vector<16xf32>
      %sub3A_2266 = arith.subf %mul3A_2263, %sub3A_2265 : vector<16xf32>
      %swap3A_2267 = arith.constant 4 : i32
      %swap3A_2268 = arith.index_cast %swap3A_2267 : i32 to index
      %swap3A_2269 = arith.constant 112 : index
      %swap3A_2270 = tpu.vector_load %arg7[%swap3A_2268, %swap3A_2269] {strides = array<i32>} : memref<8x364xf32, #tpu.memory_space<vmem>>, vector<16xf32>,
      tpu.vector_store %arg7[%swap3A_2268, %swap3A_2269], %sub3A_2266 {strides = array<i32>} : memref<8x364xf32, #tpu.memory_space<vmem>>, vector<16xf32>,
      %broadcast_in_dim3A_2271 = arith.constant 1 : i32
      %broadcast_in_dim3A_2272 = vector.broadcast %broadcast_in_dim3A_2271 : i32 to vector<16xi32>
      %gather3A_2273 = tpu.vector_load_idx %arg6[%broadcast_in_dim3A_2272, %get3A_2257] : memref<4x8192xf32, #tpu.memory_space<vmem>>[vector<16xi32>, vector<16xi32>], vector<16xf32>,
      %mul3A_2274 = arith.constant 1.200000e+01 : f32
      %mul3A_2275 = vector.broadcast %mul3A_2274 : f32 to vector<16xf32>
      %mul3A_2276 = arith.mulf %gather3A_2273, %mul3A_2275 : vector<16xf32>
      %sub3A_2277 = arith.constant 6.000000e+00 : f32
      %sub3A_2278 = vector.broadcast %sub3A_2277 : f32 to vector<16xf32>
      %sub3A_2279 = arith.subf %mul3A_2276, %sub3A_2278 : vector<16xf32>
      %swap3A_2280 = arith.constant 5 : i32
      %swap3A_2281 = arith.index_cast %swap3A_2280 : i32 to index
      %swap3A_2282 = arith.constant 112 : index
      %swap3A_2283 = tpu.vector_load %arg7[%swap3A_2281, %swap3A_2282] {strides = array<i32>} : memref<8x364xf32, #tpu.memory_space<vmem>>, vector<16xf32>,
      tpu.vector_store %arg7[%swap3A_2281, %swap3A_2282], %sub3A_2279 {strides = array<i32>} : memref<8x364xf32, #tpu.memory_space<vmem>>, vector<16xf32>,
      %broadcast_in_dim3A_2284 = arith.constant 2 : i32
      %broadcast_in_dim3A_2285 = vector.broadcast %broadcast_in_dim3A_2284 : i32 to vector<16xi32>
      %gather3A_2286 = tpu.vector_load_idx %arg6[%broadcast_in_dim3A_2285, %get3A_2257] : memref<4x8192xf32, #tpu.memory_space<vmem>>[vector<16xi32>, vector<16xi32>], vector<16xf32>,
      %mul3A_2287 = arith.constant 1.200000e+01 : f32
      %mul3A_2288 = vector.broadcast %mul3A_2287 : f32 to vector<16xf32>
      %mul3A_2289 = arith.mulf %gather3A_2286, %mul3A_2288 : vector<16xf32>
      %sub3A_2290 = arith.constant 6.000000e+00 : f32
      %sub3A_2291 = vector.broadcast %sub3A_2290 : f32 to vector<16xf32>
      %sub3A_2292 = arith.subf %mul3A_2289, %sub3A_2291 : vector<16xf32>
      %swap3A_2293 = arith.constant 6 : i32
      %swap3A_2294 = arith.index_cast %swap3A_2293 : i32 to index
      %swap3A_2295 = arith.constant 112 : index
      %swap3A_2296 = tpu.vector_load %arg7[%swap3A_2294, %swap3A_2295] {strides = array<i32>} : memref<8x364xf32, #tpu.memory_space<vmem>>, vector<16xf32>,
      tpu.vector_store %arg7[%swap3A_2294, %swap3A_2295], %sub3A_2292 {strides = array<i32>} : memref<8x364xf32, #tpu.memory_space<vmem>>, vector<16xf32>,
      %broadcast_in_dim3A_2297 = arith.constant 3 : i32
      %broadcast_in_dim3A_2298 = vector.broadcast %broadcast_in_dim3A_2297 : i32 to vector<16xi32>
      %gather3A_2299 = tpu.vector_load_idx %arg6[%broadcast_in_dim3A_2298, %get3A_2257] : memref<4x8192xf32, #tpu.memory_space<vmem>>[vector<16xi32>, vector<16xi32>], vector<16xf32>,
      %mul3A_2300 = arith.constant 1.200000e+01 : f32
      %mul3A_2301 = vector.broadcast %mul3A_2300 : f32 to vector<16xf32>
      %mul3A_2302 = arith.mulf %gather3A_2299, %mul3A_2301 : vector<16xf32>
      %sub3A_2303 = arith.constant 6.000000e+00 : f32
      %sub3A_2304 = vector.broadcast %sub3A_2303 : f32 to vector<16xf32>
      %sub3A_2305 = arith.subf %mul3A_2302, %sub3A_2304 : vector<16xf32>
      %swap3A_2306 = arith.constant 7 : i32
      %swap3A_2307 = arith.index_cast %swap3A_2306 : i32 to index
      %swap3A_2308 = arith.constant 112 : index
      %swap3A_2309 = tpu.vector_load %arg7[%swap3A_2307, %swap3A_2308] {strides = array<i32>} : memref<8x364xf32, #tpu.memory_space<vmem>>, vector<16xf32>,
      tpu.vector_store %arg7[%swap3A_2307, %swap3A_2308], %sub3A_2305 {strides = array<i32>} : memref<8x364xf32, #tpu.memory_space<vmem>>, vector<16xf32>,
      %get3A_2310 = arith.constant 128 : index
      %get3A_2311 = tpu.vector_load %arg8[%get3A_2310] {strides = array<i32>} : memref<368xi32, #tpu.memory_space<vmem>>, vector<16xi32>,
      %broadcast_in_dim3A_2312 = arith.constant 0 : i32
      %broadcast_in_dim3A_2313 = vector.broadcast %broadcast_in_dim3A_2312 : i32 to vector<16xi32>
      %gather3A_2314 = tpu.vector_load_idx %arg6[%broadcast_in_dim3A_2313, %get3A_2311] : memref<4x8192xf32, #tpu.memory_space<vmem>>[vector<16xi32>, vector<16xi32>], vector<16xf32>,
      %mul3A_2315 = arith.constant 1.200000e+01 : f32
      %mul3A_2316 = vector.broadcast %mul3A_2315 : f32 to vector<16xf32>
      %mul3A_2317 = arith.mulf %gather3A_2314, %mul3A_2316 : vector<16xf32>
      %sub3A_2318 = arith.constant 6.000000e+00 : f32
      %sub3A_2319 = vector.broadcast %sub3A_2318 : f32 to vector<16xf32>
      %sub3A_2320 = arith.subf %mul3A_2317, %sub3A_2319 : vector<16xf32>
      %swap3A_2321 = arith.constant 4 : i32
      %swap3A_2322 = arith.index_cast %swap3A_2321 : i32 to index
      %swap3A_2323 = arith.constant 128 : index
      %swap3A_2324 = tpu.vector_load %arg7[%swap3A_2322, %swap3A_2323] {strides = array<i32>} : memref<8x364xf32, #tpu.memory_space<vmem>>, vector<16xf32>,
      tpu.vector_store %arg7[%swap3A_2322, %swap3A_2323], %sub3A_2320 {strides = array<i32>} : memref<8x364xf32, #tpu.memory_space<vmem>>, vector<16xf32>,
      %broadcast_in_dim3A_2325 = arith.constant 1 : i32
      %broadcast_in_dim3A_2326 = vector.broadcast %broadcast_in_dim3A_2325 : i32 to vector<16xi32>
      %gather3A_2327 = tpu.vector_load_idx %arg6[%broadcast_in_dim3A_2326, %get3A_2311] : memref<4x8192xf32, #tpu.memory_space<vmem>>[vector<16xi32>, vector<16xi32>], vector<16xf32>,
      %mul3A_2328 = arith.constant 1.200000e+01 : f32
      %mul3A_2329 = vector.broadcast %mul3A_2328 : f32 to vector<16xf32>
      %mul3A_2330 = arith.mulf %gather3A_2327, %mul3A_2329 : vector<16xf32>
      %sub3A_2331 = arith.constant 6.000000e+00 : f32
      %sub3A_2332 = vector.broadcast %sub3A_2331 : f32 to vector<16xf32>
      %sub3A_2333 = arith.subf %mul3A_2330, %sub3A_2332 : vector<16xf32>
      %swap3A_2334 = arith.constant 5 : i32
      %swap3A_2335 = arith.index_cast %swap3A_2334 : i32 to index
      %swap3A_2336 = arith.constant 128 : index
      %swap3A_2337 = tpu.vector_load %arg7[%swap3A_2335, %swap3A_2336] {strides = array<i32>} : memref<8x364xf32, #tpu.memory_space<vmem>>, vector<16xf32>,
      tpu.vector_store %arg7[%swap3A_2335, %swap3A_2336], %sub3A_2333 {strides = array<i32>} : memref<8x364xf32, #tpu.memory_space<vmem>>, vector<16xf32>,
      %broadcast_in_dim3A_2338 = arith.constant 2 : i32
      %broadcast_in_dim3A_2339 = vector.broadcast %broadcast_in_dim3A_2338 : i32 to vector<16xi32>
      %gather3A_2340 = tpu.vector_load_idx %arg6[%broadcast_in_dim3A_2339, %get3A_2311] : memref<4x8192xf32, #tpu.memory_space<vmem>>[vector<16xi32>, vector<16xi32>], vector<16xf32>,
      %mul3A_2341 = arith.constant 1.200000e+01 : f32
      %mul3A_2342 = vector.broadcast %mul3A_2341 : f32 to vector<16xf32>
      %mul3A_2343 = arith.mulf %gather3A_2340, %mul3A_2342 : vector<16xf32>
      %sub3A_2344 = arith.constant 6.000000e+00 : f32
      %sub3A_2345 = vector.broadcast %sub3A_2344 : f32 to vector<16xf32>
      %sub3A_2346 = arith.subf %mul3A_2343, %sub3A_2345 : vector<16xf32>
      %swap3A_2347 = arith.constant 6 : i32
      %swap3A_2348 = arith.index_cast %swap3A_2347 : i32 to index
      %swap3A_2349 = arith.constant 128 : index
      %swap3A_2350 = tpu.vector_load %arg7[%swap3A_2348, %swap3A_2349] {strides = array<i32>} : memref<8x364xf32, #tpu.memory_space<vmem>>, vector<16xf32>,
      tpu.vector_store %arg7[%swap3A_2348, %swap3A_2349], %sub3A_2346 {strides = array<i32>} : memref<8x364xf32, #tpu.memory_space<vmem>>, vector<16xf32>,
      %broadcast_in_dim3A_2351 = arith.constant 3 : i32
      %broadcast_in_dim3A_2352 = vector.broadcast %broadcast_in_dim3A_2351 : i32 to vector<16xi32>
      %gather3A_2353 = tpu.vector_load_idx %arg6[%broadcast_in_dim3A_2352, %get3A_2311] : memref<4x8192xf32, #tpu.memory_space<vmem>>[vector<16xi32>, vector<16xi32>], vector<16xf32>,
      %mul3A_2354 = arith.constant 1.200000e+01 : f32
      %mul3A_2355 = vector.broadcast %mul3A_2354 : f32 to vector<16xf32>
      %mul3A_2356 = arith.mulf %gather3A_2353, %mul3A_2355 : vector<16xf32>
      %sub3A_2357 = arith.constant 6.000000e+00 : f32
      %sub3A_2358 = vector.broadcast %sub3A_2357 : f32 to vector<16xf32>
      %sub3A_2359 = arith.subf %mul3A_2356, %sub3A_2358 : vector<16xf32>
      %swap3A_2360 = arith.constant 7 : i32
      %swap3A_2361 = arith.index_cast %swap3A_2360 : i32 to index
      %swap3A_2362 = arith.constant 128 : index
      %swap3A_2363 = tpu.vector_load %arg7[%swap3A_2361, %swap3A_2362] {strides = array<i32>} : memref<8x364xf32, #tpu.memory_space<vmem>>, vector<16xf32>,
      tpu.vector_store %arg7[%swap3A_2361, %swap3A_2362], %sub3A_2359 {strides = array<i32>} : memref<8x364xf32, #tpu.memory_space<vmem>>, vector<16xf32>,
      %get3A_2364 = arith.constant 144 : index
      %get3A_2365 = tpu.vector_load %arg8[%get3A_2364] {strides = array<i32>} : memref<368xi32, #tpu.memory_space<vmem>>, vector<16xi32>,
      %broadcast_in_dim3A_2366 = arith.constant 0 : i32
      %broadcast_in_dim3A_2367 = vector.broadcast %broadcast_in_dim3A_2366 : i32 to vector<16xi32>
      %gather3A_2368 = tpu.vector_load_idx %arg6[%broadcast_in_dim3A_2367, %get3A_2365] : memref<4x8192xf32, #tpu.memory_space<vmem>>[vector<16xi32>, vector<16xi32>], vector<16xf32>,
      %mul3A_2369 = arith.constant 1.200000e+01 : f32
      %mul3A_2370 = vector.broadcast %mul3A_2369 : f32 to vector<16xf32>
      %mul3A_2371 = arith.mulf %gather3A_2368, %mul3A_2370 : vector<16xf32>
      %sub3A_2372 = arith.constant 6.000000e+00 : f32
      %sub3A_2373 = vector.broadcast %sub3A_2372 : f32 to vector<16xf32>
      %sub3A_2374 = arith.subf %mul3A_2371, %sub3A_2373 : vector<16xf32>
      %swap3A_2375 = arith.constant 4 : i32
      %swap3A_2376 = arith.index_cast %swap3A_2375 : i32 to index
      %swap3A_2377 = arith.constant 144 : index
      %swap3A_2378 = tpu.vector_load %arg7[%swap3A_2376, %swap3A_2377] {strides = array<i32>} : memref<8x364xf32, #tpu.memory_space<vmem>>, vector<16xf32>,
      tpu.vector_store %arg7[%swap3A_2376, %swap3A_2377], %sub3A_2374 {strides = array<i32>} : memref<8x364xf32, #tpu.memory_space<vmem>>, vector<16xf32>,
      %broadcast_in_dim3A_2379 = arith.constant 1 : i32
      %broadcast_in_dim3A_2380 = vector.broadcast %broadcast_in_dim3A_2379 : i32 to vector<16xi32>
      %gather3A_2381 = tpu.vector_load_idx %arg6[%broadcast_in_dim3A_2380, %get3A_2365] : memref<4x8192xf32, #tpu.memory_space<vmem>>[vector<16xi32>, vector<16xi32>], vector<16xf32>,
      %mul3A_2382 = arith.constant 1.200000e+01 : f32
      %mul3A_2383 = vector.broadcast %mul3A_2382 : f32 to vector<16xf32>
      %mul3A_2384 = arith.mulf %gather3A_2381, %mul3A_2383 : vector<16xf32>
      %sub3A_2385 = arith.constant 6.000000e+00 : f32
      %sub3A_2386 = vector.broadcast %sub3A_2385 : f32 to vector<16xf32>
      %sub3A_2387 = arith.subf %mul3A_2384, %sub3A_2386 : vector<16xf32>
      %swap3A_2388 = arith.constant 5 : i32
      %swap3A_2389 = arith.index_cast %swap3A_2388 : i32 to index
      %swap3A_2390 = arith.constant 144 : index
      %swap3A_2391 = tpu.vector_load %arg7[%swap3A_2389, %swap3A_2390] {strides = array<i32>} : memref<8x364xf32, #tpu.memory_space<vmem>>, vector<16xf32>,
      tpu.vector_store %arg7[%swap3A_2389, %swap3A_2390], %sub3A_2387 {strides = array<i32>} : memref<8x364xf32, #tpu.memory_space<vmem>>, vector<16xf32>,
      %broadcast_in_dim3A_2392 = arith.constant 2 : i32
      %broadcast_in_dim3A_2393 = vector.broadcast %broadcast_in_dim3A_2392 : i32 to vector<16xi32>
      %gather3A_2394 = tpu.vector_load_idx %arg6[%broadcast_in_dim3A_2393, %get3A_2365] : memref<4x8192xf32, #tpu.memory_space<vmem>>[vector<16xi32>, vector<16xi32>], vector<16xf32>,
      %mul3A_2395 = arith.constant 1.200000e+01 : f32
      %mul3A_2396 = vector.broadcast %mul3A_2395 : f32 to vector<16xf32>
      %mul3A_2397 = arith.mulf %gather3A_2394, %mul3A_2396 : vector<16xf32>
      %sub3A_2398 = arith.constant 6.000000e+00 : f32
      %sub3A_2399 = vector.broadcast %sub3A_2398 : f32 to vector<16xf32>
      %sub3A_2400 = arith.subf %mul3A_2397, %sub3A_2399 : vector<16xf32>
      %swap3A_2401 = arith.constant 6 : i32
      %swap3A_2402 = arith.index_cast %swap3A_2401 : i32 to index
      %swap3A_2403 = arith.constant 144 : index
      %swap3A_2404 = tpu.vector_load %arg7[%swap3A_2402, %swap3A_2403] {strides = array<i32>} : memref<8x364xf32, #tpu.memory_space<vmem>>, vector<16xf32>,
      tpu.vector_store %arg7[%swap3A_2402, %swap3A_2403], %sub3A_2400 {strides = array<i32>} : memref<8x364xf32, #tpu.memory_space<vmem>>, vector<16xf32>,
      %broadcast_in_dim3A_2405 = arith.constant 3 : i32
      %broadcast_in_dim3A_2406 = vector.broadcast %broadcast_in_dim3A_2405 : i32 to vector<16xi32>
      %gather3A_2407 = tpu.vector_load_idx %arg6[%broadcast_in_dim3A_2406, %get3A_2365] : memref<4x8192xf32, #tpu.memory_space<vmem>>[vector<16xi32>, vector<16xi32>], vector<16xf32>,
      %mul3A_2408 = arith.constant 1.200000e+01 : f32
      %mul3A_2409 = vector.broadcast %mul3A_2408 : f32 to vector<16xf32>
      %mul3A_2410 = arith.mulf %gather3A_2407, %mul3A_2409 : vector<16xf32>
      %sub3A_2411 = arith.constant 6.000000e+00 : f32
      %sub3A_2412 = vector.broadcast %sub3A_2411 : f32 to vector<16xf32>
      %sub3A_2413 = arith.subf %mul3A_2410, %sub3A_2412 : vector<16xf32>
      %swap3A_2414 = arith.constant 7 : i32
      %swap3A_2415 = arith.index_cast %swap3A_2414 : i32 to index
      %swap3A_2416 = arith.constant 144 : index
      %swap3A_2417 = tpu.vector_load %arg7[%swap3A_2415, %swap3A_2416] {strides = array<i32>} : memref<8x364xf32, #tpu.memory_space<vmem>>, vector<16xf32>,
      tpu.vector_store %arg7[%swap3A_2415, %swap3A_2416], %sub3A_2413 {strides = array<i32>} : memref<8x364xf32, #tpu.memory_space<vmem>>, vector<16xf32>,
      %get3A_2418 = arith.constant 160 : index
      %get3A_2419 = tpu.vector_load %arg8[%get3A_2418] {strides = array<i32>} : memref<368xi32, #tpu.memory_space<vmem>>, vector<16xi32>,
      %broadcast_in_dim3A_2420 = arith.constant 0 : i32
      %broadcast_in_dim3A_2421 = vector.broadcast %broadcast_in_dim3A_2420 : i32 to vector<16xi32>
      %gather3A_2422 = tpu.vector_load_idx %arg6[%broadcast_in_dim3A_2421, %get3A_2419] : memref<4x8192xf32, #tpu.memory_space<vmem>>[vector<16xi32>, vector<16xi32>], vector<16xf32>,
      %mul3A_2423 = arith.constant 1.200000e+01 : f32
      %mul3A_2424 = vector.broadcast %mul3A_2423 : f32 to vector<16xf32>
      %mul3A_2425 = arith.mulf %gather3A_2422, %mul3A_2424 : vector<16xf32>
      %sub3A_2426 = arith.constant 6.000000e+00 : f32
      %sub3A_2427 = vector.broadcast %sub3A_2426 : f32 to vector<16xf32>
      %sub3A_2428 = arith.subf %mul3A_2425, %sub3A_2427 : vector<16xf32>
      %swap3A_2429 = arith.constant 4 : i32
      %swap3A_2430 = arith.index_cast %swap3A_2429 : i32 to index
      %swap3A_2431 = arith.constant 160 : index
      %swap3A_2432 = tpu.vector_load %arg7[%swap3A_2430, %swap3A_2431] {strides = array<i32>} : memref<8x364xf32, #tpu.memory_space<vmem>>, vector<16xf32>,
      tpu.vector_store %arg7[%swap3A_2430, %swap3A_2431], %sub3A_2428 {strides = array<i32>} : memref<8x364xf32, #tpu.memory_space<vmem>>, vector<16xf32>,
      %broadcast_in_dim3A_2433 = arith.constant 1 : i32
      %broadcast_in_dim3A_2434 = vector.broadcast %broadcast_in_dim3A_2433 : i32 to vector<16xi32>
      %gather3A_2435 = tpu.vector_load_idx %arg6[%broadcast_in_dim3A_2434, %get3A_2419] : memref<4x8192xf32, #tpu.memory_space<vmem>>[vector<16xi32>, vector<16xi32>], vector<16xf32>,
      %mul3A_2436 = arith.constant 1.200000e+01 : f32
      %mul3A_2437 = vector.broadcast %mul3A_2436 : f32 to vector<16xf32>
      %mul3A_2438 = arith.mulf %gather3A_2435, %mul3A_2437 : vector<16xf32>
      %sub3A_2439 = arith.constant 6.000000e+00 : f32
      %sub3A_2440 = vector.broadcast %sub3A_2439 : f32 to vector<16xf32>
      %sub3A_2441 = arith.subf %mul3A_2438, %sub3A_2440 : vector<16xf32>
      %swap3A_2442 = arith.constant 5 : i32
      %swap3A_2443 = arith.index_cast %swap3A_2442 : i32 to index
      %swap3A_2444 = arith.constant 160 : index
      %swap3A_2445 = tpu.vector_load %arg7[%swap3A_2443, %swap3A_2444] {strides = array<i32>} : memref<8x364xf32, #tpu.memory_space<vmem>>, vector<16xf32>,
      tpu.vector_store %arg7[%swap3A_2443, %swap3A_2444], %sub3A_2441 {strides = array<i32>} : memref<8x364xf32, #tpu.memory_space<vmem>>, vector<16xf32>,
      %broadcast_in_dim3A_2446 = arith.constant 2 : i32
      %broadcast_in_dim3A_2447 = vector.broadcast %broadcast_in_dim3A_2446 : i32 to vector<16xi32>
      %gather3A_2448 = tpu.vector_load_idx %arg6[%broadcast_in_dim3A_2447, %get3A_2419] : memref<4x8192xf32, #tpu.memory_space<vmem>>[vector<16xi32>, vector<16xi32>], vector<16xf32>,
      %mul3A_2449 = arith.constant 1.200000e+01 : f32
      %mul3A_2450 = vector.broadcast %mul3A_2449 : f32 to vector<16xf32>
      %mul3A_2451 = arith.mulf %gather3A_2448, %mul3A_2450 : vector<16xf32>
      %sub3A_2452 = arith.constant 6.000000e+00 : f32
      %sub3A_2453 = vector.broadcast %sub3A_2452 : f32 to vector<16xf32>
      %sub3A_2454 = arith.subf %mul3A_2451, %sub3A_2453 : vector<16xf32>
      %swap3A_2455 = arith.constant 6 : i32
      %swap3A_2456 = arith.index_cast %swap3A_2455 : i32 to index
      %swap3A_2457 = arith.constant 160 : index
      %swap3A_2458 = tpu.vector_load %arg7[%swap3A_2456, %swap3A_2457] {strides = array<i32>} : memref<8x364xf32, #tpu.memory_space<vmem>>, vector<16xf32>,
      tpu.vector_store %arg7[%swap3A_2456, %swap3A_2457], %sub3A_2454 {strides = array<i32>} : memref<8x364xf32, #tpu.memory_space<vmem>>, vector<16xf32>,
      %broadcast_in_dim3A_2459 = arith.constant 3 : i32
      %broadcast_in_dim3A_2460 = vector.broadcast %broadcast_in_dim3A_2459 : i32 to vector<16xi32>
      %gather3A_2461 = tpu.vector_load_idx %arg6[%broadcast_in_dim3A_2460, %get3A_2419] : memref<4x8192xf32, #tpu.memory_space<vmem>>[vector<16xi32>, vector<16xi32>], vector<16xf32>,
      %mul3A_2462 = arith.constant 1.200000e+01 : f32
      %mul3A_2463 = vector.broadcast %mul3A_2462 : f32 to vector<16xf32>
      %mul3A_2464 = arith.mulf %gather3A_2461, %mul3A_2463 : vector<16xf32>
      %sub3A_2465 = arith.constant 6.000000e+00 : f32
      %sub3A_2466 = vector.broadcast %sub3A_2465 : f32 to vector<16xf32>
      %sub3A_2467 = arith.subf %mul3A_2464, %sub3A_2466 : vector<16xf32>
      %swap3A_2468 = arith.constant 7 : i32
      %swap3A_2469 = arith.index_cast %swap3A_2468 : i32 to index
      %swap3A_2470 = arith.constant 160 : index
      %swap3A_2471 = tpu.vector_load %arg7[%swap3A_2469, %swap3A_2470] {strides = array<i32>} : memref<8x364xf32, #tpu.memory_space<vmem>>, vector<16xf32>,
      tpu.vector_store %arg7[%swap3A_2469, %swap3A_2470], %sub3A_2467 {strides = array<i32>} : memref<8x364xf32, #tpu.memory_space<vmem>>, vector<16xf32>,
      %get3A_2472 = arith.constant 176 : index
      %get3A_2473 = tpu.vector_load %arg8[%get3A_2472] {strides = array<i32>} : memref<368xi32, #tpu.memory_space<vmem>>, vector<16xi32>,
      %broadcast_in_dim3A_2474 = arith.constant 0 : i32
      %broadcast_in_dim3A_2475 = vector.broadcast %broadcast_in_dim3A_2474 : i32 to vector<16xi32>
      %gather3A_2476 = tpu.vector_load_idx %arg6[%broadcast_in_dim3A_2475, %get3A_2473] : memref<4x8192xf32, #tpu.memory_space<vmem>>[vector<16xi32>, vector<16xi32>], vector<16xf32>,
      %mul3A_2477 = arith.constant 1.200000e+01 : f32
      %mul3A_2478 = vector.broadcast %mul3A_2477 : f32 to vector<16xf32>
      %mul3A_2479 = arith.mulf %gather3A_2476, %mul3A_2478 : vector<16xf32>
      %sub3A_2480 = arith.constant 6.000000e+00 : f32
      %sub3A_2481 = vector.broadcast %sub3A_2480 : f32 to vector<16xf32>
      %sub3A_2482 = arith.subf %mul3A_2479, %sub3A_2481 : vector<16xf32>
      %swap3A_2483 = arith.constant 4 : i32
      %swap3A_2484 = arith.index_cast %swap3A_2483 : i32 to index
      %swap3A_2485 = arith.constant 176 : index
      %swap3A_2486 = tpu.vector_load %arg7[%swap3A_2484, %swap3A_2485] {strides = array<i32>} : memref<8x364xf32, #tpu.memory_space<vmem>>, vector<16xf32>,
      tpu.vector_store %arg7[%swap3A_2484, %swap3A_2485], %sub3A_2482 {strides = array<i32>} : memref<8x364xf32, #tpu.memory_space<vmem>>, vector<16xf32>,
      %broadcast_in_dim3A_2487 = arith.constant 1 : i32
      %broadcast_in_dim3A_2488 = vector.broadcast %broadcast_in_dim3A_2487 : i32 to vector<16xi32>
      %gather3A_2489 = tpu.vector_load_idx %arg6[%broadcast_in_dim3A_2488, %get3A_2473] : memref<4x8192xf32, #tpu.memory_space<vmem>>[vector<16xi32>, vector<16xi32>], vector<16xf32>,
      %mul3A_2490 = arith.constant 1.200000e+01 : f32
      %mul3A_2491 = vector.broadcast %mul3A_2490 : f32 to vector<16xf32>
      %mul3A_2492 = arith.mulf %gather3A_2489, %mul3A_2491 : vector<16xf32>
      %sub3A_2493 = arith.constant 6.000000e+00 : f32
      %sub3A_2494 = vector.broadcast %sub3A_2493 : f32 to vector<16xf32>
      %sub3A_2495 = arith.subf %mul3A_2492, %sub3A_2494 : vector<16xf32>
      %swap3A_2496 = arith.constant 5 : i32
      %swap3A_2497 = arith.index_cast %swap3A_2496 : i32 to index
      %swap3A_2498 = arith.constant 176 : index
      %swap3A_2499 = tpu.vector_load %arg7[%swap3A_2497, %swap3A_2498] {strides = array<i32>} : memref<8x364xf32, #tpu.memory_space<vmem>>, vector<16xf32>,
      tpu.vector_store %arg7[%swap3A_2497, %swap3A_2498], %sub3A_2495 {strides = array<i32>} : memref<8x364xf32, #tpu.memory_space<vmem>>, vector<16xf32>,
      %broadcast_in_dim3A_2500 = arith.constant 2 : i32
      %broadcast_in_dim3A_2501 = vector.broadcast %broadcast_in_dim3A_2500 : i32 to vector<16xi32>
      %gather3A_2502 = tpu.vector_load_idx %arg6[%broadcast_in_dim3A_2501, %get3A_2473] : memref<4x8192xf32, #tpu.memory_space<vmem>>[vector<16xi32>, vector<16xi32>], vector<16xf32>,
      %mul3A_2503 = arith.constant 1.200000e+01 : f32
      %mul3A_2504 = vector.broadcast %mul3A_2503 : f32 to vector<16xf32>
      %mul3A_2505 = arith.mulf %gather3A_2502, %mul3A_2504 : vector<16xf32>
      %sub3A_2506 = arith.constant 6.000000e+00 : f32
      %sub3A_2507 = vector.broadcast %sub3A_2506 : f32 to vector<16xf32>
      %sub3A_2508 = arith.subf %mul3A_2505, %sub3A_2507 : vector<16xf32>
      %swap3A_2509 = arith.constant 6 : i32
      %swap3A_2510 = arith.index_cast %swap3A_2509 : i32 to index
      %swap3A_2511 = arith.constant 176 : index
      %swap3A_2512 = tpu.vector_load %arg7[%swap3A_2510, %swap3A_2511] {strides = array<i32>} : memref<8x364xf32, #tpu.memory_space<vmem>>, vector<16xf32>,
      tpu.vector_store %arg7[%swap3A_2510, %swap3A_2511], %sub3A_2508 {strides = array<i32>} : memref<8x364xf32, #tpu.memory_space<vmem>>, vector<16xf32>,
      %broadcast_in_dim3A_2513 = arith.constant 3 : i32
      %broadcast_in_dim3A_2514 = vector.broadcast %broadcast_in_dim3A_2513 : i32 to vector<16xi32>
      %gather3A_2515 = tpu.vector_load_idx %arg6[%broadcast_in_dim3A_2514, %get3A_2473] : memref<4x8192xf32, #tpu.memory_space<vmem>>[vector<16xi32>, vector<16xi32>], vector<16xf32>,
      %mul3A_2516 = arith.constant 1.200000e+01 : f32
      %mul3A_2517 = vector.broadcast %mul3A_2516 : f32 to vector<16xf32>
      %mul3A_2518 = arith.mulf %gather3A_2515, %mul3A_2517 : vector<16xf32>
      %sub3A_2519 = arith.constant 6.000000e+00 : f32
      %sub3A_2520 = vector.broadcast %sub3A_2519 : f32 to vector<16xf32>
      %sub3A_2521 = arith.subf %mul3A_2518, %sub3A_2520 : vector<16xf32>
      %swap3A_2522 = arith.constant 7 : i32
      %swap3A_2523 = arith.index_cast %swap3A_2522 : i32 to index
      %swap3A_2524 = arith.constant 176 : index
      %swap3A_2525 = tpu.vector_load %arg7[%swap3A_2523, %swap3A_2524] {strides = array<i32>} : memref<8x364xf32, #tpu.memory_space<vmem>>, vector<16xf32>,
      tpu.vector_store %arg7[%swap3A_2523, %swap3A_2524], %sub3A_2521 {strides = array<i32>} : memref<8x364xf32, #tpu.memory_space<vmem>>, vector<16xf32>,
      %get3A_2526 = arith.constant 192 : index
      %get3A_2527 = tpu.vector_load %arg8[%get3A_2526] {strides = array<i32>} : memref<368xi32, #tpu.memory_space<vmem>>, vector<16xi32>,
      %broadcast_in_dim3A_2528 = arith.constant 0 : i32
      %broadcast_in_dim3A_2529 = vector.broadcast %broadcast_in_dim3A_2528 : i32 to vector<16xi32>
      %gather3A_2530 = tpu.vector_load_idx %arg6[%broadcast_in_dim3A_2529, %get3A_2527] : memref<4x8192xf32, #tpu.memory_space<vmem>>[vector<16xi32>, vector<16xi32>], vector<16xf32>,
      %mul3A_2531 = arith.constant 1.200000e+01 : f32
      %mul3A_2532 = vector.broadcast %mul3A_2531 : f32 to vector<16xf32>
      %mul3A_2533 = arith.mulf %gather3A_2530, %mul3A_2532 : vector<16xf32>
      %sub3A_2534 = arith.constant 6.000000e+00 : f32
      %sub3A_2535 = vector.broadcast %sub3A_2534 : f32 to vector<16xf32>
      %sub3A_2536 = arith.subf %mul3A_2533, %sub3A_2535 : vector<16xf32>
      %swap3A_2537 = arith.constant 4 : i32
      %swap3A_2538 = arith.index_cast %swap3A_2537 : i32 to index
      %swap3A_2539 = arith.constant 192 : index
      %swap3A_2540 = tpu.vector_load %arg7[%swap3A_2538, %swap3A_2539] {strides = array<i32>} : memref<8x364xf32, #tpu.memory_space<vmem>>, vector<16xf32>,
      tpu.vector_store %arg7[%swap3A_2538, %swap3A_2539], %sub3A_2536 {strides = array<i32>} : memref<8x364xf32, #tpu.memory_space<vmem>>, vector<16xf32>,
      %broadcast_in_dim3A_2541 = arith.constant 1 : i32
      %broadcast_in_dim3A_2542 = vector.broadcast %broadcast_in_dim3A_2541 : i32 to vector<16xi32>
      %gather3A_2543 = tpu.vector_load_idx %arg6[%broadcast_in_dim3A_2542, %get3A_2527] : memref<4x8192xf32, #tpu.memory_space<vmem>>[vector<16xi32>, vector<16xi32>], vector<16xf32>,
      %mul3A_2544 = arith.constant 1.200000e+01 : f32
      %mul3A_2545 = vector.broadcast %mul3A_2544 : f32 to vector<16xf32>
      %mul3A_2546 = arith.mulf %gather3A_2543, %mul3A_2545 : vector<16xf32>
      %sub3A_2547 = arith.constant 6.000000e+00 : f32
      %sub3A_2548 = vector.broadcast %sub3A_2547 : f32 to vector<16xf32>
      %sub3A_2549 = arith.subf %mul3A_2546, %sub3A_2548 : vector<16xf32>
      %swap3A_2550 = arith.constant 5 : i32
      %swap3A_2551 = arith.index_cast %swap3A_2550 : i32 to index
      %swap3A_2552 = arith.constant 192 : index
      %swap3A_2553 = tpu.vector_load %arg7[%swap3A_2551, %swap3A_2552] {strides = array<i32>} : memref<8x364xf32, #tpu.memory_space<vmem>>, vector<16xf32>,
      tpu.vector_store %arg7[%swap3A_2551, %swap3A_2552], %sub3A_2549 {strides = array<i32>} : memref<8x364xf32, #tpu.memory_space<vmem>>, vector<16xf32>,
      %broadcast_in_dim3A_2554 = arith.constant 2 : i32
      %broadcast_in_dim3A_2555 = vector.broadcast %broadcast_in_dim3A_2554 : i32 to vector<16xi32>
      %gather3A_2556 = tpu.vector_load_idx %arg6[%broadcast_in_dim3A_2555, %get3A_2527] : memref<4x8192xf32, #tpu.memory_space<vmem>>[vector<16xi32>, vector<16xi32>], vector<16xf32>,
      %mul3A_2557 = arith.constant 1.200000e+01 : f32
      %mul3A_2558 = vector.broadcast %mul3A_2557 : f32 to vector<16xf32>
      %mul3A_2559 = arith.mulf %gather3A_2556, %mul3A_2558 : vector<16xf32>
      %sub3A_2560 = arith.constant 6.000000e+00 : f32
      %sub3A_2561 = vector.broadcast %sub3A_2560 : f32 to vector<16xf32>
      %sub3A_2562 = arith.subf %mul3A_2559, %sub3A_2561 : vector<16xf32>
      %swap3A_2563 = arith.constant 6 : i32
      %swap3A_2564 = arith.index_cast %swap3A_2563 : i32 to index
      %swap3A_2565 = arith.constant 192 : index
      %swap3A_2566 = tpu.vector_load %arg7[%swap3A_2564, %swap3A_2565] {strides = array<i32>} : memref<8x364xf32, #tpu.memory_space<vmem>>, vector<16xf32>,
      tpu.vector_store %arg7[%swap3A_2564, %swap3A_2565], %sub3A_2562 {strides = array<i32>} : memref<8x364xf32, #tpu.memory_space<vmem>>, vector<16xf32>,
      %broadcast_in_dim3A_2567 = arith.constant 3 : i32
      %broadcast_in_dim3A_2568 = vector.broadcast %broadcast_in_dim3A_2567 : i32 to vector<16xi32>
      %gather3A_2569 = tpu.vector_load_idx %arg6[%broadcast_in_dim3A_2568, %get3A_2527] : memref<4x8192xf32, #tpu.memory_space<vmem>>[vector<16xi32>, vector<16xi32>], vector<16xf32>,
      %mul3A_2570 = arith.constant 1.200000e+01 : f32
      %mul3A_2571 = vector.broadcast %mul3A_2570 : f32 to vector<16xf32>
      %mul3A_2572 = arith.mulf %gather3A_2569, %mul3A_2571 : vector<16xf32>
      %sub3A_2573 = arith.constant 6.000000e+00 : f32
      %sub3A_2574 = vector.broadcast %sub3A_2573 : f32 to vector<16xf32>
      %sub3A_2575 = arith.subf %mul3A_2572, %sub3A_2574 : vector<16xf32>
      %swap3A_2576 = arith.constant 7 : i32
      %swap3A_2577 = arith.index_cast %swap3A_2576 : i32 to index
      %swap3A_2578 = arith.constant 192 : index
      %swap3A_2579 = tpu.vector_load %arg7[%swap3A_2577, %swap3A_2578] {strides = array<i32>} : memref<8x364xf32, #tpu.memory_space<vmem>>, vector<16xf32>,
      tpu.vector_store %arg7[%swap3A_2577, %swap3A_2578], %sub3A_2575 {strides = array<i32>} : memref<8x364xf32, #tpu.memory_space<vmem>>, vector<16xf32>,
      %get3A_2580 = arith.constant 208 : index
      %get3A_2581 = tpu.vector_load %arg8[%get3A_2580] {strides = array<i32>} : memref<368xi32, #tpu.memory_space<vmem>>, vector<16xi32>,
      %broadcast_in_dim3A_2582 = arith.constant 0 : i32
      %broadcast_in_dim3A_2583 = vector.broadcast %broadcast_in_dim3A_2582 : i32 to vector<16xi32>
      %gather3A_2584 = tpu.vector_load_idx %arg6[%broadcast_in_dim3A_2583, %get3A_2581] : memref<4x8192xf32, #tpu.memory_space<vmem>>[vector<16xi32>, vector<16xi32>], vector<16xf32>,
      %mul3A_2585 = arith.constant 1.200000e+01 : f32
      %mul3A_2586 = vector.broadcast %mul3A_2585 : f32 to vector<16xf32>
      %mul3A_2587 = arith.mulf %gather3A_2584, %mul3A_2586 : vector<16xf32>
      %sub3A_2588 = arith.constant 6.000000e+00 : f32
      %sub3A_2589 = vector.broadcast %sub3A_2588 : f32 to vector<16xf32>
      %sub3A_2590 = arith.subf %mul3A_2587, %sub3A_2589 : vector<16xf32>
      %swap3A_2591 = arith.constant 4 : i32
      %swap3A_2592 = arith.index_cast %swap3A_2591 : i32 to index
      %swap3A_2593 = arith.constant 208 : index
      %swap3A_2594 = tpu.vector_load %arg7[%swap3A_2592, %swap3A_2593] {strides = array<i32>} : memref<8x364xf32, #tpu.memory_space<vmem>>, vector<16xf32>,
      tpu.vector_store %arg7[%swap3A_2592, %swap3A_2593], %sub3A_2590 {strides = array<i32>} : memref<8x364xf32, #tpu.memory_space<vmem>>, vector<16xf32>,
      %broadcast_in_dim3A_2595 = arith.constant 1 : i32
      %broadcast_in_dim3A_2596 = vector.broadcast %broadcast_in_dim3A_2595 : i32 to vector<16xi32>
      %gather3A_2597 = tpu.vector_load_idx %arg6[%broadcast_in_dim3A_2596, %get3A_2581] : memref<4x8192xf32, #tpu.memory_space<vmem>>[vector<16xi32>, vector<16xi32>], vector<16xf32>,
      %mul3A_2598 = arith.constant 1.200000e+01 : f32
      %mul3A_2599 = vector.broadcast %mul3A_2598 : f32 to vector<16xf32>
      %mul3A_2600 = arith.mulf %gather3A_2597, %mul3A_2599 : vector<16xf32>
      %sub3A_2601 = arith.constant 6.000000e+00 : f32
      %sub3A_2602 = vector.broadcast %sub3A_2601 : f32 to vector<16xf32>
      %sub3A_2603 = arith.subf %mul3A_2600, %sub3A_2602 : vector<16xf32>
      %swap3A_2604 = arith.constant 5 : i32
      %swap3A_2605 = arith.index_cast %swap3A_2604 : i32 to index
      %swap3A_2606 = arith.constant 208 : index
      %swap3A_2607 = tpu.vector_load %arg7[%swap3A_2605, %swap3A_2606] {strides = array<i32>} : memref<8x364xf32, #tpu.memory_space<vmem>>, vector<16xf32>,
      tpu.vector_store %arg7[%swap3A_2605, %swap3A_2606], %sub3A_2603 {strides = array<i32>} : memref<8x364xf32, #tpu.memory_space<vmem>>, vector<16xf32>,
      %broadcast_in_dim3A_2608 = arith.constant 2 : i32
      %broadcast_in_dim3A_2609 = vector.broadcast %broadcast_in_dim3A_2608 : i32 to vector<16xi32>
      %gather3A_2610 = tpu.vector_load_idx %arg6[%broadcast_in_dim3A_2609, %get3A_2581] : memref<4x8192xf32, #tpu.memory_space<vmem>>[vector<16xi32>, vector<16xi32>], vector<16xf32>,
      %mul3A_2611 = arith.constant 1.200000e+01 : f32
      %mul3A_2612 = vector.broadcast %mul3A_2611 : f32 to vector<16xf32>
      %mul3A_2613 = arith.mulf %gather3A_2610, %mul3A_2612 : vector<16xf32>
      %sub3A_2614 = arith.constant 6.000000e+00 : f32
      %sub3A_2615 = vector.broadcast %sub3A_2614 : f32 to vector<16xf32>
      %sub3A_2616 = arith.subf %mul3A_2613, %sub3A_2615 : vector<16xf32>
      %swap3A_2617 = arith.constant 6 : i32
      %swap3A_2618 = arith.index_cast %swap3A_2617 : i32 to index
      %swap3A_2619 = arith.constant 208 : index
      %swap3A_2620 = tpu.vector_load %arg7[%swap3A_2618, %swap3A_2619] {strides = array<i32>} : memref<8x364xf32, #tpu.memory_space<vmem>>, vector<16xf32>,
      tpu.vector_store %arg7[%swap3A_2618, %swap3A_2619], %sub3A_2616 {strides = array<i32>} : memref<8x364xf32, #tpu.memory_space<vmem>>, vector<16xf32>,
      %broadcast_in_dim3A_2621 = arith.constant 3 : i32
      %broadcast_in_dim3A_2622 = vector.broadcast %broadcast_in_dim3A_2621 : i32 to vector<16xi32>
      %gather3A_2623 = tpu.vector_load_idx %arg6[%broadcast_in_dim3A_2622, %get3A_2581] : memref<4x8192xf32, #tpu.memory_space<vmem>>[vector<16xi32>, vector<16xi32>], vector<16xf32>,
      %mul3A_2624 = arith.constant 1.200000e+01 : f32
      %mul3A_2625 = vector.broadcast %mul3A_2624 : f32 to vector<16xf32>
      %mul3A_2626 = arith.mulf %gather3A_2623, %mul3A_2625 : vector<16xf32>
      %sub3A_2627 = arith.constant 6.000000e+00 : f32
      %sub3A_2628 = vector.broadcast %sub3A_2627 : f32 to vector<16xf32>
      %sub3A_2629 = arith.subf %mul3A_2626, %sub3A_2628 : vector<16xf32>
      %swap3A_2630 = arith.constant 7 : i32
      %swap3A_2631 = arith.index_cast %swap3A_2630 : i32 to index
      %swap3A_2632 = arith.constant 208 : index
      %swap3A_2633 = tpu.vector_load %arg7[%swap3A_2631, %swap3A_2632] {strides = array<i32>} : memref<8x364xf32, #tpu.memory_space<vmem>>, vector<16xf32>,
      tpu.vector_store %arg7[%swap3A_2631, %swap3A_2632], %sub3A_2629 {strides = array<i32>} : memref<8x364xf32, #tpu.memory_space<vmem>>, vector<16xf32>,
      %get3A_2634 = arith.constant 224 : index
      %get3A_2635 = tpu.vector_load %arg8[%get3A_2634] {strides = array<i32>} : memref<368xi32, #tpu.memory_space<vmem>>, vector<16xi32>,
      %broadcast_in_dim3A_2636 = arith.constant 0 : i32
      %broadcast_in_dim3A_2637 = vector.broadcast %broadcast_in_dim3A_2636 : i32 to vector<16xi32>
      %gather3A_2638 = tpu.vector_load_idx %arg6[%broadcast_in_dim3A_2637, %get3A_2635] : memref<4x8192xf32, #tpu.memory_space<vmem>>[vector<16xi32>, vector<16xi32>], vector<16xf32>,
      %mul3A_2639 = arith.constant 1.200000e+01 : f32
      %mul3A_2640 = vector.broadcast %mul3A_2639 : f32 to vector<16xf32>
      %mul3A_2641 = arith.mulf %gather3A_2638, %mul3A_2640 : vector<16xf32>
      %sub3A_2642 = arith.constant 6.000000e+00 : f32
      %sub3A_2643 = vector.broadcast %sub3A_2642 : f32 to vector<16xf32>
      %sub3A_2644 = arith.subf %mul3A_2641, %sub3A_2643 : vector<16xf32>
      %swap3A_2645 = arith.constant 4 : i32
      %swap3A_2646 = arith.index_cast %swap3A_2645 : i32 to index
      %swap3A_2647 = arith.constant 224 : index
      %swap3A_2648 = tpu.vector_load %arg7[%swap3A_2646, %swap3A_2647] {strides = array<i32>} : memref<8x364xf32, #tpu.memory_space<vmem>>, vector<16xf32>,
      tpu.vector_store %arg7[%swap3A_2646, %swap3A_2647], %sub3A_2644 {strides = array<i32>} : memref<8x364xf32, #tpu.memory_space<vmem>>, vector<16xf32>,
      %broadcast_in_dim3A_2649 = arith.constant 1 : i32
      %broadcast_in_dim3A_2650 = vector.broadcast %broadcast_in_dim3A_2649 : i32 to vector<16xi32>
      %gather3A_2651 = tpu.vector_load_idx %arg6[%broadcast_in_dim3A_2650, %get3A_2635] : memref<4x8192xf32, #tpu.memory_space<vmem>>[vector<16xi32>, vector<16xi32>], vector<16xf32>,
      %mul3A_2652 = arith.constant 1.200000e+01 : f32
      %mul3A_2653 = vector.broadcast %mul3A_2652 : f32 to vector<16xf32>
      %mul3A_2654 = arith.mulf %gather3A_2651, %mul3A_2653 : vector<16xf32>
      %sub3A_2655 = arith.constant 6.000000e+00 : f32
      %sub3A_2656 = vector.broadcast %sub3A_2655 : f32 to vector<16xf32>
      %sub3A_2657 = arith.subf %mul3A_2654, %sub3A_2656 : vector<16xf32>
      %swap3A_2658 = arith.constant 5 : i32
      %swap3A_2659 = arith.index_cast %swap3A_2658 : i32 to index
      %swap3A_2660 = arith.constant 224 : index
      %swap3A_2661 = tpu.vector_load %arg7[%swap3A_2659, %swap3A_2660] {strides = array<i32>} : memref<8x364xf32, #tpu.memory_space<vmem>>, vector<16xf32>,
      tpu.vector_store %arg7[%swap3A_2659, %swap3A_2660], %sub3A_2657 {strides = array<i32>} : memref<8x364xf32, #tpu.memory_space<vmem>>, vector<16xf32>,
      %broadcast_in_dim3A_2662 = arith.constant 2 : i32
      %broadcast_in_dim3A_2663 = vector.broadcast %broadcast_in_dim3A_2662 : i32 to vector<16xi32>
      %gather3A_2664 = tpu.vector_load_idx %arg6[%broadcast_in_dim3A_2663, %get3A_2635] : memref<4x8192xf32, #tpu.memory_space<vmem>>[vector<16xi32>, vector<16xi32>], vector<16xf32>,
      %mul3A_2665 = arith.constant 1.200000e+01 : f32
      %mul3A_2666 = vector.broadcast %mul3A_2665 : f32 to vector<16xf32>
      %mul3A_2667 = arith.mulf %gather3A_2664, %mul3A_2666 : vector<16xf32>
      %sub3A_2668 = arith.constant 6.000000e+00 : f32
      %sub3A_2669 = vector.broadcast %sub3A_2668 : f32 to vector<16xf32>
      %sub3A_2670 = arith.subf %mul3A_2667, %sub3A_2669 : vector<16xf32>
      %swap3A_2671 = arith.constant 6 : i32
      %swap3A_2672 = arith.index_cast %swap3A_2671 : i32 to index
      %swap3A_2673 = arith.constant 224 : index
      %swap3A_2674 = tpu.vector_load %arg7[%swap3A_2672, %swap3A_2673] {strides = array<i32>} : memref<8x364xf32, #tpu.memory_space<vmem>>, vector<16xf32>,
      tpu.vector_store %arg7[%swap3A_2672, %swap3A_2673], %sub3A_2670 {strides = array<i32>} : memref<8x364xf32, #tpu.memory_space<vmem>>, vector<16xf32>,
      %broadcast_in_dim3A_2675 = arith.constant 3 : i32
      %broadcast_in_dim3A_2676 = vector.broadcast %broadcast_in_dim3A_2675 : i32 to vector<16xi32>
      %gather3A_2677 = tpu.vector_load_idx %arg6[%broadcast_in_dim3A_2676, %get3A_2635] : memref<4x8192xf32, #tpu.memory_space<vmem>>[vector<16xi32>, vector<16xi32>], vector<16xf32>,
      %mul3A_2678 = arith.constant 1.200000e+01 : f32
      %mul3A_2679 = vector.broadcast %mul3A_2678 : f32 to vector<16xf32>
      %mul3A_2680 = arith.mulf %gather3A_2677, %mul3A_2679 : vector<16xf32>
      %sub3A_2681 = arith.constant 6.000000e+00 : f32
      %sub3A_2682 = vector.broadcast %sub3A_2681 : f32 to vector<16xf32>
      %sub3A_2683 = arith.subf %mul3A_2680, %sub3A_2682 : vector<16xf32>
      %swap3A_2684 = arith.constant 7 : i32
      %swap3A_2685 = arith.index_cast %swap3A_2684 : i32 to index
      %swap3A_2686 = arith.constant 224 : index
      %swap3A_2687 = tpu.vector_load %arg7[%swap3A_2685, %swap3A_2686] {strides = array<i32>} : memref<8x364xf32, #tpu.memory_space<vmem>>, vector<16xf32>,
      tpu.vector_store %arg7[%swap3A_2685, %swap3A_2686], %sub3A_2683 {strides = array<i32>} : memref<8x364xf32, #tpu.memory_space<vmem>>, vector<16xf32>,
      %get3A_2688 = arith.constant 240 : index
      %get3A_2689 = tpu.vector_load %arg8[%get3A_2688] {strides = array<i32>} : memref<368xi32, #tpu.memory_space<vmem>>, vector<16xi32>,
      %broadcast_in_dim3A_2690 = arith.constant 0 : i32
      %broadcast_in_dim3A_2691 = vector.broadcast %broadcast_in_dim3A_2690 : i32 to vector<16xi32>
      %gather3A_2692 = tpu.vector_load_idx %arg6[%broadcast_in_dim3A_2691, %get3A_2689] : memref<4x8192xf32, #tpu.memory_space<vmem>>[vector<16xi32>, vector<16xi32>], vector<16xf32>,
      %mul3A_2693 = arith.constant 1.200000e+01 : f32
      %mul3A_2694 = vector.broadcast %mul3A_2693 : f32 to vector<16xf32>
      %mul3A_2695 = arith.mulf %gather3A_2692, %mul3A_2694 : vector<16xf32>
      %sub3A_2696 = arith.constant 6.000000e+00 : f32
      %sub3A_2697 = vector.broadcast %sub3A_2696 : f32 to vector<16xf32>
      %sub3A_2698 = arith.subf %mul3A_2695, %sub3A_2697 : vector<16xf32>
      %swap3A_2699 = arith.constant 4 : i32
      %swap3A_2700 = arith.index_cast %swap3A_2699 : i32 to index
      %swap3A_2701 = arith.constant 240 : index
      %swap3A_2702 = tpu.vector_load %arg7[%swap3A_2700, %swap3A_2701] {strides = array<i32>} : memref<8x364xf32, #tpu.memory_space<vmem>>, vector<16xf32>,
      tpu.vector_store %arg7[%swap3A_2700, %swap3A_2701], %sub3A_2698 {strides = array<i32>} : memref<8x364xf32, #tpu.memory_space<vmem>>, vector<16xf32>,
      %broadcast_in_dim3A_2703 = arith.constant 1 : i32
      %broadcast_in_dim3A_2704 = vector.broadcast %broadcast_in_dim3A_2703 : i32 to vector<16xi32>
      %gather3A_2705 = tpu.vector_load_idx %arg6[%broadcast_in_dim3A_2704, %get3A_2689] : memref<4x8192xf32, #tpu.memory_space<vmem>>[vector<16xi32>, vector<16xi32>], vector<16xf32>,
      %mul3A_2706 = arith.constant 1.200000e+01 : f32
      %mul3A_2707 = vector.broadcast %mul3A_2706 : f32 to vector<16xf32>
      %mul3A_2708 = arith.mulf %gather3A_2705, %mul3A_2707 : vector<16xf32>
      %sub3A_2709 = arith.constant 6.000000e+00 : f32
      %sub3A_2710 = vector.broadcast %sub3A_2709 : f32 to vector<16xf32>
      %sub3A_2711 = arith.subf %mul3A_2708, %sub3A_2710 : vector<16xf32>
      %swap3A_2712 = arith.constant 5 : i32
      %swap3A_2713 = arith.index_cast %swap3A_2712 : i32 to index
      %swap3A_2714 = arith.constant 240 : index
      %swap3A_2715 = tpu.vector_load %arg7[%swap3A_2713, %swap3A_2714] {strides = array<i32>} : memref<8x364xf32, #tpu.memory_space<vmem>>, vector<16xf32>,
      tpu.vector_store %arg7[%swap3A_2713, %swap3A_2714], %sub3A_2711 {strides = array<i32>} : memref<8x364xf32, #tpu.memory_space<vmem>>, vector<16xf32>,
      %broadcast_in_dim3A_2716 = arith.constant 2 : i32
      %broadcast_in_dim3A_2717 = vector.broadcast %broadcast_in_dim3A_2716 : i32 to vector<16xi32>
      %gather3A_2718 = tpu.vector_load_idx %arg6[%broadcast_in_dim3A_2717, %get3A_2689] : memref<4x8192xf32, #tpu.memory_space<vmem>>[vector<16xi32>, vector<16xi32>], vector<16xf32>,
      %mul3A_2719 = arith.constant 1.200000e+01 : f32
      %mul3A_2720 = vector.broadcast %mul3A_2719 : f32 to vector<16xf32>
      %mul3A_2721 = arith.mulf %gather3A_2718, %mul3A_2720 : vector<16xf32>
      %sub3A_2722 = arith.constant 6.000000e+00 : f32
      %sub3A_2723 = vector.broadcast %sub3A_2722 : f32 to vector<16xf32>
      %sub3A_2724 = arith.subf %mul3A_2721, %sub3A_2723 : vector<16xf32>
      %swap3A_2725 = arith.constant 6 : i32
      %swap3A_2726 = arith.index_cast %swap3A_2725 : i32 to index
      %swap3A_2727 = arith.constant 240 : index
      %swap3A_2728 = tpu.vector_load %arg7[%swap3A_2726, %swap3A_2727] {strides = array<i32>} : memref<8x364xf32, #tpu.memory_space<vmem>>, vector<16xf32>,
      tpu.vector_store %arg7[%swap3A_2726, %swap3A_2727], %sub3A_2724 {strides = array<i32>} : memref<8x364xf32, #tpu.memory_space<vmem>>, vector<16xf32>,
      %broadcast_in_dim3A_2729 = arith.constant 3 : i32
      %broadcast_in_dim3A_2730 = vector.broadcast %broadcast_in_dim3A_2729 : i32 to vector<16xi32>
      %gather3A_2731 = tpu.vector_load_idx %arg6[%broadcast_in_dim3A_2730, %get3A_2689] : memref<4x8192xf32, #tpu.memory_space<vmem>>[vector<16xi32>, vector<16xi32>], vector<16xf32>,
      %mul3A_2732 = arith.constant 1.200000e+01 : f32
      %mul3A_2733 = vector.broadcast %mul3A_2732 : f32 to vector<16xf32>
      %mul3A_2734 = arith.mulf %gather3A_2731, %mul3A_2733 : vector<16xf32>
      %sub3A_2735 = arith.constant 6.000000e+00 : f32
      %sub3A_2736 = vector.broadcast %sub3A_2735 : f32 to vector<16xf32>
      %sub3A_2737 = arith.subf %mul3A_2734, %sub3A_2736 : vector<16xf32>
      %swap3A_2738 = arith.constant 7 : i32
      %swap3A_2739 = arith.index_cast %swap3A_2738 : i32 to index
      %swap3A_2740 = arith.constant 240 : index
      %swap3A_2741 = tpu.vector_load %arg7[%swap3A_2739, %swap3A_2740] {strides = array<i32>} : memref<8x364xf32, #tpu.memory_space<vmem>>, vector<16xf32>,
      tpu.vector_store %arg7[%swap3A_2739, %swap3A_2740], %sub3A_2737 {strides = array<i32>} : memref<8x364xf32, #tpu.memory_space<vmem>>, vector<16xf32>,
      %get3A_2742 = arith.constant 256 : index
      %get3A_2743 = tpu.vector_load %arg8[%get3A_2742] {strides = array<i32>} : memref<368xi32, #tpu.memory_space<vmem>>, vector<16xi32>,
      %broadcast_in_dim3A_2744 = arith.constant 0 : i32
      %broadcast_in_dim3A_2745 = vector.broadcast %broadcast_in_dim3A_2744 : i32 to vector<16xi32>
      %gather3A_2746 = tpu.vector_load_idx %arg6[%broadcast_in_dim3A_2745, %get3A_2743] : memref<4x8192xf32, #tpu.memory_space<vmem>>[vector<16xi32>, vector<16xi32>], vector<16xf32>,
      %mul3A_2747 = arith.constant 1.200000e+01 : f32
      %mul3A_2748 = vector.broadcast %mul3A_2747 : f32 to vector<16xf32>
      %mul3A_2749 = arith.mulf %gather3A_2746, %mul3A_2748 : vector<16xf32>
      %sub3A_2750 = arith.constant 6.000000e+00 : f32
      %sub3A_2751 = vector.broadcast %sub3A_2750 : f32 to vector<16xf32>
      %sub3A_2752 = arith.subf %mul3A_2749, %sub3A_2751 : vector<16xf32>
      %swap3A_2753 = arith.constant 4 : i32
      %swap3A_2754 = arith.index_cast %swap3A_2753 : i32 to index
      %swap3A_2755 = arith.constant 256 : index
      %swap3A_2756 = tpu.vector_load %arg7[%swap3A_2754, %swap3A_2755] {strides = array<i32>} : memref<8x364xf32, #tpu.memory_space<vmem>>, vector<16xf32>,
      tpu.vector_store %arg7[%swap3A_2754, %swap3A_2755], %sub3A_2752 {strides = array<i32>} : memref<8x364xf32, #tpu.memory_space<vmem>>, vector<16xf32>,
      %broadcast_in_dim3A_2757 = arith.constant 1 : i32
      %broadcast_in_dim3A_2758 = vector.broadcast %broadcast_in_dim3A_2757 : i32 to vector<16xi32>
      %gather3A_2759 = tpu.vector_load_idx %arg6[%broadcast_in_dim3A_2758, %get3A_2743] : memref<4x8192xf32, #tpu.memory_space<vmem>>[vector<16xi32>, vector<16xi32>], vector<16xf32>,
      %mul3A_2760 = arith.constant 1.200000e+01 : f32
      %mul3A_2761 = vector.broadcast %mul3A_2760 : f32 to vector<16xf32>
      %mul3A_2762 = arith.mulf %gather3A_2759, %mul3A_2761 : vector<16xf32>
      %sub3A_2763 = arith.constant 6.000000e+00 : f32
      %sub3A_2764 = vector.broadcast %sub3A_2763 : f32 to vector<16xf32>
      %sub3A_2765 = arith.subf %mul3A_2762, %sub3A_2764 : vector<16xf32>
      %swap3A_2766 = arith.constant 5 : i32
      %swap3A_2767 = arith.index_cast %swap3A_2766 : i32 to index
      %swap3A_2768 = arith.constant 256 : index
      %swap3A_2769 = tpu.vector_load %arg7[%swap3A_2767, %swap3A_2768] {strides = array<i32>} : memref<8x364xf32, #tpu.memory_space<vmem>>, vector<16xf32>,
      tpu.vector_store %arg7[%swap3A_2767, %swap3A_2768], %sub3A_2765 {strides = array<i32>} : memref<8x364xf32, #tpu.memory_space<vmem>>, vector<16xf32>,
      %broadcast_in_dim3A_2770 = arith.constant 2 : i32
      %broadcast_in_dim3A_2771 = vector.broadcast %broadcast_in_dim3A_2770 : i32 to vector<16xi32>
      %gather3A_2772 = tpu.vector_load_idx %arg6[%broadcast_in_dim3A_2771, %get3A_2743] : memref<4x8192xf32, #tpu.memory_space<vmem>>[vector<16xi32>, vector<16xi32>], vector<16xf32>,
      %mul3A_2773 = arith.constant 1.200000e+01 : f32
      %mul3A_2774 = vector.broadcast %mul3A_2773 : f32 to vector<16xf32>
      %mul3A_2775 = arith.mulf %gather3A_2772, %mul3A_2774 : vector<16xf32>
      %sub3A_2776 = arith.constant 6.000000e+00 : f32
      %sub3A_2777 = vector.broadcast %sub3A_2776 : f32 to vector<16xf32>
      %sub3A_2778 = arith.subf %mul3A_2775, %sub3A_2777 : vector<16xf32>
      %swap3A_2779 = arith.constant 6 : i32
      %swap3A_2780 = arith.index_cast %swap3A_2779 : i32 to index
      %swap3A_2781 = arith.constant 256 : index
      %swap3A_2782 = tpu.vector_load %arg7[%swap3A_2780, %swap3A_2781] {strides = array<i32>} : memref<8x364xf32, #tpu.memory_space<vmem>>, vector<16xf32>,
      tpu.vector_store %arg7[%swap3A_2780, %swap3A_2781], %sub3A_2778 {strides = array<i32>} : memref<8x364xf32, #tpu.memory_space<vmem>>, vector<16xf32>,
      %broadcast_in_dim3A_2783 = arith.constant 3 : i32
      %broadcast_in_dim3A_2784 = vector.broadcast %broadcast_in_dim3A_2783 : i32 to vector<16xi32>
      %gather3A_2785 = tpu.vector_load_idx %arg6[%broadcast_in_dim3A_2784, %get3A_2743] : memref<4x8192xf32, #tpu.memory_space<vmem>>[vector<16xi32>, vector<16xi32>], vector<16xf32>,
      %mul3A_2786 = arith.constant 1.200000e+01 : f32
      %mul3A_2787 = vector.broadcast %mul3A_2786 : f32 to vector<16xf32>
      %mul3A_2788 = arith.mulf %gather3A_2785, %mul3A_2787 : vector<16xf32>
      %sub3A_2789 = arith.constant 6.000000e+00 : f32
      %sub3A_2790 = vector.broadcast %sub3A_2789 : f32 to vector<16xf32>
      %sub3A_2791 = arith.subf %mul3A_2788, %sub3A_2790 : vector<16xf32>
      %swap3A_2792 = arith.constant 7 : i32
      %swap3A_2793 = arith.index_cast %swap3A_2792 : i32 to index
      %swap3A_2794 = arith.constant 256 : index
      %swap3A_2795 = tpu.vector_load %arg7[%swap3A_2793, %swap3A_2794] {strides = array<i32>} : memref<8x364xf32, #tpu.memory_space<vmem>>, vector<16xf32>,
      tpu.vector_store %arg7[%swap3A_2793, %swap3A_2794], %sub3A_2791 {strides = array<i32>} : memref<8x364xf32, #tpu.memory_space<vmem>>, vector<16xf32>,
      %get3A_2796 = arith.constant 272 : index
      %get3A_2797 = tpu.vector_load %arg8[%get3A_2796] {strides = array<i32>} : memref<368xi32, #tpu.memory_space<vmem>>, vector<16xi32>,
      %broadcast_in_dim3A_2798 = arith.constant 0 : i32
      %broadcast_in_dim3A_2799 = vector.broadcast %broadcast_in_dim3A_2798 : i32 to vector<16xi32>
      %gather3A_2800 = tpu.vector_load_idx %arg6[%broadcast_in_dim3A_2799, %get3A_2797] : memref<4x8192xf32, #tpu.memory_space<vmem>>[vector<16xi32>, vector<16xi32>], vector<16xf32>,
      %mul3A_2801 = arith.constant 1.200000e+01 : f32
      %mul3A_2802 = vector.broadcast %mul3A_2801 : f32 to vector<16xf32>
      %mul3A_2803 = arith.mulf %gather3A_2800, %mul3A_2802 : vector<16xf32>
      %sub3A_2804 = arith.constant 6.000000e+00 : f32
      %sub3A_2805 = vector.broadcast %sub3A_2804 : f32 to vector<16xf32>
      %sub3A_2806 = arith.subf %mul3A_2803, %sub3A_2805 : vector<16xf32>
      %swap3A_2807 = arith.constant 4 : i32
      %swap3A_2808 = arith.index_cast %swap3A_2807 : i32 to index
      %swap3A_2809 = arith.constant 272 : index
      %swap3A_2810 = tpu.vector_load %arg7[%swap3A_2808, %swap3A_2809] {strides = array<i32>} : memref<8x364xf32, #tpu.memory_space<vmem>>, vector<16xf32>,
      tpu.vector_store %arg7[%swap3A_2808, %swap3A_2809], %sub3A_2806 {strides = array<i32>} : memref<8x364xf32, #tpu.memory_space<vmem>>, vector<16xf32>,
      %broadcast_in_dim3A_2811 = arith.constant 1 : i32
      %broadcast_in_dim3A_2812 = vector.broadcast %broadcast_in_dim3A_2811 : i32 to vector<16xi32>
      %gather3A_2813 = tpu.vector_load_idx %arg6[%broadcast_in_dim3A_2812, %get3A_2797] : memref<4x8192xf32, #tpu.memory_space<vmem>>[vector<16xi32>, vector<16xi32>], vector<16xf32>,
      %mul3A_2814 = arith.constant 1.200000e+01 : f32
      %mul3A_2815 = vector.broadcast %mul3A_2814 : f32 to vector<16xf32>
      %mul3A_2816 = arith.mulf %gather3A_2813, %mul3A_2815 : vector<16xf32>
      %sub3A_2817 = arith.constant 6.000000e+00 : f32
      %sub3A_2818 = vector.broadcast %sub3A_2817 : f32 to vector<16xf32>
      %sub3A_2819 = arith.subf %mul3A_2816, %sub3A_2818 : vector<16xf32>
      %swap3A_2820 = arith.constant 5 : i32
      %swap3A_2821 = arith.index_cast %swap3A_2820 : i32 to index
      %swap3A_2822 = arith.constant 272 : index
      %swap3A_2823 = tpu.vector_load %arg7[%swap3A_2821, %swap3A_2822] {strides = array<i32>} : memref<8x364xf32, #tpu.memory_space<vmem>>, vector<16xf32>,
      tpu.vector_store %arg7[%swap3A_2821, %swap3A_2822], %sub3A_2819 {strides = array<i32>} : memref<8x364xf32, #tpu.memory_space<vmem>>, vector<16xf32>,
      %broadcast_in_dim3A_2824 = arith.constant 2 : i32
      %broadcast_in_dim3A_2825 = vector.broadcast %broadcast_in_dim3A_2824 : i32 to vector<16xi32>
      %gather3A_2826 = tpu.vector_load_idx %arg6[%broadcast_in_dim3A_2825, %get3A_2797] : memref<4x8192xf32, #tpu.memory_space<vmem>>[vector<16xi32>, vector<16xi32>], vector<16xf32>,
      %mul3A_2827 = arith.constant 1.200000e+01 : f32
      %mul3A_2828 = vector.broadcast %mul3A_2827 : f32 to vector<16xf32>
      %mul3A_2829 = arith.mulf %gather3A_2826, %mul3A_2828 : vector<16xf32>
      %sub3A_2830 = arith.constant 6.000000e+00 : f32
      %sub3A_2831 = vector.broadcast %sub3A_2830 : f32 to vector<16xf32>
      %sub3A_2832 = arith.subf %mul3A_2829, %sub3A_2831 : vector<16xf32>
      %swap3A_2833 = arith.constant 6 : i32
      %swap3A_2834 = arith.index_cast %swap3A_2833 : i32 to index
      %swap3A_2835 = arith.constant 272 : index
      %swap3A_2836 = tpu.vector_load %arg7[%swap3A_2834, %swap3A_2835] {strides = array<i32>} : memref<8x364xf32, #tpu.memory_space<vmem>>, vector<16xf32>,
      tpu.vector_store %arg7[%swap3A_2834, %swap3A_2835], %sub3A_2832 {strides = array<i32>} : memref<8x364xf32, #tpu.memory_space<vmem>>, vector<16xf32>,
      %broadcast_in_dim3A_2837 = arith.constant 3 : i32
      %broadcast_in_dim3A_2838 = vector.broadcast %broadcast_in_dim3A_2837 : i32 to vector<16xi32>
      %gather3A_2839 = tpu.vector_load_idx %arg6[%broadcast_in_dim3A_2838, %get3A_2797] : memref<4x8192xf32, #tpu.memory_space<vmem>>[vector<16xi32>, vector<16xi32>], vector<16xf32>,
      %mul3A_2840 = arith.constant 1.200000e+01 : f32
      %mul3A_2841 = vector.broadcast %mul3A_2840 : f32 to vector<16xf32>
      %mul3A_2842 = arith.mulf %gather3A_2839, %mul3A_2841 : vector<16xf32>
      %sub3A_2843 = arith.constant 6.000000e+00 : f32
      %sub3A_2844 = vector.broadcast %sub3A_2843 : f32 to vector<16xf32>
      %sub3A_2845 = arith.subf %mul3A_2842, %sub3A_2844 : vector<16xf32>
      %swap3A_2846 = arith.constant 7 : i32
      %swap3A_2847 = arith.index_cast %swap3A_2846 : i32 to index
      %swap3A_2848 = arith.constant 272 : index
      %swap3A_2849 = tpu.vector_load %arg7[%swap3A_2847, %swap3A_2848] {strides = array<i32>} : memref<8x364xf32, #tpu.memory_space<vmem>>, vector<16xf32>,
      tpu.vector_store %arg7[%swap3A_2847, %swap3A_2848], %sub3A_2845 {strides = array<i32>} : memref<8x364xf32, #tpu.memory_space<vmem>>, vector<16xf32>,
      %get3A_2850 = arith.constant 288 : index
      %get3A_2851 = tpu.vector_load %arg8[%get3A_2850] {strides = array<i32>} : memref<368xi32, #tpu.memory_space<vmem>>, vector<16xi32>,
      %broadcast_in_dim3A_2852 = arith.constant 0 : i32
      %broadcast_in_dim3A_2853 = vector.broadcast %broadcast_in_dim3A_2852 : i32 to vector<16xi32>
      %gather3A_2854 = tpu.vector_load_idx %arg6[%broadcast_in_dim3A_2853, %get3A_2851] : memref<4x8192xf32, #tpu.memory_space<vmem>>[vector<16xi32>, vector<16xi32>], vector<16xf32>,
      %mul3A_2855 = arith.constant 1.200000e+01 : f32
      %mul3A_2856 = vector.broadcast %mul3A_2855 : f32 to vector<16xf32>
      %mul3A_2857 = arith.mulf %gather3A_2854, %mul3A_2856 : vector<16xf32>
      %sub3A_2858 = arith.constant 6.000000e+00 : f32
      %sub3A_2859 = vector.broadcast %sub3A_2858 : f32 to vector<16xf32>
      %sub3A_2860 = arith.subf %mul3A_2857, %sub3A_2859 : vector<16xf32>
      %swap3A_2861 = arith.constant 4 : i32
      %swap3A_2862 = arith.index_cast %swap3A_2861 : i32 to index
      %swap3A_2863 = arith.constant 288 : index
      %swap3A_2864 = tpu.vector_load %arg7[%swap3A_2862, %swap3A_2863] {strides = array<i32>} : memref<8x364xf32, #tpu.memory_space<vmem>>, vector<16xf32>,
      tpu.vector_store %arg7[%swap3A_2862, %swap3A_2863], %sub3A_2860 {strides = array<i32>} : memref<8x364xf32, #tpu.memory_space<vmem>>, vector<16xf32>,
      %broadcast_in_dim3A_2865 = arith.constant 1 : i32
      %broadcast_in_dim3A_2866 = vector.broadcast %broadcast_in_dim3A_2865 : i32 to vector<16xi32>
      %gather3A_2867 = tpu.vector_load_idx %arg6[%broadcast_in_dim3A_2866, %get3A_2851] : memref<4x8192xf32, #tpu.memory_space<vmem>>[vector<16xi32>, vector<16xi32>], vector<16xf32>,
      %mul3A_2868 = arith.constant 1.200000e+01 : f32
      %mul3A_2869 = vector.broadcast %mul3A_2868 : f32 to vector<16xf32>
      %mul3A_2870 = arith.mulf %gather3A_2867, %mul3A_2869 : vector<16xf32>
      %sub3A_2871 = arith.constant 6.000000e+00 : f32
      %sub3A_2872 = vector.broadcast %sub3A_2871 : f32 to vector<16xf32>
      %sub3A_2873 = arith.subf %mul3A_2870, %sub3A_2872 : vector<16xf32>
      %swap3A_2874 = arith.constant 5 : i32
      %swap3A_2875 = arith.index_cast %swap3A_2874 : i32 to index
      %swap3A_2876 = arith.constant 288 : index
      %swap3A_2877 = tpu.vector_load %arg7[%swap3A_2875, %swap3A_2876] {strides = array<i32>} : memref<8x364xf32, #tpu.memory_space<vmem>>, vector<16xf32>,
      tpu.vector_store %arg7[%swap3A_2875, %swap3A_2876], %sub3A_2873 {strides = array<i32>} : memref<8x364xf32, #tpu.memory_space<vmem>>, vector<16xf32>,
      %broadcast_in_dim3A_2878 = arith.constant 2 : i32
      %broadcast_in_dim3A_2879 = vector.broadcast %broadcast_in_dim3A_2878 : i32 to vector<16xi32>
      %gather3A_2880 = tpu.vector_load_idx %arg6[%broadcast_in_dim3A_2879, %get3A_2851] : memref<4x8192xf32, #tpu.memory_space<vmem>>[vector<16xi32>, vector<16xi32>], vector<16xf32>,
      %mul3A_2881 = arith.constant 1.200000e+01 : f32
      %mul3A_2882 = vector.broadcast %mul3A_2881 : f32 to vector<16xf32>
      %mul3A_2883 = arith.mulf %gather3A_2880, %mul3A_2882 : vector<16xf32>
      %sub3A_2884 = arith.constant 6.000000e+00 : f32
      %sub3A_2885 = vector.broadcast %sub3A_2884 : f32 to vector<16xf32>
      %sub3A_2886 = arith.subf %mul3A_2883, %sub3A_2885 : vector<16xf32>
      %swap3A_2887 = arith.constant 6 : i32
      %swap3A_2888 = arith.index_cast %swap3A_2887 : i32 to index
      %swap3A_2889 = arith.constant 288 : index
      %swap3A_2890 = tpu.vector_load %arg7[%swap3A_2888, %swap3A_2889] {strides = array<i32>} : memref<8x364xf32, #tpu.memory_space<vmem>>, vector<16xf32>,
      tpu.vector_store %arg7[%swap3A_2888, %swap3A_2889], %sub3A_2886 {strides = array<i32>} : memref<8x364xf32, #tpu.memory_space<vmem>>, vector<16xf32>,
      %broadcast_in_dim3A_2891 = arith.constant 3 : i32
      %broadcast_in_dim3A_2892 = vector.broadcast %broadcast_in_dim3A_2891 : i32 to vector<16xi32>
      %gather3A_2893 = tpu.vector_load_idx %arg6[%broadcast_in_dim3A_2892, %get3A_2851] : memref<4x8192xf32, #tpu.memory_space<vmem>>[vector<16xi32>, vector<16xi32>], vector<16xf32>,
      %mul3A_2894 = arith.constant 1.200000e+01 : f32
      %mul3A_2895 = vector.broadcast %mul3A_2894 : f32 to vector<16xf32>
      %mul3A_2896 = arith.mulf %gather3A_2893, %mul3A_2895 : vector<16xf32>
      %sub3A_2897 = arith.constant 6.000000e+00 : f32
      %sub3A_2898 = vector.broadcast %sub3A_2897 : f32 to vector<16xf32>
      %sub3A_2899 = arith.subf %mul3A_2896, %sub3A_2898 : vector<16xf32>
      %swap3A_2900 = arith.constant 7 : i32
      %swap3A_2901 = arith.index_cast %swap3A_2900 : i32 to index
      %swap3A_2902 = arith.constant 288 : index
      %swap3A_2903 = tpu.vector_load %arg7[%swap3A_2901, %swap3A_2902] {strides = array<i32>} : memref<8x364xf32, #tpu.memory_space<vmem>>, vector<16xf32>,
      tpu.vector_store %arg7[%swap3A_2901, %swap3A_2902], %sub3A_2899 {strides = array<i32>} : memref<8x364xf32, #tpu.memory_space<vmem>>, vector<16xf32>,
      %get3A_2904 = arith.constant 304 : index
      %get3A_2905 = tpu.vector_load %arg8[%get3A_2904] {strides = array<i32>} : memref<368xi32, #tpu.memory_space<vmem>>, vector<16xi32>,
      %broadcast_in_dim3A_2906 = arith.constant 0 : i32
      %broadcast_in_dim3A_2907 = vector.broadcast %broadcast_in_dim3A_2906 : i32 to vector<16xi32>
      %gather3A_2908 = tpu.vector_load_idx %arg6[%broadcast_in_dim3A_2907, %get3A_2905] : memref<4x8192xf32, #tpu.memory_space<vmem>>[vector<16xi32>, vector<16xi32>], vector<16xf32>,
      %mul3A_2909 = arith.constant 1.200000e+01 : f32
      %mul3A_2910 = vector.broadcast %mul3A_2909 : f32 to vector<16xf32>
      %mul3A_2911 = arith.mulf %gather3A_2908, %mul3A_2910 : vector<16xf32>
      %sub3A_2912 = arith.constant 6.000000e+00 : f32
      %sub3A_2913 = vector.broadcast %sub3A_2912 : f32 to vector<16xf32>
      %sub3A_2914 = arith.subf %mul3A_2911, %sub3A_2913 : vector<16xf32>
      %swap3A_2915 = arith.constant 4 : i32
      %swap3A_2916 = arith.index_cast %swap3A_2915 : i32 to index
      %swap3A_2917 = arith.constant 304 : index
      %swap3A_2918 = tpu.vector_load %arg7[%swap3A_2916, %swap3A_2917] {strides = array<i32>} : memref<8x364xf32, #tpu.memory_space<vmem>>, vector<16xf32>,
      tpu.vector_store %arg7[%swap3A_2916, %swap3A_2917], %sub3A_2914 {strides = array<i32>} : memref<8x364xf32, #tpu.memory_space<vmem>>, vector<16xf32>,
      %broadcast_in_dim3A_2919 = arith.constant 1 : i32
      %broadcast_in_dim3A_2920 = vector.broadcast %broadcast_in_dim3A_2919 : i32 to vector<16xi32>
      %gather3A_2921 = tpu.vector_load_idx %arg6[%broadcast_in_dim3A_2920, %get3A_2905] : memref<4x8192xf32, #tpu.memory_space<vmem>>[vector<16xi32>, vector<16xi32>], vector<16xf32>,
      %mul3A_2922 = arith.constant 1.200000e+01 : f32
      %mul3A_2923 = vector.broadcast %mul3A_2922 : f32 to vector<16xf32>
      %mul3A_2924 = arith.mulf %gather3A_2921, %mul3A_2923 : vector<16xf32>
      %sub3A_2925 = arith.constant 6.000000e+00 : f32
      %sub3A_2926 = vector.broadcast %sub3A_2925 : f32 to vector<16xf32>
      %sub3A_2927 = arith.subf %mul3A_2924, %sub3A_2926 : vector<16xf32>
      %swap3A_2928 = arith.constant 5 : i32
      %swap3A_2929 = arith.index_cast %swap3A_2928 : i32 to index
      %swap3A_2930 = arith.constant 304 : index
      %swap3A_2931 = tpu.vector_load %arg7[%swap3A_2929, %swap3A_2930] {strides = array<i32>} : memref<8x364xf32, #tpu.memory_space<vmem>>, vector<16xf32>,
      tpu.vector_store %arg7[%swap3A_2929, %swap3A_2930], %sub3A_2927 {strides = array<i32>} : memref<8x364xf32, #tpu.memory_space<vmem>>, vector<16xf32>,
      %broadcast_in_dim3A_2932 = arith.constant 2 : i32
      %broadcast_in_dim3A_2933 = vector.broadcast %broadcast_in_dim3A_2932 : i32 to vector<16xi32>
      %gather3A_2934 = tpu.vector_load_idx %arg6[%broadcast_in_dim3A_2933, %get3A_2905] : memref<4x8192xf32, #tpu.memory_space<vmem>>[vector<16xi32>, vector<16xi32>], vector<16xf32>,
      %mul3A_2935 = arith.constant 1.200000e+01 : f32
      %mul3A_2936 = vector.broadcast %mul3A_2935 : f32 to vector<16xf32>
      %mul3A_2937 = arith.mulf %gather3A_2934, %mul3A_2936 : vector<16xf32>
      %sub3A_2938 = arith.constant 6.000000e+00 : f32
      %sub3A_2939 = vector.broadcast %sub3A_2938 : f32 to vector<16xf32>
      %sub3A_2940 = arith.subf %mul3A_2937, %sub3A_2939 : vector<16xf32>
      %swap3A_2941 = arith.constant 6 : i32
      %swap3A_2942 = arith.index_cast %swap3A_2941 : i32 to index
      %swap3A_2943 = arith.constant 304 : index
      %swap3A_2944 = tpu.vector_load %arg7[%swap3A_2942, %swap3A_2943] {strides = array<i32>} : memref<8x364xf32, #tpu.memory_space<vmem>>, vector<16xf32>,
      tpu.vector_store %arg7[%swap3A_2942, %swap3A_2943], %sub3A_2940 {strides = array<i32>} : memref<8x364xf32, #tpu.memory_space<vmem>>, vector<16xf32>,
      %broadcast_in_dim3A_2945 = arith.constant 3 : i32
      %broadcast_in_dim3A_2946 = vector.broadcast %broadcast_in_dim3A_2945 : i32 to vector<16xi32>
      %gather3A_2947 = tpu.vector_load_idx %arg6[%broadcast_in_dim3A_2946, %get3A_2905] : memref<4x8192xf32, #tpu.memory_space<vmem>>[vector<16xi32>, vector<16xi32>], vector<16xf32>,
      %mul3A_2948 = arith.constant 1.200000e+01 : f32
      %mul3A_2949 = vector.broadcast %mul3A_2948 : f32 to vector<16xf32>
      %mul3A_2950 = arith.mulf %gather3A_2947, %mul3A_2949 : vector<16xf32>
      %sub3A_2951 = arith.constant 6.000000e+00 : f32
      %sub3A_2952 = vector.broadcast %sub3A_2951 : f32 to vector<16xf32>
      %sub3A_2953 = arith.subf %mul3A_2950, %sub3A_2952 : vector<16xf32>
      %swap3A_2954 = arith.constant 7 : i32
      %swap3A_2955 = arith.index_cast %swap3A_2954 : i32 to index
      %swap3A_2956 = arith.constant 304 : index
      %swap3A_2957 = tpu.vector_load %arg7[%swap3A_2955, %swap3A_2956] {strides = array<i32>} : memref<8x364xf32, #tpu.memory_space<vmem>>, vector<16xf32>,
      tpu.vector_store %arg7[%swap3A_2955, %swap3A_2956], %sub3A_2953 {strides = array<i32>} : memref<8x364xf32, #tpu.memory_space<vmem>>, vector<16xf32>,
      %get3A_2958 = arith.constant 320 : index
      %get3A_2959 = tpu.vector_load %arg8[%get3A_2958] {strides = array<i32>} : memref<368xi32, #tpu.memory_space<vmem>>, vector<16xi32>,
      %broadcast_in_dim3A_2960 = arith.constant 0 : i32
      %broadcast_in_dim3A_2961 = vector.broadcast %broadcast_in_dim3A_2960 : i32 to vector<16xi32>
      %gather3A_2962 = tpu.vector_load_idx %arg6[%broadcast_in_dim3A_2961, %get3A_2959] : memref<4x8192xf32, #tpu.memory_space<vmem>>[vector<16xi32>, vector<16xi32>], vector<16xf32>,
      %mul3A_2963 = arith.constant 1.200000e+01 : f32
      %mul3A_2964 = vector.broadcast %mul3A_2963 : f32 to vector<16xf32>
      %mul3A_2965 = arith.mulf %gather3A_2962, %mul3A_2964 : vector<16xf32>
      %sub3A_2966 = arith.constant 6.000000e+00 : f32
      %sub3A_2967 = vector.broadcast %sub3A_2966 : f32 to vector<16xf32>
      %sub3A_2968 = arith.subf %mul3A_2965, %sub3A_2967 : vector<16xf32>
      %swap3A_2969 = arith.constant 4 : i32
      %swap3A_2970 = arith.index_cast %swap3A_2969 : i32 to index
      %swap3A_2971 = arith.constant 320 : index
      %swap3A_2972 = tpu.vector_load %arg7[%swap3A_2970, %swap3A_2971] {strides = array<i32>} : memref<8x364xf32, #tpu.memory_space<vmem>>, vector<16xf32>,
      tpu.vector_store %arg7[%swap3A_2970, %swap3A_2971], %sub3A_2968 {strides = array<i32>} : memref<8x364xf32, #tpu.memory_space<vmem>>, vector<16xf32>,
      %broadcast_in_dim3A_2973 = arith.constant 1 : i32
      %broadcast_in_dim3A_2974 = vector.broadcast %broadcast_in_dim3A_2973 : i32 to vector<16xi32>
      %gather3A_2975 = tpu.vector_load_idx %arg6[%broadcast_in_dim3A_2974, %get3A_2959] : memref<4x8192xf32, #tpu.memory_space<vmem>>[vector<16xi32>, vector<16xi32>], vector<16xf32>,
      %mul3A_2976 = arith.constant 1.200000e+01 : f32
      %mul3A_2977 = vector.broadcast %mul3A_2976 : f32 to vector<16xf32>
      %mul3A_2978 = arith.mulf %gather3A_2975, %mul3A_2977 : vector<16xf32>
      %sub3A_2979 = arith.constant 6.000000e+00 : f32
      %sub3A_2980 = vector.broadcast %sub3A_2979 : f32 to vector<16xf32>
      %sub3A_2981 = arith.subf %mul3A_2978, %sub3A_2980 : vector<16xf32>
      %swap3A_2982 = arith.constant 5 : i32
      %swap3A_2983 = arith.index_cast %swap3A_2982 : i32 to index
      %swap3A_2984 = arith.constant 320 : index
      %swap3A_2985 = tpu.vector_load %arg7[%swap3A_2983, %swap3A_2984] {strides = array<i32>} : memref<8x364xf32, #tpu.memory_space<vmem>>, vector<16xf32>,
      tpu.vector_store %arg7[%swap3A_2983, %swap3A_2984], %sub3A_2981 {strides = array<i32>} : memref<8x364xf32, #tpu.memory_space<vmem>>, vector<16xf32>,
      %broadcast_in_dim3A_2986 = arith.constant 2 : i32
      %broadcast_in_dim3A_2987 = vector.broadcast %broadcast_in_dim3A_2986 : i32 to vector<16xi32>
      %gather3A_2988 = tpu.vector_load_idx %arg6[%broadcast_in_dim3A_2987, %get3A_2959] : memref<4x8192xf32, #tpu.memory_space<vmem>>[vector<16xi32>, vector<16xi32>], vector<16xf32>,
      %mul3A_2989 = arith.constant 1.200000e+01 : f32
      %mul3A_2990 = vector.broadcast %mul3A_2989 : f32 to vector<16xf32>
      %mul3A_2991 = arith.mulf %gather3A_2988, %mul3A_2990 : vector<16xf32>
      %sub3A_2992 = arith.constant 6.000000e+00 : f32
      %sub3A_2993 = vector.broadcast %sub3A_2992 : f32 to vector<16xf32>
      %sub3A_2994 = arith.subf %mul3A_2991, %sub3A_2993 : vector<16xf32>
      %swap3A_2995 = arith.constant 6 : i32
      %swap3A_2996 = arith.index_cast %swap3A_2995 : i32 to index
      %swap3A_2997 = arith.constant 320 : index
      %swap3A_2998 = tpu.vector_load %arg7[%swap3A_2996, %swap3A_2997] {strides = array<i32>} : memref<8x364xf32, #tpu.memory_space<vmem>>, vector<16xf32>,
      tpu.vector_store %arg7[%swap3A_2996, %swap3A_2997], %sub3A_2994 {strides = array<i32>} : memref<8x364xf32, #tpu.memory_space<vmem>>, vector<16xf32>,
      %broadcast_in_dim3A_2999 = arith.constant 3 : i32
      %broadcast_in_dim3A_3000 = vector.broadcast %broadcast_in_dim3A_2999 : i32 to vector<16xi32>
      %gather3A_3001 = tpu.vector_load_idx %arg6[%broadcast_in_dim3A_3000, %get3A_2959] : memref<4x8192xf32, #tpu.memory_space<vmem>>[vector<16xi32>, vector<16xi32>], vector<16xf32>,
      %mul3A_3002 = arith.constant 1.200000e+01 : f32
      %mul3A_3003 = vector.broadcast %mul3A_3002 : f32 to vector<16xf32>
      %mul3A_3004 = arith.mulf %gather3A_3001, %mul3A_3003 : vector<16xf32>
      %sub3A_3005 = arith.constant 6.000000e+00 : f32
      %sub3A_3006 = vector.broadcast %sub3A_3005 : f32 to vector<16xf32>
      %sub3A_3007 = arith.subf %mul3A_3004, %sub3A_3006 : vector<16xf32>
      %swap3A_3008 = arith.constant 7 : i32
      %swap3A_3009 = arith.index_cast %swap3A_3008 : i32 to index
      %swap3A_3010 = arith.constant 320 : index
      %swap3A_3011 = tpu.vector_load %arg7[%swap3A_3009, %swap3A_3010] {strides = array<i32>} : memref<8x364xf32, #tpu.memory_space<vmem>>, vector<16xf32>,
      tpu.vector_store %arg7[%swap3A_3009, %swap3A_3010], %sub3A_3007 {strides = array<i32>} : memref<8x364xf32, #tpu.memory_space<vmem>>, vector<16xf32>,
      %get3A_3012 = arith.constant 336 : index
      %get3A_3013 = tpu.vector_load %arg8[%get3A_3012] {strides = array<i32>} : memref<368xi32, #tpu.memory_space<vmem>>, vector<16xi32>,
      %broadcast_in_dim3A_3014 = arith.constant 0 : i32
      %broadcast_in_dim3A_3015 = vector.broadcast %broadcast_in_dim3A_3014 : i32 to vector<16xi32>
      %gather3A_3016 = tpu.vector_load_idx %arg6[%broadcast_in_dim3A_3015, %get3A_3013] : memref<4x8192xf32, #tpu.memory_space<vmem>>[vector<16xi32>, vector<16xi32>], vector<16xf32>,
      %mul3A_3017 = arith.constant 1.200000e+01 : f32
      %mul3A_3018 = vector.broadcast %mul3A_3017 : f32 to vector<16xf32>
      %mul3A_3019 = arith.mulf %gather3A_3016, %mul3A_3018 : vector<16xf32>
      %sub3A_3020 = arith.constant 6.000000e+00 : f32
      %sub3A_3021 = vector.broadcast %sub3A_3020 : f32 to vector<16xf32>
      %sub3A_3022 = arith.subf %mul3A_3019, %sub3A_3021 : vector<16xf32>
      %swap3A_3023 = arith.constant 4 : i32
      %swap3A_3024 = arith.index_cast %swap3A_3023 : i32 to index
      %swap3A_3025 = arith.constant 336 : index
      %swap3A_3026 = tpu.vector_load %arg7[%swap3A_3024, %swap3A_3025] {strides = array<i32>} : memref<8x364xf32, #tpu.memory_space<vmem>>, vector<16xf32>,
      tpu.vector_store %arg7[%swap3A_3024, %swap3A_3025], %sub3A_3022 {strides = array<i32>} : memref<8x364xf32, #tpu.memory_space<vmem>>, vector<16xf32>,
      %broadcast_in_dim3A_3027 = arith.constant 1 : i32
      %broadcast_in_dim3A_3028 = vector.broadcast %broadcast_in_dim3A_3027 : i32 to vector<16xi32>
      %gather3A_3029 = tpu.vector_load_idx %arg6[%broadcast_in_dim3A_3028, %get3A_3013] : memref<4x8192xf32, #tpu.memory_space<vmem>>[vector<16xi32>, vector<16xi32>], vector<16xf32>,
      %mul3A_3030 = arith.constant 1.200000e+01 : f32
      %mul3A_3031 = vector.broadcast %mul3A_3030 : f32 to vector<16xf32>
      %mul3A_3032 = arith.mulf %gather3A_3029, %mul3A_3031 : vector<16xf32>
      %sub3A_3033 = arith.constant 6.000000e+00 : f32
      %sub3A_3034 = vector.broadcast %sub3A_3033 : f32 to vector<16xf32>
      %sub3A_3035 = arith.subf %mul3A_3032, %sub3A_3034 : vector<16xf32>
      %swap3A_3036 = arith.constant 5 : i32
      %swap3A_3037 = arith.index_cast %swap3A_3036 : i32 to index
      %swap3A_3038 = arith.constant 336 : index
      %swap3A_3039 = tpu.vector_load %arg7[%swap3A_3037, %swap3A_3038] {strides = array<i32>} : memref<8x364xf32, #tpu.memory_space<vmem>>, vector<16xf32>,
      tpu.vector_store %arg7[%swap3A_3037, %swap3A_3038], %sub3A_3035 {strides = array<i32>} : memref<8x364xf32, #tpu.memory_space<vmem>>, vector<16xf32>,
      %broadcast_in_dim3A_3040 = arith.constant 2 : i32
      %broadcast_in_dim3A_3041 = vector.broadcast %broadcast_in_dim3A_3040 : i32 to vector<16xi32>
      %gather3A_3042 = tpu.vector_load_idx %arg6[%broadcast_in_dim3A_3041, %get3A_3013] : memref<4x8192xf32, #tpu.memory_space<vmem>>[vector<16xi32>, vector<16xi32>], vector<16xf32>,
      %mul3A_3043 = arith.constant 1.200000e+01 : f32
      %mul3A_3044 = vector.broadcast %mul3A_3043 : f32 to vector<16xf32>
      %mul3A_3045 = arith.mulf %gather3A_3042, %mul3A_3044 : vector<16xf32>
      %sub3A_3046 = arith.constant 6.000000e+00 : f32
      %sub3A_3047 = vector.broadcast %sub3A_3046 : f32 to vector<16xf32>
      %sub3A_3048 = arith.subf %mul3A_3045, %sub3A_3047 : vector<16xf32>
      %swap3A_3049 = arith.constant 6 : i32
      %swap3A_3050 = arith.index_cast %swap3A_3049 : i32 to index
      %swap3A_3051 = arith.constant 336 : index
      %swap3A_3052 = tpu.vector_load %arg7[%swap3A_3050, %swap3A_3051] {strides = array<i32>} : memref<8x364xf32, #tpu.memory_space<vmem>>, vector<16xf32>,
      tpu.vector_store %arg7[%swap3A_3050, %swap3A_3051], %sub3A_3048 {strides = array<i32>} : memref<8x364xf32, #tpu.memory_space<vmem>>, vector<16xf32>,
      %broadcast_in_dim3A_3053 = arith.constant 3 : i32
      %broadcast_in_dim3A_3054 = vector.broadcast %broadcast_in_dim3A_3053 : i32 to vector<16xi32>
      %gather3A_3055 = tpu.vector_load_idx %arg6[%broadcast_in_dim3A_3054, %get3A_3013] : memref<4x8192xf32, #tpu.memory_space<vmem>>[vector<16xi32>, vector<16xi32>], vector<16xf32>,
      %mul3A_3056 = arith.constant 1.200000e+01 : f32
      %mul3A_3057 = vector.broadcast %mul3A_3056 : f32 to vector<16xf32>
      %mul3A_3058 = arith.mulf %gather3A_3055, %mul3A_3057 : vector<16xf32>
      %sub3A_3059 = arith.constant 6.000000e+00 : f32
      %sub3A_3060 = vector.broadcast %sub3A_3059 : f32 to vector<16xf32>
      %sub3A_3061 = arith.subf %mul3A_3058, %sub3A_3060 : vector<16xf32>
      %swap3A_3062 = arith.constant 7 : i32
      %swap3A_3063 = arith.index_cast %swap3A_3062 : i32 to index
      %swap3A_3064 = arith.constant 336 : index
      %swap3A_3065 = tpu.vector_load %arg7[%swap3A_3063, %swap3A_3064] {strides = array<i32>} : memref<8x364xf32, #tpu.memory_space<vmem>>, vector<16xf32>,
      tpu.vector_store %arg7[%swap3A_3063, %swap3A_3064], %sub3A_3061 {strides = array<i32>} : memref<8x364xf32, #tpu.memory_space<vmem>>, vector<16xf32>,
      %get3A_3066 = arith.constant 352 : index
      %get3A_3067 = tpu.vector_load %arg8[%get3A_3066] {strides = array<i32>} : memref<368xi32, #tpu.memory_space<vmem>>, vector<16xi32>,
      %broadcast_in_dim3A_3068 = arith.constant 0 : i32
      %broadcast_in_dim3A_3069 = vector.broadcast %broadcast_in_dim3A_3068 : i32 to vector<16xi32>
      %gather3A_3070 = tpu.vector_load_idx %arg6[%broadcast_in_dim3A_3069, %get3A_3067] : memref<4x8192xf32, #tpu.memory_space<vmem>>[vector<16xi32>, vector<16xi32>], vector<16xf32>,
      %mul3A_3071 = arith.constant 1.200000e+01 : f32
      %mul3A_3072 = vector.broadcast %mul3A_3071 : f32 to vector<16xf32>
      %mul3A_3073 = arith.mulf %gather3A_3070, %mul3A_3072 : vector<16xf32>
      %sub3A_3074 = arith.constant 6.000000e+00 : f32
      %sub3A_3075 = vector.broadcast %sub3A_3074 : f32 to vector<16xf32>
      %sub3A_3076 = arith.subf %mul3A_3073, %sub3A_3075 : vector<16xf32>
      %swap3A_3077 = arith.constant 4 : i32
      %swap3A_3078 = arith.index_cast %swap3A_3077 : i32 to index
      %swap3A_3079 = arith.constant 348 : index
      %swap3A_3080 = tpu.vector_load %arg7[%swap3A_3078, %swap3A_3079] {strides = array<i32>} : memref<8x364xf32, #tpu.memory_space<vmem>>, vector<16xf32>,
      tpu.vector_store %arg7[%swap3A_3078, %swap3A_3079], %sub3A_3076 {strides = array<i32>} : memref<8x364xf32, #tpu.memory_space<vmem>>, vector<16xf32>,
      %broadcast_in_dim3A_3081 = arith.constant 1 : i32
      %broadcast_in_dim3A_3082 = vector.broadcast %broadcast_in_dim3A_3081 : i32 to vector<16xi32>
      %gather3A_3083 = tpu.vector_load_idx %arg6[%broadcast_in_dim3A_3082, %get3A_3067] : memref<4x8192xf32, #tpu.memory_space<vmem>>[vector<16xi32>, vector<16xi32>], vector<16xf32>,
      %mul3A_3084 = arith.constant 1.200000e+01 : f32
      %mul3A_3085 = vector.broadcast %mul3A_3084 : f32 to vector<16xf32>
      %mul3A_3086 = arith.mulf %gather3A_3083, %mul3A_3085 : vector<16xf32>
      %sub3A_3087 = arith.constant 6.000000e+00 : f32
      %sub3A_3088 = vector.broadcast %sub3A_3087 : f32 to vector<16xf32>
      %sub3A_3089 = arith.subf %mul3A_3086, %sub3A_3088 : vector<16xf32>
      %swap3A_3090 = arith.constant 5 : i32
      %swap3A_3091 = arith.index_cast %swap3A_3090 : i32 to index
      %swap3A_3092 = arith.constant 348 : index
      %swap3A_3093 = tpu.vector_load %arg7[%swap3A_3091, %swap3A_3092] {strides = array<i32>} : memref<8x364xf32, #tpu.memory_space<vmem>>, vector<16xf32>,
      tpu.vector_store %arg7[%swap3A_3091, %swap3A_3092], %sub3A_3089 {strides = array<i32>} : memref<8x364xf32, #tpu.memory_space<vmem>>, vector<16xf32>,
      %broadcast_in_dim3A_3094 = arith.constant 2 : i32
      %broadcast_in_dim3A_3095 = vector.broadcast %broadcast_in_dim3A_3094 : i32 to vector<16xi32>
      %gather3A_3096 = tpu.vector_load_idx %arg6[%broadcast_in_dim3A_3095, %get3A_3067] : memref<4x8192xf32, #tpu.memory_space<vmem>>[vector<16xi32>, vector<16xi32>], vector<16xf32>,
      %mul3A_3097 = arith.constant 1.200000e+01 : f32
      %mul3A_3098 = vector.broadcast %mul3A_3097 : f32 to vector<16xf32>
      %mul3A_3099 = arith.mulf %gather3A_3096, %mul3A_3098 : vector<16xf32>
      %sub3A_3100 = arith.constant 6.000000e+00 : f32
      %sub3A_3101 = vector.broadcast %sub3A_3100 : f32 to vector<16xf32>
      %sub3A_3102 = arith.subf %mul3A_3099, %sub3A_3101 : vector<16xf32>
      %swap3A_3103 = arith.constant 6 : i32
      %swap3A_3104 = arith.index_cast %swap3A_3103 : i32 to index
      %swap3A_3105 = arith.constant 348 : index
      %swap3A_3106 = tpu.vector_load %arg7[%swap3A_3104, %swap3A_3105] {strides = array<i32>} : memref<8x364xf32, #tpu.memory_space<vmem>>, vector<16xf32>,
      tpu.vector_store %arg7[%swap3A_3104, %swap3A_3105], %sub3A_3102 {strides = array<i32>} : memref<8x364xf32, #tpu.memory_space<vmem>>, vector<16xf32>,
      %broadcast_in_dim3A_3107 = arith.constant 3 : i32
      %broadcast_in_dim3A_3108 = vector.broadcast %broadcast_in_dim3A_3107 : i32 to vector<16xi32>
      %gather3A_3109 = tpu.vector_load_idx %arg6[%broadcast_in_dim3A_3108, %get3A_3067] : memref<4x8192xf32, #tpu.memory_space<vmem>>[vector<16xi32>, vector<16xi32>], vector<16xf32>,
      %mul3A_3110 = arith.constant 1.200000e+01 : f32
      %mul3A_3111 = vector.broadcast %mul3A_3110 : f32 to vector<16xf32>
      %mul3A_3112 = arith.mulf %gather3A_3109, %mul3A_3111 : vector<16xf32>
      %sub3A_3113 = arith.constant 6.000000e+00 : f32
      %sub3A_3114 = vector.broadcast %sub3A_3113 : f32 to vector<16xf32>
      %sub3A_3115 = arith.subf %mul3A_3112, %sub3A_3114 : vector<16xf32>
      %swap3A_3116 = arith.constant 7 : i32
      %swap3A_3117 = arith.index_cast %swap3A_3116 : i32 to index
      %swap3A_3118 = arith.constant 348 : index
      %swap3A_3119 = tpu.vector_load %arg7[%swap3A_3117, %swap3A_3118] {strides = array<i32>} : memref<8x364xf32, #tpu.memory_space<vmem>>, vector<16xf32>,
      tpu.vector_store %arg7[%swap3A_3117, %swap3A_3118], %sub3A_3115 {strides = array<i32>} : memref<8x364xf32, #tpu.memory_space<vmem>>, vector<16xf32>,
      "tpu.region"() ({
        %run_scoped3A = tpu.sem_alloc : memref<!tpu.dma_semaphore, #tpu.memory_space<semaphore_mem>>
        %dma_start3A_3120 = arith.constant 0 : i32
        %dma_start3A_3121 = tpu.memref_slice %arg4[%mul3A_217, %dma_start3A_3120] : memref<4096x364xf32, #tpu.memory_space<hbm>> -> memref<8x364xf32, #tpu.memory_space<hbm>>
        %dma_start3A_3122 = arith.constant 0 : i32
        %dma_start3A_3123 = tpu.memref_slice %arg4[%mul3A_217, %dma_start3A_3122] : memref<4096x364xf32, #tpu.memory_space<hbm>> -> memref<8x364xf32, #tpu.memory_space<hbm>>
        tpu.enqueue_dma source(%arg7 : memref<8x364xf32, #tpu.memory_space<vmem>>) target(%dma_start3A_3123 : memref<8x364xf32, #tpu.memory_space<hbm>>) target_semaphore(%run_scoped3A : memref<!tpu.dma_semaphore, #tpu.memory_space<semaphore_mem>>)
        %dma_wait3A_3124 = arith.constant 0 : i32
        %dma_wait3A_3125 = tpu.memref_slice %arg4[%mul3A_217, %dma_wait3A_3124] : memref<4096x364xf32, #tpu.memory_space<hbm>> -> memref<8x364xf32, #tpu.memory_space<hbm>>
        %dma_wait3A_3126 = arith.constant 0 : i32
        %dma_wait3A_3127 = tpu.memref_slice %arg4[%mul3A_217, %dma_wait3A_3126] : memref<4096x364xf32, #tpu.memory_space<hbm>> -> memref<8x364xf32, #tpu.memory_space<hbm>>
        tpu.wait_dma2 semaphore(%run_scoped3A : memref<!tpu.dma_semaphore, #tpu.memory_space<semaphore_mem>>) src(%arg7 : memref<8x364xf32, #tpu.memory_space<vmem>>) dst(%dma_wait3A_3127 : memref<8x364xf32, #tpu.memory_space<hbm>>)
        tpu.yield
      }) : () -> ()
    }
    %scan3A_208 = arith.constant 16 : i32
    %dma_wait3A = arith.constant 0 : i32
    %dma_wait3A_209 = arith.constant 0 : i32
    %dma_wait3A_210 = tpu.memref_slice %arg2[%dma_wait3A, %dma_wait3A_209] : memref<4096x16384xf32, #tpu.memory_space<hbm>> -> memref<4x8192xf32, #tpu.memory_space<hbm>>
    %dma_wait3A_211 = arith.constant 0 : i32
    %dma_wait3A_212 = arith.constant 0 : i32
    %dma_wait3A_213 = tpu.memref_slice %arg2[%dma_wait3A_211, %dma_wait3A_212] : memref<4096x16384xf32, #tpu.memory_space<hbm>> -> memref<4x8192xf32, #tpu.memory_space<hbm>>
    tpu.wait_dma2 semaphore(%arg9 : memref<!tpu.dma_semaphore, #tpu.memory_space<semaphore_mem>>) src(%dma_wait3A_213 : memref<4x8192xf32, #tpu.memory_space<hbm>>) dst(%arg5 : memref<4x8192xf32, #tpu.memory_space<vmem>>)
    return
  }
}

</mosaic_0001>

<sc_bundles>
// kernel: kernel.3.cloned.1.call-start
scs
__scs_entry_jumppad:
0x0: {  	(pc) =	sbr.rel $0x88, $3  }
0x1: {  	(tag) =	ssettag $0x0;
	lr =	simm.s32 $0x1  }
0x2: {  	[smem:$0x3FA0] =	sst lr;
	_ =	strace $0xD0000000  }
0x3: {  	_ = 	snop  }
0x4: {  	_ = 	snop  }
0x5: {  	_ = 	snop  }
0x6: {  	_ = 	snop  }
0x7: {  	_ = 	snop  }
__scs_overlays_trampoline_lowered:
0x8: {  	[smem:$0x3FAF] =	sst s0  }
0x9: {  	[smem:$0x3FB0] =	sst s1  }
0xa: {  	[smem:$0x3FB1] =	sst s2  }
0xb: {  	[smem:$0x3FB2] =	sst s3  }
0xc: {  	[smem:$0x3FB3] =	sst s4  }
0xd: {  	[smem:$0x3FB4] =	sst s5  }
0xe: {  	[smem:$0x3FB5] =	sst s6  }
0xf: {  	[smem:$0x3FB6] =	sst s7  }
0x10: {  	[smem:$0x3FB7] =	sst s8  }
0x11: {  	[smem:$0x3FB8] =	sst s9;
	s0 =	simm.s32 @!p0 $0x0  }
0x12: {  	s1 =	sld [smem:$0x3F9E];
	s0 =	simm.s32 @p0 $0x1  }
0x13: {  	[smem:$0x3FB9] =	sst s0;
	s0 =	simm.s32 @!p1 $0x0  }
0x14: {  	s2 =	sld [smem:$0x3F9D];
	s0 =	simm.s32 @p1 $0x1  }
0x15: {  	[smem:$0x3FBA] =	sst s0;
	s0 =	simm.s32 @!p2 $0x0  }
0x16: {  	s3 =	sld [smem:$0x3FDB];
	s0 =	simm.s32 @p2 $0x1  }
0x17: {  	s4 =	simm.s32 $0x1BF5;
	[smem:$0x3FBC] =	sst s0  }
0x18: {  	s0 =	sld [smem:$0x3F9F];
	_ =	swait.ge [sflag:s4], $0x0  }
0x19: {  	s7 =	sld [smem:$0x3FA0]  }
0x1a: {  	s8 =	sadd.s32 $0xFFFFE003, lr  }
0x1b: {  	s9 =	sadd.s32 $0xFFFFFEF7, lr;
	s5 =	simm.s32 $0xFFFFFFFF;
	p2 =	slt.u32 s8, $0xFFFFF086  }
0x1c: {  	p1 =	slt.u32 s9, $0xF7A;
	s5 =	simm.s32 @!p2 $0x0  }
0x1d: {  	s5 =	simm.s32 @p1 $0x1;
	p0 =	seq.s32 s7, s2  }
0x1e: {  	s7 =	smul.u32 @!p0 $0xF7A, s2;
	p2 =	seq.s32 @!p0 s5, $0x0  }
0x1f: {  	s9 =	smul.u32 $0xF7A, s1;
	s8 =	simm.s32 @!p0 $0x1BF5;
	p2 =	por !p2, p0  }
0x20: {  	[sflag:s8] =	ssyncset.s32 @!p0 $0xFFFFF086;
	s6 =	sadd.s32 @!p0 s3, s7;
	s7 =	simm.s32 @!p0 $0x108  }
0x21: {  	s3 =	sadd.s32 s3, s9;
	s6 =	sadd.s32 @!p0 $0x88, s6;
	s7 =	simm.s32 @p2 $0x1082  }
0x22: {  	[simem:s7], [sflag:s8] =	dma.local @!p0 [hbm:s6], $0xF7A  }
0x23: {  	s9 =	sor.u32 $0xD0000000, s2;
	s6 =	simm.s32 $0x108;
	_ =	swait.ge @!p0 [sflag:s8], $0x0  }
0x24: {  	s3 =	sadd.s32 $0x88, s3;
	s6 =	simm.s32 @!p1 $0x1082;
	[sflag:s4] =	ssyncset.s32 $0xFFFFF086  }
0x25: {  	[simem:s6], [sflag:s4] =	dma.local [hbm:s3], $0xF7A  }
0x26: {  	[smem:$0x3FA0] =	sst s1;
	(tag) =	ssettag s2;
	_ =	strace s9  }
0x27: {  	s1 =	sld [smem:$0x3FB0]  }
0x28: {  	s2 =	sld [smem:$0x3FB1]  }
0x29: {  	s4 =	sld [smem:$0x3FB3]  }
0x2a: {  	p0 =	seq.s32 s5, $0x0;
	s5 =	sld [smem:$0x3FB4]  }
0x2b: {  	s6 =	sld [smem:$0x3FB5]  }
0x2c: {  	s7 =	sld [smem:$0x3FB6]  }
0x2d: {  	s3 =	simm.s32 $0x108;
	s8 =	sld [smem:$0x3FB7]  }
0x2e: {  	s3 =	simm.s32 @!p0 $0x1082;
	s9 =	sld [smem:$0x3FB8]  }
0x2f: {  	lr =	sadd.s32 s0, s3;
	s0 =	sld [smem:$0x3FAF]  }
0x30: {  	s3 =	sld [smem:$0x3FB2]  }
0x31: {  	[smem:$0x3FBB] =	sst s10  }
0x32: {  	s10 =	sld [smem:$0x3FB9];
	_ =	sdelay $0x3  }
0x33: {  	p0 =	seq.s32 s10, $0x1;
	s10 =	sld [smem:$0x3FBB];
	_ =	sdelay $0x3  }
0x34: {  	[smem:$0x3FBB] =	sst s10  }
0x35: {  	s10 =	sld [smem:$0x3FBA];
	_ =	sdelay $0x3  }
0x36: {  	p1 =	seq.s32 s10, $0x1;
	s10 =	sld [smem:$0x3FBB];
	_ =	sdelay $0x3  }
0x37: {  	[smem:$0x3FBB] =	sst s10  }
0x38: {  	s10 =	sld [smem:$0x3FBC]  }
0x39: {  	_ = 	snop;
	(pc) =	sbr.ind lr, $3  }
0x3a: {  	_ = 	snop  }
0x3b: {  	_ = 	snop  }
0x3c: {  	p2 =	seq.s32 s10, $0x1;
	s10 =	sld [smem:$0x3FBB]  }
0x3d: {  	_ =	shalt  }
0x3e: {  	_ =	shalt  }
0x3f: {  	_ =	shalt  }
0x40: {  	_ =	shalt  }
0x41: {  	_ =	shalt  }
0x42: {  	_ =	shalt  }
0x43: {  	_ =	shalt  }
0x44: {  	_ =	shalt  }
0x45: {  	_ =	shalt  }
0x46: {  	_ =	shalt  }
0x47: {  	_ =	shalt  }
0x48: {  	_ =	shalt  }
0x49: {  	_ =	shalt  }
0x4a: {  	_ =	shalt  }
0x4b: {  	_ =	shalt  }
0x4c: {  	_ =	shalt  }
0x4d: {  	_ =	shalt  }
0x4e: {  	_ =	shalt  }
0x4f: {  	_ =	shalt  }
0x50: {  	_ =	shalt  }
0x51: {  	_ =	shalt  }
0x52: {  	_ =	shalt  }
0x53: {  	_ =	shalt  }
0x54: {  	_ =	shalt  }
0x55: {  	_ =	shalt  }
0x56: {  	_ =	shalt  }
0x57: {  	_ =	shalt  }
0x58: {  	_ =	shalt  }
0x59: {  	_ =	shalt  }
0x5a: {  	_ =	shalt  }
0x5b: {  	_ =	shalt  }
0x5c: {  	_ =	shalt  }
0x5d: {  	_ =	shalt  }
0x5e: {  	_ =	shalt  }
0x5f: {  	_ =	shalt  }
0x60: {  	_ =	shalt  }
0x61: {  	_ =	shalt  }
0x62: {  	_ =	shalt  }
0x63: {  	_ =	shalt  }
0x64: {  	_ =	shalt  }
0x65: {  	_ =	shalt  }
0x66: {  	_ =	shalt  }
0x67: {  	_ =	shalt  }
0x68: {  	_ =	shalt  }
0x69: {  	_ =	shalt  }
0x6a: {  	_ =	shalt  }
0x6b: {  	_ =	shalt  }
0x6c: {  	_ =	shalt  }
0x6d: {  	_ =	shalt  }
0x6e: {  	_ =	shalt  }
0x6f: {  	_ =	shalt  }
0x70: {  	_ =	shalt  }
0x71: {  	_ =	shalt  }
0x72: {  	_ =	shalt  }
0x73: {  	_ =	shalt  }
0x74: {  	_ =	shalt  }
0x75: {  	_ =	shalt  }
0x76: {  	_ =	shalt  }
0x77: {  	_ =	shalt  }
0x78: {  	_ =	shalt  }
0x79: {  	_ =	shalt  }
0x7a: {  	_ =	shalt  }
0x7b: {  	_ =	shalt  }
0x7c: {  	_ =	shalt  }
0x7d: {  	_ =	shalt  }
0x7e: {  	_ =	shalt  }
0x7f: {  	_ =	shalt  }
0x80: {  	_ =	shalt  }
0x81: {  	_ =	shalt  }
0x82: {  	_ =	shalt  }
0x83: {  	_ =	shalt  }
0x84: {  	_ =	shalt  }
0x85: {  	_ =	shalt  }
0x86: {  	_ =	shalt  }
0x87: {  	_ =	shalt  }
.Lfunc_end0:
.L_simem_size_0:
called_computation_lowered:
.L_overlay_start_0:
0x88: {  	s2 =	sld [smem:$0x3FD9]  }
0x89: {  	s3 =	sld [smem:$0x3FFE];
	_ =	sdelay $0x1  }
0x8a: {  	s1 =	srdreg.scid  }
0x8b: {  	s0 =	sand.u32 $0x1, s1  }
0x8c: {  	s17 =	sshll.u32 s0, $0xA;
	s2 =	sadd.s32 s3, s2  }
0x8d: {  	s2 =	sadd.s32 s2, s17  }
0x8e: {  	[smem:$0x3FC7] =	sst s2  }
0x8f: {  	_ = 	snop  }
0x90: {  	s2 =	sld [smem:$0x3FC9]  }
0x91: {  	s18 =	sld [smem:$0x3FD0];
	(tm) =	ssettm $0x1  }
0x92: {  	s4 =	sld [smem:$0x3FFB];
	_ =	sdelay $0x3  }
0x93: {  	_ =	strace s4  }
0x94: {  	s4 =	sld [smem:$0x3FFC];
	_ =	sdelay $0x3  }
0x95: {  	_ =	strace s4  }
0x96: {  	s4 =	sld [smem:$0x3FFD];
	_ =	sdelay $0x3  }
0x97: {  	_ =	strace s4  }
0x98: {  	_ =	strace $0x8FFFFFFF  }
0x99: {  	s19 =	sld [smem:$0x3FDB];
	_ =	sdelay $0x1  }
0x9a: {  	s5 =	simm.s32 $_scs_section_size  }
0x9b: {  	s6 =	simm.s32 $_size__tile_overlayer_lowered;
	s7 =	simm.s32 $_tile_overlayer_lowered  }
0x9c: {  	s22 =	simm.s32 $0x1BFF;
	s21 =	sshll.u32 s7, $0x1;
	s4 =	sadd.s32 s5, s19  }
0x9d: {  	s8 =	simm.s32 $0x0;
	s20 =	sshll.u32 s6, $0x1;
	s6 =	sadd.s32 s21, s4  }
0x9e: {  	[timem:s8], [sflag:s22] =	dma.local [hbm:s6], s20  }
0x9f: {  	_ =	swait.ge [sflag:s22], s20  }
0xa0: {  	s5 =	ssub.s32 $0x0, s20;
	[sflag:s22] =	ssyncset.done $0x0  }
0xa1: {  	[sflag:s22] =	ssyncadd.s32 s5;
	_ =	sdelay $0x1  }
0xa2: {  	s23 =	simm.s32 $0x1B8B  }
0xa3: {  	_ =	swait.ge [sflag:s23], $0x1  }
0xa4: {  	[sflag:s23] =	ssyncset.done $0x0  }
0xa5: {  	s25 =	simm.s32 $0x1B8E;
	s24 =	sld [smem:$0x3FFE];
	[sflag:s23] =	ssyncadd.s32 $0xFFFFFFFF  }
0xa6: {  	s26 =	simm.s32 $execute0_lowered;
	[smem:$0x3FD2] =	sst s25  }
0xa7: {  	s6 =	sshll.u32 s26, $0x1;
	_ =	strace $0x80000046;
	[dreg:$0x1] =	wrdreg $0xFFFFFFFF  }
0xa8: {  	s28 =	simm.s32 $_size_execute0_lowered;
	s4 =	sadd.s32 s4, s6;
	[dreg:$0x0] =	wrdreg $0x0  }
0xa9: {  	s6 =	sshll.u32 s28, $0x1;
	[dreg:$0x2] =	wrdreg s4  }
0xaa: {  	[dreg:$0x3] =	wrdreg s6  }
0xab: {  	[dreg:$0x4] =	wrdreg $0xC0  }
0xac: {  	_ =	task [dreg:s8], $0x5FFFF  }
0xad: {  	[dreg:$0x1] =	wrdreg $0xFFFFFFFF  }
0xae: {  	[dreg:$0x0] =	wrdreg $0x60  }
0xaf: {  	[dreg:$0x2] =	wrdreg s2  }
0xb0: {  	[dreg:$0x3] =	wrdreg s18  }
0xb1: {  	[dreg:$0x4] =	wrdreg s24  }
0xb2: {  	[dreg:$0x5] =	wrdreg $0x9  }
0xb3: {  	_ =	task.clear_ibuf [dreg:s8], $0x6FFFF;
	_ =	strace $0x90000046  }
0xb4: {  	s29 =	simm.s32 $0x9;
	_ =	strace $0x80000048  }
0xb5: {  	_ =	swait.ge [sflag:s29], $0x1  }
0xb6: {  	[sflag:s29] =	ssyncadd.s32 $0xFFFFFFFF  }
0xb7: {  	_ =	strace $0x90000048  }
0xb8: {  	_ =	sfence  }
0xb9: {  	s30 =	sld [smem:$0x0];
	_ =	sdelay $0x2  }
0xba: {  	s31 =	sshll.u32 s1, $0xD;
	s1 =	sshrl.u32 s1, $0x2  }
0xbb: {  	s3 =	sand.u32 $0x4000, s31;
	s1 =	sadd.s32 s1, s30  }
0xbc: {  	s0 =	sor.u32 s3, s0;
	s1 =	sshll.u32 s1, $0x11  }
0xbd: {  	s0 =	sor.u32 s1, s0  }
0xbe: {  	s0 =	sadd.s32 $0x8F2B, s0  }
0xbf: {  	[sflag:s0] =	ssyncadd.remote.s32 $0x1  }
0xc0: {  	_ =	sfence.sel $0xFFFF  }
0xc1: {  	[dreg:$0x0] =	wrdreg $0xFFFFFFFF;
	(pc) =	sbr.abs _section_cstart, $3  }
0xc2: {  	[dreg:$0x1] =	wrdreg $0xFFFFFFFF  }
0xc3: {  	_ =	task.clear_ibuf [dreg:s8], $0x2FFFF;
	_ =	strace $0x9FFFFFFF  }
0xc4: {  	(tm) =	ssettm $0x7FFFFFFF  }
0xc5: {  	_ =	shalt  }
tec
execute0_lowered:
.L_overlay_start_1:
0x0: {  	(tag) =	ssettag $0x1  }
0x1: {  	s24 =	rddreg [dreg:$0x0]  }
0x2: {  	s5 =	rddreg [dreg:$0x2];
	s4 =	simm.s32 $0x0  }
0x3: {  	s8 =	simm.s32 $0xAC00;
	[smem:$0x7FF] =	sst s4  }
0x4: {  	s9 =	simm.s32 $0xB200;
	_ =	strace $0x80000047;
	[dreg:$0x7] =	wrdreg s8  }
0x5: {  	s10 =	simm.s32 $0xB400;
	[dreg:$0x8] =	wrdreg s9  }
0x6: {  	s12 =	simm.s32 $0xC200;
	[dreg:$0x9] =	wrdreg s10  }
0x7: {  	s0 =	srdreg.scid;
	s14 =	simm.s32 $0xC800;
	[dreg:$0xa] =	wrdreg s12  }
0x8: {  	s1 =	stileid.u32;
	s16 =	simm.s32 $0xCA00;
	[dreg:$0xb] =	wrdreg s14  }
0x9: {  	s18 =	simm.s32 $0xD000;
	s20 =	simm.s32 $0xD200;
	[dreg:$0xc] =	wrdreg s16  }
0xa: {  	s22 =	simm.s32 $0xD400;
	s29 =	simm.s32 $0x3;
	[dreg:$0xd] =	wrdreg s18  }
0xb: {  	s30 =	simm.s32 $0x200;
	s31 =	simm.s32 $0x400;
	[dreg:$0xe] =	wrdreg s20  }
0xc: {  	s2 =	sand.u32 $0x1, s0;
	[dreg:$0xf] =	wrdreg s22;
	s8 =	simm.s32 $0xEA00  }
0xd: {  	s23 =	sshll.u32 s1, $0x8;
	s10 =	simm.s32 $0xF000;
	[dreg:$0x12] =	wrdreg s8  }
0xe: {  	s25 =	sshll.u32 s1, $0x1;
	s12 =	simm.s32 $0xF200;
	[dreg:$0x13] =	wrdreg s10  }
0xf: {  	s26 =	sshll.u32 s1, $0x13;
	s14 =	simm.s32 $0xF400;
	[dreg:$0x14] =	wrdreg s12  }
0x10: {  	s3 =	sshll.u32 s2, $0x7;
	s16 =	simm.s32 $0xFA00;
	[dreg:$0x15] =	wrdreg s14  }
0x11: {  	s7 =	sshll.u32 s2, $0x12;
	s18 =	simm.s32 $0xFC00;
	[dreg:$0x16] =	wrdreg s16  }
0x12: {  	s20 =	simm.s32 $0xFE00;
	s22 =	simm.s32 $0x10000;
	[dreg:$0x17] =	wrdreg s18  }
0x13: {  	s0 =	sor.u32 s3, s23;
	s3 =	sor.u32 s2, s25;
	[dreg:$0x18] =	wrdreg s20  }
0x14: {  	s2 =	ssub.s32 $0x2, s2;
	s25 =	simm.s32 $0xE200;
	[dreg:$0x19] =	wrdreg s22  }
0x15: {  	s6 =	sshll.u32 s3, $0x7;
	s1 =	sshrl.u32 s2, $0x1;
	[dreg:$0x10] =	wrdreg s25  }
0x16: {  	s3 =	sshll.u32 s3, $0x12;
	[dreg:$0x4] =	wrdreg s6;
	s6 =	simm.s32 $0xE800  }
0x17: {  	s2 =	ssub.s32 s2, s1;
	s1 =	sadd.s32 s24, s3;
	[dreg:$0x11] =	wrdreg s6  }
0x18: {  	s28 =	simm.s32 $0x3200;
	s11 =	sadd.s32 $0x800, s1;
	[dreg:$0x1a] =	wrdreg s1  }
0x19: {  	s8 =	simm.s32 $0x4800;
	s13 =	sadd.s32 $0xC00, s1;
	[dreg:$0x1b] =	wrdreg s11  }
0x1a: {  	s10 =	simm.s32 $0x5000;
	s15 =	sadd.s32 $0xE00, s1;
	[dreg:$0x1c] =	wrdreg s13  }
0x1b: {  	s12 =	simm.s32 $0x5400;
	s17 =	sadd.s32 $0x1000, s1;
	[dreg:$0x1d] =	wrdreg s15  }
0x1c: {  	s14 =	simm.s32 $0x6800;
	s19 =	sadd.s32 $0x1400, s1;
	[dreg:$0x1e] =	wrdreg s17  }
0x1d: {  	s16 =	simm.s32 $0x7000;
	s21 =	sadd.s32 $0x1600, s1;
	[dreg:$0x1f] =	wrdreg s19  }
0x1e: {  	s0 =	sshrl.u32 s0, $0x3;
	s23 =	sadd.s32 $0x1800, s1;
	[smem:$0x7EE] =	sst s21  }
0x1f: {  	s0 =	smul.u32 $0x180, s0;
	s9 =	sadd.s32 $0x2000, s1;
	[smem:$0x7EF] =	sst s23  }
0x20: {  	s18 =	simm.s32 $0x7400;
	s25 =	sadd.s32 $0x3400, s1;
	[smem:$0x7F2] =	sst s9  }
0x21: {  	s2 =	smax.u32 s2, $0x1;
	s0 =	sadd.s32 s0, s5;
	[smem:$0x7FA] =	sst s25  }
0x22: {  	s5 =	sadd.s32 s26, s24;
	s26 =	sadd.s32 $0x1A00, s1;
	[smem:$0x7FB] =	sst s2  }
0x23: {  	s20 =	simm.s32 $0x7C00;
	s11 =	sadd.s32 $0x2400, s1;
	[smem:$0x7F0] =	sst s26  }
0x24: {  	s22 =	simm.s32 $0x1;
	s13 =	sadd.s32 $0x2600, s1;
	[smem:$0x7F3] =	sst s11  }
0x25: {  	s3 =	simm.s32 $0x2C00;
	s15 =	sadd.s32 $0x2800, s1;
	[smem:$0x7F4] =	sst s13  }
0x26: {  	s6 =	simm.s32 $0x3400;
	s17 =	sadd.s32 $0x2A00, s1;
	[smem:$0x7F5] =	sst s15  }
0x27: {  	s19 =	sadd.s32 $0x2C00, s1;
	s21 =	sadd.s32 $0x3000, s1;
	[smem:$0x7F6] =	sst s17  }
0x28: {  	s23 =	sadd.s32 $0x3200, s1;
	s2 =	simm.s32 $0x1E00;
	[smem:$0x7F7] =	sst s19  }
0x29: {  	s9 =	simm.s32 $0x4A00;
	s25 =	simm.s32 $0x7E00;
	[smem:$0x7F8] =	sst s21  }
0x2a: {  	s5 =	sadd.s32 s7, s5;
	s7 =	simm.s32 $0x9E00;
	[smem:$0x7F9] =	sst s23  }
0x2b: {  	s0 =	sadd.s32 $0x400, s0;
	s26 =	sadd.s32 $0x3800, s1;
	s11 =	simm.s32 $0x5200  }
0x2c: {  	s13 =	simm.s32 $0x6200;
	s15 =	simm.s32 $0x6A00;
	[dreg:$0x5] =	wrdreg s5  }
0x2d: {  	s17 =	simm.s32 $0x7200;
	s19 =	simm.s32 $0x7A00;
	[dreg:$0x6] =	wrdreg s7  }
0x2e: {  	s21 =	simm.s32 $0x8000;
	s23 =	simm.s32 $0x2;
	[smem:$0x7FC] =	sst s0  }
0x2f: {  	s7 =	sadd.s32 $0x1C00, s1;
	[smem:$0x7FD] =	sst s26;
	s5 =	simm.s32 $0x3200  }
0x30: {  	s1 =	simm.s32 $0x0;
	[smem:$0x7F1] =	sst s7;
	s7 =	simm.s32 $0x4200  }
.LBB2_1:
0x31: {  	[smem:$0x7ED] =	sst s1  }
0x32: {  	s0 =	rddreg [dreg:$0x1];
	s26 =	simm.s32 $0x10C00  }
0x33: {  	[tilespmem:s26], [sflag:$0x3] =	stream.linear.gather [hbm4b:s0+s4], $0x180, $0x38;
	[tilespmem:$0x10D80] =	vst v63  }
0x34: {  	_ =	swait.ge [sflag:s29], $0x180  }
0x35: {  	[sflag:s29] =	ssyncset.done $0x0  }
0x36: {  	s26 =	rddreg [dreg:$0x1a];
	[sflag:s29] =	ssyncadd.s32 $0xFFFFFE80  }
0x37: {  	[tilespmem:s4], [sflag:$0x1] =	stream.strided.gather [hbm4b:s26+s30], $0x1E00, s31, s30, $0x38;
	[tilespmem:$0x10D80] =	vst v63  }
0x38: {  	s1 =	rddreg [dreg:$0x1b]  }
0x39: {  	[tilespmem:s2], [sflag:$0x1] =	stream.strided.gather [hbm4b:s1+s30], $0xE00, s31, s30, $0x38;
	[tilespmem:$0x10D80] =	vst v63  }
0x3a: {  	s2 =	rddreg [dreg:$0x1c]  }
0x3b: {  	[tilespmem:s3], [sflag:$0x1] =	stream.strided.gather [hbm4b:s2+s30], $0x600, s31, s30, $0x38;
	[tilespmem:$0x10D80] =	vst v63  }
0x3c: {  	s3 =	rddreg [dreg:$0x1d]  }
0x3d: {  	[tilespmem:s5], [sflag:$0x1] =	stream.linear.gather [hbm4b:s3+s4], $0x200, $0x38;
	[tilespmem:$0x10D80] =	vst v63  }
0x3e: {  	s5 =	rddreg [dreg:$0x1e]  }
0x3f: {  	[tilespmem:s6], [sflag:$0x1] =	stream.strided.gather [hbm4b:s5+s30], $0xE00, s31, s30, $0x38;
	[tilespmem:$0x10D80] =	vst v63  }
0x40: {  	s6 =	rddreg [dreg:$0x1f]  }
0x41: {  	[tilespmem:s7], [sflag:$0x1] =	stream.strided.gather [hbm4b:s6+s30], $0x600, s31, s30, $0x38;
	[tilespmem:$0x10D80] =	vst v63  }
0x42: {  	s7 =	sld [smem:$0x7EE];
	_ =	sdelay $0x2  }
0x43: {  	[tilespmem:s8], [sflag:$0x1] =	stream.linear.gather [hbm4b:s7+s4], $0x200, $0x38;
	[tilespmem:$0x10D80] =	vst v63  }
0x44: {  	s8 =	sld [smem:$0x7EF];
	_ =	sdelay $0x2  }
0x45: {  	[tilespmem:s9], [sflag:$0x1] =	stream.strided.gather [hbm4b:s8+s30], $0x600, s31, s30, $0x38;
	[tilespmem:$0x10D80] =	vst v63  }
0x46: {  	s9 =	sld [smem:$0x7F0];
	_ =	sdelay $0x2  }
0x47: {  	[tilespmem:s10], [sflag:$0x1] =	stream.linear.gather [hbm4b:s9+s4], $0x200, $0x38;
	[tilespmem:$0x10D80] =	vst v63  }
0x48: {  	s10 =	sld [smem:$0x7F1];
	_ =	sdelay $0x2  }
0x49: {  	[tilespmem:s11], [sflag:$0x1] =	stream.linear.gather [hbm4b:s10+s4], $0x200, $0x38;
	[tilespmem:$0x10D80] =	vst v63  }
0x4a: {  	s11 =	sld [smem:$0x7F2];
	_ =	sdelay $0x2  }
0x4b: {  	[tilespmem:s12], [sflag:$0x1] =	stream.strided.gather [hbm4b:s11+s30], $0xE00, s31, s30, $0x38;
	[tilespmem:$0x10D80] =	vst v63  }
0x4c: {  	s12 =	sld [smem:$0x7F3];
	_ =	sdelay $0x2  }
0x4d: {  	[tilespmem:s13], [sflag:$0x1] =	stream.strided.gather [hbm4b:s12+s30], $0x600, s31, s30, $0x38;
	[tilespmem:$0x10D80] =	vst v63  }
0x4e: {  	s13 =	sld [smem:$0x7F4];
	_ =	sdelay $0x2  }
0x4f: {  	[tilespmem:s14], [sflag:$0x1] =	stream.linear.gather [hbm4b:s13+s4], $0x200, $0x38;
	[tilespmem:$0x10D80] =	vst v63  }
0x50: {  	s14 =	sld [smem:$0x7F5];
	_ =	sdelay $0x2  }
0x51: {  	[tilespmem:s15], [sflag:$0x1] =	stream.strided.gather [hbm4b:s14+s30], $0x600, s31, s30, $0x38;
	[tilespmem:$0x10D80] =	vst v63  }
0x52: {  	s15 =	sld [smem:$0x7F6];
	_ =	sdelay $0x2  }
0x53: {  	[tilespmem:s16], [sflag:$0x1] =	stream.linear.gather [hbm4b:s15+s4], $0x200, $0x38;
	[tilespmem:$0x10D80] =	vst v63  }
0x54: {  	s16 =	sld [smem:$0x7F7];
	_ =	sdelay $0x2  }
0x55: {  	[tilespmem:s17], [sflag:$0x1] =	stream.linear.gather [hbm4b:s16+s4], $0x200, $0x38;
	[tilespmem:$0x10D80] =	vst v63  }
0x56: {  	s17 =	sld [smem:$0x7F8];
	_ =	sdelay $0x2  }
0x57: {  	[tilespmem:s18], [sflag:$0x1] =	stream.strided.gather [hbm4b:s17+s30], $0x600, s31, s30, $0x38;
	[tilespmem:$0x10D80] =	vst v63  }
0x58: {  	s18 =	sld [smem:$0x7F9]  }
0x59: {  	s26 =	sld [smem:$0x7FD]  }
0x5a: {  	s5 =	simm.s32 $0x0;
	s6 =	simm.s32 $0x7E00;
	s8 =	simm.s32 $0x4800  }
0x5b: {  	[tilespmem:s19], [sflag:$0x1] =	stream.linear.gather [hbm4b:s18+s4], $0x200, $0x38;
	[tilespmem:$0x10D80] =	vst v63  }
0x5c: {  	s9 =	simm.s32 $0x4A00;
	s10 =	simm.s32 $0x5000;
	s19 =	sld [smem:$0x7FA]  }
0x5d: {  	s11 =	simm.s32 $0x5200;
	s12 =	simm.s32 $0x5400;
	s13 =	simm.s32 $0x6200  }
0x5e: {  	s14 =	simm.s32 $0x6800;
	s15 =	simm.s32 $0x6A00;
	s16 =	simm.s32 $0x7000  }
0x5f: {  	[tilespmem:s20], [sflag:$0x1] =	stream.linear.gather [hbm4b:s19+s4], $0x200, $0x38;
	[tilespmem:$0x10D80] =	vst v63  }
0x60: {  	s17 =	simm.s32 $0x7200;
	s18 =	simm.s32 $0x7400;
	s19 =	simm.s32 $0x7A00  }
0x61: {  	[tilespmem:s25], [sflag:$0x1] =	stream.linear.gather [hbm4b:s26+s4], $0x200, $0x38;
	[tilespmem:$0x10D80] =	vst v63  }
0x62: {  	s20 =	simm.s32 $0x7C00;
	s26 =	simm.s32 $0x8;
	s25 =	sld [smem:$0x7FC]  }
.LBB2_2:
0x63: {  	s2 =	rddreg [dreg:$0x5]  }
0x64: {  	s3 =	smov.u32 s24;
	s24 =	sadd.s32 s5, s2  }
0x65: {  	s1 =	sadd.s32 $0x40, s24  }
0x66: {  	[tilespmem:s21], [sflag:$0x2] =	stream.strided.gather [hbm4b:s1+s30], $0x1E00, s31, s30, $0x38;
	[tilespmem:$0x10D80] =	vst v63  }
0x67: {  	s2 =	rddreg [dreg:$0x6];
	s7 =	sadd.s32 $0x840, s24  }
0x68: {  	[tilespmem:s2], [sflag:$0x2] =	stream.strided.gather [hbm4b:s7+s30], $0xE00, s31, s30, $0x38;
	[tilespmem:$0x10D80] =	vst v63  }
0x69: {  	s0 =	rddreg [dreg:$0x7];
	s7 =	sadd.s32 $0xC40, s24  }
0x6a: {  	[tilespmem:s0], [sflag:$0x2] =	stream.strided.gather [hbm4b:s7+s30], $0x600, s31, s30, $0x38;
	[tilespmem:$0x10D80] =	vst v63  }
0x6b: {  	s2 =	rddreg [dreg:$0x8];
	s7 =	sadd.s32 $0xE40, s24  }
0x6c: {  	[tilespmem:s2], [sflag:$0x2] =	stream.linear.gather [hbm4b:s7+s4], $0x200, $0x38;
	[tilespmem:$0x10D80] =	vst v63  }
0x6d: {  	s1 =	rddreg [dreg:$0x9];
	s7 =	sadd.s32 $0x1040, s24  }
0x6e: {  	[tilespmem:s1], [sflag:$0x2] =	stream.strided.gather [hbm4b:s7+s30], $0xE00, s31, s30, $0x38;
	[tilespmem:$0x10D80] =	vst v63  }
0x6f: {  	s2 =	rddreg [dreg:$0xa];
	s7 =	sadd.s32 $0x1440, s24  }
0x70: {  	[tilespmem:s2], [sflag:$0x2] =	stream.strided.gather [hbm4b:s7+s30], $0x600, s31, s30, $0x38;
	[tilespmem:$0x10D80] =	vst v63  }
0x71: {  	s1 =	rddreg [dreg:$0xb];
	s7 =	sadd.s32 $0x1640, s24  }
0x72: {  	[tilespmem:s1], [sflag:$0x2] =	stream.linear.gather [hbm4b:s7+s4], $0x200, $0x38;
	[tilespmem:$0x10D80] =	vst v63  }
0x73: {  	s2 =	rddreg [dreg:$0xc];
	s7 =	sadd.s32 $0x1840, s24  }
0x74: {  	[tilespmem:s2], [sflag:$0x2] =	stream.strided.gather [hbm4b:s7+s30], $0x600, s31, s30, $0x38;
	[tilespmem:$0x10D80] =	vst v63  }
0x75: {  	s1 =	rddreg [dreg:$0xd];
	s7 =	sadd.s32 $0x1A40, s24  }
0x76: {  	[tilespmem:s1], [sflag:$0x2] =	stream.linear.gather [hbm4b:s7+s4], $0x200, $0x38;
	[tilespmem:$0x10D80] =	vst v63  }
0x77: {  	s2 =	rddreg [dreg:$0xe];
	s7 =	sadd.s32 $0x1C40, s24  }
0x78: {  	[tilespmem:s2], [sflag:$0x2] =	stream.linear.gather [hbm4b:s7+s4], $0x200, $0x38;
	[tilespmem:$0x10D80] =	vst v63  }
0x79: {  	s1 =	rddreg [dreg:$0xf];
	s7 =	sadd.s32 $0x2040, s24  }
0x7a: {  	[tilespmem:s1], [sflag:$0x2] =	stream.strided.gather [hbm4b:s7+s30], $0xE00, s31, s30, $0x38;
	[tilespmem:$0x10D80] =	vst v63  }
0x7b: {  	s2 =	rddreg [dreg:$0x10];
	s7 =	sadd.s32 $0x2440, s24  }
0x7c: {  	[tilespmem:s2], [sflag:$0x2] =	stream.strided.gather [hbm4b:s7+s30], $0x600, s31, s30, $0x38;
	[tilespmem:$0x10D80] =	vst v63  }
0x7d: {  	s1 =	rddreg [dreg:$0x11];
	s7 =	sadd.s32 $0x2640, s24  }
0x7e: {  	[tilespmem:s1], [sflag:$0x2] =	stream.linear.gather [hbm4b:s7+s4], $0x200, $0x38;
	[tilespmem:$0x10D80] =	vst v63  }
0x7f: {  	s2 =	rddreg [dreg:$0x12];
	s7 =	sadd.s32 $0x2840, s24  }
0x80: {  	[tilespmem:s2], [sflag:$0x2] =	stream.strided.gather [hbm4b:s7+s30], $0x600, s31, s30, $0x38;
	[tilespmem:$0x10D80] =	vst v63  }
0x81: {  	s1 =	rddreg [dreg:$0x13];
	s7 =	sadd.s32 $0x2A40, s24  }
0x82: {  	[tilespmem:s1], [sflag:$0x2] =	stream.linear.gather [hbm4b:s7+s4], $0x200, $0x38;
	[tilespmem:$0x10D80] =	vst v63  }
0x83: {  	s2 =	rddreg [dreg:$0x14];
	s7 =	sadd.s32 $0x2C40, s24  }
0x84: {  	[tilespmem:s2], [sflag:$0x2] =	stream.linear.gather [hbm4b:s7+s4], $0x200, $0x38;
	[tilespmem:$0x10D80] =	vst v63  }
0x85: {  	s1 =	rddreg [dreg:$0x15];
	s7 =	sadd.s32 $0x3040, s24  }
0x86: {  	[tilespmem:s1], [sflag:$0x2] =	stream.strided.gather [hbm4b:s7+s30], $0x600, s31, s30, $0x38;
	[tilespmem:$0x10D80] =	vst v63  }
0x87: {  	s2 =	rddreg [dreg:$0x16];
	s7 =	sadd.s32 $0x3240, s24  }
0x88: {  	[tilespmem:s2], [sflag:$0x2] =	stream.linear.gather [hbm4b:s7+s4], $0x200, $0x38;
	[tilespmem:$0x10D80] =	vst v63  }
0x89: {  	s1 =	rddreg [dreg:$0x17];
	s2 =	sadd.s32 $0x3440, s24  }
0x8a: {  	[tilespmem:s1], [sflag:$0x2] =	stream.linear.gather [hbm4b:s2+s4], $0x200, $0x38;
	[tilespmem:$0x10D80] =	vst v63  }
0x8b: {  	s7 =	rddreg [dreg:$0x18];
	s1 =	sadd.s32 $0x3840, s24  }
0x8c: {  	[tilespmem:s7], [sflag:$0x2] =	stream.linear.gather [hbm4b:s1+s4], $0x200, $0x38;
	[tilespmem:$0x10D80] =	vst v63  }
0x8d: {  	_ =	swait.ge [sflag:s22], $0x8000  }
0x8e: {  	[sflag:s22] =	ssyncset.done $0x0  }
0x8f: {  	[sflag:s22] =	ssyncadd.s32 $0xFFFF8000  }
0x90: {  	v0 =	vld [tilespmem:$0x10C00];
	_ =	sdelay $0x4  }
0x91: {  	v1 =	vshll.u32 v0, $0x2  }
0x92: {  	v0 =	vand.u32 $0x7F, v0;
	v1 =	vand.u32 $0xFFFFFE00, v1  }
0x93: {  	v0 =	vor.u32 v0, v1;
	_ =	sdelay $0x4  }
0x94: {  	v1 =	vld.idx.msk [tilespmem:v0+s4+$0x0], $0xffff;
	_ =	sdelay $0x4  }
0x95: {  	v2 =	vor.u32 $0x80, v0;
	v1 =	vmul.f32 $1.200000000e+01, v1;
	_ =	sdelay $0x1  }
0x96: {  	v1 =	vadd.f32 $-6.000000000e+00, v1;
	_ =	sdelay $0x1  }
0x97: {  	[tilespmem:$0x10000] =	vst v1  }
0x98: {  	v1 =	vld.idx.msk [tilespmem:v2+s4+$0x0], $0xffff;
	_ =	sdelay $0x4  }
0x99: {  	v47 =	vor.u32 $0x100, v0;
	v1 =	vmul.f32 $1.200000000e+01, v1;
	_ =	sdelay $0x1  }
0x9a: {  	v1 =	vadd.f32 $-6.000000000e+00, v1;
	_ =	sdelay $0x1  }
0x9b: {  	[tilespmem:$0x10080] =	vst v1  }
0x9c: {  	v1 =	vld.idx.msk [tilespmem:v47+s4+$0x0], $0xffff;
	_ =	sdelay $0x4  }
0x9d: {  	v0 =	vor.u32 $0x180, v0;
	v1 =	vmul.f32 $1.200000000e+01, v1;
	_ =	sdelay $0x1  }
0x9e: {  	v1 =	vadd.f32 $-6.000000000e+00, v1  }
0x9f: {  	v48 =	vld [tilespmem:$0x10C10]  }
0xa0: {  	[tilespmem:$0x10100] =	vst v1  }
0xa1: {  	v0 =	vld.idx.msk [tilespmem:v0+s4+$0x0], $0xffff;
	_ =	sdelay $0x2  }
0xa2: {  	v49 =	vshll.u32 v48, $0x2  }
0xa3: {  	v2 =	vand.u32 $0x7F, v48;
	v1 =	vand.u32 $0xFFFFFE00, v49  }
0xa4: {  	v1 =	vor.u32 v2, v1;
	v0 =	vmul.f32 $1.200000000e+01, v0;
	_ =	sdelay $0x1  }
0xa5: {  	v0 =	vadd.f32 $-6.000000000e+00, v0;
	_ =	sdelay $0x1  }
0xa6: {  	[tilespmem:$0x10180] =	vst v0  }
0xa7: {  	v0 =	vld.idx.msk [tilespmem:v1+s4+$0x0], $0xffff;
	_ =	sdelay $0x4  }
0xa8: {  	v2 =	vor.u32 $0x80, v1;
	v0 =	vmul.f32 $1.200000000e+01, v0;
	_ =	sdelay $0x1  }
0xa9: {  	v0 =	vadd.f32 $-6.000000000e+00, v0;
	_ =	sdelay $0x1  }
0xaa: {  	[tilespmem:$0x10010] =	vst v0  }
0xab: {  	v0 =	vld.idx.msk [tilespmem:v2+s4+$0x0], $0xffff;
	_ =	sdelay $0x4  }
0xac: {  	v50 =	vor.u32 $0x100, v1;
	v0 =	vmul.f32 $1.200000000e+01, v0;
	_ =	sdelay $0x1  }
0xad: {  	v0 =	vadd.f32 $-6.000000000e+00, v0;
	_ =	sdelay $0x1  }
0xae: {  	[tilespmem:$0x10090] =	vst v0  }
0xaf: {  	v0 =	vld.idx.msk [tilespmem:v50+s4+$0x0], $0xffff;
	_ =	sdelay $0x4  }
0xb0: {  	v1 =	vor.u32 $0x180, v1;
	v0 =	vmul.f32 $1.200000000e+01, v0;
	_ =	sdelay $0x1  }
0xb1: {  	v0 =	vadd.f32 $-6.000000000e+00, v0  }
0xb2: {  	v51 =	vld [tilespmem:$0x10C20]  }
0xb3: {  	[tilespmem:$0x10110] =	vst v0  }
0xb4: {  	v0 =	vld.idx.msk [tilespmem:v1+s4+$0x0], $0xffff;
	_ =	sdelay $0x2  }
0xb5: {  	v52 =	vshll.u32 v51, $0x2  }
0xb6: {  	v2 =	vand.u32 $0x7F, v51;
	v1 =	vand.u32 $0xFFFFFE00, v52  }
0xb7: {  	v1 =	vor.u32 v2, v1;
	v0 =	vmul.f32 $1.200000000e+01, v0;
	_ =	sdelay $0x1  }
0xb8: {  	v0 =	vadd.f32 $-6.000000000e+00, v0;
	_ =	sdelay $0x1  }
0xb9: {  	[tilespmem:$0x10190] =	vst v0  }
0xba: {  	v0 =	vld.idx.msk [tilespmem:v1+s4+$0x0], $0xffff;
	_ =	sdelay $0x4  }
0xbb: {  	v2 =	vor.u32 $0x80, v1;
	v0 =	vmul.f32 $1.200000000e+01, v0;
	_ =	sdelay $0x1  }
0xbc: {  	v0 =	vadd.f32 $-6.000000000e+00, v0;
	_ =	sdelay $0x1  }
0xbd: {  	[tilespmem:$0x10020] =	vst v0  }
0xbe: {  	v0 =	vld.idx.msk [tilespmem:v2+s4+$0x0], $0xffff;
	_ =	sdelay $0x4  }
0xbf: {  	v53 =	vor.u32 $0x100, v1;
	v0 =	vmul.f32 $1.200000000e+01, v0;
	_ =	sdelay $0x1  }
0xc0: {  	v0 =	vadd.f32 $-6.000000000e+00, v0;
	_ =	sdelay $0x1  }
0xc1: {  	[tilespmem:$0x100A0] =	vst v0  }
0xc2: {  	v0 =	vld.idx.msk [tilespmem:v53+s4+$0x0], $0xffff;
	_ =	sdelay $0x4  }
0xc3: {  	v1 =	vor.u32 $0x180, v1;
	v0 =	vmul.f32 $1.200000000e+01, v0;
	_ =	sdelay $0x1  }
0xc4: {  	v0 =	vadd.f32 $-6.000000000e+00, v0  }
0xc5: {  	v54 =	vld [tilespmem:$0x10C30]  }
0xc6: {  	[tilespmem:$0x10120] =	vst v0  }
0xc7: {  	v0 =	vld.idx.msk [tilespmem:v1+s4+$0x0], $0xffff;
	_ =	sdelay $0x2  }
0xc8: {  	v55 =	vshll.u32 v54, $0x2  }
0xc9: {  	v2 =	vand.u32 $0x7F, v54;
	v1 =	vand.u32 $0xFFFFFE00, v55  }
0xca: {  	v1 =	vor.u32 v2, v1;
	v0 =	vmul.f32 $1.200000000e+01, v0;
	_ =	sdelay $0x1  }
0xcb: {  	v0 =	vadd.f32 $-6.000000000e+00, v0;
	_ =	sdelay $0x1  }
0xcc: {  	[tilespmem:$0x101A0] =	vst v0  }
0xcd: {  	v0 =	vld.idx.msk [tilespmem:v1+s4+$0x0], $0xffff;
	_ =	sdelay $0x4  }
0xce: {  	v2 =	vor.u32 $0x80, v1;
	v0 =	vmul.f32 $1.200000000e+01, v0;
	_ =	sdelay $0x1  }
0xcf: {  	v0 =	vadd.f32 $-6.000000000e+00, v0;
	_ =	sdelay $0x1  }
0xd0: {  	[tilespmem:$0x10030] =	vst v0  }
0xd1: {  	v0 =	vld.idx.msk [tilespmem:v2+s4+$0x0], $0xffff;
	_ =	sdelay $0x4  }
0xd2: {  	v56 =	vor.u32 $0x100, v1;
	v0 =	vmul.f32 $1.200000000e+01, v0;
	_ =	sdelay $0x1  }
0xd3: {  	v0 =	vadd.f32 $-6.000000000e+00, v0;
	_ =	sdelay $0x1  }
0xd4: {  	[tilespmem:$0x100B0] =	vst v0  }
0xd5: {  	v0 =	vld.idx.msk [tilespmem:v56+s4+$0x0], $0xffff;
	_ =	sdelay $0x4  }
0xd6: {  	v1 =	vor.u32 $0x180, v1;
	v0 =	vmul.f32 $1.200000000e+01, v0;
	_ =	sdelay $0x1  }
0xd7: {  	v0 =	vadd.f32 $-6.000000000e+00, v0  }
0xd8: {  	v57 =	vld [tilespmem:$0x10C40]  }
0xd9: {  	[tilespmem:$0x10130] =	vst v0  }
0xda: {  	v0 =	vld.idx.msk [tilespmem:v1+s4+$0x0], $0xffff;
	_ =	sdelay $0x2  }
0xdb: {  	v58 =	vshll.u32 v57, $0x2  }
0xdc: {  	v2 =	vand.u32 $0x7F, v57;
	v1 =	vand.u32 $0xFFFFFE00, v58  }
0xdd: {  	v1 =	vor.u32 v2, v1;
	v0 =	vmul.f32 $1.200000000e+01, v0;
	_ =	sdelay $0x1  }
0xde: {  	v0 =	vadd.f32 $-6.000000000e+00, v0;
	_ =	sdelay $0x1  }
0xdf: {  	[tilespmem:$0x101B0] =	vst v0  }
0xe0: {  	v0 =	vld.idx.msk [tilespmem:v1+s4+$0x0], $0xffff;
	_ =	sdelay $0x4  }
0xe1: {  	v2 =	vor.u32 $0x80, v1;
	v0 =	vmul.f32 $1.200000000e+01, v0;
	_ =	sdelay $0x1  }
0xe2: {  	v0 =	vadd.f32 $-6.000000000e+00, v0;
	_ =	sdelay $0x1  }
0xe3: {  	[tilespmem:$0x10040] =	vst v0  }
0xe4: {  	v0 =	vld.idx.msk [tilespmem:v2+s4+$0x0], $0xffff;
	_ =	sdelay $0x4  }
0xe5: {  	v59 =	vor.u32 $0x100, v1;
	v0 =	vmul.f32 $1.200000000e+01, v0;
	_ =	sdelay $0x1  }
0xe6: {  	v0 =	vadd.f32 $-6.000000000e+00, v0;
	_ =	sdelay $0x1  }
0xe7: {  	[tilespmem:$0x100C0] =	vst v0  }
0xe8: {  	v0 =	vld.idx.msk [tilespmem:v59+s4+$0x0], $0xffff;
	_ =	sdelay $0x4  }
0xe9: {  	v1 =	vor.u32 $0x180, v1;
	v0 =	vmul.f32 $1.200000000e+01, v0;
	_ =	sdelay $0x1  }
0xea: {  	v0 =	vadd.f32 $-6.000000000e+00, v0  }
0xeb: {  	v60 =	vld [tilespmem:$0x10C50]  }
0xec: {  	[tilespmem:$0x10140] =	vst v0  }
0xed: {  	v0 =	vld.idx.msk [tilespmem:v1+s4+$0x0], $0xffff;
	_ =	sdelay $0x2  }
0xee: {  	v61 =	vshll.u32 v60, $0x2  }
0xef: {  	v2 =	vand.u32 $0x7F, v60;
	v1 =	vand.u32 $0xFFFFFE00, v61  }
0xf0: {  	v1 =	vor.u32 v2, v1;
	v0 =	vmul.f32 $1.200000000e+01, v0;
	_ =	sdelay $0x1  }
0xf1: {  	v0 =	vadd.f32 $-6.000000000e+00, v0;
	_ =	sdelay $0x1  }
0xf2: {  	[tilespmem:$0x101C0] =	vst v0  }
0xf3: {  	v0 =	vld.idx.msk [tilespmem:v1+s4+$0x0], $0xffff;
	_ =	sdelay $0x4  }
0xf4: {  	v2 =	vor.u32 $0x80, v1;
	v0 =	vmul.f32 $1.200000000e+01, v0;
	_ =	sdelay $0x1  }
0xf5: {  	v0 =	vadd.f32 $-6.000000000e+00, v0;
	_ =	sdelay $0x1  }
0xf6: {  	[tilespmem:$0x10050] =	vst v0  }
0xf7: {  	v0 =	vld.idx.msk [tilespmem:v2+s4+$0x0], $0xffff;
	_ =	sdelay $0x4  }
0xf8: {  	v62 =	vor.u32 $0x100, v1;
	v0 =	vmul.f32 $1.200000000e+01, v0;
	_ =	sdelay $0x1  }
0xf9: {  	v0 =	vadd.f32 $-6.000000000e+00, v0;
	_ =	sdelay $0x1  }
0xfa: {  	[tilespmem:$0x100D0] =	vst v0  }
0xfb: {  	v0 =	vld.idx.msk [tilespmem:v62+s4+$0x0], $0xffff;
	_ =	sdelay $0x4  }
0xfc: {  	v1 =	vor.u32 $0x180, v1;
	v0 =	vmul.f32 $1.200000000e+01, v0;
	_ =	sdelay $0x1  }
0xfd: {  	v0 =	vadd.f32 $-6.000000000e+00, v0  }
0xfe: {  	v63 =	vld [tilespmem:$0x10C60]  }
0xff: {  	[tilespmem:$0x10150] =	vst v0  }
0x100: {  	v0 =	vld.idx.msk [tilespmem:v1+s4+$0x0], $0xffff;
	_ =	sdelay $0x2  }
0x101: {  	v4 =	vshll.u32 v63, $0x2  }
0x102: {  	v2 =	vand.u32 $0x7F, v63;
	v1 =	vand.u32 $0xFFFFFE00, v4  }
0x103: {  	v1 =	vor.u32 v2, v1;
	v0 =	vmul.f32 $1.200000000e+01, v0;
	_ =	sdelay $0x1  }
0x104: {  	v0 =	vadd.f32 $-6.000000000e+00, v0;
	_ =	sdelay $0x1  }
0x105: {  	[tilespmem:$0x101D0] =	vst v0  }
0x106: {  	v0 =	vld.idx.msk [tilespmem:v1+s4+$0x0], $0xffff;
	_ =	sdelay $0x4  }
0x107: {  	v2 =	vor.u32 $0x80, v1;
	v0 =	vmul.f32 $1.200000000e+01, v0;
	_ =	sdelay $0x1  }
0x108: {  	v0 =	vadd.f32 $-6.000000000e+00, v0;
	_ =	sdelay $0x1  }
0x109: {  	[tilespmem:$0x10060] =	vst v0  }
0x10a: {  	v0 =	vld.idx.msk [tilespmem:v2+s4+$0x0], $0xffff;
	_ =	sdelay $0x4  }
0x10b: {  	v5 =	vor.u32 $0x100, v1;
	v0 =	vmul.f32 $1.200000000e+01, v0;
	_ =	sdelay $0x1  }
0x10c: {  	v0 =	vadd.f32 $-6.000000000e+00, v0;
	_ =	sdelay $0x1  }
0x10d: {  	[tilespmem:$0x100E0] =	vst v0  }
0x10e: {  	v0 =	vld.idx.msk [tilespmem:v5+s4+$0x0], $0xffff;
	_ =	sdelay $0x4  }
0x10f: {  	v1 =	vor.u32 $0x180, v1;
	v0 =	vmul.f32 $1.200000000e+01, v0;
	_ =	sdelay $0x1  }
0x110: {  	v0 =	vadd.f32 $-6.000000000e+00, v0  }
0x111: {  	v6 =	vld [tilespmem:$0x10C70]  }
0x112: {  	[tilespmem:$0x10160] =	vst v0  }
0x113: {  	v0 =	vld.idx.msk [tilespmem:v1+s4+$0x0], $0xffff;
	_ =	sdelay $0x2  }
0x114: {  	v7 =	vshll.u32 v6, $0x2  }
0x115: {  	v2 =	vand.u32 $0x7F, v6;
	v1 =	vand.u32 $0xFFFFFE00, v7  }
0x116: {  	v1 =	vor.u32 v2, v1;
	v0 =	vmul.f32 $1.200000000e+01, v0;
	_ =	sdelay $0x1  }
0x117: {  	v0 =	vadd.f32 $-6.000000000e+00, v0;
	_ =	sdelay $0x1  }
0x118: {  	[tilespmem:$0x101E0] =	vst v0  }
0x119: {  	v0 =	vld.idx.msk [tilespmem:v1+s4+$0x0], $0xffff;
	_ =	sdelay $0x4  }
0x11a: {  	v2 =	vor.u32 $0x80, v1;
	v0 =	vmul.f32 $1.200000000e+01, v0;
	_ =	sdelay $0x1  }
0x11b: {  	v0 =	vadd.f32 $-6.000000000e+00, v0;
	_ =	sdelay $0x1  }
0x11c: {  	[tilespmem:$0x10070] =	vst v0  }
0x11d: {  	v0 =	vld.idx.msk [tilespmem:v2+s4+$0x0], $0xffff;
	_ =	sdelay $0x4  }
0x11e: {  	v8 =	vor.u32 $0x100, v1;
	v0 =	vmul.f32 $1.200000000e+01, v0;
	_ =	sdelay $0x1  }
0x11f: {  	v0 =	vadd.f32 $-6.000000000e+00, v0;
	_ =	sdelay $0x1  }
0x120: {  	[tilespmem:$0x100F0] =	vst v0  }
0x121: {  	v0 =	vld.idx.msk [tilespmem:v8+s4+$0x0], $0xffff;
	_ =	sdelay $0x4  }
0x122: {  	v1 =	vor.u32 $0x180, v1;
	v0 =	vmul.f32 $1.200000000e+01, v0;
	_ =	sdelay $0x1  }
0x123: {  	v0 =	vadd.f32 $-6.000000000e+00, v0  }
0x124: {  	v9 =	vld [tilespmem:$0x10C80]  }
0x125: {  	[tilespmem:$0x10170] =	vst v0  }
0x126: {  	v0 =	vld.idx.msk [tilespmem:v1+s4+$0x0], $0xffff;
	_ =	sdelay $0x2  }
0x127: {  	v10 =	vshll.u32 v9, $0x2  }
0x128: {  	v2 =	vand.u32 $0x7F, v9;
	v1 =	vand.u32 $0xFFFFFE00, v10  }
0x129: {  	v1 =	vor.u32 v2, v1;
	v0 =	vmul.f32 $1.200000000e+01, v0;
	_ =	sdelay $0x1  }
0x12a: {  	v0 =	vadd.f32 $-6.000000000e+00, v0;
	_ =	sdelay $0x1  }
0x12b: {  	[tilespmem:$0x101F0] =	vst v0  }
0x12c: {  	v0 =	vld.idx.msk [tilespmem:v1+s4+$0x0], $0xffff;
	_ =	sdelay $0x4  }
0x12d: {  	v2 =	vor.u32 $0x80, v1;
	v0 =	vmul.f32 $1.200000000e+01, v0;
	_ =	sdelay $0x1  }
0x12e: {  	v0 =	vadd.f32 $-6.000000000e+00, v0;
	_ =	sdelay $0x1  }
0x12f: {  	[tilespmem:$0x10400] =	vst v0  }
0x130: {  	v0 =	vld.idx.msk [tilespmem:v2+s4+$0x0], $0xffff;
	_ =	sdelay $0x4  }
0x131: {  	v11 =	vor.u32 $0x100, v1;
	v0 =	vmul.f32 $1.200000000e+01, v0;
	_ =	sdelay $0x1  }
0x132: {  	v0 =	vadd.f32 $-6.000000000e+00, v0;
	_ =	sdelay $0x1  }
0x133: {  	[tilespmem:$0x10480] =	vst v0  }
0x134: {  	v0 =	vld.idx.msk [tilespmem:v11+s4+$0x0], $0xffff;
	_ =	sdelay $0x4  }
0x135: {  	v1 =	vor.u32 $0x180, v1;
	v0 =	vmul.f32 $1.200000000e+01, v0;
	_ =	sdelay $0x1  }
0x136: {  	v0 =	vadd.f32 $-6.000000000e+00, v0  }
0x137: {  	v12 =	vld [tilespmem:$0x10C90]  }
0x138: {  	[tilespmem:$0x10500] =	vst v0  }
0x139: {  	v0 =	vld.idx.msk [tilespmem:v1+s4+$0x0], $0xffff;
	_ =	sdelay $0x2  }
0x13a: {  	v13 =	vshll.u32 v12, $0x2  }
0x13b: {  	v2 =	vand.u32 $0x7F, v12;
	v1 =	vand.u32 $0xFFFFFE00, v13  }
0x13c: {  	v1 =	vor.u32 v2, v1;
	v0 =	vmul.f32 $1.200000000e+01, v0;
	_ =	sdelay $0x1  }
0x13d: {  	v0 =	vadd.f32 $-6.000000000e+00, v0;
	_ =	sdelay $0x1  }
0x13e: {  	[tilespmem:$0x10580] =	vst v0  }
0x13f: {  	v0 =	vld.idx.msk [tilespmem:v1+s4+$0x0], $0xffff;
	_ =	sdelay $0x4  }
0x140: {  	v2 =	vor.u32 $0x80, v1;
	v0 =	vmul.f32 $1.200000000e+01, v0;
	_ =	sdelay $0x1  }
0x141: {  	v0 =	vadd.f32 $-6.000000000e+00, v0;
	_ =	sdelay $0x1  }
0x142: {  	[tilespmem:$0x10410] =	vst v0  }
0x143: {  	v0 =	vld.idx.msk [tilespmem:v2+s4+$0x0], $0xffff;
	_ =	sdelay $0x4  }
0x144: {  	v14 =	vor.u32 $0x100, v1;
	v0 =	vmul.f32 $1.200000000e+01, v0;
	_ =	sdelay $0x1  }
0x145: {  	v0 =	vadd.f32 $-6.000000000e+00, v0;
	_ =	sdelay $0x1  }
0x146: {  	[tilespmem:$0x10490] =	vst v0  }
0x147: {  	v0 =	vld.idx.msk [tilespmem:v14+s4+$0x0], $0xffff;
	_ =	sdelay $0x4  }
0x148: {  	v1 =	vor.u32 $0x180, v1;
	v0 =	vmul.f32 $1.200000000e+01, v0;
	_ =	sdelay $0x1  }
0x149: {  	v0 =	vadd.f32 $-6.000000000e+00, v0  }
0x14a: {  	v15 =	vld [tilespmem:$0x10CA0]  }
0x14b: {  	[tilespmem:$0x10510] =	vst v0  }
0x14c: {  	v0 =	vld.idx.msk [tilespmem:v1+s4+$0x0], $0xffff;
	_ =	sdelay $0x2  }
0x14d: {  	v16 =	vshll.u32 v15, $0x2  }
0x14e: {  	v2 =	vand.u32 $0x7F, v15;
	v1 =	vand.u32 $0xFFFFFE00, v16  }
0x14f: {  	v1 =	vor.u32 v2, v1;
	v0 =	vmul.f32 $1.200000000e+01, v0;
	_ =	sdelay $0x1  }
0x150: {  	v0 =	vadd.f32 $-6.000000000e+00, v0;
	_ =	sdelay $0x1  }
0x151: {  	[tilespmem:$0x10590] =	vst v0  }
0x152: {  	v0 =	vld.idx.msk [tilespmem:v1+s4+$0x0], $0xffff;
	_ =	sdelay $0x4  }
0x153: {  	v2 =	vor.u32 $0x80, v1;
	v0 =	vmul.f32 $1.200000000e+01, v0;
	_ =	sdelay $0x1  }
0x154: {  	v0 =	vadd.f32 $-6.000000000e+00, v0;
	_ =	sdelay $0x1  }
0x155: {  	[tilespmem:$0x10420] =	vst v0  }
0x156: {  	v0 =	vld.idx.msk [tilespmem:v2+s4+$0x0], $0xffff;
	_ =	sdelay $0x4  }
0x157: {  	v17 =	vor.u32 $0x100, v1;
	v0 =	vmul.f32 $1.200000000e+01, v0;
	_ =	sdelay $0x1  }
0x158: {  	v0 =	vadd.f32 $-6.000000000e+00, v0;
	_ =	sdelay $0x1  }
0x159: {  	[tilespmem:$0x104A0] =	vst v0  }
0x15a: {  	v0 =	vld.idx.msk [tilespmem:v17+s4+$0x0], $0xffff;
	_ =	sdelay $0x4  }
0x15b: {  	v1 =	vor.u32 $0x180, v1;
	v0 =	vmul.f32 $1.200000000e+01, v0;
	_ =	sdelay $0x1  }
0x15c: {  	v0 =	vadd.f32 $-6.000000000e+00, v0  }
0x15d: {  	v18 =	vld [tilespmem:$0x10CB0]  }
0x15e: {  	[tilespmem:$0x10520] =	vst v0  }
0x15f: {  	v0 =	vld.idx.msk [tilespmem:v1+s4+$0x0], $0xffff;
	_ =	sdelay $0x2  }
0x160: {  	v19 =	vshll.u32 v18, $0x2  }
0x161: {  	v2 =	vand.u32 $0x7F, v18;
	v1 =	vand.u32 $0xFFFFFE00, v19  }
0x162: {  	v1 =	vor.u32 v2, v1;
	v0 =	vmul.f32 $1.200000000e+01, v0;
	_ =	sdelay $0x1  }
0x163: {  	v0 =	vadd.f32 $-6.000000000e+00, v0;
	_ =	sdelay $0x1  }
0x164: {  	[tilespmem:$0x105A0] =	vst v0  }
0x165: {  	v0 =	vld.idx.msk [tilespmem:v1+s4+$0x0], $0xffff;
	_ =	sdelay $0x4  }
0x166: {  	v2 =	vor.u32 $0x80, v1;
	v0 =	vmul.f32 $1.200000000e+01, v0;
	_ =	sdelay $0x1  }
0x167: {  	v0 =	vadd.f32 $-6.000000000e+00, v0;
	_ =	sdelay $0x1  }
0x168: {  	[tilespmem:$0x10430] =	vst v0  }
0x169: {  	v0 =	vld.idx.msk [tilespmem:v2+s4+$0x0], $0xffff;
	_ =	sdelay $0x4  }
0x16a: {  	v20 =	vor.u32 $0x100, v1;
	v0 =	vmul.f32 $1.200000000e+01, v0;
	_ =	sdelay $0x1  }
0x16b: {  	v0 =	vadd.f32 $-6.000000000e+00, v0;
	_ =	sdelay $0x1  }
0x16c: {  	[tilespmem:$0x104B0] =	vst v0  }
0x16d: {  	v0 =	vld.idx.msk [tilespmem:v20+s4+$0x0], $0xffff;
	_ =	sdelay $0x4  }
0x16e: {  	v1 =	vor.u32 $0x180, v1;
	v0 =	vmul.f32 $1.200000000e+01, v0;
	_ =	sdelay $0x1  }
0x16f: {  	v0 =	vadd.f32 $-6.000000000e+00, v0  }
0x170: {  	v21 =	vld [tilespmem:$0x10CC0]  }
0x171: {  	[tilespmem:$0x10530] =	vst v0  }
0x172: {  	v0 =	vld.idx.msk [tilespmem:v1+s4+$0x0], $0xffff;
	_ =	sdelay $0x2  }
0x173: {  	v22 =	vshll.u32 v21, $0x2  }
0x174: {  	v2 =	vand.u32 $0x7F, v21;
	v1 =	vand.u32 $0xFFFFFE00, v22  }
0x175: {  	v1 =	vor.u32 v2, v1;
	v0 =	vmul.f32 $1.200000000e+01, v0;
	_ =	sdelay $0x1  }
0x176: {  	v0 =	vadd.f32 $-6.000000000e+00, v0;
	_ =	sdelay $0x1  }
0x177: {  	[tilespmem:$0x105B0] =	vst v0  }
0x178: {  	v0 =	vld.idx.msk [tilespmem:v1+s4+$0x0], $0xffff;
	_ =	sdelay $0x4  }
0x179: {  	v2 =	vor.u32 $0x80, v1;
	v0 =	vmul.f32 $1.200000000e+01, v0;
	_ =	sdelay $0x1  }
0x17a: {  	v0 =	vadd.f32 $-6.000000000e+00, v0;
	_ =	sdelay $0x1  }
0x17b: {  	[tilespmem:$0x10440] =	vst v0  }
0x17c: {  	v0 =	vld.idx.msk [tilespmem:v2+s4+$0x0], $0xffff;
	_ =	sdelay $0x4  }
0x17d: {  	v23 =	vor.u32 $0x100, v1;
	v0 =	vmul.f32 $1.200000000e+01, v0;
	_ =	sdelay $0x1  }
0x17e: {  	v0 =	vadd.f32 $-6.000000000e+00, v0;
	_ =	sdelay $0x1  }
0x17f: {  	[tilespmem:$0x104C0] =	vst v0  }
0x180: {  	v0 =	vld.idx.msk [tilespmem:v23+s4+$0x0], $0xffff;
	_ =	sdelay $0x4  }
0x181: {  	v1 =	vor.u32 $0x180, v1;
	v0 =	vmul.f32 $1.200000000e+01, v0;
	_ =	sdelay $0x1  }
0x182: {  	v0 =	vadd.f32 $-6.000000000e+00, v0  }
0x183: {  	v24 =	vld [tilespmem:$0x10CD0]  }
0x184: {  	[tilespmem:$0x10540] =	vst v0  }
0x185: {  	v0 =	vld.idx.msk [tilespmem:v1+s4+$0x0], $0xffff;
	_ =	sdelay $0x2  }
0x186: {  	v25 =	vshll.u32 v24, $0x2  }
0x187: {  	v2 =	vand.u32 $0x7F, v24;
	v1 =	vand.u32 $0xFFFFFE00, v25  }
0x188: {  	v1 =	vor.u32 v2, v1;
	v0 =	vmul.f32 $1.200000000e+01, v0;
	_ =	sdelay $0x1  }
0x189: {  	v0 =	vadd.f32 $-6.000000000e+00, v0;
	_ =	sdelay $0x1  }
0x18a: {  	[tilespmem:$0x105C0] =	vst v0  }
0x18b: {  	v0 =	vld.idx.msk [tilespmem:v1+s4+$0x0], $0xffff;
	_ =	sdelay $0x4  }
0x18c: {  	v2 =	vor.u32 $0x80, v1;
	v0 =	vmul.f32 $1.200000000e+01, v0;
	_ =	sdelay $0x1  }
0x18d: {  	v0 =	vadd.f32 $-6.000000000e+00, v0;
	_ =	sdelay $0x1  }
0x18e: {  	[tilespmem:$0x10450] =	vst v0  }
0x18f: {  	v0 =	vld.idx.msk [tilespmem:v2+s4+$0x0], $0xffff;
	_ =	sdelay $0x4  }
0x190: {  	v26 =	vor.u32 $0x100, v1;
	v0 =	vmul.f32 $1.200000000e+01, v0;
	_ =	sdelay $0x1  }
0x191: {  	v0 =	vadd.f32 $-6.000000000e+00, v0;
	_ =	sdelay $0x1  }
0x192: {  	[tilespmem:$0x104D0] =	vst v0  }
0x193: {  	v0 =	vld.idx.msk [tilespmem:v26+s4+$0x0], $0xffff;
	_ =	sdelay $0x4  }
0x194: {  	v1 =	vor.u32 $0x180, v1;
	v0 =	vmul.f32 $1.200000000e+01, v0;
	_ =	sdelay $0x1  }
0x195: {  	v0 =	vadd.f32 $-6.000000000e+00, v0  }
0x196: {  	v27 =	vld [tilespmem:$0x10CE0]  }
0x197: {  	[tilespmem:$0x10550] =	vst v0  }
0x198: {  	v0 =	vld.idx.msk [tilespmem:v1+s4+$0x0], $0xffff;
	_ =	sdelay $0x2  }
0x199: {  	v28 =	vshll.u32 v27, $0x2  }
0x19a: {  	v2 =	vand.u32 $0x7F, v27;
	v1 =	vand.u32 $0xFFFFFE00, v28  }
0x19b: {  	v1 =	vor.u32 v2, v1;
	v0 =	vmul.f32 $1.200000000e+01, v0;
	_ =	sdelay $0x1  }
0x19c: {  	v0 =	vadd.f32 $-6.000000000e+00, v0;
	_ =	sdelay $0x1  }
0x19d: {  	[tilespmem:$0x105D0] =	vst v0  }
0x19e: {  	v0 =	vld.idx.msk [tilespmem:v1+s4+$0x0], $0xffff;
	_ =	sdelay $0x4  }
0x19f: {  	v2 =	vor.u32 $0x80, v1;
	v0 =	vmul.f32 $1.200000000e+01, v0;
	_ =	sdelay $0x1  }
0x1a0: {  	v0 =	vadd.f32 $-6.000000000e+00, v0;
	_ =	sdelay $0x1  }
0x1a1: {  	[tilespmem:$0x10460] =	vst v0  }
0x1a2: {  	v0 =	vld.idx.msk [tilespmem:v2+s4+$0x0], $0xffff;
	_ =	sdelay $0x4  }
0x1a3: {  	v29 =	vor.u32 $0x100, v1;
	v0 =	vmul.f32 $1.200000000e+01, v0;
	_ =	sdelay $0x1  }
0x1a4: {  	v0 =	vadd.f32 $-6.000000000e+00, v0;
	_ =	sdelay $0x1  }
0x1a5: {  	[tilespmem:$0x104E0] =	vst v0  }
0x1a6: {  	v0 =	vld.idx.msk [tilespmem:v29+s4+$0x0], $0xffff;
	_ =	sdelay $0x4  }
0x1a7: {  	v1 =	vor.u32 $0x180, v1;
	v0 =	vmul.f32 $1.200000000e+01, v0;
	_ =	sdelay $0x1  }
0x1a8: {  	v0 =	vadd.f32 $-6.000000000e+00, v0  }
0x1a9: {  	v30 =	vld [tilespmem:$0x10CF0]  }
0x1aa: {  	[tilespmem:$0x10560] =	vst v0  }
0x1ab: {  	v0 =	vld.idx.msk [tilespmem:v1+s4+$0x0], $0xffff;
	_ =	sdelay $0x2  }
0x1ac: {  	v31 =	vshll.u32 v30, $0x2  }
0x1ad: {  	v2 =	vand.u32 $0x7F, v30;
	v1 =	vand.u32 $0xFFFFFE00, v31  }
0x1ae: {  	v1 =	vor.u32 v2, v1;
	v0 =	vmul.f32 $1.200000000e+01, v0;
	_ =	sdelay $0x1  }
0x1af: {  	v0 =	vadd.f32 $-6.000000000e+00, v0;
	_ =	sdelay $0x1  }
0x1b0: {  	[tilespmem:$0x105E0] =	vst v0  }
0x1b1: {  	v0 =	vld.idx.msk [tilespmem:v1+s4+$0x0], $0xffff;
	_ =	sdelay $0x4  }
0x1b2: {  	v2 =	vor.u32 $0x80, v1;
	v0 =	vmul.f32 $1.200000000e+01, v0;
	_ =	sdelay $0x1  }
0x1b3: {  	v0 =	vadd.f32 $-6.000000000e+00, v0;
	_ =	sdelay $0x1  }
0x1b4: {  	[tilespmem:$0x10470] =	vst v0  }
0x1b5: {  	v0 =	vld.idx.msk [tilespmem:v2+s4+$0x0], $0xffff;
	_ =	sdelay $0x4  }
0x1b6: {  	v32 =	vor.u32 $0x100, v1;
	v0 =	vmul.f32 $1.200000000e+01, v0;
	_ =	sdelay $0x1  }
0x1b7: {  	v0 =	vadd.f32 $-6.000000000e+00, v0;
	_ =	sdelay $0x1  }
0x1b8: {  	[tilespmem:$0x104F0] =	vst v0  }
0x1b9: {  	v0 =	vld.idx.msk [tilespmem:v32+s4+$0x0], $0xffff;
	_ =	sdelay $0x4  }
0x1ba: {  	v1 =	vor.u32 $0x180, v1;
	v0 =	vmul.f32 $1.200000000e+01, v0;
	_ =	sdelay $0x1  }
0x1bb: {  	v0 =	vadd.f32 $-6.000000000e+00, v0  }
0x1bc: {  	v33 =	vld [tilespmem:$0x10D00]  }
0x1bd: {  	[tilespmem:$0x10570] =	vst v0  }
0x1be: {  	v0 =	vld.idx.msk [tilespmem:v1+s4+$0x0], $0xffff;
	_ =	sdelay $0x2  }
0x1bf: {  	v34 =	vshll.u32 v33, $0x2  }
0x1c0: {  	v2 =	vand.u32 $0x7F, v33;
	v1 =	vand.u32 $0xFFFFFE00, v34  }
0x1c1: {  	v1 =	vor.u32 v2, v1;
	v0 =	vmul.f32 $1.200000000e+01, v0;
	_ =	sdelay $0x1  }
0x1c2: {  	v0 =	vadd.f32 $-6.000000000e+00, v0;
	_ =	sdelay $0x1  }
0x1c3: {  	[tilespmem:$0x105F0] =	vst v0  }
0x1c4: {  	v0 =	vld.idx.msk [tilespmem:v1+s4+$0x0], $0xffff;
	_ =	sdelay $0x4  }
0x1c5: {  	v2 =	vor.u32 $0x80, v1;
	v0 =	vmul.f32 $1.200000000e+01, v0;
	_ =	sdelay $0x1  }
0x1c6: {  	v0 =	vadd.f32 $-6.000000000e+00, v0;
	_ =	sdelay $0x1  }
0x1c7: {  	[tilespmem:$0x10800] =	vst v0  }
0x1c8: {  	v0 =	vld.idx.msk [tilespmem:v2+s4+$0x0], $0xffff;
	_ =	sdelay $0x4  }
0x1c9: {  	v35 =	vor.u32 $0x100, v1;
	v0 =	vmul.f32 $1.200000000e+01, v0;
	_ =	sdelay $0x1  }
0x1ca: {  	v0 =	vadd.f32 $-6.000000000e+00, v0;
	_ =	sdelay $0x1  }
0x1cb: {  	[tilespmem:$0x10880] =	vst v0  }
0x1cc: {  	v0 =	vld.idx.msk [tilespmem:v35+s4+$0x0], $0xffff;
	_ =	sdelay $0x4  }
0x1cd: {  	v1 =	vor.u32 $0x180, v1;
	v0 =	vmul.f32 $1.200000000e+01, v0;
	_ =	sdelay $0x1  }
0x1ce: {  	v0 =	vadd.f32 $-6.000000000e+00, v0  }
0x1cf: {  	v36 =	vld [tilespmem:$0x10D10]  }
0x1d0: {  	[tilespmem:$0x10900] =	vst v0  }
0x1d1: {  	v0 =	vld.idx.msk [tilespmem:v1+s4+$0x0], $0xffff;
	_ =	sdelay $0x2  }
0x1d2: {  	v37 =	vshll.u32 v36, $0x2  }
0x1d3: {  	v2 =	vand.u32 $0x7F, v36;
	v1 =	vand.u32 $0xFFFFFE00, v37  }
0x1d4: {  	v1 =	vor.u32 v2, v1;
	v0 =	vmul.f32 $1.200000000e+01, v0;
	_ =	sdelay $0x1  }
0x1d5: {  	v0 =	vadd.f32 $-6.000000000e+00, v0;
	_ =	sdelay $0x1  }
0x1d6: {  	[tilespmem:$0x10980] =	vst v0  }
0x1d7: {  	v0 =	vld.idx.msk [tilespmem:v1+s4+$0x0], $0xffff;
	_ =	sdelay $0x4  }
0x1d8: {  	v2 =	vor.u32 $0x80, v1;
	v0 =	vmul.f32 $1.200000000e+01, v0;
	_ =	sdelay $0x1  }
0x1d9: {  	v0 =	vadd.f32 $-6.000000000e+00, v0;
	_ =	sdelay $0x1  }
0x1da: {  	[tilespmem:$0x10810] =	vst v0  }
0x1db: {  	v0 =	vld.idx.msk [tilespmem:v2+s4+$0x0], $0xffff;
	_ =	sdelay $0x4  }
0x1dc: {  	v38 =	vor.u32 $0x100, v1;
	v0 =	vmul.f32 $1.200000000e+01, v0;
	_ =	sdelay $0x1  }
0x1dd: {  	v0 =	vadd.f32 $-6.000000000e+00, v0;
	_ =	sdelay $0x1  }
0x1de: {  	[tilespmem:$0x10890] =	vst v0  }
0x1df: {  	v0 =	vld.idx.msk [tilespmem:v38+s4+$0x0], $0xffff;
	_ =	sdelay $0x4  }
0x1e0: {  	v1 =	vor.u32 $0x180, v1;
	v0 =	vmul.f32 $1.200000000e+01, v0;
	_ =	sdelay $0x1  }
0x1e1: {  	v0 =	vadd.f32 $-6.000000000e+00, v0  }
0x1e2: {  	v39 =	vld [tilespmem:$0x10D20]  }
0x1e3: {  	[tilespmem:$0x10910] =	vst v0  }
0x1e4: {  	v0 =	vld.idx.msk [tilespmem:v1+s4+$0x0], $0xffff;
	_ =	sdelay $0x2  }
0x1e5: {  	v40 =	vshll.u32 v39, $0x2  }
0x1e6: {  	v2 =	vand.u32 $0x7F, v39;
	v1 =	vand.u32 $0xFFFFFE00, v40  }
0x1e7: {  	v1 =	vor.u32 v2, v1;
	v0 =	vmul.f32 $1.200000000e+01, v0;
	_ =	sdelay $0x1  }
0x1e8: {  	v0 =	vadd.f32 $-6.000000000e+00, v0;
	_ =	sdelay $0x1  }
0x1e9: {  	[tilespmem:$0x10990] =	vst v0  }
0x1ea: {  	v0 =	vld.idx.msk [tilespmem:v1+s4+$0x0], $0xffff;
	_ =	sdelay $0x4  }
0x1eb: {  	v2 =	vor.u32 $0x80, v1;
	v0 =	vmul.f32 $1.200000000e+01, v0;
	_ =	sdelay $0x1  }
0x1ec: {  	v0 =	vadd.f32 $-6.000000000e+00, v0;
	_ =	sdelay $0x1  }
0x1ed: {  	[tilespmem:$0x10820] =	vst v0  }
0x1ee: {  	v0 =	vld.idx.msk [tilespmem:v2+s4+$0x0], $0xffff;
	_ =	sdelay $0x4  }
0x1ef: {  	v41 =	vor.u32 $0x100, v1;
	v0 =	vmul.f32 $1.200000000e+01, v0;
	_ =	sdelay $0x1  }
0x1f0: {  	v0 =	vadd.f32 $-6.000000000e+00, v0;
	_ =	sdelay $0x1  }
0x1f1: {  	[tilespmem:$0x108A0] =	vst v0  }
0x1f2: {  	v0 =	vld.idx.msk [tilespmem:v41+s4+$0x0], $0xffff;
	_ =	sdelay $0x4  }
0x1f3: {  	v1 =	vor.u32 $0x180, v1;
	v0 =	vmul.f32 $1.200000000e+01, v0;
	_ =	sdelay $0x1  }
0x1f4: {  	v0 =	vadd.f32 $-6.000000000e+00, v0  }
0x1f5: {  	v42 =	vld [tilespmem:$0x10D30]  }
0x1f6: {  	[tilespmem:$0x10920] =	vst v0  }
0x1f7: {  	v0 =	vld.idx.msk [tilespmem:v1+s4+$0x0], $0xffff;
	_ =	sdelay $0x2  }
0x1f8: {  	v43 =	vshll.u32 v42, $0x2  }
0x1f9: {  	v2 =	vand.u32 $0x7F, v42;
	v1 =	vand.u32 $0xFFFFFE00, v43  }
0x1fa: {  	v1 =	vor.u32 v2, v1;
	v0 =	vmul.f32 $1.200000000e+01, v0;
	_ =	sdelay $0x1  }
0x1fb: {  	v0 =	vadd.f32 $-6.000000000e+00, v0;
	_ =	sdelay $0x1  }
0x1fc: {  	[tilespmem:$0x109A0] =	vst v0  }
0x1fd: {  	v0 =	vld.idx.msk [tilespmem:v1+s4+$0x0], $0xffff;
	_ =	sdelay $0x4  }
0x1fe: {  	v2 =	vor.u32 $0x80, v1;
	v0 =	vmul.f32 $1.200000000e+01, v0;
	_ =	sdelay $0x1  }
0x1ff: {  	v0 =	vadd.f32 $-6.000000000e+00, v0;
	_ =	sdelay $0x1  }
0x200: {  	[tilespmem:$0x10830] =	vst v0  }
0x201: {  	v0 =	vld.idx.msk [tilespmem:v2+s4+$0x0], $0xffff;
	_ =	sdelay $0x4  }
0x202: {  	v44 =	vor.u32 $0x100, v1;
	v0 =	vmul.f32 $1.200000000e+01, v0;
	_ =	sdelay $0x1  }
0x203: {  	v0 =	vadd.f32 $-6.000000000e+00, v0;
	_ =	sdelay $0x1  }
0x204: {  	[tilespmem:$0x108B0] =	vst v0  }
0x205: {  	v0 =	vld.idx.msk [tilespmem:v44+s4+$0x0], $0xffff;
	_ =	sdelay $0x4  }
0x206: {  	v1 =	vor.u32 $0x180, v1;
	v0 =	vmul.f32 $1.200000000e+01, v0;
	_ =	sdelay $0x1  }
0x207: {  	v0 =	vadd.f32 $-6.000000000e+00, v0  }
0x208: {  	v45 =	vld [tilespmem:$0x10D40]  }
0x209: {  	[tilespmem:$0x10930] =	vst v0  }
0x20a: {  	v0 =	vld.idx.msk [tilespmem:v1+s4+$0x0], $0xffff;
	_ =	sdelay $0x2  }
0x20b: {  	v46 =	vshll.u32 v45, $0x2  }
0x20c: {  	v2 =	vand.u32 $0x7F, v45;
	v1 =	vand.u32 $0xFFFFFE00, v46  }
0x20d: {  	v1 =	vor.u32 v2, v1;
	v0 =	vmul.f32 $1.200000000e+01, v0;
	_ =	sdelay $0x1  }
0x20e: {  	v0 =	vadd.f32 $-6.000000000e+00, v0;
	_ =	sdelay $0x1  }
0x20f: {  	[tilespmem:$0x109B0] =	vst v0  }
0x210: {  	v0 =	vld.idx.msk [tilespmem:v1+s4+$0x0], $0xffff;
	_ =	sdelay $0x4  }
0x211: {  	v2 =	vor.u32 $0x80, v1;
	v0 =	vmul.f32 $1.200000000e+01, v0;
	_ =	sdelay $0x1  }
0x212: {  	v0 =	vadd.f32 $-6.000000000e+00, v0;
	_ =	sdelay $0x1  }
0x213: {  	[tilespmem:$0x10840] =	vst v0  }
0x214: {  	v0 =	vld.idx.msk [tilespmem:v2+s4+$0x0], $0xffff;
	_ =	sdelay $0x4  }
0x215: {  	v47 =	vor.u32 $0x100, v1;
	v0 =	vmul.f32 $1.200000000e+01, v0;
	_ =	sdelay $0x1  }
0x216: {  	v0 =	vadd.f32 $-6.000000000e+00, v0;
	_ =	sdelay $0x1  }
0x217: {  	[tilespmem:$0x108C0] =	vst v0  }
0x218: {  	v0 =	vld.idx.msk [tilespmem:v47+s4+$0x0], $0xffff;
	_ =	sdelay $0x4  }
0x219: {  	v1 =	vor.u32 $0x180, v1;
	v0 =	vmul.f32 $1.200000000e+01, v0;
	_ =	sdelay $0x1  }
0x21a: {  	v0 =	vadd.f32 $-6.000000000e+00, v0  }
0x21b: {  	v48 =	vld [tilespmem:$0x10D50]  }
0x21c: {  	[tilespmem:$0x10940] =	vst v0  }
0x21d: {  	v0 =	vld.idx.msk [tilespmem:v1+s4+$0x0], $0xffff;
	_ =	sdelay $0x2  }
0x21e: {  	v49 =	vshll.u32 v48, $0x2  }
0x21f: {  	v2 =	vand.u32 $0x7F, v48;
	v1 =	vand.u32 $0xFFFFFE00, v49  }
0x220: {  	v1 =	vor.u32 v2, v1;
	v0 =	vmul.f32 $1.200000000e+01, v0;
	_ =	sdelay $0x1  }
0x221: {  	v0 =	vadd.f32 $-6.000000000e+00, v0;
	_ =	sdelay $0x1  }
0x222: {  	[tilespmem:$0x109C0] =	vst v0  }
0x223: {  	v0 =	vld.idx.msk [tilespmem:v1+s4+$0x0], $0xffff;
	_ =	sdelay $0x4  }
0x224: {  	v2 =	vor.u32 $0x80, v1;
	v0 =	vmul.f32 $1.200000000e+01, v0;
	_ =	sdelay $0x1  }
0x225: {  	v0 =	vadd.f32 $-6.000000000e+00, v0;
	_ =	sdelay $0x1  }
0x226: {  	[tilespmem:$0x10850] =	vst v0  }
0x227: {  	v0 =	vld.idx.msk [tilespmem:v2+s4+$0x0], $0xffff;
	_ =	sdelay $0x4  }
0x228: {  	v50 =	vor.u32 $0x100, v1;
	v0 =	vmul.f32 $1.200000000e+01, v0;
	_ =	sdelay $0x1  }
0x229: {  	v0 =	vadd.f32 $-6.000000000e+00, v0;
	_ =	sdelay $0x1  }
0x22a: {  	[tilespmem:$0x108D0] =	vst v0  }
0x22b: {  	v0 =	vld.idx.msk [tilespmem:v50+s4+$0x0], $0xffff;
	_ =	sdelay $0x4  }
0x22c: {  	v1 =	vor.u32 $0x180, v1;
	v0 =	vmul.f32 $1.200000000e+01, v0;
	_ =	sdelay $0x1  }
0x22d: {  	v0 =	vadd.f32 $-6.000000000e+00, v0  }
0x22e: {  	v51 =	vld [tilespmem:$0x10D60]  }
0x22f: {  	[tilespmem:$0x10950] =	vst v0  }
0x230: {  	v0 =	vld.idx.msk [tilespmem:v1+s4+$0x0], $0xffff;
	_ =	sdelay $0x2  }
0x231: {  	v52 =	vshll.u32 v51, $0x2  }
0x232: {  	v2 =	vand.u32 $0x7F, v51;
	v1 =	vand.u32 $0xFFFFFE00, v52  }
0x233: {  	v1 =	vor.u32 v2, v1;
	v0 =	vmul.f32 $1.200000000e+01, v0;
	_ =	sdelay $0x1  }
0x234: {  	v0 =	vadd.f32 $-6.000000000e+00, v0;
	_ =	sdelay $0x1  }
0x235: {  	[tilespmem:$0x109D0] =	vst v0  }
0x236: {  	v0 =	vld.idx.msk [tilespmem:v1+s4+$0x0], $0xffff;
	_ =	sdelay $0x4  }
0x237: {  	v2 =	vor.u32 $0x80, v1;
	v0 =	vmul.f32 $1.200000000e+01, v0;
	_ =	sdelay $0x1  }
0x238: {  	v0 =	vadd.f32 $-6.000000000e+00, v0;
	_ =	sdelay $0x1  }
0x239: {  	[tilespmem:$0x1085C] =	vst v0  }
0x23a: {  	v0 =	vld.idx.msk [tilespmem:v2+s4+$0x0], $0xffff;
	_ =	sdelay $0x4  }
0x23b: {  	v53 =	vor.u32 $0x100, v1;
	v0 =	vmul.f32 $1.200000000e+01, v0;
	_ =	sdelay $0x1  }
0x23c: {  	v0 =	vadd.f32 $-6.000000000e+00, v0;
	_ =	sdelay $0x1  }
0x23d: {  	[tilespmem:$0x108DC] =	vst v0  }
0x23e: {  	v0 =	vld.idx.msk [tilespmem:v53+s4+$0x0], $0xffff;
	_ =	sdelay $0x4  }
0x23f: {  	v1 =	vor.u32 $0x180, v1;
	v0 =	vmul.f32 $1.200000000e+01, v0;
	_ =	sdelay $0x1  }
0x240: {  	v0 =	vadd.f32 $-6.000000000e+00, v0;
	_ =	sdelay $0x1  }
0x241: {  	[tilespmem:$0x1095C] =	vst v0  }
0x242: {  	v0 =	vld.idx.msk [tilespmem:v1+s4+$0x0], $0xffff;
	_ =	sdelay $0x3  }
0x243: {  	p0 =	seq.s32 s5, $0x3C000;
	s1 =	smov.u32 s26  }
0x244: {  	s1 =	simm.s32 @p0 $0x0;
	s7 =	rddreg [dreg:$0x4];
	v0 =	vmul.f32 $1.200000000e+01, v0  }
0x245: {  	s0 =	sadd.s32 s7, s1  }
0x246: {  	s0 =	sshll.u32 s0, $0xB;
	v0 =	vadd.f32 $-6.000000000e+00, v0  }
0x247: {  	s24 =	smov.u32 s3;
	s0 =	sand.u32 $0x1FFFC000, s0  }
0x248: {  	s0 =	sadd.s32 s24, s0;
	[tilespmem:$0x109DC] =	vst v0  }
0x249: {  	[tilespmem:s4], [sflag:$0x1] =	stream.strided.gather [hbm4b:s0+s30], $0x1E00, s31, s30, $0x38;
	[tilespmem:$0x10D80] =	vst v63  }
0x24a: {  	s2 =	simm.s32 $0x1E00;
	s7 =	sadd.s32 $0x800, s0  }
0x24b: {  	[tilespmem:s2], [sflag:$0x1] =	stream.strided.gather [hbm4b:s7+s30], $0xE00, s31, s30, $0x38;
	[tilespmem:$0x10D80] =	vst v63  }
0x24c: {  	s3 =	simm.s32 $0x2C00;
	s7 =	sadd.s32 $0xC00, s0  }
0x24d: {  	[tilespmem:s3], [sflag:$0x1] =	stream.strided.gather [hbm4b:s7+s30], $0x600, s31, s30, $0x38;
	[tilespmem:$0x10D80] =	vst v63  }
0x24e: {  	s7 =	sadd.s32 $0xE00, s0  }
0x24f: {  	[tilespmem:s28], [sflag:$0x1] =	stream.linear.gather [hbm4b:s7+s4], $0x200, $0x38;
	[tilespmem:$0x10D80] =	vst v63  }
0x250: {  	s1 =	sadd.s32 $0x1000, s0;
	s7 =	simm.s32 $0x3400  }
0x251: {  	[tilespmem:s7], [sflag:$0x1] =	stream.strided.gather [hbm4b:s1+s30], $0xE00, s31, s30, $0x38;
	[tilespmem:$0x10D80] =	vst v63  }
0x252: {  	s1 =	sadd.s32 $0x1400, s0;
	s7 =	simm.s32 $0x4200  }
0x253: {  	[tilespmem:s7], [sflag:$0x1] =	stream.strided.gather [hbm4b:s1+s30], $0x600, s31, s30, $0x38;
	[tilespmem:$0x10D80] =	vst v63  }
0x254: {  	s7 =	sadd.s32 $0x1600, s0  }
0x255: {  	[tilespmem:s8], [sflag:$0x1] =	stream.linear.gather [hbm4b:s7+s4], $0x200, $0x38;
	[tilespmem:$0x10D80] =	vst v63  }
0x256: {  	s7 =	sadd.s32 $0x1800, s0  }
0x257: {  	[tilespmem:s9], [sflag:$0x1] =	stream.strided.gather [hbm4b:s7+s30], $0x600, s31, s30, $0x38;
	[tilespmem:$0x10D80] =	vst v63  }
0x258: {  	s7 =	sadd.s32 $0x1A00, s0  }
0x259: {  	[tilespmem:s10], [sflag:$0x1] =	stream.linear.gather [hbm4b:s7+s4], $0x200, $0x38;
	[tilespmem:$0x10D80] =	vst v63  }
0x25a: {  	s7 =	sadd.s32 $0x1C00, s0  }
0x25b: {  	[tilespmem:s11], [sflag:$0x1] =	stream.linear.gather [hbm4b:s7+s4], $0x200, $0x38;
	[tilespmem:$0x10D80] =	vst v63  }
0x25c: {  	s7 =	sadd.s32 $0x2000, s0  }
0x25d: {  	[tilespmem:s12], [sflag:$0x1] =	stream.strided.gather [hbm4b:s7+s30], $0xE00, s31, s30, $0x38;
	[tilespmem:$0x10D80] =	vst v63  }
0x25e: {  	s7 =	sadd.s32 $0x2400, s0  }
0x25f: {  	[tilespmem:s13], [sflag:$0x1] =	stream.strided.gather [hbm4b:s7+s30], $0x600, s31, s30, $0x38;
	[tilespmem:$0x10D80] =	vst v63  }
0x260: {  	s7 =	sadd.s32 $0x2600, s0  }
0x261: {  	[tilespmem:s14], [sflag:$0x1] =	stream.linear.gather [hbm4b:s7+s4], $0x200, $0x38;
	[tilespmem:$0x10D80] =	vst v63  }
0x262: {  	s7 =	sadd.s32 $0x2800, s0  }
0x263: {  	[tilespmem:s15], [sflag:$0x1] =	stream.strided.gather [hbm4b:s7+s30], $0x600, s31, s30, $0x38;
	[tilespmem:$0x10D80] =	vst v63  }
0x264: {  	s7 =	sadd.s32 $0x2A00, s0  }
0x265: {  	[tilespmem:s16], [sflag:$0x1] =	stream.linear.gather [hbm4b:s7+s4], $0x200, $0x38;
	[tilespmem:$0x10D80] =	vst v63  }
0x266: {  	s7 =	sadd.s32 $0x2C00, s0  }
0x267: {  	[tilespmem:s17], [sflag:$0x1] =	stream.linear.gather [hbm4b:s7+s4], $0x200, $0x38;
	[tilespmem:$0x10D80] =	vst v63  }
0x268: {  	s7 =	sadd.s32 $0x3000, s0  }
0x269: {  	[tilespmem:s18], [sflag:$0x1] =	stream.strided.gather [hbm4b:s7+s30], $0x600, s31, s30, $0x38;
	[tilespmem:$0x10D80] =	vst v63  }
0x26a: {  	s7 =	sadd.s32 $0x3200, s0  }
0x26b: {  	[tilespmem:s19], [sflag:$0x1] =	stream.linear.gather [hbm4b:s7+s4], $0x200, $0x38;
	[tilespmem:$0x10D80] =	vst v63  }
0x26c: {  	s7 =	sadd.s32 $0x3400, s0  }
0x26d: {  	[tilespmem:s20], [sflag:$0x1] =	stream.linear.gather [hbm4b:s7+s4], $0x200, $0x38;
	[tilespmem:$0x10D80] =	vst v63  }
0x26e: {  	s0 =	sadd.s32 $0x3800, s0  }
0x26f: {  	[tilespmem:s6], [sflag:$0x1] =	stream.linear.gather [hbm4b:s0+s4], $0x200, $0x38;
	[tilespmem:$0x10D80] =	vst v63  }
0x270: {  	_ =	swait.ge [sflag:s23], $0x8000  }
0x271: {  	[sflag:s23] =	ssyncset.done $0x0  }
0x272: {  	[sflag:s23] =	ssyncadd.s32 $0xFFFF8000  }
0x273: {  	v54 =	vld [tilespmem:$0x10C00];
	_ =	sdelay $0x4  }
0x274: {  	v55 =	vshll.u32 v54, $0x2  }
0x275: {  	v0 =	vand.u32 $0x7F, v54;
	v1 =	vand.u32 $0xFFFFFE00, v55  }
0x276: {  	v0 =	vor.u32 v0, v1;
	_ =	sdelay $0x4  }
0x277: {  	v1 =	vld.idx.msk [tilespmem:v0+s21+$0x0], $0xffff;
	_ =	sdelay $0x4  }
0x278: {  	v56 =	vor.u32 $0x80, v0;
	v1 =	vmul.f32 $1.200000000e+01, v1;
	_ =	sdelay $0x1  }
0x279: {  	v1 =	vadd.f32 $-6.000000000e+00, v1;
	_ =	sdelay $0x1  }
0x27a: {  	[tilespmem:$0x10200] =	vst v1  }
0x27b: {  	v1 =	vld.idx.msk [tilespmem:v56+s21+$0x0], $0xffff;
	_ =	sdelay $0x4  }
0x27c: {  	v57 =	vor.u32 $0x100, v0;
	v1 =	vmul.f32 $1.200000000e+01, v1;
	_ =	sdelay $0x1  }
0x27d: {  	v1 =	vadd.f32 $-6.000000000e+00, v1;
	_ =	sdelay $0x1  }
0x27e: {  	[tilespmem:$0x10280] =	vst v1  }
0x27f: {  	v1 =	vld.idx.msk [tilespmem:v57+s21+$0x0], $0xffff;
	_ =	sdelay $0x4  }
0x280: {  	v0 =	vor.u32 $0x180, v0;
	v1 =	vmul.f32 $1.200000000e+01, v1;
	_ =	sdelay $0x1  }
0x281: {  	v1 =	vadd.f32 $-6.000000000e+00, v1  }
0x282: {  	v58 =	vld [tilespmem:$0x10C10]  }
0x283: {  	[tilespmem:$0x10300] =	vst v1  }
0x284: {  	v0 =	vld.idx.msk [tilespmem:v0+s21+$0x0], $0xffff;
	_ =	sdelay $0x2  }
0x285: {  	v59 =	vshll.u32 v58, $0x2  }
0x286: {  	v2 =	vand.u32 $0x7F, v58;
	v1 =	vand.u32 $0xFFFFFE00, v59  }
0x287: {  	v1 =	vor.u32 v2, v1;
	v0 =	vmul.f32 $1.200000000e+01, v0;
	_ =	sdelay $0x1  }
0x288: {  	v0 =	vadd.f32 $-6.000000000e+00, v0;
	_ =	sdelay $0x1  }
0x289: {  	[tilespmem:$0x10380] =	vst v0  }
0x28a: {  	v0 =	vld.idx.msk [tilespmem:v1+s21+$0x0], $0xffff;
	_ =	sdelay $0x4  }
0x28b: {  	v2 =	vor.u32 $0x80, v1;
	v0 =	vmul.f32 $1.200000000e+01, v0;
	_ =	sdelay $0x1  }
0x28c: {  	v0 =	vadd.f32 $-6.000000000e+00, v0;
	_ =	sdelay $0x1  }
0x28d: {  	[tilespmem:$0x10210] =	vst v0  }
0x28e: {  	v0 =	vld.idx.msk [tilespmem:v2+s21+$0x0], $0xffff;
	_ =	sdelay $0x4  }
0x28f: {  	v60 =	vor.u32 $0x100, v1;
	v0 =	vmul.f32 $1.200000000e+01, v0;
	_ =	sdelay $0x1  }
0x290: {  	v0 =	vadd.f32 $-6.000000000e+00, v0;
	_ =	sdelay $0x1  }
0x291: {  	[tilespmem:$0x10290] =	vst v0  }
0x292: {  	v0 =	vld.idx.msk [tilespmem:v60+s21+$0x0], $0xffff;
	_ =	sdelay $0x4  }
0x293: {  	v1 =	vor.u32 $0x180, v1;
	v0 =	vmul.f32 $1.200000000e+01, v0;
	_ =	sdelay $0x1  }
0x294: {  	v0 =	vadd.f32 $-6.000000000e+00, v0  }
0x295: {  	v61 =	vld [tilespmem:$0x10C20]  }
0x296: {  	[tilespmem:$0x10310] =	vst v0  }
0x297: {  	v0 =	vld.idx.msk [tilespmem:v1+s21+$0x0], $0xffff;
	_ =	sdelay $0x2  }
0x298: {  	v62 =	vshll.u32 v61, $0x2  }
0x299: {  	v2 =	vand.u32 $0x7F, v61;
	v1 =	vand.u32 $0xFFFFFE00, v62  }
0x29a: {  	v1 =	vor.u32 v2, v1;
	v0 =	vmul.f32 $1.200000000e+01, v0;
	_ =	sdelay $0x1  }
0x29b: {  	v0 =	vadd.f32 $-6.000000000e+00, v0;
	_ =	sdelay $0x1  }
0x29c: {  	[tilespmem:$0x10390] =	vst v0  }
0x29d: {  	v0 =	vld.idx.msk [tilespmem:v1+s21+$0x0], $0xffff;
	_ =	sdelay $0x4  }
0x29e: {  	v2 =	vor.u32 $0x80, v1;
	v0 =	vmul.f32 $1.200000000e+01, v0;
	_ =	sdelay $0x1  }
0x29f: {  	v0 =	vadd.f32 $-6.000000000e+00, v0;
	_ =	sdelay $0x1  }
0x2a0: {  	[tilespmem:$0x10220] =	vst v0  }
0x2a1: {  	v0 =	vld.idx.msk [tilespmem:v2+s21+$0x0], $0xffff;
	_ =	sdelay $0x4  }
0x2a2: {  	v63 =	vor.u32 $0x100, v1;
	v0 =	vmul.f32 $1.200000000e+01, v0;
	_ =	sdelay $0x1  }
0x2a3: {  	v0 =	vadd.f32 $-6.000000000e+00, v0;
	_ =	sdelay $0x1  }
0x2a4: {  	[tilespmem:$0x102A0] =	vst v0  }
0x2a5: {  	v0 =	vld.idx.msk [tilespmem:v63+s21+$0x0], $0xffff;
	_ =	sdelay $0x4  }
0x2a6: {  	v1 =	vor.u32 $0x180, v1;
	v0 =	vmul.f32 $1.200000000e+01, v0;
	_ =	sdelay $0x1  }
0x2a7: {  	v0 =	vadd.f32 $-6.000000000e+00, v0  }
0x2a8: {  	v4 =	vld [tilespmem:$0x10C30]  }
0x2a9: {  	[tilespmem:$0x10320] =	vst v0  }
0x2aa: {  	v0 =	vld.idx.msk [tilespmem:v1+s21+$0x0], $0xffff;
	_ =	sdelay $0x2  }
0x2ab: {  	v5 =	vshll.u32 v4, $0x2  }
0x2ac: {  	v2 =	vand.u32 $0x7F, v4;
	v1 =	vand.u32 $0xFFFFFE00, v5  }
0x2ad: {  	v1 =	vor.u32 v2, v1;
	v0 =	vmul.f32 $1.200000000e+01, v0;
	_ =	sdelay $0x1  }
0x2ae: {  	v0 =	vadd.f32 $-6.000000000e+00, v0;
	_ =	sdelay $0x1  }
0x2af: {  	[tilespmem:$0x103A0] =	vst v0  }
0x2b0: {  	v0 =	vld.idx.msk [tilespmem:v1+s21+$0x0], $0xffff;
	_ =	sdelay $0x4  }
0x2b1: {  	v2 =	vor.u32 $0x80, v1;
	v0 =	vmul.f32 $1.200000000e+01, v0;
	_ =	sdelay $0x1  }
0x2b2: {  	v0 =	vadd.f32 $-6.000000000e+00, v0;
	_ =	sdelay $0x1  }
0x2b3: {  	[tilespmem:$0x10230] =	vst v0  }
0x2b4: {  	v0 =	vld.idx.msk [tilespmem:v2+s21+$0x0], $0xffff;
	_ =	sdelay $0x4  }
0x2b5: {  	v6 =	vor.u32 $0x100, v1;
	v0 =	vmul.f32 $1.200000000e+01, v0;
	_ =	sdelay $0x1  }
0x2b6: {  	v0 =	vadd.f32 $-6.000000000e+00, v0;
	_ =	sdelay $0x1  }
0x2b7: {  	[tilespmem:$0x102B0] =	vst v0  }
0x2b8: {  	v0 =	vld.idx.msk [tilespmem:v6+s21+$0x0], $0xffff;
	_ =	sdelay $0x4  }
0x2b9: {  	v1 =	vor.u32 $0x180, v1;
	v0 =	vmul.f32 $1.200000000e+01, v0;
	_ =	sdelay $0x1  }
0x2ba: {  	v0 =	vadd.f32 $-6.000000000e+00, v0  }
0x2bb: {  	v7 =	vld [tilespmem:$0x10C40]  }
0x2bc: {  	[tilespmem:$0x10330] =	vst v0  }
0x2bd: {  	v0 =	vld.idx.msk [tilespmem:v1+s21+$0x0], $0xffff;
	_ =	sdelay $0x2  }
0x2be: {  	v8 =	vshll.u32 v7, $0x2  }
0x2bf: {  	v2 =	vand.u32 $0x7F, v7;
	v1 =	vand.u32 $0xFFFFFE00, v8  }
0x2c0: {  	v1 =	vor.u32 v2, v1;
	v0 =	vmul.f32 $1.200000000e+01, v0;
	_ =	sdelay $0x1  }
0x2c1: {  	v0 =	vadd.f32 $-6.000000000e+00, v0;
	_ =	sdelay $0x1  }
0x2c2: {  	[tilespmem:$0x103B0] =	vst v0  }
0x2c3: {  	v0 =	vld.idx.msk [tilespmem:v1+s21+$0x0], $0xffff;
	_ =	sdelay $0x4  }
0x2c4: {  	v2 =	vor.u32 $0x80, v1;
	v0 =	vmul.f32 $1.200000000e+01, v0;
	_ =	sdelay $0x1  }
0x2c5: {  	v0 =	vadd.f32 $-6.000000000e+00, v0;
	_ =	sdelay $0x1  }
0x2c6: {  	[tilespmem:$0x10240] =	vst v0  }
0x2c7: {  	v0 =	vld.idx.msk [tilespmem:v2+s21+$0x0], $0xffff;
	_ =	sdelay $0x4  }
0x2c8: {  	v9 =	vor.u32 $0x100, v1;
	v0 =	vmul.f32 $1.200000000e+01, v0;
	_ =	sdelay $0x1  }
0x2c9: {  	v0 =	vadd.f32 $-6.000000000e+00, v0;
	_ =	sdelay $0x1  }
0x2ca: {  	[tilespmem:$0x102C0] =	vst v0  }
0x2cb: {  	v0 =	vld.idx.msk [tilespmem:v9+s21+$0x0], $0xffff;
	_ =	sdelay $0x4  }
0x2cc: {  	v1 =	vor.u32 $0x180, v1;
	v0 =	vmul.f32 $1.200000000e+01, v0;
	_ =	sdelay $0x1  }
0x2cd: {  	v0 =	vadd.f32 $-6.000000000e+00, v0  }
0x2ce: {  	v10 =	vld [tilespmem:$0x10C50]  }
0x2cf: {  	[tilespmem:$0x10340] =	vst v0  }
0x2d0: {  	v0 =	vld.idx.msk [tilespmem:v1+s21+$0x0], $0xffff;
	_ =	sdelay $0x2  }
0x2d1: {  	v11 =	vshll.u32 v10, $0x2  }
0x2d2: {  	v2 =	vand.u32 $0x7F, v10;
	v1 =	vand.u32 $0xFFFFFE00, v11  }
0x2d3: {  	v1 =	vor.u32 v2, v1;
	v0 =	vmul.f32 $1.200000000e+01, v0;
	_ =	sdelay $0x1  }
0x2d4: {  	v0 =	vadd.f32 $-6.000000000e+00, v0;
	_ =	sdelay $0x1  }
0x2d5: {  	[tilespmem:$0x103C0] =	vst v0  }
0x2d6: {  	v0 =	vld.idx.msk [tilespmem:v1+s21+$0x0], $0xffff;
	_ =	sdelay $0x4  }
0x2d7: {  	v2 =	vor.u32 $0x80, v1;
	v0 =	vmul.f32 $1.200000000e+01, v0;
	_ =	sdelay $0x1  }
0x2d8: {  	v0 =	vadd.f32 $-6.000000000e+00, v0;
	_ =	sdelay $0x1  }
0x2d9: {  	[tilespmem:$0x10250] =	vst v0  }
0x2da: {  	v0 =	vld.idx.msk [tilespmem:v2+s21+$0x0], $0xffff;
	_ =	sdelay $0x4  }
0x2db: {  	v12 =	vor.u32 $0x100, v1;
	v0 =	vmul.f32 $1.200000000e+01, v0;
	_ =	sdelay $0x1  }
0x2dc: {  	v0 =	vadd.f32 $-6.000000000e+00, v0;
	_ =	sdelay $0x1  }
0x2dd: {  	[tilespmem:$0x102D0] =	vst v0  }
0x2de: {  	v0 =	vld.idx.msk [tilespmem:v12+s21+$0x0], $0xffff;
	_ =	sdelay $0x4  }
0x2df: {  	v1 =	vor.u32 $0x180, v1;
	v0 =	vmul.f32 $1.200000000e+01, v0;
	_ =	sdelay $0x1  }
0x2e0: {  	v0 =	vadd.f32 $-6.000000000e+00, v0  }
0x2e1: {  	v13 =	vld [tilespmem:$0x10C60]  }
0x2e2: {  	[tilespmem:$0x10350] =	vst v0  }
0x2e3: {  	v0 =	vld.idx.msk [tilespmem:v1+s21+$0x0], $0xffff;
	_ =	sdelay $0x2  }
0x2e4: {  	v14 =	vshll.u32 v13, $0x2  }
0x2e5: {  	v2 =	vand.u32 $0x7F, v13;
	v1 =	vand.u32 $0xFFFFFE00, v14  }
0x2e6: {  	v1 =	vor.u32 v2, v1;
	v0 =	vmul.f32 $1.200000000e+01, v0;
	_ =	sdelay $0x1  }
0x2e7: {  	v0 =	vadd.f32 $-6.000000000e+00, v0;
	_ =	sdelay $0x1  }
0x2e8: {  	[tilespmem:$0x103D0] =	vst v0  }
0x2e9: {  	v0 =	vld.idx.msk [tilespmem:v1+s21+$0x0], $0xffff;
	_ =	sdelay $0x4  }
0x2ea: {  	v2 =	vor.u32 $0x80, v1;
	v0 =	vmul.f32 $1.200000000e+01, v0;
	_ =	sdelay $0x1  }
0x2eb: {  	v0 =	vadd.f32 $-6.000000000e+00, v0;
	_ =	sdelay $0x1  }
0x2ec: {  	[tilespmem:$0x10260] =	vst v0  }
0x2ed: {  	v0 =	vld.idx.msk [tilespmem:v2+s21+$0x0], $0xffff;
	_ =	sdelay $0x4  }
0x2ee: {  	v15 =	vor.u32 $0x100, v1;
	v0 =	vmul.f32 $1.200000000e+01, v0;
	_ =	sdelay $0x1  }
0x2ef: {  	v0 =	vadd.f32 $-6.000000000e+00, v0;
	_ =	sdelay $0x1  }
0x2f0: {  	[tilespmem:$0x102E0] =	vst v0  }
0x2f1: {  	v0 =	vld.idx.msk [tilespmem:v15+s21+$0x0], $0xffff;
	_ =	sdelay $0x4  }
0x2f2: {  	v1 =	vor.u32 $0x180, v1;
	v0 =	vmul.f32 $1.200000000e+01, v0;
	_ =	sdelay $0x1  }
0x2f3: {  	v0 =	vadd.f32 $-6.000000000e+00, v0  }
0x2f4: {  	v16 =	vld [tilespmem:$0x10C70]  }
0x2f5: {  	[tilespmem:$0x10360] =	vst v0  }
0x2f6: {  	v0 =	vld.idx.msk [tilespmem:v1+s21+$0x0], $0xffff;
	_ =	sdelay $0x2  }
0x2f7: {  	v17 =	vshll.u32 v16, $0x2  }
0x2f8: {  	v2 =	vand.u32 $0x7F, v16;
	v1 =	vand.u32 $0xFFFFFE00, v17  }
0x2f9: {  	v1 =	vor.u32 v2, v1;
	v0 =	vmul.f32 $1.200000000e+01, v0;
	_ =	sdelay $0x1  }
0x2fa: {  	v0 =	vadd.f32 $-6.000000000e+00, v0;
	_ =	sdelay $0x1  }
0x2fb: {  	[tilespmem:$0x103E0] =	vst v0  }
0x2fc: {  	v0 =	vld.idx.msk [tilespmem:v1+s21+$0x0], $0xffff;
	_ =	sdelay $0x4  }
0x2fd: {  	v2 =	vor.u32 $0x80, v1;
	v0 =	vmul.f32 $1.200000000e+01, v0;
	_ =	sdelay $0x1  }
0x2fe: {  	v0 =	vadd.f32 $-6.000000000e+00, v0;
	_ =	sdelay $0x1  }
0x2ff: {  	[tilespmem:$0x10270] =	vst v0  }
0x300: {  	v0 =	vld.idx.msk [tilespmem:v2+s21+$0x0], $0xffff;
	_ =	sdelay $0x4  }
0x301: {  	v18 =	vor.u32 $0x100, v1;
	v0 =	vmul.f32 $1.200000000e+01, v0;
	_ =	sdelay $0x1  }
0x302: {  	v0 =	vadd.f32 $-6.000000000e+00, v0;
	_ =	sdelay $0x1  }
0x303: {  	[tilespmem:$0x102F0] =	vst v0  }
0x304: {  	v0 =	vld.idx.msk [tilespmem:v18+s21+$0x0], $0xffff;
	_ =	sdelay $0x4  }
0x305: {  	v1 =	vor.u32 $0x180, v1;
	v0 =	vmul.f32 $1.200000000e+01, v0;
	_ =	sdelay $0x1  }
0x306: {  	v0 =	vadd.f32 $-6.000000000e+00, v0  }
0x307: {  	v19 =	vld [tilespmem:$0x10C80]  }
0x308: {  	[tilespmem:$0x10370] =	vst v0  }
0x309: {  	v0 =	vld.idx.msk [tilespmem:v1+s21+$0x0], $0xffff;
	_ =	sdelay $0x2  }
0x30a: {  	v20 =	vshll.u32 v19, $0x2  }
0x30b: {  	v2 =	vand.u32 $0x7F, v19;
	v1 =	vand.u32 $0xFFFFFE00, v20  }
0x30c: {  	v1 =	vor.u32 v2, v1;
	v0 =	vmul.f32 $1.200000000e+01, v0;
	_ =	sdelay $0x1  }
0x30d: {  	v0 =	vadd.f32 $-6.000000000e+00, v0;
	_ =	sdelay $0x1  }
0x30e: {  	[tilespmem:$0x103F0] =	vst v0  }
0x30f: {  	v0 =	vld.idx.msk [tilespmem:v1+s21+$0x0], $0xffff;
	_ =	sdelay $0x4  }
0x310: {  	v2 =	vor.u32 $0x80, v1;
	v0 =	vmul.f32 $1.200000000e+01, v0;
	_ =	sdelay $0x1  }
0x311: {  	v0 =	vadd.f32 $-6.000000000e+00, v0;
	_ =	sdelay $0x1  }
0x312: {  	[tilespmem:$0x10600] =	vst v0  }
0x313: {  	v0 =	vld.idx.msk [tilespmem:v2+s21+$0x0], $0xffff;
	_ =	sdelay $0x4  }
0x314: {  	v21 =	vor.u32 $0x100, v1;
	v0 =	vmul.f32 $1.200000000e+01, v0;
	_ =	sdelay $0x1  }
0x315: {  	v0 =	vadd.f32 $-6.000000000e+00, v0;
	_ =	sdelay $0x1  }
0x316: {  	[tilespmem:$0x10680] =	vst v0  }
0x317: {  	v0 =	vld.idx.msk [tilespmem:v21+s21+$0x0], $0xffff;
	_ =	sdelay $0x4  }
0x318: {  	v1 =	vor.u32 $0x180, v1;
	v0 =	vmul.f32 $1.200000000e+01, v0;
	_ =	sdelay $0x1  }
0x319: {  	v0 =	vadd.f32 $-6.000000000e+00, v0  }
0x31a: {  	v22 =	vld [tilespmem:$0x10C90]  }
0x31b: {  	[tilespmem:$0x10700] =	vst v0  }
0x31c: {  	v0 =	vld.idx.msk [tilespmem:v1+s21+$0x0], $0xffff;
	_ =	sdelay $0x2  }
0x31d: {  	v23 =	vshll.u32 v22, $0x2  }
0x31e: {  	v2 =	vand.u32 $0x7F, v22;
	v1 =	vand.u32 $0xFFFFFE00, v23  }
0x31f: {  	v1 =	vor.u32 v2, v1;
	v0 =	vmul.f32 $1.200000000e+01, v0;
	_ =	sdelay $0x1  }
0x320: {  	v0 =	vadd.f32 $-6.000000000e+00, v0;
	_ =	sdelay $0x1  }
0x321: {  	[tilespmem:$0x10780] =	vst v0  }
0x322: {  	v0 =	vld.idx.msk [tilespmem:v1+s21+$0x0], $0xffff;
	_ =	sdelay $0x4  }
0x323: {  	v2 =	vor.u32 $0x80, v1;
	v0 =	vmul.f32 $1.200000000e+01, v0;
	_ =	sdelay $0x1  }
0x324: {  	v0 =	vadd.f32 $-6.000000000e+00, v0;
	_ =	sdelay $0x1  }
0x325: {  	[tilespmem:$0x10610] =	vst v0  }
0x326: {  	v0 =	vld.idx.msk [tilespmem:v2+s21+$0x0], $0xffff;
	_ =	sdelay $0x4  }
0x327: {  	v24 =	vor.u32 $0x100, v1;
	v0 =	vmul.f32 $1.200000000e+01, v0;
	_ =	sdelay $0x1  }
0x328: {  	v0 =	vadd.f32 $-6.000000000e+00, v0;
	_ =	sdelay $0x1  }
0x329: {  	[tilespmem:$0x10690] =	vst v0  }
0x32a: {  	v0 =	vld.idx.msk [tilespmem:v24+s21+$0x0], $0xffff;
	_ =	sdelay $0x4  }
0x32b: {  	v1 =	vor.u32 $0x180, v1;
	v0 =	vmul.f32 $1.200000000e+01, v0;
	_ =	sdelay $0x1  }
0x32c: {  	v0 =	vadd.f32 $-6.000000000e+00, v0  }
0x32d: {  	v25 =	vld [tilespmem:$0x10CA0]  }
0x32e: {  	[tilespmem:$0x10710] =	vst v0  }
0x32f: {  	v0 =	vld.idx.msk [tilespmem:v1+s21+$0x0], $0xffff;
	_ =	sdelay $0x2  }
0x330: {  	v26 =	vshll.u32 v25, $0x2  }
0x331: {  	v2 =	vand.u32 $0x7F, v25;
	v1 =	vand.u32 $0xFFFFFE00, v26  }
0x332: {  	v1 =	vor.u32 v2, v1;
	v0 =	vmul.f32 $1.200000000e+01, v0;
	_ =	sdelay $0x1  }
0x333: {  	v0 =	vadd.f32 $-6.000000000e+00, v0;
	_ =	sdelay $0x1  }
0x334: {  	[tilespmem:$0x10790] =	vst v0  }
0x335: {  	v0 =	vld.idx.msk [tilespmem:v1+s21+$0x0], $0xffff;
	_ =	sdelay $0x4  }
0x336: {  	v2 =	vor.u32 $0x80, v1;
	v0 =	vmul.f32 $1.200000000e+01, v0;
	_ =	sdelay $0x1  }
0x337: {  	v0 =	vadd.f32 $-6.000000000e+00, v0;
	_ =	sdelay $0x1  }
0x338: {  	[tilespmem:$0x10620] =	vst v0  }
0x339: {  	v0 =	vld.idx.msk [tilespmem:v2+s21+$0x0], $0xffff;
	_ =	sdelay $0x4  }
0x33a: {  	v27 =	vor.u32 $0x100, v1;
	v0 =	vmul.f32 $1.200000000e+01, v0;
	_ =	sdelay $0x1  }
0x33b: {  	v0 =	vadd.f32 $-6.000000000e+00, v0;
	_ =	sdelay $0x1  }
0x33c: {  	[tilespmem:$0x106A0] =	vst v0  }
0x33d: {  	v0 =	vld.idx.msk [tilespmem:v27+s21+$0x0], $0xffff;
	_ =	sdelay $0x4  }
0x33e: {  	v1 =	vor.u32 $0x180, v1;
	v0 =	vmul.f32 $1.200000000e+01, v0;
	_ =	sdelay $0x1  }
0x33f: {  	v0 =	vadd.f32 $-6.000000000e+00, v0  }
0x340: {  	v28 =	vld [tilespmem:$0x10CB0]  }
0x341: {  	[tilespmem:$0x10720] =	vst v0  }
0x342: {  	v0 =	vld.idx.msk [tilespmem:v1+s21+$0x0], $0xffff;
	_ =	sdelay $0x2  }
0x343: {  	v29 =	vshll.u32 v28, $0x2  }
0x344: {  	v2 =	vand.u32 $0x7F, v28;
	v1 =	vand.u32 $0xFFFFFE00, v29  }
0x345: {  	v1 =	vor.u32 v2, v1;
	v0 =	vmul.f32 $1.200000000e+01, v0;
	_ =	sdelay $0x1  }
0x346: {  	v0 =	vadd.f32 $-6.000000000e+00, v0;
	_ =	sdelay $0x1  }
0x347: {  	[tilespmem:$0x107A0] =	vst v0  }
0x348: {  	v0 =	vld.idx.msk [tilespmem:v1+s21+$0x0], $0xffff;
	_ =	sdelay $0x4  }
0x349: {  	v2 =	vor.u32 $0x80, v1;
	v0 =	vmul.f32 $1.200000000e+01, v0;
	_ =	sdelay $0x1  }
0x34a: {  	v0 =	vadd.f32 $-6.000000000e+00, v0;
	_ =	sdelay $0x1  }
0x34b: {  	[tilespmem:$0x10630] =	vst v0  }
0x34c: {  	v0 =	vld.idx.msk [tilespmem:v2+s21+$0x0], $0xffff;
	_ =	sdelay $0x4  }
0x34d: {  	v30 =	vor.u32 $0x100, v1;
	v0 =	vmul.f32 $1.200000000e+01, v0;
	_ =	sdelay $0x1  }
0x34e: {  	v0 =	vadd.f32 $-6.000000000e+00, v0;
	_ =	sdelay $0x1  }
0x34f: {  	[tilespmem:$0x106B0] =	vst v0  }
0x350: {  	v0 =	vld.idx.msk [tilespmem:v30+s21+$0x0], $0xffff;
	_ =	sdelay $0x4  }
0x351: {  	v1 =	vor.u32 $0x180, v1;
	v0 =	vmul.f32 $1.200000000e+01, v0;
	_ =	sdelay $0x1  }
0x352: {  	v0 =	vadd.f32 $-6.000000000e+00, v0  }
0x353: {  	v31 =	vld [tilespmem:$0x10CC0]  }
0x354: {  	[tilespmem:$0x10730] =	vst v0  }
0x355: {  	v0 =	vld.idx.msk [tilespmem:v1+s21+$0x0], $0xffff;
	_ =	sdelay $0x2  }
0x356: {  	v32 =	vshll.u32 v31, $0x2  }
0x357: {  	v2 =	vand.u32 $0x7F, v31;
	v1 =	vand.u32 $0xFFFFFE00, v32  }
0x358: {  	v1 =	vor.u32 v2, v1;
	v0 =	vmul.f32 $1.200000000e+01, v0;
	_ =	sdelay $0x1  }
0x359: {  	v0 =	vadd.f32 $-6.000000000e+00, v0;
	_ =	sdelay $0x1  }
0x35a: {  	[tilespmem:$0x107B0] =	vst v0  }
0x35b: {  	v0 =	vld.idx.msk [tilespmem:v1+s21+$0x0], $0xffff;
	_ =	sdelay $0x4  }
0x35c: {  	v2 =	vor.u32 $0x80, v1;
	v0 =	vmul.f32 $1.200000000e+01, v0;
	_ =	sdelay $0x1  }
0x35d: {  	v0 =	vadd.f32 $-6.000000000e+00, v0;
	_ =	sdelay $0x1  }
0x35e: {  	[tilespmem:$0x10640] =	vst v0  }
0x35f: {  	v0 =	vld.idx.msk [tilespmem:v2+s21+$0x0], $0xffff;
	_ =	sdelay $0x4  }
0x360: {  	v33 =	vor.u32 $0x100, v1;
	v0 =	vmul.f32 $1.200000000e+01, v0;
	_ =	sdelay $0x1  }
0x361: {  	v0 =	vadd.f32 $-6.000000000e+00, v0;
	_ =	sdelay $0x1  }
0x362: {  	[tilespmem:$0x106C0] =	vst v0  }
0x363: {  	v0 =	vld.idx.msk [tilespmem:v33+s21+$0x0], $0xffff;
	_ =	sdelay $0x4  }
0x364: {  	v1 =	vor.u32 $0x180, v1;
	v0 =	vmul.f32 $1.200000000e+01, v0;
	_ =	sdelay $0x1  }
0x365: {  	v0 =	vadd.f32 $-6.000000000e+00, v0  }
0x366: {  	v34 =	vld [tilespmem:$0x10CD0]  }
0x367: {  	[tilespmem:$0x10740] =	vst v0  }
0x368: {  	v0 =	vld.idx.msk [tilespmem:v1+s21+$0x0], $0xffff;
	_ =	sdelay $0x2  }
0x369: {  	v35 =	vshll.u32 v34, $0x2  }
0x36a: {  	v2 =	vand.u32 $0x7F, v34;
	v1 =	vand.u32 $0xFFFFFE00, v35  }
0x36b: {  	v1 =	vor.u32 v2, v1;
	v0 =	vmul.f32 $1.200000000e+01, v0;
	_ =	sdelay $0x1  }
0x36c: {  	v0 =	vadd.f32 $-6.000000000e+00, v0;
	_ =	sdelay $0x1  }
0x36d: {  	[tilespmem:$0x107C0] =	vst v0  }
0x36e: {  	v0 =	vld.idx.msk [tilespmem:v1+s21+$0x0], $0xffff;
	_ =	sdelay $0x4  }
0x36f: {  	v2 =	vor.u32 $0x80, v1;
	v0 =	vmul.f32 $1.200000000e+01, v0;
	_ =	sdelay $0x1  }
0x370: {  	v0 =	vadd.f32 $-6.000000000e+00, v0;
	_ =	sdelay $0x1  }
0x371: {  	[tilespmem:$0x10650] =	vst v0  }
0x372: {  	v0 =	vld.idx.msk [tilespmem:v2+s21+$0x0], $0xffff;
	_ =	sdelay $0x4  }
0x373: {  	v36 =	vor.u32 $0x100, v1;
	v0 =	vmul.f32 $1.200000000e+01, v0;
	_ =	sdelay $0x1  }
0x374: {  	v0 =	vadd.f32 $-6.000000000e+00, v0;
	_ =	sdelay $0x1  }
0x375: {  	[tilespmem:$0x106D0] =	vst v0  }
0x376: {  	v0 =	vld.idx.msk [tilespmem:v36+s21+$0x0], $0xffff;
	_ =	sdelay $0x4  }
0x377: {  	v1 =	vor.u32 $0x180, v1;
	v0 =	vmul.f32 $1.200000000e+01, v0;
	_ =	sdelay $0x1  }
0x378: {  	v0 =	vadd.f32 $-6.000000000e+00, v0  }
0x379: {  	v37 =	vld [tilespmem:$0x10CE0]  }
0x37a: {  	[tilespmem:$0x10750] =	vst v0  }
0x37b: {  	v0 =	vld.idx.msk [tilespmem:v1+s21+$0x0], $0xffff;
	_ =	sdelay $0x2  }
0x37c: {  	v38 =	vshll.u32 v37, $0x2  }
0x37d: {  	v2 =	vand.u32 $0x7F, v37;
	v1 =	vand.u32 $0xFFFFFE00, v38  }
0x37e: {  	v1 =	vor.u32 v2, v1;
	v0 =	vmul.f32 $1.200000000e+01, v0;
	_ =	sdelay $0x1  }
0x37f: {  	v0 =	vadd.f32 $-6.000000000e+00, v0;
	_ =	sdelay $0x1  }
0x380: {  	[tilespmem:$0x107D0] =	vst v0  }
0x381: {  	v0 =	vld.idx.msk [tilespmem:v1+s21+$0x0], $0xffff;
	_ =	sdelay $0x4  }
0x382: {  	v2 =	vor.u32 $0x80, v1;
	v0 =	vmul.f32 $1.200000000e+01, v0;
	_ =	sdelay $0x1  }
0x383: {  	v0 =	vadd.f32 $-6.000000000e+00, v0;
	_ =	sdelay $0x1  }
0x384: {  	[tilespmem:$0x10660] =	vst v0  }
0x385: {  	v0 =	vld.idx.msk [tilespmem:v2+s21+$0x0], $0xffff;
	_ =	sdelay $0x4  }
0x386: {  	v39 =	vor.u32 $0x100, v1;
	v0 =	vmul.f32 $1.200000000e+01, v0;
	_ =	sdelay $0x1  }
0x387: {  	v0 =	vadd.f32 $-6.000000000e+00, v0;
	_ =	sdelay $0x1  }
0x388: {  	[tilespmem:$0x106E0] =	vst v0  }
0x389: {  	v0 =	vld.idx.msk [tilespmem:v39+s21+$0x0], $0xffff;
	_ =	sdelay $0x4  }
0x38a: {  	v1 =	vor.u32 $0x180, v1;
	v0 =	vmul.f32 $1.200000000e+01, v0;
	_ =	sdelay $0x1  }
0x38b: {  	v0 =	vadd.f32 $-6.000000000e+00, v0  }
0x38c: {  	v40 =	vld [tilespmem:$0x10CF0]  }
0x38d: {  	[tilespmem:$0x10760] =	vst v0  }
0x38e: {  	v0 =	vld.idx.msk [tilespmem:v1+s21+$0x0], $0xffff;
	_ =	sdelay $0x2  }
0x38f: {  	v41 =	vshll.u32 v40, $0x2  }
0x390: {  	v2 =	vand.u32 $0x7F, v40;
	v1 =	vand.u32 $0xFFFFFE00, v41  }
0x391: {  	v1 =	vor.u32 v2, v1;
	v0 =	vmul.f32 $1.200000000e+01, v0;
	_ =	sdelay $0x1  }
0x392: {  	v0 =	vadd.f32 $-6.000000000e+00, v0;
	_ =	sdelay $0x1  }
0x393: {  	[tilespmem:$0x107E0] =	vst v0  }
0x394: {  	v0 =	vld.idx.msk [tilespmem:v1+s21+$0x0], $0xffff;
	_ =	sdelay $0x4  }
0x395: {  	v2 =	vor.u32 $0x80, v1;
	v0 =	vmul.f32 $1.200000000e+01, v0;
	_ =	sdelay $0x1  }
0x396: {  	v0 =	vadd.f32 $-6.000000000e+00, v0;
	_ =	sdelay $0x1  }
0x397: {  	[tilespmem:$0x10670] =	vst v0  }
0x398: {  	v0 =	vld.idx.msk [tilespmem:v2+s21+$0x0], $0xffff;
	_ =	sdelay $0x4  }
0x399: {  	v42 =	vor.u32 $0x100, v1;
	v0 =	vmul.f32 $1.200000000e+01, v0;
	_ =	sdelay $0x1  }
0x39a: {  	v0 =	vadd.f32 $-6.000000000e+00, v0;
	_ =	sdelay $0x1  }
0x39b: {  	[tilespmem:$0x106F0] =	vst v0  }
0x39c: {  	v0 =	vld.idx.msk [tilespmem:v42+s21+$0x0], $0xffff;
	_ =	sdelay $0x4  }
0x39d: {  	v1 =	vor.u32 $0x180, v1;
	v0 =	vmul.f32 $1.200000000e+01, v0;
	_ =	sdelay $0x1  }
0x39e: {  	v0 =	vadd.f32 $-6.000000000e+00, v0  }
0x39f: {  	v43 =	vld [tilespmem:$0x10D00]  }
0x3a0: {  	[tilespmem:$0x10770] =	vst v0  }
0x3a1: {  	v0 =	vld.idx.msk [tilespmem:v1+s21+$0x0], $0xffff;
	_ =	sdelay $0x2  }
0x3a2: {  	v44 =	vshll.u32 v43, $0x2  }
0x3a3: {  	v2 =	vand.u32 $0x7F, v43;
	v1 =	vand.u32 $0xFFFFFE00, v44  }
0x3a4: {  	v1 =	vor.u32 v2, v1;
	v0 =	vmul.f32 $1.200000000e+01, v0;
	_ =	sdelay $0x1  }
0x3a5: {  	v0 =	vadd.f32 $-6.000000000e+00, v0;
	_ =	sdelay $0x1  }
0x3a6: {  	[tilespmem:$0x107F0] =	vst v0  }
0x3a7: {  	v0 =	vld.idx.msk [tilespmem:v1+s21+$0x0], $0xffff;
	_ =	sdelay $0x4  }
0x3a8: {  	v2 =	vor.u32 $0x80, v1;
	v0 =	vmul.f32 $1.200000000e+01, v0;
	_ =	sdelay $0x1  }
0x3a9: {  	v0 =	vadd.f32 $-6.000000000e+00, v0;
	_ =	sdelay $0x1  }
0x3aa: {  	[tilespmem:$0x10A00] =	vst v0  }
0x3ab: {  	v0 =	vld.idx.msk [tilespmem:v2+s21+$0x0], $0xffff;
	_ =	sdelay $0x4  }
0x3ac: {  	v45 =	vor.u32 $0x100, v1;
	v0 =	vmul.f32 $1.200000000e+01, v0;
	_ =	sdelay $0x1  }
0x3ad: {  	v0 =	vadd.f32 $-6.000000000e+00, v0;
	_ =	sdelay $0x1  }
0x3ae: {  	[tilespmem:$0x10A80] =	vst v0  }
0x3af: {  	v0 =	vld.idx.msk [tilespmem:v45+s21+$0x0], $0xffff;
	_ =	sdelay $0x4  }
0x3b0: {  	v1 =	vor.u32 $0x180, v1;
	v0 =	vmul.f32 $1.200000000e+01, v0;
	_ =	sdelay $0x1  }
0x3b1: {  	v0 =	vadd.f32 $-6.000000000e+00, v0  }
0x3b2: {  	v46 =	vld [tilespmem:$0x10D10]  }
0x3b3: {  	[tilespmem:$0x10B00] =	vst v0  }
0x3b4: {  	v0 =	vld.idx.msk [tilespmem:v1+s21+$0x0], $0xffff;
	_ =	sdelay $0x2  }
0x3b5: {  	v47 =	vshll.u32 v46, $0x2  }
0x3b6: {  	v2 =	vand.u32 $0x7F, v46;
	v1 =	vand.u32 $0xFFFFFE00, v47  }
0x3b7: {  	v1 =	vor.u32 v2, v1;
	v0 =	vmul.f32 $1.200000000e+01, v0;
	_ =	sdelay $0x1  }
0x3b8: {  	v0 =	vadd.f32 $-6.000000000e+00, v0;
	_ =	sdelay $0x1  }
0x3b9: {  	[tilespmem:$0x10B80] =	vst v0  }
0x3ba: {  	v0 =	vld.idx.msk [tilespmem:v1+s21+$0x0], $0xffff;
	_ =	sdelay $0x4  }
0x3bb: {  	v2 =	vor.u32 $0x80, v1;
	v0 =	vmul.f32 $1.200000000e+01, v0;
	_ =	sdelay $0x1  }
0x3bc: {  	v0 =	vadd.f32 $-6.000000000e+00, v0;
	_ =	sdelay $0x1  }
0x3bd: {  	[tilespmem:$0x10A10] =	vst v0  }
0x3be: {  	v0 =	vld.idx.msk [tilespmem:v2+s21+$0x0], $0xffff;
	_ =	sdelay $0x4  }
0x3bf: {  	v48 =	vor.u32 $0x100, v1;
	v0 =	vmul.f32 $1.200000000e+01, v0;
	_ =	sdelay $0x1  }
0x3c0: {  	v0 =	vadd.f32 $-6.000000000e+00, v0;
	_ =	sdelay $0x1  }
0x3c1: {  	[tilespmem:$0x10A90] =	vst v0  }
0x3c2: {  	v0 =	vld.idx.msk [tilespmem:v48+s21+$0x0], $0xffff;
	_ =	sdelay $0x4  }
0x3c3: {  	v1 =	vor.u32 $0x180, v1;
	v0 =	vmul.f32 $1.200000000e+01, v0;
	_ =	sdelay $0x1  }
0x3c4: {  	v0 =	vadd.f32 $-6.000000000e+00, v0  }
0x3c5: {  	v49 =	vld [tilespmem:$0x10D20]  }
0x3c6: {  	[tilespmem:$0x10B10] =	vst v0  }
0x3c7: {  	v0 =	vld.idx.msk [tilespmem:v1+s21+$0x0], $0xffff;
	_ =	sdelay $0x2  }
0x3c8: {  	v50 =	vshll.u32 v49, $0x2  }
0x3c9: {  	v2 =	vand.u32 $0x7F, v49;
	v1 =	vand.u32 $0xFFFFFE00, v50  }
0x3ca: {  	v1 =	vor.u32 v2, v1;
	v0 =	vmul.f32 $1.200000000e+01, v0;
	_ =	sdelay $0x1  }
0x3cb: {  	v0 =	vadd.f32 $-6.000000000e+00, v0;
	_ =	sdelay $0x1  }
0x3cc: {  	[tilespmem:$0x10B90] =	vst v0  }
0x3cd: {  	v0 =	vld.idx.msk [tilespmem:v1+s21+$0x0], $0xffff;
	_ =	sdelay $0x4  }
0x3ce: {  	v2 =	vor.u32 $0x80, v1;
	v0 =	vmul.f32 $1.200000000e+01, v0;
	_ =	sdelay $0x1  }
0x3cf: {  	v0 =	vadd.f32 $-6.000000000e+00, v0;
	_ =	sdelay $0x1  }
0x3d0: {  	[tilespmem:$0x10A20] =	vst v0  }
0x3d1: {  	v0 =	vld.idx.msk [tilespmem:v2+s21+$0x0], $0xffff;
	_ =	sdelay $0x4  }
0x3d2: {  	v51 =	vor.u32 $0x100, v1;
	v0 =	vmul.f32 $1.200000000e+01, v0;
	_ =	sdelay $0x1  }
0x3d3: {  	v0 =	vadd.f32 $-6.000000000e+00, v0;
	_ =	sdelay $0x1  }
0x3d4: {  	[tilespmem:$0x10AA0] =	vst v0  }
0x3d5: {  	v0 =	vld.idx.msk [tilespmem:v51+s21+$0x0], $0xffff;
	_ =	sdelay $0x4  }
0x3d6: {  	v1 =	vor.u32 $0x180, v1;
	v0 =	vmul.f32 $1.200000000e+01, v0;
	_ =	sdelay $0x1  }
0x3d7: {  	v0 =	vadd.f32 $-6.000000000e+00, v0  }
0x3d8: {  	v52 =	vld [tilespmem:$0x10D30]  }
0x3d9: {  	[tilespmem:$0x10B20] =	vst v0  }
0x3da: {  	v0 =	vld.idx.msk [tilespmem:v1+s21+$0x0], $0xffff;
	_ =	sdelay $0x2  }
0x3db: {  	v53 =	vshll.u32 v52, $0x2  }
0x3dc: {  	v2 =	vand.u32 $0x7F, v52;
	v1 =	vand.u32 $0xFFFFFE00, v53  }
0x3dd: {  	v1 =	vor.u32 v2, v1;
	v0 =	vmul.f32 $1.200000000e+01, v0;
	_ =	sdelay $0x1  }
0x3de: {  	v0 =	vadd.f32 $-6.000000000e+00, v0;
	_ =	sdelay $0x1  }
0x3df: {  	[tilespmem:$0x10BA0] =	vst v0  }
0x3e0: {  	v0 =	vld.idx.msk [tilespmem:v1+s21+$0x0], $0xffff;
	_ =	sdelay $0x4  }
0x3e1: {  	v2 =	vor.u32 $0x80, v1;
	v0 =	vmul.f32 $1.200000000e+01, v0;
	_ =	sdelay $0x1  }
0x3e2: {  	v0 =	vadd.f32 $-6.000000000e+00, v0;
	_ =	sdelay $0x1  }
0x3e3: {  	[tilespmem:$0x10A30] =	vst v0  }
0x3e4: {  	v0 =	vld.idx.msk [tilespmem:v2+s21+$0x0], $0xffff;
	_ =	sdelay $0x4  }
0x3e5: {  	v54 =	vor.u32 $0x100, v1;
	v0 =	vmul.f32 $1.200000000e+01, v0;
	_ =	sdelay $0x1  }
0x3e6: {  	v0 =	vadd.f32 $-6.000000000e+00, v0;
	_ =	sdelay $0x1  }
0x3e7: {  	[tilespmem:$0x10AB0] =	vst v0  }
0x3e8: {  	v0 =	vld.idx.msk [tilespmem:v54+s21+$0x0], $0xffff;
	_ =	sdelay $0x4  }
0x3e9: {  	v1 =	vor.u32 $0x180, v1;
	v0 =	vmul.f32 $1.200000000e+01, v0;
	_ =	sdelay $0x1  }
0x3ea: {  	v0 =	vadd.f32 $-6.000000000e+00, v0  }
0x3eb: {  	v55 =	vld [tilespmem:$0x10D40]  }
0x3ec: {  	[tilespmem:$0x10B30] =	vst v0  }
0x3ed: {  	v0 =	vld.idx.msk [tilespmem:v1+s21+$0x0], $0xffff;
	_ =	sdelay $0x2  }
0x3ee: {  	v56 =	vshll.u32 v55, $0x2  }
0x3ef: {  	v2 =	vand.u32 $0x7F, v55;
	v1 =	vand.u32 $0xFFFFFE00, v56  }
0x3f0: {  	v1 =	vor.u32 v2, v1;
	v0 =	vmul.f32 $1.200000000e+01, v0;
	_ =	sdelay $0x1  }
0x3f1: {  	v0 =	vadd.f32 $-6.000000000e+00, v0;
	_ =	sdelay $0x1  }
0x3f2: {  	[tilespmem:$0x10BB0] =	vst v0  }
0x3f3: {  	v0 =	vld.idx.msk [tilespmem:v1+s21+$0x0], $0xffff;
	_ =	sdelay $0x4  }
0x3f4: {  	v2 =	vor.u32 $0x80, v1;
	v0 =	vmul.f32 $1.200000000e+01, v0;
	_ =	sdelay $0x1  }
0x3f5: {  	v0 =	vadd.f32 $-6.000000000e+00, v0;
	_ =	sdelay $0x1  }
0x3f6: {  	[tilespmem:$0x10A40] =	vst v0  }
0x3f7: {  	v0 =	vld.idx.msk [tilespmem:v2+s21+$0x0], $0xffff;
	_ =	sdelay $0x4  }
0x3f8: {  	v57 =	vor.u32 $0x100, v1;
	v0 =	vmul.f32 $1.200000000e+01, v0;
	_ =	sdelay $0x1  }
0x3f9: {  	v0 =	vadd.f32 $-6.000000000e+00, v0;
	_ =	sdelay $0x1  }
0x3fa: {  	[tilespmem:$0x10AC0] =	vst v0  }
0x3fb: {  	v0 =	vld.idx.msk [tilespmem:v57+s21+$0x0], $0xffff;
	_ =	sdelay $0x4  }
0x3fc: {  	v1 =	vor.u32 $0x180, v1;
	v0 =	vmul.f32 $1.200000000e+01, v0;
	_ =	sdelay $0x1  }
0x3fd: {  	v0 =	vadd.f32 $-6.000000000e+00, v0  }
0x3fe: {  	v58 =	vld [tilespmem:$0x10D50]  }
0x3ff: {  	[tilespmem:$0x10B40] =	vst v0  }
0x400: {  	v0 =	vld.idx.msk [tilespmem:v1+s21+$0x0], $0xffff;
	_ =	sdelay $0x2  }
0x401: {  	v59 =	vshll.u32 v58, $0x2  }
0x402: {  	v2 =	vand.u32 $0x7F, v58;
	v1 =	vand.u32 $0xFFFFFE00, v59  }
0x403: {  	v1 =	vor.u32 v2, v1;
	v0 =	vmul.f32 $1.200000000e+01, v0;
	_ =	sdelay $0x1  }
0x404: {  	v0 =	vadd.f32 $-6.000000000e+00, v0;
	_ =	sdelay $0x1  }
0x405: {  	[tilespmem:$0x10BC0] =	vst v0  }
0x406: {  	v0 =	vld.idx.msk [tilespmem:v1+s21+$0x0], $0xffff;
	_ =	sdelay $0x4  }
0x407: {  	v2 =	vor.u32 $0x80, v1;
	v0 =	vmul.f32 $1.200000000e+01, v0;
	_ =	sdelay $0x1  }
0x408: {  	v0 =	vadd.f32 $-6.000000000e+00, v0;
	_ =	sdelay $0x1  }
0x409: {  	[tilespmem:$0x10A50] =	vst v0  }
0x40a: {  	v0 =	vld.idx.msk [tilespmem:v2+s21+$0x0], $0xffff;
	_ =	sdelay $0x4  }
0x40b: {  	v60 =	vor.u32 $0x100, v1;
	v0 =	vmul.f32 $1.200000000e+01, v0;
	_ =	sdelay $0x1  }
0x40c: {  	v0 =	vadd.f32 $-6.000000000e+00, v0;
	_ =	sdelay $0x1  }
0x40d: {  	[tilespmem:$0x10AD0] =	vst v0  }
0x40e: {  	v0 =	vld.idx.msk [tilespmem:v60+s21+$0x0], $0xffff;
	_ =	sdelay $0x4  }
0x40f: {  	v1 =	vor.u32 $0x180, v1;
	v0 =	vmul.f32 $1.200000000e+01, v0;
	_ =	sdelay $0x1  }
0x410: {  	v0 =	vadd.f32 $-6.000000000e+00, v0  }
0x411: {  	v61 =	vld [tilespmem:$0x10D60]  }
0x412: {  	[tilespmem:$0x10B50] =	vst v0  }
0x413: {  	v0 =	vld.idx.msk [tilespmem:v1+s21+$0x0], $0xffff;
	_ =	sdelay $0x2  }
0x414: {  	v62 =	vshll.u32 v61, $0x2  }
0x415: {  	v2 =	vand.u32 $0x7F, v61;
	v1 =	vand.u32 $0xFFFFFE00, v62  }
0x416: {  	v1 =	vor.u32 v2, v1;
	v0 =	vmul.f32 $1.200000000e+01, v0;
	_ =	sdelay $0x1  }
0x417: {  	v0 =	vadd.f32 $-6.000000000e+00, v0;
	_ =	sdelay $0x1  }
0x418: {  	[tilespmem:$0x10BD0] =	vst v0  }
0x419: {  	v0 =	vld.idx.msk [tilespmem:v1+s21+$0x0], $0xffff;
	_ =	sdelay $0x4  }
0x41a: {  	v2 =	vor.u32 $0x80, v1;
	v0 =	vmul.f32 $1.200000000e+01, v0;
	_ =	sdelay $0x1  }
0x41b: {  	v0 =	vadd.f32 $-6.000000000e+00, v0;
	_ =	sdelay $0x1  }
0x41c: {  	[tilespmem:$0x10A5C] =	vst v0  }
0x41d: {  	v0 =	vld.idx.msk [tilespmem:v2+s21+$0x0], $0xffff;
	_ =	sdelay $0x4  }
0x41e: {  	v63 =	vor.u32 $0x100, v1;
	v0 =	vmul.f32 $1.200000000e+01, v0;
	_ =	sdelay $0x1  }
0x41f: {  	v0 =	vadd.f32 $-6.000000000e+00, v0;
	_ =	sdelay $0x1  }
0x420: {  	[tilespmem:$0x10ADC] =	vst v0  }
0x421: {  	v0 =	vld.idx.msk [tilespmem:v63+s21+$0x0], $0xffff;
	_ =	sdelay $0x4  }
0x422: {  	v1 =	vor.u32 $0x180, v1;
	v0 =	vmul.f32 $1.200000000e+01, v0;
	_ =	sdelay $0x1  }
0x423: {  	v0 =	vadd.f32 $-6.000000000e+00, v0;
	_ =	sdelay $0x1  }
0x424: {  	[tilespmem:$0x10B5C] =	vst v0  }
0x425: {  	v0 =	vld.idx.msk [tilespmem:v1+s21+$0x0], $0xffff;
	_ =	sdelay $0x4  }
0x426: {  	v0 =	vmul.f32 $1.200000000e+01, v0;
	_ =	sdelay $0x1  }
0x427: {  	v0 =	vadd.f32 $-6.000000000e+00, v0  }
0x428: {  	p0 =	sne.s32 s5, $0x3C000  }
.Ltmp0:
0x429: {  	s7 =	rddreg [dreg:$0x19];
	[tilespmem:$0x10BDC] =	vst v0;
	(pc) =	sbr.rel @p0 .LBB2_2-.Ltmp0, $4  }
0x42a: {  	[hbm4b:s25+s4] =	stream.linear.scatter [tilespmem:s7], [sflag:$0x3], $0xC00, $0x38;
	[tilespmem:$0x10D80] =	vst v63  }
0x42b: {  	_ =	swait.ge [sflag:s29], $0xC00  }
0x42c: {  	s26 =	sadd.s32 $0x8, s26;
	[sflag:s29] =	ssyncset.done $0x0  }
0x42d: {  	s5 =	sadd.s32 $0x4000, s5;
	s25 =	sadd.s32 $0x180, s25;
	[sflag:s29] =	ssyncadd.s32 $0xFFFFF400  }
0x42e: {  	_ =	swait.ge [sflag:s22], $0x8000  }
0x42f: {  	s1 =	sld [smem:$0x7ED]  }
0x430: {  	s0 =	sld [smem:$0x7FB]  }
0x431: {  	s5 =	simm.s32 $0x3200  }
0x432: {  	s6 =	simm.s32 $0x3400;
	s7 =	simm.s32 $0x4200;
	s1 =	sadd.s32 $0x1, s1  }
0x433: {  	s8 =	simm.s32 $0x4800;
	s9 =	simm.s32 $0x4A00;
	p0 =	sne.s32 s1, s0  }
.Ltmp1:
0x434: {  	s10 =	simm.s32 $0x5000;
	s11 =	simm.s32 $0x5200;
	(pc) =	sbr.rel @p0 .LBB2_1-.Ltmp1, $4  }
0x435: {  	s12 =	simm.s32 $0x5400;
	s13 =	simm.s32 $0x6200;
	s14 =	simm.s32 $0x6800  }
0x436: {  	s15 =	simm.s32 $0x6A00;
	s16 =	simm.s32 $0x7000;
	s17 =	simm.s32 $0x7200  }
0x437: {  	s18 =	simm.s32 $0x7400;
	s19 =	simm.s32 $0x7A00;
	[sflag:s22] =	ssyncset.done $0x0  }
0x438: {  	s20 =	simm.s32 $0x7C00;
	s25 =	simm.s32 $0x7E00;
	[sflag:s22] =	ssyncadd.s32 $0xFFFF8000  }
0x439: {  	_ =	sfence.sel $0x180000  }
0x43a: {  	[bflag:$0x0] =	sbarrier.arrive $0xFFFF  }
0x43b: {  	_ =	strace $0x90000047  }
0x43c: {  	s0 =	stileid.u32;
	[bflag:$0x2] =	sbarrier.arrive $0xFFFF  }
0x43d: {  	p0 =	sne.s32 s0, $0x0;
	s0 =	rddreg [dreg:$0x3]  }
0x43e: {  	s0 =	sadd.s32 @!p0 $0x100000, s0  }
0x43f: {  	[sflag:s0] =	ssyncadd.tile.s32 @!p0 $0x1;
	_ =	shalt  }
.Lfunc_end2:
_tile_overlayer_lowered:
.L_overlay_start_2:
0x440: {  	(tag) =	ssettag $0x2  }
0x441: {  	s0 =	rddreg [dreg:$0x0];
	s2 =	stileid.u32  }
0x442: {  	s1 =	rddreg [dreg:$0x1];
	p0 =	sne.s32 s2, $0x0  }
0x443: {  	s3 =	rddreg [dreg:$0x2];
	[bflag:$0x3] =	sbarrier.arrive $0xFFFF;
	s2 =	simm.s32 @!p0 $0x1C03  }
0x444: {  	[timem:s3], [sflag:s2] =	dma.local @!p0 [hbm:s0], s1  }
0x445: {  	s0 =	simm.s32 @!p0 $0x3  }
0x446: {  	_ =	swait.ge @!p0 [sflag:s0], s1  }
0x447: {  	s1 =	ssub.s32 @!p0 $0x0, s1;
	[sflag:s0] =	ssyncset.done @!p0 $0x0  }
0x448: {  	[sflag:s0] =	ssyncadd.s32 @!p0 s1  }
0x449: {  	[bflag:$0x3] =	sbarrier.arrive $0xFFFF  }
0x44a: {  	_ =	shalt  }

</sc_bundles>
